<compile_context>
chip_gen: v7x
topology: tpu7x:2x2x1
jax: 0.10.2.dev20260603
libtpu: 0.0.44.dev20260713+nightly
codegen_flags: <defaults>
</compile_context>

<pallas_src>
import functools

import jax
import jax.numpy as jnp
from jax import lax
from jax.experimental import pallas as pl
from jax.experimental.pallas import tpu as pltpu
from jax.experimental.pallas import tpu_sc as plsc

NC = 2
NS = 16
L = 16
CH = 80
SEC = 4000
NEG = -3.0e38


def _score_tc(M, a, E, D):
    BE = 4096

    def body(m_ref, a_ref, o_ref):
        o_ref[...] = jnp.sum(m_ref[...] * a_ref[...][None, :], axis=1)

    return pl.pallas_call(
        body,
        grid=(pl.cdiv(E, BE),),
        in_specs=[
            pl.BlockSpec((BE, D), lambda i: (i, 0)),
            pl.BlockSpec((D,), lambda i: (0,)),
        ],
        out_specs=pl.BlockSpec((BE,), lambda i: (i,)),
        out_shape=jax.ShapeDtypeStruct((E,), jnp.float32),
    )(M, a)


def _mega_sc(M, score, dest, src, rev, E, Np, D):
    H = D // 2
    EPC = E // NS
    ECH = EPC // CH
    NSEC = EPC // SEC
    SEG = Np // NS
    ZR = SEG // CH

    mesh = plsc.VectorSubcoreMesh(
        core_axis_name="c", subcore_axis_name="s",
        num_cores=NC, num_subcores=NS)

    @functools.partial(
        pl.kernel,
        out_type=(jax.ShapeDtypeStruct((E, D), jnp.float32),
                  jax.ShapeDtypeStruct((E, H), jnp.float32),
                  jax.ShapeDtypeStruct((E, H), jnp.float32)),
        mesh=mesh,
        compiler_params=pltpu.CompilerParams(
            needs_layout_passes=False, use_tc_tiling_on_sc=False),
        scratch_types=[
            pltpu.VMEM((SEC,), jnp.float32),
            pltpu.VMEM((SEC,), jnp.int32),
            pltpu.VMEM((SEC,), jnp.int32),
            pltpu.VMEM((Np,), jnp.float32),
            pltpu.VMEM((Np,), jnp.float32),
            pltpu.VMEM((SEG,), jnp.float32),
            pltpu.VMEM((SEG,), jnp.float32),
            pltpu.VMEM((CH,), jnp.float32),
            pltpu.VMEM((CH,), jnp.int32),
            pltpu.VMEM((CH, H), jnp.float32),
            pltpu.VMEM((CH, H), jnp.float32),
            pltpu.VMEM((CH, H), jnp.float32),
            pltpu.VMEM((CH, H), jnp.float32),
            pltpu.VMEM((CH, H), jnp.float32),
            pltpu.VMEM((CH, H), jnp.float32),
            pltpu.VMEM((CH, H), jnp.float32),
            pltpu.VMEM((CH, H), jnp.float32),
            pltpu.VMEM_SHARED((NS, Np), jnp.float32),
            pltpu.VMEM_SHARED((Np, H), jnp.float32),
            pltpu.SemaphoreType.DMA,
            pltpu.SemaphoreType.DMA,
            pltpu.SemaphoreType.DMA,
            pltpu.SemaphoreType.DMA,
        ],
    )
    def k(m_hbm, score_hbm, dest_hbm, src_hbm, rev_hbm,
          out_hbm, wlo_hbm, whi_hbm,
          sc_sec, d_sec, rev_sec, smax, den, comb_v, tmp_v,
          al_v, d_v, rows0, rows1,
          mv_v, wr_v, o_v, mv_v1, wr_v1, o_v1,
          stage, mv_s, sem0, sem1, semw0, semw1):
        cid = lax.axis_index("c")
        sid = lax.axis_index("s")
        n0 = sid * SEG
        e_base = sid * EPC

        @pl.loop(0, CH)
        def _(r):
            for g in range(H // L):
                o_v[r, pl.ds(g * L, L)] = jnp.zeros((L,), jnp.float32)

        @pl.loop(0, ZR)
        def _(i):
            pltpu.sync_copy(o_v, mv_s.at[pl.ds(n0 + i * CH, CH)])

        @pl.loop(0, Np // L)
        def _(i):
            den[pl.ds(i * L, L)] = jnp.full((L,), NEG, jnp.float32)

        @pl.loop(0, NSEC)
        def _(sec):
            ssl = pl.ds(e_base + sec * SEC, SEC)
            pltpu.sync_copy(score_hbm.at[ssl], sc_sec)
            pltpu.sync_copy(dest_hbm.at[ssl], d_sec)

            @pl.loop(0, SEC // L)
            def _(j):
                d = d_sec[pl.ds(j * L, L)]
                s = sc_sec[pl.ds(j * L, L)]
                cur = plsc.load_gather(den, [d])

                def cond(c):
                    return jnp.any(c)

                def body(c):
                    plsc.store_scatter(den, [d], s, mask=c)
                    return s > plsc.load_gather(den, [d])

                lax.while_loop(cond, body, s > cur)

        pltpu.sync_copy(den, stage.at[sid])
        plsc.subcore_barrier()
        pltpu.sync_copy(stage.at[0, pl.ds(n0, SEG)], comb_v)
        for r in range(1, NS):
            pltpu.sync_copy(stage.at[r, pl.ds(n0, SEG)], tmp_v)

            @pl.loop(0, SEG // L)
            def _(i):
                sl = pl.ds(i * L, L)
                comb_v[sl] = jnp.maximum(comb_v[sl], tmp_v[sl])

        plsc.subcore_barrier()
        pltpu.sync_copy(comb_v, stage.at[0, pl.ds(n0, SEG)])
        plsc.subcore_barrier()
        pltpu.sync_copy(stage.at[0], smax)
        plsc.subcore_barrier()

        @pl.loop(0, Np // L)
        def _(i):
            den[pl.ds(i * L, L)] = jnp.zeros((L,), jnp.float32)

        @pl.loop(0, NSEC)
        def _(sec):
            ssl = pl.ds(e_base + sec * SEC, SEC)
            pltpu.sync_copy(score_hbm.at[ssl], sc_sec)
            pltpu.sync_copy(dest_hbm.at[ssl], d_sec)

            @pl.loop(0, SEC // L)
            def _(j):
                d = d_sec[pl.ds(j * L, L)]
                s = sc_sec[pl.ds(j * L, L)]
                sm = plsc.load_gather(smax, [d])
                plsc.addupdate_scatter(den, [d], jnp.exp(s - sm))

        pltpu.sync_copy(den, stage.at[sid])
        plsc.subcore_barrier()
        pltpu.sync_copy(stage.at[0, pl.ds(n0, SEG)], comb_v)
        for r in range(1, NS):
            pltpu.sync_copy(stage.at[r, pl.ds(n0, SEG)], tmp_v)

            @pl.loop(0, SEG // L)
            def _(i):
                sl = pl.ds(i * L, L)
                comb_v[sl] = comb_v[sl] + tmp_v[sl]

        plsc.subcore_barrier()
        pltpu.sync_copy(comb_v, stage.at[0, pl.ds(n0, SEG)])
        plsc.subcore_barrier()
        pltpu.sync_copy(stage.at[0], den)

        CPS = SEC // CH

        def a_load(sec, k, buf, sem):
            sl = pl.ds(e_base + sec * SEC + k * CH, CH)

            @pl.when(cid == 0)
            def _():
                pltpu.async_copy(m_hbm.at[sl, pl.ds(0, H)], buf, sem)

            @pl.when(cid == 1)
            def _():
                pltpu.async_copy(m_hbm.at[sl, pl.ds(H, H)], buf, sem)

        def a_wait_load(buf, sem):
            pltpu.make_async_copy(
                m_hbm.at[pl.ds(0, CH), pl.ds(0, H)], buf, sem).wait()

        def a_alpha(k):
            off = k * CH

            @pl.loop(0, CH // L)
            def _(jj):
                d = d_sec[pl.ds(off + jj * L, L)]
                s = sc_sec[pl.ds(off + jj * L, L)]
                sm = plsc.load_gather(smax, [d])
                dn = plsc.load_gather(den, [d])
                al_v[pl.ds(jj * L, L)] = jnp.exp(s - sm) / (dn + 1e-16)
                d_v[pl.ds(jj * L, L)] = d

        def a_proc(sec, k, buf, semw):
            sl = pl.ds(e_base + sec * SEC + k * CH, CH)

            @pl.loop(0, CH // L)
            def _(jj):
                alv = al_v[pl.ds(jj * L, L)]
                for r16 in range(L):
                    a_s = alv[r16]
                    row = jj * L + r16
                    for g in range(H // L):
                        rsl = pl.ds(g * L, L)
                        buf[row, rsl] = buf[row, rsl] * a_s

            @pl.when(cid == 0)
            def _():
                pltpu.async_copy(buf, wlo_hbm.at[sl], semw)

            @pl.when(cid == 1)
            def _():
                pltpu.async_copy(buf, whi_hbm.at[sl], semw)

            pltpu.sync_copy(buf, mv_s.at[d_v], add=True)
            pltpu.make_async_copy(buf, wlo_hbm.at[pl.ds(0, CH)], semw).wait()

        @pl.loop(0, NSEC)
        def _(sec):
            ssl = pl.ds(e_base + sec * SEC, SEC)
            pltpu.sync_copy(score_hbm.at[ssl], sc_sec)
            pltpu.sync_copy(dest_hbm.at[ssl], d_sec)
            a_load(sec, 0, rows0, sem0)

            @pl.loop(0, CPS // 2)
            def _(kk):
                k0 = kk * 2
                a_load(sec, k0 + 1, rows1, sem1)
                a_alpha(k0)
                a_wait_load(rows0, sem0)
                a_proc(sec, k0, rows0, semw0)

                @pl.when(k0 + 2 < CPS)
                def _():
                    a_load(sec, k0 + 2, rows0, sem0)

                a_alpha(k0 + 1)
                a_wait_load(rows1, sem1)
                a_proc(sec, k0 + 1, rows1, semw1)

        plsc.subcore_barrier()

        def b_prep(k, mvb, wrb, sem):
            iv = pl.ds(k * CH, CH)

            @pl.when(cid == 0)
            def _():
                pltpu.async_copy(wlo_hbm.at[rev_sec.at[iv]], wrb, sem)

            @pl.when(cid == 1)
            def _():
                pltpu.async_copy(whi_hbm.at[rev_sec.at[iv]], wrb, sem)

            pltpu.sync_copy(mv_s.at[d_sec.at[iv]], mvb)

        def b_out(sec, k, kk, mvb, wrb, ob, semw, sem):
            pltpu.make_async_copy(wlo_hbm.at[pl.ds(0, CH)], wrb, sem).wait()

            @pl.when(kk > 0)
            def _():
                pltpu.make_async_copy(
                    ob, out_hbm.at[pl.ds(0, CH), pl.ds(0, H)], semw).wait()

            @pl.loop(0, CH, unroll=4)
            def _(r):
                for g in range(H // L):
                    csl = pl.ds(g * L, L)
                    ob[r, csl] = mvb[r, csl] - wrb[r, csl]

            sl = pl.ds(e_base + sec * SEC + k * CH, CH)

            @pl.when(cid == 0)
            def _():
                pltpu.async_copy(ob, out_hbm.at[sl, pl.ds(0, H)], semw)

            @pl.when(cid == 1)
            def _():
                pltpu.async_copy(ob, out_hbm.at[sl, pl.ds(H, H)], semw)

        @pl.loop(0, NSEC)
        def _(sec):
            ssl = pl.ds(e_base + sec * SEC, SEC)
            pltpu.sync_copy(src_hbm.at[ssl], d_sec)
            pltpu.sync_copy(rev_hbm.at[ssl], rev_sec)
            b_prep(0, mv_v, wr_v, sem0)

            @pl.loop(0, CPS // 2)
            def _(kk):
                k0 = kk * 2
                b_prep(k0 + 1, mv_v1, wr_v1, sem1)
                b_out(sec, k0, kk, mv_v, wr_v, o_v, semw0, sem0)

                @pl.when(k0 + 2 < CPS)
                def _():
                    b_prep(k0 + 2, mv_v, wr_v, sem0)

                b_out(sec, k0 + 1, kk, mv_v1, wr_v1, o_v1, semw1, sem1)

            pltpu.make_async_copy(
                o_v, out_hbm.at[pl.ds(0, CH), pl.ds(0, H)], semw0).wait()
            pltpu.make_async_copy(
                o_v1, out_hbm.at[pl.ds(0, CH), pl.ds(0, H)], semw1).wait()

    return k(M, score, dest, src, rev)


def kernel(M, edge_index, rev_index, dim_size, a):
    E, D = M.shape
    Np = 10240
    src = edge_index[0]
    dest = edge_index[1]
    score = _score_tc(M, a, E, D)
    out, _, _ = _mega_sc(M, score, dest, src, rev_index, E, Np, D)
    return out

# --- scband reference (transcript-rebuilt; emitter-appended) ---
"""Pipeline reference for scband-attention-agg-base-40321152974892 (READ-ONLY COPY).

The authoritative reference and input builder live on the scoring server;
editing this copy changes nothing except your own understanding.
"""

import jax, jax.numpy as jnp
import numpy as np

N_NODES = 10000
N_EDGES = 320000
D_FEAT = 128


def setup_inputs(seed: int = 0) -> dict:
    key = jax.random.key(seed)
    k1, k2, k3, k4 = jax.random.split(key, 4)
    M = jax.random.normal(k1, (N_EDGES, D_FEAT), dtype=jnp.float32)
    edge_index = jax.random.randint(k2, (2, N_EDGES), 0, N_NODES, dtype=jnp.int32)
    rev_index = jax.random.randint(k3, (N_EDGES,), 0, N_EDGES, dtype=jnp.int32)
    # learned attention vector for _calc_weights (concrete subclass: score = M @ a, segment softmax over dest)
    a = jax.random.normal(k4, (D_FEAT,), dtype=jnp.float32) * 0.1
    return {"M": M, "edge_index": edge_index, "rev_index": rev_index, "dim_size": N_NODES, "a": a}


def _segment_softmax(score, dest, num_segments):
    seg_max = jax.ops.segment_max(score, dest, num_segments=num_segments)
    seg_max = jnp.where(jnp.isfinite(seg_max), seg_max, 0.0)
    shifted = score - seg_max[dest]
    exp = jnp.exp(shifted)
    denom = jax.ops.segment_sum(exp, dest, num_segments=num_segments)
    return exp / (denom[dest] + 1e-16)


def reference(M, edge_index, rev_index, dim_size, a):
    src = edge_index[0]
    dest = edge_index[1]
    dim_size = jnp.asarray(dim_size, dtype=jnp.int32)
    dest = dest + (dim_size - dim_size)
    # _calc_weights: attention weight per message via segment softmax over destination node
    score = M @ a  # [E]
    alpha = _segment_softmax(score, dest, N_NODES)[:, None]  # [E, 1]
    # gather: scatter_sum(alpha * M, dest, dim_size)
    weighted = alpha * M  # [E, d]
    M_v = jax.ops.segment_sum(weighted, dest, num_segments=N_NODES)  # [N, d]
    # directed=True branch: M_v[src] - (alpha * M)[rev_index]
    out = M_v[src] - weighted[rev_index]
    return out

if __name__ == "__main__":
    import jax
    _d = setup_inputs()
    print(jax.jit(kernel)(*tuple(_d.values())))

</pallas_src>

<mosaic_0001>
#map = affine_map<(d0, d1) -> (0, 0)>
#map1 = affine_map<(d0, d1) -> (0)>
module attributes {stable_mosaic.version = 14 : i64} {
  func.func @k(%arg0: i32, %arg1: i32, %arg2: memref<320000x128xf32, #tpu.memory_space<hbm>>, %arg3: memref<320000xf32, #tpu.memory_space<hbm>>, %arg4: memref<320000xi32, #tpu.memory_space<hbm>>, %arg5: memref<320000xi32, #tpu.memory_space<hbm>>, %arg6: memref<320000xi32, #tpu.memory_space<hbm>>, %arg7: memref<320000x128xf32, #tpu.memory_space<hbm>>, %arg8: memref<320000x64xf32, #tpu.memory_space<hbm>>, %arg9: memref<320000x64xf32, #tpu.memory_space<hbm>>, %arg10: memref<4000xf32, #tpu.memory_space<vmem>>, %arg11: memref<4000xi32, #tpu.memory_space<vmem>>, %arg12: memref<4000xi32, #tpu.memory_space<vmem>>, %arg13: memref<10240xf32, #tpu.memory_space<vmem>>, %arg14: memref<10240xf32, #tpu.memory_space<vmem>>, %arg15: memref<640xf32, #tpu.memory_space<vmem>>, %arg16: memref<640xf32, #tpu.memory_space<vmem>>, %arg17: memref<80xf32, #tpu.memory_space<vmem>>, %arg18: memref<80xi32, #tpu.memory_space<vmem>>, %arg19: memref<80x64xf32, #tpu.memory_space<vmem>>, %arg20: memref<80x64xf32, #tpu.memory_space<vmem>>, %arg21: memref<80x64xf32, #tpu.memory_space<vmem>>, %arg22: memref<80x64xf32, #tpu.memory_space<vmem>>, %arg23: memref<80x64xf32, #tpu.memory_space<vmem>>, %arg24: memref<80x64xf32, #tpu.memory_space<vmem>>, %arg25: memref<80x64xf32, #tpu.memory_space<vmem>>, %arg26: memref<80x64xf32, #tpu.memory_space<vmem>>, %arg27: memref<16x10240xf32, #tpu.memory_space<vmem_shared>>, %arg28: memref<10240x64xf32, #tpu.memory_space<vmem_shared>>, %arg29: memref<!tpu.dma_semaphore, #tpu.memory_space<semaphore_mem>>, %arg30: memref<!tpu.dma_semaphore, #tpu.memory_space<semaphore_mem>>, %arg31: memref<!tpu.dma_semaphore, #tpu.memory_space<semaphore_mem>>, %arg32: memref<!tpu.dma_semaphore, #tpu.memory_space<semaphore_mem>>) attributes {dimension_semantics = [#tpu.dimension_semantics<core_parallel>, #tpu.dimension_semantics<subcore_parallel>], iteration_bounds = array<i64: 2, 16>, scalar_prefetch = 0 : i64, scratch_operands = 23 : i64, tpu.core_type = #tpu.core_type<sc_vector_subcore>, window_params = [{transform_indices = #map}, {transform_indices = #map1}, {transform_indices = #map1}, {transform_indices = #map1}, {transform_indices = #map1}, {transform_indices = #map}, {transform_indices = #map}, {transform_indices = #map}]} {
    %mul3A = arith.constant 640 : i32
    %mul3A_0 = arith.muli %arg1, %mul3A : i32
    %mul3A_1 = arith.constant 20000 : i32
    %mul3A_2 = arith.muli %arg1, %mul3A_1 : i32
    %scan3A = arith.constant 0 : i32
    %scan3A_3 = arith.constant 80 : i32
    %scan3A_4 = arith.addi %scan3A, %scan3A_3 : i32
    %scan3A_5 = arith.constant 1 : i32
    scf.for %scan3A_234 = %scan3A to %scan3A_4 step %scan3A_5  : i32 {
      %mul3A_235 = arith.constant 1 : i32
      %mul3A_236 = arith.muli %scan3A_234, %mul3A_235 : i32
      %add3A = arith.constant 0 : i32
      %add3A_237 = arith.addi %add3A, %mul3A_236 : i32
      %broadcast_in_dim3A = arith.constant 0.000000e+00 : f32
      %broadcast_in_dim3A_238 = vector.broadcast %broadcast_in_dim3A : f32 to vector<16xf32>
      %swap3A = arith.index_cast %add3A_237 : i32 to index
      %swap3A_239 = arith.constant 0 : index
      %swap3A_240 = tpu.vector_load %arg23[%swap3A, %swap3A_239] {strides = array<i32>} : memref<80x64xf32, #tpu.memory_space<vmem>>, vector<16xf32>,
      tpu.vector_store %arg23[%swap3A, %swap3A_239], %broadcast_in_dim3A_238 {strides = array<i32>} : memref<80x64xf32, #tpu.memory_space<vmem>>, vector<16xf32>,
      %broadcast_in_dim3A_241 = arith.constant 0.000000e+00 : f32
      %broadcast_in_dim3A_242 = vector.broadcast %broadcast_in_dim3A_241 : f32 to vector<16xf32>
      %swap3A_243 = arith.index_cast %add3A_237 : i32 to index
      %swap3A_244 = arith.constant 16 : index
      %swap3A_245 = tpu.vector_load %arg23[%swap3A_243, %swap3A_244] {strides = array<i32>} : memref<80x64xf32, #tpu.memory_space<vmem>>, vector<16xf32>,
      tpu.vector_store %arg23[%swap3A_243, %swap3A_244], %broadcast_in_dim3A_242 {strides = array<i32>} : memref<80x64xf32, #tpu.memory_space<vmem>>, vector<16xf32>,
      %broadcast_in_dim3A_246 = arith.constant 0.000000e+00 : f32
      %broadcast_in_dim3A_247 = vector.broadcast %broadcast_in_dim3A_246 : f32 to vector<16xf32>
      %swap3A_248 = arith.index_cast %add3A_237 : i32 to index
      %swap3A_249 = arith.constant 32 : index
      %swap3A_250 = tpu.vector_load %arg23[%swap3A_248, %swap3A_249] {strides = array<i32>} : memref<80x64xf32, #tpu.memory_space<vmem>>, vector<16xf32>,
      tpu.vector_store %arg23[%swap3A_248, %swap3A_249], %broadcast_in_dim3A_247 {strides = array<i32>} : memref<80x64xf32, #tpu.memory_space<vmem>>, vector<16xf32>,
      %broadcast_in_dim3A_251 = arith.constant 0.000000e+00 : f32
      %broadcast_in_dim3A_252 = vector.broadcast %broadcast_in_dim3A_251 : f32 to vector<16xf32>
      %swap3A_253 = arith.index_cast %add3A_237 : i32 to index
      %swap3A_254 = arith.constant 48 : index
      %swap3A_255 = tpu.vector_load %arg23[%swap3A_253, %swap3A_254] {strides = array<i32>} : memref<80x64xf32, #tpu.memory_space<vmem>>, vector<16xf32>,
      tpu.vector_store %arg23[%swap3A_253, %swap3A_254], %broadcast_in_dim3A_252 {strides = array<i32>} : memref<80x64xf32, #tpu.memory_space<vmem>>, vector<16xf32>,
    }
    %scan3A_6 = arith.constant 80 : i32
    %scan3A_7 = arith.constant 0 : i32
    %scan3A_8 = arith.constant 8 : i32
    %scan3A_9 = arith.addi %scan3A_7, %scan3A_8 : i32
    %scan3A_10 = arith.constant 1 : i32
    scf.for %scan3A_234 = %scan3A_7 to %scan3A_9 step %scan3A_10  : i32 {
      %mul3A_235 = arith.constant 1 : i32
      %mul3A_236 = arith.muli %scan3A_234, %mul3A_235 : i32
      %add3A = arith.constant 0 : i32
      %add3A_237 = arith.addi %add3A, %mul3A_236 : i32
      %mul3A_238 = arith.constant 80 : i32
      %mul3A_239 = arith.muli %add3A_237, %mul3A_238 : i32
      %add3A_240 = arith.addi %mul3A_0, %mul3A_239 : i32
      "tpu.region"() ({
        %run_scoped3A_241 = tpu.sem_alloc : memref<!tpu.dma_semaphore, #tpu.memory_space<semaphore_mem>>
        %dma_start3A = arith.constant 0 : i32
        %dma_start3A_242 = tpu.memref_slice %arg28[%add3A_240, %dma_start3A] : memref<10240x64xf32, #tpu.memory_space<vmem_shared>> -> memref<80x64xf32, #tpu.memory_space<vmem_shared>>
        %dma_start3A_243 = arith.constant 0 : i32
        %dma_start3A_244 = tpu.memref_slice %arg28[%add3A_240, %dma_start3A_243] : memref<10240x64xf32, #tpu.memory_space<vmem_shared>> -> memref<80x64xf32, #tpu.memory_space<vmem_shared>>
        tpu.enqueue_dma source(%arg23 : memref<80x64xf32, #tpu.memory_space<vmem>>) target(%dma_start3A_244 : memref<80x64xf32, #tpu.memory_space<vmem_shared>>) target_semaphore(%run_scoped3A_241 : memref<!tpu.dma_semaphore, #tpu.memory_space<semaphore_mem>>)
        %dma_wait3A = arith.constant 0 : i32
        %dma_wait3A_245 = tpu.memref_slice %arg28[%add3A_240, %dma_wait3A] : memref<10240x64xf32, #tpu.memory_space<vmem_shared>> -> memref<80x64xf32, #tpu.memory_space<vmem_shared>>
        %dma_wait3A_246 = arith.constant 0 : i32
        %dma_wait3A_247 = tpu.memref_slice %arg28[%add3A_240, %dma_wait3A_246] : memref<10240x64xf32, #tpu.memory_space<vmem_shared>> -> memref<80x64xf32, #tpu.memory_space<vmem_shared>>
        tpu.wait_dma2 semaphore(%run_scoped3A_241 : memref<!tpu.dma_semaphore, #tpu.memory_space<semaphore_mem>>) src(%arg23 : memref<80x64xf32, #tpu.memory_space<vmem>>) dst(%dma_wait3A_247 : memref<80x64xf32, #tpu.memory_space<vmem_shared>>)
        tpu.yield
      }) : () -> ()
    }
    %scan3A_11 = arith.constant 8 : i32
    %scan3A_12 = arith.constant 0 : i32
    %scan3A_13 = arith.constant 640 : i32
    %scan3A_14 = arith.addi %scan3A_12, %scan3A_13 : i32
    %scan3A_15 = arith.constant 1 : i32
    scf.for %scan3A_234 = %scan3A_12 to %scan3A_14 step %scan3A_15  : i32 {
      %mul3A_235 = arith.constant 1 : i32
      %mul3A_236 = arith.muli %scan3A_234, %mul3A_235 : i32
      %add3A = arith.constant 0 : i32
      %add3A_237 = arith.addi %add3A, %mul3A_236 : i32
      %broadcast_in_dim3A = arith.constant -3.000000e+38 : f32
      %broadcast_in_dim3A_238 = vector.broadcast %broadcast_in_dim3A : f32 to vector<16xf32>
      %mul3A_239 = arith.constant 16 : i32
      %mul3A_240 = arith.muli %add3A_237, %mul3A_239 : i32
      %swap3A = arith.index_cast %mul3A_240 : i32 to index
      %swap3A_241 = tpu.vector_load %arg14[%swap3A] {strides = array<i32>} : memref<10240xf32, #tpu.memory_space<vmem>>, vector<16xf32>,
      tpu.vector_store %arg14[%swap3A], %broadcast_in_dim3A_238 {strides = array<i32>} : memref<10240xf32, #tpu.memory_space<vmem>>, vector<16xf32>,
    }
    %scan3A_16 = arith.constant 640 : i32
    %scan3A_17 = arith.constant 0 : i32
    %scan3A_18 = arith.constant 5 : i32
    %scan3A_19 = arith.addi %scan3A_17, %scan3A_18 : i32
    %scan3A_20 = arith.constant 1 : i32
    scf.for %scan3A_234 = %scan3A_17 to %scan3A_19 step %scan3A_20  : i32 {
      %mul3A_235 = arith.constant 1 : i32
      %mul3A_236 = arith.muli %scan3A_234, %mul3A_235 : i32
      %add3A = arith.constant 0 : i32
      %add3A_237 = arith.addi %add3A, %mul3A_236 : i32
      %mul3A_238 = arith.constant 4000 : i32
      %mul3A_239 = arith.muli %add3A_237, %mul3A_238 : i32
      %add3A_240 = arith.addi %mul3A_2, %mul3A_239 : i32
      "tpu.region"() ({
        %run_scoped3A_246 = tpu.sem_alloc : memref<!tpu.dma_semaphore, #tpu.memory_space<semaphore_mem>>
        %dma_start3A = tpu.memref_slice %arg3[%add3A_240] : memref<320000xf32, #tpu.memory_space<hbm>> -> memref<4000xf32, #tpu.memory_space<hbm>>
        %dma_start3A_247 = tpu.memref_slice %arg3[%add3A_240] : memref<320000xf32, #tpu.memory_space<hbm>> -> memref<4000xf32, #tpu.memory_space<hbm>>
        tpu.enqueue_dma source(%dma_start3A_247 : memref<4000xf32, #tpu.memory_space<hbm>>) target(%arg10 : memref<4000xf32, #tpu.memory_space<vmem>>) target_semaphore(%run_scoped3A_246 : memref<!tpu.dma_semaphore, #tpu.memory_space<semaphore_mem>>)
        %dma_wait3A = tpu.memref_slice %arg3[%add3A_240] : memref<320000xf32, #tpu.memory_space<hbm>> -> memref<4000xf32, #tpu.memory_space<hbm>>
        %dma_wait3A_248 = tpu.memref_slice %arg3[%add3A_240] : memref<320000xf32, #tpu.memory_space<hbm>> -> memref<4000xf32, #tpu.memory_space<hbm>>
        tpu.wait_dma2 semaphore(%run_scoped3A_246 : memref<!tpu.dma_semaphore, #tpu.memory_space<semaphore_mem>>) src(%dma_wait3A_248 : memref<4000xf32, #tpu.memory_space<hbm>>) dst(%arg10 : memref<4000xf32, #tpu.memory_space<vmem>>)
        tpu.yield
      }) : () -> ()
      "tpu.region"() ({
        %run_scoped3A_246 = tpu.sem_alloc : memref<!tpu.dma_semaphore, #tpu.memory_space<semaphore_mem>>
        %dma_start3A = tpu.memref_slice %arg4[%add3A_240] : memref<320000xi32, #tpu.memory_space<hbm>> -> memref<4000xi32, #tpu.memory_space<hbm>>
        %dma_start3A_247 = tpu.memref_slice %arg4[%add3A_240] : memref<320000xi32, #tpu.memory_space<hbm>> -> memref<4000xi32, #tpu.memory_space<hbm>>
        tpu.enqueue_dma source(%dma_start3A_247 : memref<4000xi32, #tpu.memory_space<hbm>>) target(%arg11 : memref<4000xi32, #tpu.memory_space<vmem>>) target_semaphore(%run_scoped3A_246 : memref<!tpu.dma_semaphore, #tpu.memory_space<semaphore_mem>>)
        %dma_wait3A = tpu.memref_slice %arg4[%add3A_240] : memref<320000xi32, #tpu.memory_space<hbm>> -> memref<4000xi32, #tpu.memory_space<hbm>>
        %dma_wait3A_248 = tpu.memref_slice %arg4[%add3A_240] : memref<320000xi32, #tpu.memory_space<hbm>> -> memref<4000xi32, #tpu.memory_space<hbm>>
        tpu.wait_dma2 semaphore(%run_scoped3A_246 : memref<!tpu.dma_semaphore, #tpu.memory_space<semaphore_mem>>) src(%dma_wait3A_248 : memref<4000xi32, #tpu.memory_space<hbm>>) dst(%arg11 : memref<4000xi32, #tpu.memory_space<vmem>>)
        tpu.yield
      }) : () -> ()
      %scan3A_241 = arith.constant 0 : i32
      %scan3A_242 = arith.constant 250 : i32
      %scan3A_243 = arith.addi %scan3A_241, %scan3A_242 : i32
      %scan3A_244 = arith.constant 1 : i32
      scf.for %scan3A_246 = %scan3A_241 to %scan3A_243 step %scan3A_244  : i32 {
        %mul3A_247 = arith.constant 1 : i32
        %mul3A_248 = arith.muli %scan3A_246, %mul3A_247 : i32
        %add3A_249 = arith.constant 0 : i32
        %add3A_250 = arith.addi %add3A_249, %mul3A_248 : i32
        %mul3A_251 = arith.constant 16 : i32
        %mul3A_252 = arith.muli %add3A_250, %mul3A_251 : i32
        %get3A = arith.index_cast %mul3A_252 : i32 to index
        %get3A_253 = tpu.vector_load %arg11[%get3A] {strides = array<i32>} : memref<4000xi32, #tpu.memory_space<vmem>>, vector<16xi32>,
        %mul3A_254 = arith.constant 16 : i32
        %mul3A_255 = arith.muli %add3A_250, %mul3A_254 : i32
        %get3A_256 = arith.index_cast %mul3A_255 : i32 to index
        %get3A_257 = tpu.vector_load %arg10[%get3A_256] {strides = array<i32>} : memref<4000xf32, #tpu.memory_space<vmem>>, vector<16xf32>,
        %gather3A = tpu.vector_load_idx %arg14[%get3A_253] : memref<10240xf32, #tpu.memory_space<vmem>>[vector<16xi32>], vector<16xf32>,
        %gt3A = arith.cmpf ogt, %get3A_257, %gather3A : vector<16xf32>
        %while3A = scf.while (%while3A_258 = %gt3A) : (vector<16xi1>) -> vector<16xi1> {
          %reduce_or3A = arith.constant 1.000000e+00 : f32
          %reduce_or3A_259 = arith.constant 0.000000e+00 : f32
          %reduce_or3A_260 = vector.broadcast %reduce_or3A : f32 to vector<16xf32>
          %reduce_or3A_261 = vector.broadcast %reduce_or3A_259 : f32 to vector<16xf32>
          %reduce_or3A_262 = arith.select %while3A_258, %reduce_or3A_260, %reduce_or3A_261 : vector<16xi1>, vector<16xf32>
          %reduce_or3A_263 = arith.constant true
          %reduce_or3A_264 = vector.broadcast %reduce_or3A_263 : i1 to vector<16xi1>
          %reduce_or3A_265 = tpu.scan <max>, %reduce_or3A_262 masked %reduce_or3A_264 : vector<16xf32>, vector<16xi1> -> vector<16xf32>
          %reduce_or3A_266 = vector.extract %reduce_or3A_265[15] : f32 from vector<16xf32>
          %reduce_or3A_267 = arith.constant 0.000000e+00 : f32
          %reduce_or3A_268 = arith.cmpf ogt, %reduce_or3A_266, %reduce_or3A_267 : f32
          scf.condition(%reduce_or3A_268) %while3A_258 : vector<16xi1>
        } do {
        ^bb0(%while3A_258: vector<16xi1>):
          tpu.vector_store_idx %arg14[%get3A_253], %get3A_257 masked %while3A_258 : memref<10240xf32, #tpu.memory_space<vmem>>[vector<16xi32>], vector<16xf32>, vector<16xi1>
          %gather3A_259 = tpu.vector_load_idx %arg14[%get3A_253] : memref<10240xf32, #tpu.memory_space<vmem>>[vector<16xi32>], vector<16xf32>,
          %gt3A_260 = arith.cmpf ogt, %get3A_257, %gather3A_259 : vector<16xf32>
          scf.yield %gt3A_260 : vector<16xi1>
        }
      }
      %scan3A_245 = arith.constant 250 : i32
    }
    %scan3A_21 = arith.constant 5 : i32
    "tpu.region"() ({
      %run_scoped3A_234 = tpu.sem_alloc : memref<!tpu.dma_semaphore, #tpu.memory_space<semaphore_mem>>
      %dma_start3A = arith.constant 0 : i32
      %dma_start3A_235 = tpu.memref_slice %arg27[%arg1, %dma_start3A] : memref<16x10240xf32, #tpu.memory_space<vmem_shared>> -> memref<1x10240xf32, #tpu.memory_space<vmem_shared>>
      %dma_start3A_236 = tpu.memref_squeeze %dma_start3A_235 : memref<1x10240xf32, #tpu.memory_space<vmem_shared>> -> memref<10240xf32, #tpu.memory_space<vmem_shared>>
      %dma_start3A_237 = arith.constant 0 : i32
      %dma_start3A_238 = tpu.memref_slice %arg27[%arg1, %dma_start3A_237] : memref<16x10240xf32, #tpu.memory_space<vmem_shared>> -> memref<1x10240xf32, #tpu.memory_space<vmem_shared>>
      %dma_start3A_239 = tpu.memref_squeeze %dma_start3A_238 : memref<1x10240xf32, #tpu.memory_space<vmem_shared>> -> memref<10240xf32, #tpu.memory_space<vmem_shared>>
      tpu.enqueue_dma source(%arg14 : memref<10240xf32, #tpu.memory_space<vmem>>) target(%dma_start3A_239 : memref<10240xf32, #tpu.memory_space<vmem_shared>>) target_semaphore(%run_scoped3A_234 : memref<!tpu.dma_semaphore, #tpu.memory_space<semaphore_mem>>)
      %dma_wait3A = arith.constant 0 : i32
      %dma_wait3A_240 = tpu.memref_slice %arg27[%arg1, %dma_wait3A] : memref<16x10240xf32, #tpu.memory_space<vmem_shared>> -> memref<1x10240xf32, #tpu.memory_space<vmem_shared>>
      %dma_wait3A_241 = tpu.memref_squeeze %dma_wait3A_240 : memref<1x10240xf32, #tpu.memory_space<vmem_shared>> -> memref<10240xf32, #tpu.memory_space<vmem_shared>>
      %dma_wait3A_242 = arith.constant 0 : i32
      %dma_wait3A_243 = tpu.memref_slice %arg27[%arg1, %dma_wait3A_242] : memref<16x10240xf32, #tpu.memory_space<vmem_shared>> -> memref<1x10240xf32, #tpu.memory_space<vmem_shared>>
      %dma_wait3A_244 = tpu.memref_squeeze %dma_wait3A_243 : memref<1x10240xf32, #tpu.memory_space<vmem_shared>> -> memref<10240xf32, #tpu.memory_space<vmem_shared>>
      tpu.wait_dma2 semaphore(%run_scoped3A_234 : memref<!tpu.dma_semaphore, #tpu.memory_space<semaphore_mem>>) src(%arg14 : memref<10240xf32, #tpu.memory_space<vmem>>) dst(%dma_wait3A_244 : memref<10240xf32, #tpu.memory_space<vmem_shared>>)
      tpu.yield
    }) : () -> ()
    %barrier3A = arith.constant 0 : index
    tpu.barrier barrier_id(%barrier3A)
    %run_scoped3A = arith.constant 0 : i32
    "tpu.region"() ({
      %run_scoped3A_234 = tpu.sem_alloc : memref<!tpu.dma_semaphore, #tpu.memory_space<semaphore_mem>>
      %dma_start3A = tpu.memref_slice %arg27[%run_scoped3A, %mul3A_0] : memref<16x10240xf32, #tpu.memory_space<vmem_shared>> -> memref<1x640xf32, #tpu.memory_space<vmem_shared>>
      %dma_start3A_235 = tpu.memref_squeeze %dma_start3A : memref<1x640xf32, #tpu.memory_space<vmem_shared>> -> memref<640xf32, #tpu.memory_space<vmem_shared>>
      %dma_start3A_236 = tpu.memref_slice %arg27[%run_scoped3A, %mul3A_0] : memref<16x10240xf32, #tpu.memory_space<vmem_shared>> -> memref<1x640xf32, #tpu.memory_space<vmem_shared>>
      %dma_start3A_237 = tpu.memref_squeeze %dma_start3A_236 : memref<1x640xf32, #tpu.memory_space<vmem_shared>> -> memref<640xf32, #tpu.memory_space<vmem_shared>>
      tpu.enqueue_dma source(%dma_start3A_237 : memref<640xf32, #tpu.memory_space<vmem_shared>>) target(%arg15 : memref<640xf32, #tpu.memory_space<vmem>>) target_semaphore(%run_scoped3A_234 : memref<!tpu.dma_semaphore, #tpu.memory_space<semaphore_mem>>)
      %dma_wait3A = tpu.memref_slice %arg27[%run_scoped3A, %mul3A_0] : memref<16x10240xf32, #tpu.memory_space<vmem_shared>> -> memref<1x640xf32, #tpu.memory_space<vmem_shared>>
      %dma_wait3A_238 = tpu.memref_squeeze %dma_wait3A : memref<1x640xf32, #tpu.memory_space<vmem_shared>> -> memref<640xf32, #tpu.memory_space<vmem_shared>>
      %dma_wait3A_239 = tpu.memref_slice %arg27[%run_scoped3A, %mul3A_0] : memref<16x10240xf32, #tpu.memory_space<vmem_shared>> -> memref<1x640xf32, #tpu.memory_space<vmem_shared>>
      %dma_wait3A_240 = tpu.memref_squeeze %dma_wait3A_239 : memref<1x640xf32, #tpu.memory_space<vmem_shared>> -> memref<640xf32, #tpu.memory_space<vmem_shared>>
      tpu.wait_dma2 semaphore(%run_scoped3A_234 : memref<!tpu.dma_semaphore, #tpu.memory_space<semaphore_mem>>) src(%dma_wait3A_240 : memref<640xf32, #tpu.memory_space<vmem_shared>>) dst(%arg15 : memref<640xf32, #tpu.memory_space<vmem>>)
      tpu.yield
    }) : () -> ()
    %run_scoped3A_22 = arith.constant 1 : i32
    "tpu.region"() ({
      %run_scoped3A_234 = tpu.sem_alloc : memref<!tpu.dma_semaphore, #tpu.memory_space<semaphore_mem>>
      %dma_start3A = tpu.memref_slice %arg27[%run_scoped3A_22, %mul3A_0] : memref<16x10240xf32, #tpu.memory_space<vmem_shared>> -> memref<1x640xf32, #tpu.memory_space<vmem_shared>>
      %dma_start3A_235 = tpu.memref_squeeze %dma_start3A : memref<1x640xf32, #tpu.memory_space<vmem_shared>> -> memref<640xf32, #tpu.memory_space<vmem_shared>>
      %dma_start3A_236 = tpu.memref_slice %arg27[%run_scoped3A_22, %mul3A_0] : memref<16x10240xf32, #tpu.memory_space<vmem_shared>> -> memref<1x640xf32, #tpu.memory_space<vmem_shared>>
      %dma_start3A_237 = tpu.memref_squeeze %dma_start3A_236 : memref<1x640xf32, #tpu.memory_space<vmem_shared>> -> memref<640xf32, #tpu.memory_space<vmem_shared>>
      tpu.enqueue_dma source(%dma_start3A_237 : memref<640xf32, #tpu.memory_space<vmem_shared>>) target(%arg16 : memref<640xf32, #tpu.memory_space<vmem>>) target_semaphore(%run_scoped3A_234 : memref<!tpu.dma_semaphore, #tpu.memory_space<semaphore_mem>>)
      %dma_wait3A = tpu.memref_slice %arg27[%run_scoped3A_22, %mul3A_0] : memref<16x10240xf32, #tpu.memory_space<vmem_shared>> -> memref<1x640xf32, #tpu.memory_space<vmem_shared>>
      %dma_wait3A_238 = tpu.memref_squeeze %dma_wait3A : memref<1x640xf32, #tpu.memory_space<vmem_shared>> -> memref<640xf32, #tpu.memory_space<vmem_shared>>
      %dma_wait3A_239 = tpu.memref_slice %arg27[%run_scoped3A_22, %mul3A_0] : memref<16x10240xf32, #tpu.memory_space<vmem_shared>> -> memref<1x640xf32, #tpu.memory_space<vmem_shared>>
      %dma_wait3A_240 = tpu.memref_squeeze %dma_wait3A_239 : memref<1x640xf32, #tpu.memory_space<vmem_shared>> -> memref<640xf32, #tpu.memory_space<vmem_shared>>
      tpu.wait_dma2 semaphore(%run_scoped3A_234 : memref<!tpu.dma_semaphore, #tpu.memory_space<semaphore_mem>>) src(%dma_wait3A_240 : memref<640xf32, #tpu.memory_space<vmem_shared>>) dst(%arg16 : memref<640xf32, #tpu.memory_space<vmem>>)
      tpu.yield
    }) : () -> ()
    %scan3A_23 = arith.constant 0 : i32
    %scan3A_24 = arith.constant 40 : i32
    %scan3A_25 = arith.addi %scan3A_23, %scan3A_24 : i32
    %scan3A_26 = arith.constant 1 : i32
    scf.for %scan3A_234 = %scan3A_23 to %scan3A_25 step %scan3A_26  : i32 {
      %mul3A_235 = arith.constant 1 : i32
      %mul3A_236 = arith.muli %scan3A_234, %mul3A_235 : i32
      %add3A = arith.constant 0 : i32
      %add3A_237 = arith.addi %add3A, %mul3A_236 : i32
      %mul3A_238 = arith.constant 16 : i32
      %mul3A_239 = arith.muli %add3A_237, %mul3A_238 : i32
      %get3A = arith.index_cast %mul3A_239 : i32 to index
      %get3A_240 = tpu.vector_load %arg15[%get3A] {strides = array<i32>} : memref<640xf32, #tpu.memory_space<vmem>>, vector<16xf32>,
      %get3A_241 = arith.index_cast %mul3A_239 : i32 to index
      %get3A_242 = tpu.vector_load %arg16[%get3A_241] {strides = array<i32>} : memref<640xf32, #tpu.memory_space<vmem>>, vector<16xf32>,
      %max3A = arith.maximumf %get3A_240, %get3A_242 : vector<16xf32>
      %swap3A = arith.index_cast %mul3A_239 : i32 to index
      %swap3A_243 = tpu.vector_load %arg15[%swap3A] {strides = array<i32>} : memref<640xf32, #tpu.memory_space<vmem>>, vector<16xf32>,
      tpu.vector_store %arg15[%swap3A], %max3A {strides = array<i32>} : memref<640xf32, #tpu.memory_space<vmem>>, vector<16xf32>,
    }
    %scan3A_27 = arith.constant 40 : i32
    %run_scoped3A_28 = arith.constant 2 : i32
    "tpu.region"() ({
      %run_scoped3A_234 = tpu.sem_alloc : memref<!tpu.dma_semaphore, #tpu.memory_space<semaphore_mem>>
      %dma_start3A = tpu.memref_slice %arg27[%run_scoped3A_28, %mul3A_0] : memref<16x10240xf32, #tpu.memory_space<vmem_shared>> -> memref<1x640xf32, #tpu.memory_space<vmem_shared>>
      %dma_start3A_235 = tpu.memref_squeeze %dma_start3A : memref<1x640xf32, #tpu.memory_space<vmem_shared>> -> memref<640xf32, #tpu.memory_space<vmem_shared>>
      %dma_start3A_236 = tpu.memref_slice %arg27[%run_scoped3A_28, %mul3A_0] : memref<16x10240xf32, #tpu.memory_space<vmem_shared>> -> memref<1x640xf32, #tpu.memory_space<vmem_shared>>
      %dma_start3A_237 = tpu.memref_squeeze %dma_start3A_236 : memref<1x640xf32, #tpu.memory_space<vmem_shared>> -> memref<640xf32, #tpu.memory_space<vmem_shared>>
      tpu.enqueue_dma source(%dma_start3A_237 : memref<640xf32, #tpu.memory_space<vmem_shared>>) target(%arg16 : memref<640xf32, #tpu.memory_space<vmem>>) target_semaphore(%run_scoped3A_234 : memref<!tpu.dma_semaphore, #tpu.memory_space<semaphore_mem>>)
      %dma_wait3A = tpu.memref_slice %arg27[%run_scoped3A_28, %mul3A_0] : memref<16x10240xf32, #tpu.memory_space<vmem_shared>> -> memref<1x640xf32, #tpu.memory_space<vmem_shared>>
      %dma_wait3A_238 = tpu.memref_squeeze %dma_wait3A : memref<1x640xf32, #tpu.memory_space<vmem_shared>> -> memref<640xf32, #tpu.memory_space<vmem_shared>>
      %dma_wait3A_239 = tpu.memref_slice %arg27[%run_scoped3A_28, %mul3A_0] : memref<16x10240xf32, #tpu.memory_space<vmem_shared>> -> memref<1x640xf32, #tpu.memory_space<vmem_shared>>
      %dma_wait3A_240 = tpu.memref_squeeze %dma_wait3A_239 : memref<1x640xf32, #tpu.memory_space<vmem_shared>> -> memref<640xf32, #tpu.memory_space<vmem_shared>>
      tpu.wait_dma2 semaphore(%run_scoped3A_234 : memref<!tpu.dma_semaphore, #tpu.memory_space<semaphore_mem>>) src(%dma_wait3A_240 : memref<640xf32, #tpu.memory_space<vmem_shared>>) dst(%arg16 : memref<640xf32, #tpu.memory_space<vmem>>)
      tpu.yield
    }) : () -> ()
    %scan3A_29 = arith.constant 0 : i32
    %scan3A_30 = arith.constant 40 : i32
    %scan3A_31 = arith.addi %scan3A_29, %scan3A_30 : i32
    %scan3A_32 = arith.constant 1 : i32
    scf.for %scan3A_234 = %scan3A_29 to %scan3A_31 step %scan3A_32  : i32 {
      %mul3A_235 = arith.constant 1 : i32
      %mul3A_236 = arith.muli %scan3A_234, %mul3A_235 : i32
      %add3A = arith.constant 0 : i32
      %add3A_237 = arith.addi %add3A, %mul3A_236 : i32
      %mul3A_238 = arith.constant 16 : i32
      %mul3A_239 = arith.muli %add3A_237, %mul3A_238 : i32
      %get3A = arith.index_cast %mul3A_239 : i32 to index
      %get3A_240 = tpu.vector_load %arg15[%get3A] {strides = array<i32>} : memref<640xf32, #tpu.memory_space<vmem>>, vector<16xf32>,
      %get3A_241 = arith.index_cast %mul3A_239 : i32 to index
      %get3A_242 = tpu.vector_load %arg16[%get3A_241] {strides = array<i32>} : memref<640xf32, #tpu.memory_space<vmem>>, vector<16xf32>,
      %max3A = arith.maximumf %get3A_240, %get3A_242 : vector<16xf32>
      %swap3A = arith.index_cast %mul3A_239 : i32 to index
      %swap3A_243 = tpu.vector_load %arg15[%swap3A] {strides = array<i32>} : memref<640xf32, #tpu.memory_space<vmem>>, vector<16xf32>,
      tpu.vector_store %arg15[%swap3A], %max3A {strides = array<i32>} : memref<640xf32, #tpu.memory_space<vmem>>, vector<16xf32>,
    }
    %scan3A_33 = arith.constant 40 : i32
    %run_scoped3A_34 = arith.constant 3 : i32
    "tpu.region"() ({
      %run_scoped3A_234 = tpu.sem_alloc : memref<!tpu.dma_semaphore, #tpu.memory_space<semaphore_mem>>
      %dma_start3A = tpu.memref_slice %arg27[%run_scoped3A_34, %mul3A_0] : memref<16x10240xf32, #tpu.memory_space<vmem_shared>> -> memref<1x640xf32, #tpu.memory_space<vmem_shared>>
      %dma_start3A_235 = tpu.memref_squeeze %dma_start3A : memref<1x640xf32, #tpu.memory_space<vmem_shared>> -> memref<640xf32, #tpu.memory_space<vmem_shared>>
      %dma_start3A_236 = tpu.memref_slice %arg27[%run_scoped3A_34, %mul3A_0] : memref<16x10240xf32, #tpu.memory_space<vmem_shared>> -> memref<1x640xf32, #tpu.memory_space<vmem_shared>>
      %dma_start3A_237 = tpu.memref_squeeze %dma_start3A_236 : memref<1x640xf32, #tpu.memory_space<vmem_shared>> -> memref<640xf32, #tpu.memory_space<vmem_shared>>
      tpu.enqueue_dma source(%dma_start3A_237 : memref<640xf32, #tpu.memory_space<vmem_shared>>) target(%arg16 : memref<640xf32, #tpu.memory_space<vmem>>) target_semaphore(%run_scoped3A_234 : memref<!tpu.dma_semaphore, #tpu.memory_space<semaphore_mem>>)
      %dma_wait3A = tpu.memref_slice %arg27[%run_scoped3A_34, %mul3A_0] : memref<16x10240xf32, #tpu.memory_space<vmem_shared>> -> memref<1x640xf32, #tpu.memory_space<vmem_shared>>
      %dma_wait3A_238 = tpu.memref_squeeze %dma_wait3A : memref<1x640xf32, #tpu.memory_space<vmem_shared>> -> memref<640xf32, #tpu.memory_space<vmem_shared>>
      %dma_wait3A_239 = tpu.memref_slice %arg27[%run_scoped3A_34, %mul3A_0] : memref<16x10240xf32, #tpu.memory_space<vmem_shared>> -> memref<1x640xf32, #tpu.memory_space<vmem_shared>>
      %dma_wait3A_240 = tpu.memref_squeeze %dma_wait3A_239 : memref<1x640xf32, #tpu.memory_space<vmem_shared>> -> memref<640xf32, #tpu.memory_space<vmem_shared>>
      tpu.wait_dma2 semaphore(%run_scoped3A_234 : memref<!tpu.dma_semaphore, #tpu.memory_space<semaphore_mem>>) src(%dma_wait3A_240 : memref<640xf32, #tpu.memory_space<vmem_shared>>) dst(%arg16 : memref<640xf32, #tpu.memory_space<vmem>>)
      tpu.yield
    }) : () -> ()
    %scan3A_35 = arith.constant 0 : i32
    %scan3A_36 = arith.constant 40 : i32
    %scan3A_37 = arith.addi %scan3A_35, %scan3A_36 : i32
    %scan3A_38 = arith.constant 1 : i32
    scf.for %scan3A_234 = %scan3A_35 to %scan3A_37 step %scan3A_38  : i32 {
      %mul3A_235 = arith.constant 1 : i32
      %mul3A_236 = arith.muli %scan3A_234, %mul3A_235 : i32
      %add3A = arith.constant 0 : i32
      %add3A_237 = arith.addi %add3A, %mul3A_236 : i32
      %mul3A_238 = arith.constant 16 : i32
      %mul3A_239 = arith.muli %add3A_237, %mul3A_238 : i32
      %get3A = arith.index_cast %mul3A_239 : i32 to index
      %get3A_240 = tpu.vector_load %arg15[%get3A] {strides = array<i32>} : memref<640xf32, #tpu.memory_space<vmem>>, vector<16xf32>,
      %get3A_241 = arith.index_cast %mul3A_239 : i32 to index
      %get3A_242 = tpu.vector_load %arg16[%get3A_241] {strides = array<i32>} : memref<640xf32, #tpu.memory_space<vmem>>, vector<16xf32>,
      %max3A = arith.maximumf %get3A_240, %get3A_242 : vector<16xf32>
      %swap3A = arith.index_cast %mul3A_239 : i32 to index
      %swap3A_243 = tpu.vector_load %arg15[%swap3A] {strides = array<i32>} : memref<640xf32, #tpu.memory_space<vmem>>, vector<16xf32>,
      tpu.vector_store %arg15[%swap3A], %max3A {strides = array<i32>} : memref<640xf32, #tpu.memory_space<vmem>>, vector<16xf32>,
    }
    %scan3A_39 = arith.constant 40 : i32
    %run_scoped3A_40 = arith.constant 4 : i32
    "tpu.region"() ({
      %run_scoped3A_234 = tpu.sem_alloc : memref<!tpu.dma_semaphore, #tpu.memory_space<semaphore_mem>>
      %dma_start3A = tpu.memref_slice %arg27[%run_scoped3A_40, %mul3A_0] : memref<16x10240xf32, #tpu.memory_space<vmem_shared>> -> memref<1x640xf32, #tpu.memory_space<vmem_shared>>
      %dma_start3A_235 = tpu.memref_squeeze %dma_start3A : memref<1x640xf32, #tpu.memory_space<vmem_shared>> -> memref<640xf32, #tpu.memory_space<vmem_shared>>
      %dma_start3A_236 = tpu.memref_slice %arg27[%run_scoped3A_40, %mul3A_0] : memref<16x10240xf32, #tpu.memory_space<vmem_shared>> -> memref<1x640xf32, #tpu.memory_space<vmem_shared>>
      %dma_start3A_237 = tpu.memref_squeeze %dma_start3A_236 : memref<1x640xf32, #tpu.memory_space<vmem_shared>> -> memref<640xf32, #tpu.memory_space<vmem_shared>>
      tpu.enqueue_dma source(%dma_start3A_237 : memref<640xf32, #tpu.memory_space<vmem_shared>>) target(%arg16 : memref<640xf32, #tpu.memory_space<vmem>>) target_semaphore(%run_scoped3A_234 : memref<!tpu.dma_semaphore, #tpu.memory_space<semaphore_mem>>)
      %dma_wait3A = tpu.memref_slice %arg27[%run_scoped3A_40, %mul3A_0] : memref<16x10240xf32, #tpu.memory_space<vmem_shared>> -> memref<1x640xf32, #tpu.memory_space<vmem_shared>>
      %dma_wait3A_238 = tpu.memref_squeeze %dma_wait3A : memref<1x640xf32, #tpu.memory_space<vmem_shared>> -> memref<640xf32, #tpu.memory_space<vmem_shared>>
      %dma_wait3A_239 = tpu.memref_slice %arg27[%run_scoped3A_40, %mul3A_0] : memref<16x10240xf32, #tpu.memory_space<vmem_shared>> -> memref<1x640xf32, #tpu.memory_space<vmem_shared>>
      %dma_wait3A_240 = tpu.memref_squeeze %dma_wait3A_239 : memref<1x640xf32, #tpu.memory_space<vmem_shared>> -> memref<640xf32, #tpu.memory_space<vmem_shared>>
      tpu.wait_dma2 semaphore(%run_scoped3A_234 : memref<!tpu.dma_semaphore, #tpu.memory_space<semaphore_mem>>) src(%dma_wait3A_240 : memref<640xf32, #tpu.memory_space<vmem_shared>>) dst(%arg16 : memref<640xf32, #tpu.memory_space<vmem>>)
      tpu.yield
    }) : () -> ()
    %scan3A_41 = arith.constant 0 : i32
    %scan3A_42 = arith.constant 40 : i32
    %scan3A_43 = arith.addi %scan3A_41, %scan3A_42 : i32
    %scan3A_44 = arith.constant 1 : i32
    scf.for %scan3A_234 = %scan3A_41 to %scan3A_43 step %scan3A_44  : i32 {
      %mul3A_235 = arith.constant 1 : i32
      %mul3A_236 = arith.muli %scan3A_234, %mul3A_235 : i32
      %add3A = arith.constant 0 : i32
      %add3A_237 = arith.addi %add3A, %mul3A_236 : i32
      %mul3A_238 = arith.constant 16 : i32
      %mul3A_239 = arith.muli %add3A_237, %mul3A_238 : i32
      %get3A = arith.index_cast %mul3A_239 : i32 to index
      %get3A_240 = tpu.vector_load %arg15[%get3A] {strides = array<i32>} : memref<640xf32, #tpu.memory_space<vmem>>, vector<16xf32>,
      %get3A_241 = arith.index_cast %mul3A_239 : i32 to index
      %get3A_242 = tpu.vector_load %arg16[%get3A_241] {strides = array<i32>} : memref<640xf32, #tpu.memory_space<vmem>>, vector<16xf32>,
      %max3A = arith.maximumf %get3A_240, %get3A_242 : vector<16xf32>
      %swap3A = arith.index_cast %mul3A_239 : i32 to index
      %swap3A_243 = tpu.vector_load %arg15[%swap3A] {strides = array<i32>} : memref<640xf32, #tpu.memory_space<vmem>>, vector<16xf32>,
      tpu.vector_store %arg15[%swap3A], %max3A {strides = array<i32>} : memref<640xf32, #tpu.memory_space<vmem>>, vector<16xf32>,
    }
    %scan3A_45 = arith.constant 40 : i32
    %run_scoped3A_46 = arith.constant 5 : i32
    "tpu.region"() ({
      %run_scoped3A_234 = tpu.sem_alloc : memref<!tpu.dma_semaphore, #tpu.memory_space<semaphore_mem>>
      %dma_start3A = tpu.memref_slice %arg27[%run_scoped3A_46, %mul3A_0] : memref<16x10240xf32, #tpu.memory_space<vmem_shared>> -> memref<1x640xf32, #tpu.memory_space<vmem_shared>>
      %dma_start3A_235 = tpu.memref_squeeze %dma_start3A : memref<1x640xf32, #tpu.memory_space<vmem_shared>> -> memref<640xf32, #tpu.memory_space<vmem_shared>>
      %dma_start3A_236 = tpu.memref_slice %arg27[%run_scoped3A_46, %mul3A_0] : memref<16x10240xf32, #tpu.memory_space<vmem_shared>> -> memref<1x640xf32, #tpu.memory_space<vmem_shared>>
      %dma_start3A_237 = tpu.memref_squeeze %dma_start3A_236 : memref<1x640xf32, #tpu.memory_space<vmem_shared>> -> memref<640xf32, #tpu.memory_space<vmem_shared>>
      tpu.enqueue_dma source(%dma_start3A_237 : memref<640xf32, #tpu.memory_space<vmem_shared>>) target(%arg16 : memref<640xf32, #tpu.memory_space<vmem>>) target_semaphore(%run_scoped3A_234 : memref<!tpu.dma_semaphore, #tpu.memory_space<semaphore_mem>>)
      %dma_wait3A = tpu.memref_slice %arg27[%run_scoped3A_46, %mul3A_0] : memref<16x10240xf32, #tpu.memory_space<vmem_shared>> -> memref<1x640xf32, #tpu.memory_space<vmem_shared>>
      %dma_wait3A_238 = tpu.memref_squeeze %dma_wait3A : memref<1x640xf32, #tpu.memory_space<vmem_shared>> -> memref<640xf32, #tpu.memory_space<vmem_shared>>
      %dma_wait3A_239 = tpu.memref_slice %arg27[%run_scoped3A_46, %mul3A_0] : memref<16x10240xf32, #tpu.memory_space<vmem_shared>> -> memref<1x640xf32, #tpu.memory_space<vmem_shared>>
      %dma_wait3A_240 = tpu.memref_squeeze %dma_wait3A_239 : memref<1x640xf32, #tpu.memory_space<vmem_shared>> -> memref<640xf32, #tpu.memory_space<vmem_shared>>
      tpu.wait_dma2 semaphore(%run_scoped3A_234 : memref<!tpu.dma_semaphore, #tpu.memory_space<semaphore_mem>>) src(%dma_wait3A_240 : memref<640xf32, #tpu.memory_space<vmem_shared>>) dst(%arg16 : memref<640xf32, #tpu.memory_space<vmem>>)
      tpu.yield
    }) : () -> ()
    %scan3A_47 = arith.constant 0 : i32
    %scan3A_48 = arith.constant 40 : i32
    %scan3A_49 = arith.addi %scan3A_47, %scan3A_48 : i32
    %scan3A_50 = arith.constant 1 : i32
    scf.for %scan3A_234 = %scan3A_47 to %scan3A_49 step %scan3A_50  : i32 {
      %mul3A_235 = arith.constant 1 : i32
      %mul3A_236 = arith.muli %scan3A_234, %mul3A_235 : i32
      %add3A = arith.constant 0 : i32
      %add3A_237 = arith.addi %add3A, %mul3A_236 : i32
      %mul3A_238 = arith.constant 16 : i32
      %mul3A_239 = arith.muli %add3A_237, %mul3A_238 : i32
      %get3A = arith.index_cast %mul3A_239 : i32 to index
      %get3A_240 = tpu.vector_load %arg15[%get3A] {strides = array<i32>} : memref<640xf32, #tpu.memory_space<vmem>>, vector<16xf32>,
      %get3A_241 = arith.index_cast %mul3A_239 : i32 to index
      %get3A_242 = tpu.vector_load %arg16[%get3A_241] {strides = array<i32>} : memref<640xf32, #tpu.memory_space<vmem>>, vector<16xf32>,
      %max3A = arith.maximumf %get3A_240, %get3A_242 : vector<16xf32>
      %swap3A = arith.index_cast %mul3A_239 : i32 to index
      %swap3A_243 = tpu.vector_load %arg15[%swap3A] {strides = array<i32>} : memref<640xf32, #tpu.memory_space<vmem>>, vector<16xf32>,
      tpu.vector_store %arg15[%swap3A], %max3A {strides = array<i32>} : memref<640xf32, #tpu.memory_space<vmem>>, vector<16xf32>,
    }
    %scan3A_51 = arith.constant 40 : i32
    %run_scoped3A_52 = arith.constant 6 : i32
    "tpu.region"() ({
      %run_scoped3A_234 = tpu.sem_alloc : memref<!tpu.dma_semaphore, #tpu.memory_space<semaphore_mem>>
      %dma_start3A = tpu.memref_slice %arg27[%run_scoped3A_52, %mul3A_0] : memref<16x10240xf32, #tpu.memory_space<vmem_shared>> -> memref<1x640xf32, #tpu.memory_space<vmem_shared>>
      %dma_start3A_235 = tpu.memref_squeeze %dma_start3A : memref<1x640xf32, #tpu.memory_space<vmem_shared>> -> memref<640xf32, #tpu.memory_space<vmem_shared>>
      %dma_start3A_236 = tpu.memref_slice %arg27[%run_scoped3A_52, %mul3A_0] : memref<16x10240xf32, #tpu.memory_space<vmem_shared>> -> memref<1x640xf32, #tpu.memory_space<vmem_shared>>
      %dma_start3A_237 = tpu.memref_squeeze %dma_start3A_236 : memref<1x640xf32, #tpu.memory_space<vmem_shared>> -> memref<640xf32, #tpu.memory_space<vmem_shared>>
      tpu.enqueue_dma source(%dma_start3A_237 : memref<640xf32, #tpu.memory_space<vmem_shared>>) target(%arg16 : memref<640xf32, #tpu.memory_space<vmem>>) target_semaphore(%run_scoped3A_234 : memref<!tpu.dma_semaphore, #tpu.memory_space<semaphore_mem>>)
      %dma_wait3A = tpu.memref_slice %arg27[%run_scoped3A_52, %mul3A_0] : memref<16x10240xf32, #tpu.memory_space<vmem_shared>> -> memref<1x640xf32, #tpu.memory_space<vmem_shared>>
      %dma_wait3A_238 = tpu.memref_squeeze %dma_wait3A : memref<1x640xf32, #tpu.memory_space<vmem_shared>> -> memref<640xf32, #tpu.memory_space<vmem_shared>>
      %dma_wait3A_239 = tpu.memref_slice %arg27[%run_scoped3A_52, %mul3A_0] : memref<16x10240xf32, #tpu.memory_space<vmem_shared>> -> memref<1x640xf32, #tpu.memory_space<vmem_shared>>
      %dma_wait3A_240 = tpu.memref_squeeze %dma_wait3A_239 : memref<1x640xf32, #tpu.memory_space<vmem_shared>> -> memref<640xf32, #tpu.memory_space<vmem_shared>>
      tpu.wait_dma2 semaphore(%run_scoped3A_234 : memref<!tpu.dma_semaphore, #tpu.memory_space<semaphore_mem>>) src(%dma_wait3A_240 : memref<640xf32, #tpu.memory_space<vmem_shared>>) dst(%arg16 : memref<640xf32, #tpu.memory_space<vmem>>)
      tpu.yield
    }) : () -> ()
    %scan3A_53 = arith.constant 0 : i32
    %scan3A_54 = arith.constant 40 : i32
    %scan3A_55 = arith.addi %scan3A_53, %scan3A_54 : i32
    %scan3A_56 = arith.constant 1 : i32
    scf.for %scan3A_234 = %scan3A_53 to %scan3A_55 step %scan3A_56  : i32 {
      %mul3A_235 = arith.constant 1 : i32
      %mul3A_236 = arith.muli %scan3A_234, %mul3A_235 : i32
      %add3A = arith.constant 0 : i32
      %add3A_237 = arith.addi %add3A, %mul3A_236 : i32
      %mul3A_238 = arith.constant 16 : i32
      %mul3A_239 = arith.muli %add3A_237, %mul3A_238 : i32
      %get3A = arith.index_cast %mul3A_239 : i32 to index
      %get3A_240 = tpu.vector_load %arg15[%get3A] {strides = array<i32>} : memref<640xf32, #tpu.memory_space<vmem>>, vector<16xf32>,
      %get3A_241 = arith.index_cast %mul3A_239 : i32 to index
      %get3A_242 = tpu.vector_load %arg16[%get3A_241] {strides = array<i32>} : memref<640xf32, #tpu.memory_space<vmem>>, vector<16xf32>,
      %max3A = arith.maximumf %get3A_240, %get3A_242 : vector<16xf32>
      %swap3A = arith.index_cast %mul3A_239 : i32 to index
      %swap3A_243 = tpu.vector_load %arg15[%swap3A] {strides = array<i32>} : memref<640xf32, #tpu.memory_space<vmem>>, vector<16xf32>,
      tpu.vector_store %arg15[%swap3A], %max3A {strides = array<i32>} : memref<640xf32, #tpu.memory_space<vmem>>, vector<16xf32>,
    }
    %scan3A_57 = arith.constant 40 : i32
    %run_scoped3A_58 = arith.constant 7 : i32
    "tpu.region"() ({
      %run_scoped3A_234 = tpu.sem_alloc : memref<!tpu.dma_semaphore, #tpu.memory_space<semaphore_mem>>
      %dma_start3A = tpu.memref_slice %arg27[%run_scoped3A_58, %mul3A_0] : memref<16x10240xf32, #tpu.memory_space<vmem_shared>> -> memref<1x640xf32, #tpu.memory_space<vmem_shared>>
      %dma_start3A_235 = tpu.memref_squeeze %dma_start3A : memref<1x640xf32, #tpu.memory_space<vmem_shared>> -> memref<640xf32, #tpu.memory_space<vmem_shared>>
      %dma_start3A_236 = tpu.memref_slice %arg27[%run_scoped3A_58, %mul3A_0] : memref<16x10240xf32, #tpu.memory_space<vmem_shared>> -> memref<1x640xf32, #tpu.memory_space<vmem_shared>>
      %dma_start3A_237 = tpu.memref_squeeze %dma_start3A_236 : memref<1x640xf32, #tpu.memory_space<vmem_shared>> -> memref<640xf32, #tpu.memory_space<vmem_shared>>
      tpu.enqueue_dma source(%dma_start3A_237 : memref<640xf32, #tpu.memory_space<vmem_shared>>) target(%arg16 : memref<640xf32, #tpu.memory_space<vmem>>) target_semaphore(%run_scoped3A_234 : memref<!tpu.dma_semaphore, #tpu.memory_space<semaphore_mem>>)
      %dma_wait3A = tpu.memref_slice %arg27[%run_scoped3A_58, %mul3A_0] : memref<16x10240xf32, #tpu.memory_space<vmem_shared>> -> memref<1x640xf32, #tpu.memory_space<vmem_shared>>
      %dma_wait3A_238 = tpu.memref_squeeze %dma_wait3A : memref<1x640xf32, #tpu.memory_space<vmem_shared>> -> memref<640xf32, #tpu.memory_space<vmem_shared>>
      %dma_wait3A_239 = tpu.memref_slice %arg27[%run_scoped3A_58, %mul3A_0] : memref<16x10240xf32, #tpu.memory_space<vmem_shared>> -> memref<1x640xf32, #tpu.memory_space<vmem_shared>>
      %dma_wait3A_240 = tpu.memref_squeeze %dma_wait3A_239 : memref<1x640xf32, #tpu.memory_space<vmem_shared>> -> memref<640xf32, #tpu.memory_space<vmem_shared>>
      tpu.wait_dma2 semaphore(%run_scoped3A_234 : memref<!tpu.dma_semaphore, #tpu.memory_space<semaphore_mem>>) src(%dma_wait3A_240 : memref<640xf32, #tpu.memory_space<vmem_shared>>) dst(%arg16 : memref<640xf32, #tpu.memory_space<vmem>>)
      tpu.yield
    }) : () -> ()
    %scan3A_59 = arith.constant 0 : i32
    %scan3A_60 = arith.constant 40 : i32
    %scan3A_61 = arith.addi %scan3A_59, %scan3A_60 : i32
    %scan3A_62 = arith.constant 1 : i32
    scf.for %scan3A_234 = %scan3A_59 to %scan3A_61 step %scan3A_62  : i32 {
      %mul3A_235 = arith.constant 1 : i32
      %mul3A_236 = arith.muli %scan3A_234, %mul3A_235 : i32
      %add3A = arith.constant 0 : i32
      %add3A_237 = arith.addi %add3A, %mul3A_236 : i32
      %mul3A_238 = arith.constant 16 : i32
      %mul3A_239 = arith.muli %add3A_237, %mul3A_238 : i32
      %get3A = arith.index_cast %mul3A_239 : i32 to index
      %get3A_240 = tpu.vector_load %arg15[%get3A] {strides = array<i32>} : memref<640xf32, #tpu.memory_space<vmem>>, vector<16xf32>,
      %get3A_241 = arith.index_cast %mul3A_239 : i32 to index
      %get3A_242 = tpu.vector_load %arg16[%get3A_241] {strides = array<i32>} : memref<640xf32, #tpu.memory_space<vmem>>, vector<16xf32>,
      %max3A = arith.maximumf %get3A_240, %get3A_242 : vector<16xf32>
      %swap3A = arith.index_cast %mul3A_239 : i32 to index
      %swap3A_243 = tpu.vector_load %arg15[%swap3A] {strides = array<i32>} : memref<640xf32, #tpu.memory_space<vmem>>, vector<16xf32>,
      tpu.vector_store %arg15[%swap3A], %max3A {strides = array<i32>} : memref<640xf32, #tpu.memory_space<vmem>>, vector<16xf32>,
    }
    %scan3A_63 = arith.constant 40 : i32
    %run_scoped3A_64 = arith.constant 8 : i32
    "tpu.region"() ({
      %run_scoped3A_234 = tpu.sem_alloc : memref<!tpu.dma_semaphore, #tpu.memory_space<semaphore_mem>>
      %dma_start3A = tpu.memref_slice %arg27[%run_scoped3A_64, %mul3A_0] : memref<16x10240xf32, #tpu.memory_space<vmem_shared>> -> memref<1x640xf32, #tpu.memory_space<vmem_shared>>
      %dma_start3A_235 = tpu.memref_squeeze %dma_start3A : memref<1x640xf32, #tpu.memory_space<vmem_shared>> -> memref<640xf32, #tpu.memory_space<vmem_shared>>
      %dma_start3A_236 = tpu.memref_slice %arg27[%run_scoped3A_64, %mul3A_0] : memref<16x10240xf32, #tpu.memory_space<vmem_shared>> -> memref<1x640xf32, #tpu.memory_space<vmem_shared>>
      %dma_start3A_237 = tpu.memref_squeeze %dma_start3A_236 : memref<1x640xf32, #tpu.memory_space<vmem_shared>> -> memref<640xf32, #tpu.memory_space<vmem_shared>>
      tpu.enqueue_dma source(%dma_start3A_237 : memref<640xf32, #tpu.memory_space<vmem_shared>>) target(%arg16 : memref<640xf32, #tpu.memory_space<vmem>>) target_semaphore(%run_scoped3A_234 : memref<!tpu.dma_semaphore, #tpu.memory_space<semaphore_mem>>)
      %dma_wait3A = tpu.memref_slice %arg27[%run_scoped3A_64, %mul3A_0] : memref<16x10240xf32, #tpu.memory_space<vmem_shared>> -> memref<1x640xf32, #tpu.memory_space<vmem_shared>>
      %dma_wait3A_238 = tpu.memref_squeeze %dma_wait3A : memref<1x640xf32, #tpu.memory_space<vmem_shared>> -> memref<640xf32, #tpu.memory_space<vmem_shared>>
      %dma_wait3A_239 = tpu.memref_slice %arg27[%run_scoped3A_64, %mul3A_0] : memref<16x10240xf32, #tpu.memory_space<vmem_shared>> -> memref<1x640xf32, #tpu.memory_space<vmem_shared>>
      %dma_wait3A_240 = tpu.memref_squeeze %dma_wait3A_239 : memref<1x640xf32, #tpu.memory_space<vmem_shared>> -> memref<640xf32, #tpu.memory_space<vmem_shared>>
      tpu.wait_dma2 semaphore(%run_scoped3A_234 : memref<!tpu.dma_semaphore, #tpu.memory_space<semaphore_mem>>) src(%dma_wait3A_240 : memref<640xf32, #tpu.memory_space<vmem_shared>>) dst(%arg16 : memref<640xf32, #tpu.memory_space<vmem>>)
      tpu.yield
    }) : () -> ()
    %scan3A_65 = arith.constant 0 : i32
    %scan3A_66 = arith.constant 40 : i32
    %scan3A_67 = arith.addi %scan3A_65, %scan3A_66 : i32
    %scan3A_68 = arith.constant 1 : i32
    scf.for %scan3A_234 = %scan3A_65 to %scan3A_67 step %scan3A_68  : i32 {
      %mul3A_235 = arith.constant 1 : i32
      %mul3A_236 = arith.muli %scan3A_234, %mul3A_235 : i32
      %add3A = arith.constant 0 : i32
      %add3A_237 = arith.addi %add3A, %mul3A_236 : i32
      %mul3A_238 = arith.constant 16 : i32
      %mul3A_239 = arith.muli %add3A_237, %mul3A_238 : i32
      %get3A = arith.index_cast %mul3A_239 : i32 to index
      %get3A_240 = tpu.vector_load %arg15[%get3A] {strides = array<i32>} : memref<640xf32, #tpu.memory_space<vmem>>, vector<16xf32>,
      %get3A_241 = arith.index_cast %mul3A_239 : i32 to index
      %get3A_242 = tpu.vector_load %arg16[%get3A_241] {strides = array<i32>} : memref<640xf32, #tpu.memory_space<vmem>>, vector<16xf32>,
      %max3A = arith.maximumf %get3A_240, %get3A_242 : vector<16xf32>
      %swap3A = arith.index_cast %mul3A_239 : i32 to index
      %swap3A_243 = tpu.vector_load %arg15[%swap3A] {strides = array<i32>} : memref<640xf32, #tpu.memory_space<vmem>>, vector<16xf32>,
      tpu.vector_store %arg15[%swap3A], %max3A {strides = array<i32>} : memref<640xf32, #tpu.memory_space<vmem>>, vector<16xf32>,
    }
    %scan3A_69 = arith.constant 40 : i32
    %run_scoped3A_70 = arith.constant 9 : i32
    "tpu.region"() ({
      %run_scoped3A_234 = tpu.sem_alloc : memref<!tpu.dma_semaphore, #tpu.memory_space<semaphore_mem>>
      %dma_start3A = tpu.memref_slice %arg27[%run_scoped3A_70, %mul3A_0] : memref<16x10240xf32, #tpu.memory_space<vmem_shared>> -> memref<1x640xf32, #tpu.memory_space<vmem_shared>>
      %dma_start3A_235 = tpu.memref_squeeze %dma_start3A : memref<1x640xf32, #tpu.memory_space<vmem_shared>> -> memref<640xf32, #tpu.memory_space<vmem_shared>>
      %dma_start3A_236 = tpu.memref_slice %arg27[%run_scoped3A_70, %mul3A_0] : memref<16x10240xf32, #tpu.memory_space<vmem_shared>> -> memref<1x640xf32, #tpu.memory_space<vmem_shared>>
      %dma_start3A_237 = tpu.memref_squeeze %dma_start3A_236 : memref<1x640xf32, #tpu.memory_space<vmem_shared>> -> memref<640xf32, #tpu.memory_space<vmem_shared>>
      tpu.enqueue_dma source(%dma_start3A_237 : memref<640xf32, #tpu.memory_space<vmem_shared>>) target(%arg16 : memref<640xf32, #tpu.memory_space<vmem>>) target_semaphore(%run_scoped3A_234 : memref<!tpu.dma_semaphore, #tpu.memory_space<semaphore_mem>>)
      %dma_wait3A = tpu.memref_slice %arg27[%run_scoped3A_70, %mul3A_0] : memref<16x10240xf32, #tpu.memory_space<vmem_shared>> -> memref<1x640xf32, #tpu.memory_space<vmem_shared>>
      %dma_wait3A_238 = tpu.memref_squeeze %dma_wait3A : memref<1x640xf32, #tpu.memory_space<vmem_shared>> -> memref<640xf32, #tpu.memory_space<vmem_shared>>
      %dma_wait3A_239 = tpu.memref_slice %arg27[%run_scoped3A_70, %mul3A_0] : memref<16x10240xf32, #tpu.memory_space<vmem_shared>> -> memref<1x640xf32, #tpu.memory_space<vmem_shared>>
      %dma_wait3A_240 = tpu.memref_squeeze %dma_wait3A_239 : memref<1x640xf32, #tpu.memory_space<vmem_shared>> -> memref<640xf32, #tpu.memory_space<vmem_shared>>
      tpu.wait_dma2 semaphore(%run_scoped3A_234 : memref<!tpu.dma_semaphore, #tpu.memory_space<semaphore_mem>>) src(%dma_wait3A_240 : memref<640xf32, #tpu.memory_space<vmem_shared>>) dst(%arg16 : memref<640xf32, #tpu.memory_space<vmem>>)
      tpu.yield
    }) : () -> ()
    %scan3A_71 = arith.constant 0 : i32
    %scan3A_72 = arith.constant 40 : i32
    %scan3A_73 = arith.addi %scan3A_71, %scan3A_72 : i32
    %scan3A_74 = arith.constant 1 : i32
    scf.for %scan3A_234 = %scan3A_71 to %scan3A_73 step %scan3A_74  : i32 {
      %mul3A_235 = arith.constant 1 : i32
      %mul3A_236 = arith.muli %scan3A_234, %mul3A_235 : i32
      %add3A = arith.constant 0 : i32
      %add3A_237 = arith.addi %add3A, %mul3A_236 : i32
      %mul3A_238 = arith.constant 16 : i32
      %mul3A_239 = arith.muli %add3A_237, %mul3A_238 : i32
      %get3A = arith.index_cast %mul3A_239 : i32 to index
      %get3A_240 = tpu.vector_load %arg15[%get3A] {strides = array<i32>} : memref<640xf32, #tpu.memory_space<vmem>>, vector<16xf32>,
      %get3A_241 = arith.index_cast %mul3A_239 : i32 to index
      %get3A_242 = tpu.vector_load %arg16[%get3A_241] {strides = array<i32>} : memref<640xf32, #tpu.memory_space<vmem>>, vector<16xf32>,
      %max3A = arith.maximumf %get3A_240, %get3A_242 : vector<16xf32>
      %swap3A = arith.index_cast %mul3A_239 : i32 to index
      %swap3A_243 = tpu.vector_load %arg15[%swap3A] {strides = array<i32>} : memref<640xf32, #tpu.memory_space<vmem>>, vector<16xf32>,
      tpu.vector_store %arg15[%swap3A], %max3A {strides = array<i32>} : memref<640xf32, #tpu.memory_space<vmem>>, vector<16xf32>,
    }
    %scan3A_75 = arith.constant 40 : i32
    %run_scoped3A_76 = arith.constant 10 : i32
    "tpu.region"() ({
      %run_scoped3A_234 = tpu.sem_alloc : memref<!tpu.dma_semaphore, #tpu.memory_space<semaphore_mem>>
      %dma_start3A = tpu.memref_slice %arg27[%run_scoped3A_76, %mul3A_0] : memref<16x10240xf32, #tpu.memory_space<vmem_shared>> -> memref<1x640xf32, #tpu.memory_space<vmem_shared>>
      %dma_start3A_235 = tpu.memref_squeeze %dma_start3A : memref<1x640xf32, #tpu.memory_space<vmem_shared>> -> memref<640xf32, #tpu.memory_space<vmem_shared>>
      %dma_start3A_236 = tpu.memref_slice %arg27[%run_scoped3A_76, %mul3A_0] : memref<16x10240xf32, #tpu.memory_space<vmem_shared>> -> memref<1x640xf32, #tpu.memory_space<vmem_shared>>
      %dma_start3A_237 = tpu.memref_squeeze %dma_start3A_236 : memref<1x640xf32, #tpu.memory_space<vmem_shared>> -> memref<640xf32, #tpu.memory_space<vmem_shared>>
      tpu.enqueue_dma source(%dma_start3A_237 : memref<640xf32, #tpu.memory_space<vmem_shared>>) target(%arg16 : memref<640xf32, #tpu.memory_space<vmem>>) target_semaphore(%run_scoped3A_234 : memref<!tpu.dma_semaphore, #tpu.memory_space<semaphore_mem>>)
      %dma_wait3A = tpu.memref_slice %arg27[%run_scoped3A_76, %mul3A_0] : memref<16x10240xf32, #tpu.memory_space<vmem_shared>> -> memref<1x640xf32, #tpu.memory_space<vmem_shared>>
      %dma_wait3A_238 = tpu.memref_squeeze %dma_wait3A : memref<1x640xf32, #tpu.memory_space<vmem_shared>> -> memref<640xf32, #tpu.memory_space<vmem_shared>>
      %dma_wait3A_239 = tpu.memref_slice %arg27[%run_scoped3A_76, %mul3A_0] : memref<16x10240xf32, #tpu.memory_space<vmem_shared>> -> memref<1x640xf32, #tpu.memory_space<vmem_shared>>
      %dma_wait3A_240 = tpu.memref_squeeze %dma_wait3A_239 : memref<1x640xf32, #tpu.memory_space<vmem_shared>> -> memref<640xf32, #tpu.memory_space<vmem_shared>>
      tpu.wait_dma2 semaphore(%run_scoped3A_234 : memref<!tpu.dma_semaphore, #tpu.memory_space<semaphore_mem>>) src(%dma_wait3A_240 : memref<640xf32, #tpu.memory_space<vmem_shared>>) dst(%arg16 : memref<640xf32, #tpu.memory_space<vmem>>)
      tpu.yield
    }) : () -> ()
    %scan3A_77 = arith.constant 0 : i32
    %scan3A_78 = arith.constant 40 : i32
    %scan3A_79 = arith.addi %scan3A_77, %scan3A_78 : i32
    %scan3A_80 = arith.constant 1 : i32
    scf.for %scan3A_234 = %scan3A_77 to %scan3A_79 step %scan3A_80  : i32 {
      %mul3A_235 = arith.constant 1 : i32
      %mul3A_236 = arith.muli %scan3A_234, %mul3A_235 : i32
      %add3A = arith.constant 0 : i32
      %add3A_237 = arith.addi %add3A, %mul3A_236 : i32
      %mul3A_238 = arith.constant 16 : i32
      %mul3A_239 = arith.muli %add3A_237, %mul3A_238 : i32
      %get3A = arith.index_cast %mul3A_239 : i32 to index
      %get3A_240 = tpu.vector_load %arg15[%get3A] {strides = array<i32>} : memref<640xf32, #tpu.memory_space<vmem>>, vector<16xf32>,
      %get3A_241 = arith.index_cast %mul3A_239 : i32 to index
      %get3A_242 = tpu.vector_load %arg16[%get3A_241] {strides = array<i32>} : memref<640xf32, #tpu.memory_space<vmem>>, vector<16xf32>,
      %max3A = arith.maximumf %get3A_240, %get3A_242 : vector<16xf32>
      %swap3A = arith.index_cast %mul3A_239 : i32 to index
      %swap3A_243 = tpu.vector_load %arg15[%swap3A] {strides = array<i32>} : memref<640xf32, #tpu.memory_space<vmem>>, vector<16xf32>,
      tpu.vector_store %arg15[%swap3A], %max3A {strides = array<i32>} : memref<640xf32, #tpu.memory_space<vmem>>, vector<16xf32>,
    }
    %scan3A_81 = arith.constant 40 : i32
    %run_scoped3A_82 = arith.constant 11 : i32
    "tpu.region"() ({
      %run_scoped3A_234 = tpu.sem_alloc : memref<!tpu.dma_semaphore, #tpu.memory_space<semaphore_mem>>
      %dma_start3A = tpu.memref_slice %arg27[%run_scoped3A_82, %mul3A_0] : memref<16x10240xf32, #tpu.memory_space<vmem_shared>> -> memref<1x640xf32, #tpu.memory_space<vmem_shared>>
      %dma_start3A_235 = tpu.memref_squeeze %dma_start3A : memref<1x640xf32, #tpu.memory_space<vmem_shared>> -> memref<640xf32, #tpu.memory_space<vmem_shared>>
      %dma_start3A_236 = tpu.memref_slice %arg27[%run_scoped3A_82, %mul3A_0] : memref<16x10240xf32, #tpu.memory_space<vmem_shared>> -> memref<1x640xf32, #tpu.memory_space<vmem_shared>>
      %dma_start3A_237 = tpu.memref_squeeze %dma_start3A_236 : memref<1x640xf32, #tpu.memory_space<vmem_shared>> -> memref<640xf32, #tpu.memory_space<vmem_shared>>
      tpu.enqueue_dma source(%dma_start3A_237 : memref<640xf32, #tpu.memory_space<vmem_shared>>) target(%arg16 : memref<640xf32, #tpu.memory_space<vmem>>) target_semaphore(%run_scoped3A_234 : memref<!tpu.dma_semaphore, #tpu.memory_space<semaphore_mem>>)
      %dma_wait3A = tpu.memref_slice %arg27[%run_scoped3A_82, %mul3A_0] : memref<16x10240xf32, #tpu.memory_space<vmem_shared>> -> memref<1x640xf32, #tpu.memory_space<vmem_shared>>
      %dma_wait3A_238 = tpu.memref_squeeze %dma_wait3A : memref<1x640xf32, #tpu.memory_space<vmem_shared>> -> memref<640xf32, #tpu.memory_space<vmem_shared>>
      %dma_wait3A_239 = tpu.memref_slice %arg27[%run_scoped3A_82, %mul3A_0] : memref<16x10240xf32, #tpu.memory_space<vmem_shared>> -> memref<1x640xf32, #tpu.memory_space<vmem_shared>>
      %dma_wait3A_240 = tpu.memref_squeeze %dma_wait3A_239 : memref<1x640xf32, #tpu.memory_space<vmem_shared>> -> memref<640xf32, #tpu.memory_space<vmem_shared>>
      tpu.wait_dma2 semaphore(%run_scoped3A_234 : memref<!tpu.dma_semaphore, #tpu.memory_space<semaphore_mem>>) src(%dma_wait3A_240 : memref<640xf32, #tpu.memory_space<vmem_shared>>) dst(%arg16 : memref<640xf32, #tpu.memory_space<vmem>>)
      tpu.yield
    }) : () -> ()
    %scan3A_83 = arith.constant 0 : i32
    %scan3A_84 = arith.constant 40 : i32
    %scan3A_85 = arith.addi %scan3A_83, %scan3A_84 : i32
    %scan3A_86 = arith.constant 1 : i32
    scf.for %scan3A_234 = %scan3A_83 to %scan3A_85 step %scan3A_86  : i32 {
      %mul3A_235 = arith.constant 1 : i32
      %mul3A_236 = arith.muli %scan3A_234, %mul3A_235 : i32
      %add3A = arith.constant 0 : i32
      %add3A_237 = arith.addi %add3A, %mul3A_236 : i32
      %mul3A_238 = arith.constant 16 : i32
      %mul3A_239 = arith.muli %add3A_237, %mul3A_238 : i32
      %get3A = arith.index_cast %mul3A_239 : i32 to index
      %get3A_240 = tpu.vector_load %arg15[%get3A] {strides = array<i32>} : memref<640xf32, #tpu.memory_space<vmem>>, vector<16xf32>,
      %get3A_241 = arith.index_cast %mul3A_239 : i32 to index
      %get3A_242 = tpu.vector_load %arg16[%get3A_241] {strides = array<i32>} : memref<640xf32, #tpu.memory_space<vmem>>, vector<16xf32>,
      %max3A = arith.maximumf %get3A_240, %get3A_242 : vector<16xf32>
      %swap3A = arith.index_cast %mul3A_239 : i32 to index
      %swap3A_243 = tpu.vector_load %arg15[%swap3A] {strides = array<i32>} : memref<640xf32, #tpu.memory_space<vmem>>, vector<16xf32>,
      tpu.vector_store %arg15[%swap3A], %max3A {strides = array<i32>} : memref<640xf32, #tpu.memory_space<vmem>>, vector<16xf32>,
    }
    %scan3A_87 = arith.constant 40 : i32
    %run_scoped3A_88 = arith.constant 12 : i32
    "tpu.region"() ({
      %run_scoped3A_234 = tpu.sem_alloc : memref<!tpu.dma_semaphore, #tpu.memory_space<semaphore_mem>>
      %dma_start3A = tpu.memref_slice %arg27[%run_scoped3A_88, %mul3A_0] : memref<16x10240xf32, #tpu.memory_space<vmem_shared>> -> memref<1x640xf32, #tpu.memory_space<vmem_shared>>
      %dma_start3A_235 = tpu.memref_squeeze %dma_start3A : memref<1x640xf32, #tpu.memory_space<vmem_shared>> -> memref<640xf32, #tpu.memory_space<vmem_shared>>
      %dma_start3A_236 = tpu.memref_slice %arg27[%run_scoped3A_88, %mul3A_0] : memref<16x10240xf32, #tpu.memory_space<vmem_shared>> -> memref<1x640xf32, #tpu.memory_space<vmem_shared>>
      %dma_start3A_237 = tpu.memref_squeeze %dma_start3A_236 : memref<1x640xf32, #tpu.memory_space<vmem_shared>> -> memref<640xf32, #tpu.memory_space<vmem_shared>>
      tpu.enqueue_dma source(%dma_start3A_237 : memref<640xf32, #tpu.memory_space<vmem_shared>>) target(%arg16 : memref<640xf32, #tpu.memory_space<vmem>>) target_semaphore(%run_scoped3A_234 : memref<!tpu.dma_semaphore, #tpu.memory_space<semaphore_mem>>)
      %dma_wait3A = tpu.memref_slice %arg27[%run_scoped3A_88, %mul3A_0] : memref<16x10240xf32, #tpu.memory_space<vmem_shared>> -> memref<1x640xf32, #tpu.memory_space<vmem_shared>>
      %dma_wait3A_238 = tpu.memref_squeeze %dma_wait3A : memref<1x640xf32, #tpu.memory_space<vmem_shared>> -> memref<640xf32, #tpu.memory_space<vmem_shared>>
      %dma_wait3A_239 = tpu.memref_slice %arg27[%run_scoped3A_88, %mul3A_0] : memref<16x10240xf32, #tpu.memory_space<vmem_shared>> -> memref<1x640xf32, #tpu.memory_space<vmem_shared>>
      %dma_wait3A_240 = tpu.memref_squeeze %dma_wait3A_239 : memref<1x640xf32, #tpu.memory_space<vmem_shared>> -> memref<640xf32, #tpu.memory_space<vmem_shared>>
      tpu.wait_dma2 semaphore(%run_scoped3A_234 : memref<!tpu.dma_semaphore, #tpu.memory_space<semaphore_mem>>) src(%dma_wait3A_240 : memref<640xf32, #tpu.memory_space<vmem_shared>>) dst(%arg16 : memref<640xf32, #tpu.memory_space<vmem>>)
      tpu.yield
    }) : () -> ()
    %scan3A_89 = arith.constant 0 : i32
    %scan3A_90 = arith.constant 40 : i32
    %scan3A_91 = arith.addi %scan3A_89, %scan3A_90 : i32
    %scan3A_92 = arith.constant 1 : i32
    scf.for %scan3A_234 = %scan3A_89 to %scan3A_91 step %scan3A_92  : i32 {
      %mul3A_235 = arith.constant 1 : i32
      %mul3A_236 = arith.muli %scan3A_234, %mul3A_235 : i32
      %add3A = arith.constant 0 : i32
      %add3A_237 = arith.addi %add3A, %mul3A_236 : i32
      %mul3A_238 = arith.constant 16 : i32
      %mul3A_239 = arith.muli %add3A_237, %mul3A_238 : i32
      %get3A = arith.index_cast %mul3A_239 : i32 to index
      %get3A_240 = tpu.vector_load %arg15[%get3A] {strides = array<i32>} : memref<640xf32, #tpu.memory_space<vmem>>, vector<16xf32>,
      %get3A_241 = arith.index_cast %mul3A_239 : i32 to index
      %get3A_242 = tpu.vector_load %arg16[%get3A_241] {strides = array<i32>} : memref<640xf32, #tpu.memory_space<vmem>>, vector<16xf32>,
      %max3A = arith.maximumf %get3A_240, %get3A_242 : vector<16xf32>
      %swap3A = arith.index_cast %mul3A_239 : i32 to index
      %swap3A_243 = tpu.vector_load %arg15[%swap3A] {strides = array<i32>} : memref<640xf32, #tpu.memory_space<vmem>>, vector<16xf32>,
      tpu.vector_store %arg15[%swap3A], %max3A {strides = array<i32>} : memref<640xf32, #tpu.memory_space<vmem>>, vector<16xf32>,
    }
    %scan3A_93 = arith.constant 40 : i32
    %run_scoped3A_94 = arith.constant 13 : i32
    "tpu.region"() ({
      %run_scoped3A_234 = tpu.sem_alloc : memref<!tpu.dma_semaphore, #tpu.memory_space<semaphore_mem>>
      %dma_start3A = tpu.memref_slice %arg27[%run_scoped3A_94, %mul3A_0] : memref<16x10240xf32, #tpu.memory_space<vmem_shared>> -> memref<1x640xf32, #tpu.memory_space<vmem_shared>>
      %dma_start3A_235 = tpu.memref_squeeze %dma_start3A : memref<1x640xf32, #tpu.memory_space<vmem_shared>> -> memref<640xf32, #tpu.memory_space<vmem_shared>>
      %dma_start3A_236 = tpu.memref_slice %arg27[%run_scoped3A_94, %mul3A_0] : memref<16x10240xf32, #tpu.memory_space<vmem_shared>> -> memref<1x640xf32, #tpu.memory_space<vmem_shared>>
      %dma_start3A_237 = tpu.memref_squeeze %dma_start3A_236 : memref<1x640xf32, #tpu.memory_space<vmem_shared>> -> memref<640xf32, #tpu.memory_space<vmem_shared>>
      tpu.enqueue_dma source(%dma_start3A_237 : memref<640xf32, #tpu.memory_space<vmem_shared>>) target(%arg16 : memref<640xf32, #tpu.memory_space<vmem>>) target_semaphore(%run_scoped3A_234 : memref<!tpu.dma_semaphore, #tpu.memory_space<semaphore_mem>>)
      %dma_wait3A = tpu.memref_slice %arg27[%run_scoped3A_94, %mul3A_0] : memref<16x10240xf32, #tpu.memory_space<vmem_shared>> -> memref<1x640xf32, #tpu.memory_space<vmem_shared>>
      %dma_wait3A_238 = tpu.memref_squeeze %dma_wait3A : memref<1x640xf32, #tpu.memory_space<vmem_shared>> -> memref<640xf32, #tpu.memory_space<vmem_shared>>
      %dma_wait3A_239 = tpu.memref_slice %arg27[%run_scoped3A_94, %mul3A_0] : memref<16x10240xf32, #tpu.memory_space<vmem_shared>> -> memref<1x640xf32, #tpu.memory_space<vmem_shared>>
      %dma_wait3A_240 = tpu.memref_squeeze %dma_wait3A_239 : memref<1x640xf32, #tpu.memory_space<vmem_shared>> -> memref<640xf32, #tpu.memory_space<vmem_shared>>
      tpu.wait_dma2 semaphore(%run_scoped3A_234 : memref<!tpu.dma_semaphore, #tpu.memory_space<semaphore_mem>>) src(%dma_wait3A_240 : memref<640xf32, #tpu.memory_space<vmem_shared>>) dst(%arg16 : memref<640xf32, #tpu.memory_space<vmem>>)
      tpu.yield
    }) : () -> ()
    %scan3A_95 = arith.constant 0 : i32
    %scan3A_96 = arith.constant 40 : i32
    %scan3A_97 = arith.addi %scan3A_95, %scan3A_96 : i32
    %scan3A_98 = arith.constant 1 : i32
    scf.for %scan3A_234 = %scan3A_95 to %scan3A_97 step %scan3A_98  : i32 {
      %mul3A_235 = arith.constant 1 : i32
      %mul3A_236 = arith.muli %scan3A_234, %mul3A_235 : i32
      %add3A = arith.constant 0 : i32
      %add3A_237 = arith.addi %add3A, %mul3A_236 : i32
      %mul3A_238 = arith.constant 16 : i32
      %mul3A_239 = arith.muli %add3A_237, %mul3A_238 : i32
      %get3A = arith.index_cast %mul3A_239 : i32 to index
      %get3A_240 = tpu.vector_load %arg15[%get3A] {strides = array<i32>} : memref<640xf32, #tpu.memory_space<vmem>>, vector<16xf32>,
      %get3A_241 = arith.index_cast %mul3A_239 : i32 to index
      %get3A_242 = tpu.vector_load %arg16[%get3A_241] {strides = array<i32>} : memref<640xf32, #tpu.memory_space<vmem>>, vector<16xf32>,
      %max3A = arith.maximumf %get3A_240, %get3A_242 : vector<16xf32>
      %swap3A = arith.index_cast %mul3A_239 : i32 to index
      %swap3A_243 = tpu.vector_load %arg15[%swap3A] {strides = array<i32>} : memref<640xf32, #tpu.memory_space<vmem>>, vector<16xf32>,
      tpu.vector_store %arg15[%swap3A], %max3A {strides = array<i32>} : memref<640xf32, #tpu.memory_space<vmem>>, vector<16xf32>,
    }
    %scan3A_99 = arith.constant 40 : i32
    %run_scoped3A_100 = arith.constant 14 : i32
    "tpu.region"() ({
      %run_scoped3A_234 = tpu.sem_alloc : memref<!tpu.dma_semaphore, #tpu.memory_space<semaphore_mem>>
      %dma_start3A = tpu.memref_slice %arg27[%run_scoped3A_100, %mul3A_0] : memref<16x10240xf32, #tpu.memory_space<vmem_shared>> -> memref<1x640xf32, #tpu.memory_space<vmem_shared>>
      %dma_start3A_235 = tpu.memref_squeeze %dma_start3A : memref<1x640xf32, #tpu.memory_space<vmem_shared>> -> memref<640xf32, #tpu.memory_space<vmem_shared>>
      %dma_start3A_236 = tpu.memref_slice %arg27[%run_scoped3A_100, %mul3A_0] : memref<16x10240xf32, #tpu.memory_space<vmem_shared>> -> memref<1x640xf32, #tpu.memory_space<vmem_shared>>
      %dma_start3A_237 = tpu.memref_squeeze %dma_start3A_236 : memref<1x640xf32, #tpu.memory_space<vmem_shared>> -> memref<640xf32, #tpu.memory_space<vmem_shared>>
      tpu.enqueue_dma source(%dma_start3A_237 : memref<640xf32, #tpu.memory_space<vmem_shared>>) target(%arg16 : memref<640xf32, #tpu.memory_space<vmem>>) target_semaphore(%run_scoped3A_234 : memref<!tpu.dma_semaphore, #tpu.memory_space<semaphore_mem>>)
      %dma_wait3A = tpu.memref_slice %arg27[%run_scoped3A_100, %mul3A_0] : memref<16x10240xf32, #tpu.memory_space<vmem_shared>> -> memref<1x640xf32, #tpu.memory_space<vmem_shared>>
      %dma_wait3A_238 = tpu.memref_squeeze %dma_wait3A : memref<1x640xf32, #tpu.memory_space<vmem_shared>> -> memref<640xf32, #tpu.memory_space<vmem_shared>>
      %dma_wait3A_239 = tpu.memref_slice %arg27[%run_scoped3A_100, %mul3A_0] : memref<16x10240xf32, #tpu.memory_space<vmem_shared>> -> memref<1x640xf32, #tpu.memory_space<vmem_shared>>
      %dma_wait3A_240 = tpu.memref_squeeze %dma_wait3A_239 : memref<1x640xf32, #tpu.memory_space<vmem_shared>> -> memref<640xf32, #tpu.memory_space<vmem_shared>>
      tpu.wait_dma2 semaphore(%run_scoped3A_234 : memref<!tpu.dma_semaphore, #tpu.memory_space<semaphore_mem>>) src(%dma_wait3A_240 : memref<640xf32, #tpu.memory_space<vmem_shared>>) dst(%arg16 : memref<640xf32, #tpu.memory_space<vmem>>)
      tpu.yield
    }) : () -> ()
    %scan3A_101 = arith.constant 0 : i32
    %scan3A_102 = arith.constant 40 : i32
    %scan3A_103 = arith.addi %scan3A_101, %scan3A_102 : i32
    %scan3A_104 = arith.constant 1 : i32
    scf.for %scan3A_234 = %scan3A_101 to %scan3A_103 step %scan3A_104  : i32 {
      %mul3A_235 = arith.constant 1 : i32
      %mul3A_236 = arith.muli %scan3A_234, %mul3A_235 : i32
      %add3A = arith.constant 0 : i32
      %add3A_237 = arith.addi %add3A, %mul3A_236 : i32
      %mul3A_238 = arith.constant 16 : i32
      %mul3A_239 = arith.muli %add3A_237, %mul3A_238 : i32
      %get3A = arith.index_cast %mul3A_239 : i32 to index
      %get3A_240 = tpu.vector_load %arg15[%get3A] {strides = array<i32>} : memref<640xf32, #tpu.memory_space<vmem>>, vector<16xf32>,
      %get3A_241 = arith.index_cast %mul3A_239 : i32 to index
      %get3A_242 = tpu.vector_load %arg16[%get3A_241] {strides = array<i32>} : memref<640xf32, #tpu.memory_space<vmem>>, vector<16xf32>,
      %max3A = arith.maximumf %get3A_240, %get3A_242 : vector<16xf32>
      %swap3A = arith.index_cast %mul3A_239 : i32 to index
      %swap3A_243 = tpu.vector_load %arg15[%swap3A] {strides = array<i32>} : memref<640xf32, #tpu.memory_space<vmem>>, vector<16xf32>,
      tpu.vector_store %arg15[%swap3A], %max3A {strides = array<i32>} : memref<640xf32, #tpu.memory_space<vmem>>, vector<16xf32>,
    }
    %scan3A_105 = arith.constant 40 : i32
    %run_scoped3A_106 = arith.constant 15 : i32
    "tpu.region"() ({
      %run_scoped3A_234 = tpu.sem_alloc : memref<!tpu.dma_semaphore, #tpu.memory_space<semaphore_mem>>
      %dma_start3A = tpu.memref_slice %arg27[%run_scoped3A_106, %mul3A_0] : memref<16x10240xf32, #tpu.memory_space<vmem_shared>> -> memref<1x640xf32, #tpu.memory_space<vmem_shared>>
      %dma_start3A_235 = tpu.memref_squeeze %dma_start3A : memref<1x640xf32, #tpu.memory_space<vmem_shared>> -> memref<640xf32, #tpu.memory_space<vmem_shared>>
      %dma_start3A_236 = tpu.memref_slice %arg27[%run_scoped3A_106, %mul3A_0] : memref<16x10240xf32, #tpu.memory_space<vmem_shared>> -> memref<1x640xf32, #tpu.memory_space<vmem_shared>>
      %dma_start3A_237 = tpu.memref_squeeze %dma_start3A_236 : memref<1x640xf32, #tpu.memory_space<vmem_shared>> -> memref<640xf32, #tpu.memory_space<vmem_shared>>
      tpu.enqueue_dma source(%dma_start3A_237 : memref<640xf32, #tpu.memory_space<vmem_shared>>) target(%arg16 : memref<640xf32, #tpu.memory_space<vmem>>) target_semaphore(%run_scoped3A_234 : memref<!tpu.dma_semaphore, #tpu.memory_space<semaphore_mem>>)
      %dma_wait3A = tpu.memref_slice %arg27[%run_scoped3A_106, %mul3A_0] : memref<16x10240xf32, #tpu.memory_space<vmem_shared>> -> memref<1x640xf32, #tpu.memory_space<vmem_shared>>
      %dma_wait3A_238 = tpu.memref_squeeze %dma_wait3A : memref<1x640xf32, #tpu.memory_space<vmem_shared>> -> memref<640xf32, #tpu.memory_space<vmem_shared>>
      %dma_wait3A_239 = tpu.memref_slice %arg27[%run_scoped3A_106, %mul3A_0] : memref<16x10240xf32, #tpu.memory_space<vmem_shared>> -> memref<1x640xf32, #tpu.memory_space<vmem_shared>>
      %dma_wait3A_240 = tpu.memref_squeeze %dma_wait3A_239 : memref<1x640xf32, #tpu.memory_space<vmem_shared>> -> memref<640xf32, #tpu.memory_space<vmem_shared>>
      tpu.wait_dma2 semaphore(%run_scoped3A_234 : memref<!tpu.dma_semaphore, #tpu.memory_space<semaphore_mem>>) src(%dma_wait3A_240 : memref<640xf32, #tpu.memory_space<vmem_shared>>) dst(%arg16 : memref<640xf32, #tpu.memory_space<vmem>>)
      tpu.yield
    }) : () -> ()
    %scan3A_107 = arith.constant 0 : i32
    %scan3A_108 = arith.constant 40 : i32
    %scan3A_109 = arith.addi %scan3A_107, %scan3A_108 : i32
    %scan3A_110 = arith.constant 1 : i32
    scf.for %scan3A_234 = %scan3A_107 to %scan3A_109 step %scan3A_110  : i32 {
      %mul3A_235 = arith.constant 1 : i32
      %mul3A_236 = arith.muli %scan3A_234, %mul3A_235 : i32
      %add3A = arith.constant 0 : i32
      %add3A_237 = arith.addi %add3A, %mul3A_236 : i32
      %mul3A_238 = arith.constant 16 : i32
      %mul3A_239 = arith.muli %add3A_237, %mul3A_238 : i32
      %get3A = arith.index_cast %mul3A_239 : i32 to index
      %get3A_240 = tpu.vector_load %arg15[%get3A] {strides = array<i32>} : memref<640xf32, #tpu.memory_space<vmem>>, vector<16xf32>,
      %get3A_241 = arith.index_cast %mul3A_239 : i32 to index
      %get3A_242 = tpu.vector_load %arg16[%get3A_241] {strides = array<i32>} : memref<640xf32, #tpu.memory_space<vmem>>, vector<16xf32>,
      %max3A = arith.maximumf %get3A_240, %get3A_242 : vector<16xf32>
      %swap3A = arith.index_cast %mul3A_239 : i32 to index
      %swap3A_243 = tpu.vector_load %arg15[%swap3A] {strides = array<i32>} : memref<640xf32, #tpu.memory_space<vmem>>, vector<16xf32>,
      tpu.vector_store %arg15[%swap3A], %max3A {strides = array<i32>} : memref<640xf32, #tpu.memory_space<vmem>>, vector<16xf32>,
    }
    %scan3A_111 = arith.constant 40 : i32
    %barrier3A_112 = arith.constant 0 : index
    tpu.barrier barrier_id(%barrier3A_112)
    %run_scoped3A_113 = arith.constant 0 : i32
    "tpu.region"() ({
      %run_scoped3A_234 = tpu.sem_alloc : memref<!tpu.dma_semaphore, #tpu.memory_space<semaphore_mem>>
      %dma_start3A = tpu.memref_slice %arg27[%run_scoped3A_113, %mul3A_0] : memref<16x10240xf32, #tpu.memory_space<vmem_shared>> -> memref<1x640xf32, #tpu.memory_space<vmem_shared>>
      %dma_start3A_235 = tpu.memref_squeeze %dma_start3A : memref<1x640xf32, #tpu.memory_space<vmem_shared>> -> memref<640xf32, #tpu.memory_space<vmem_shared>>
      %dma_start3A_236 = tpu.memref_slice %arg27[%run_scoped3A_113, %mul3A_0] : memref<16x10240xf32, #tpu.memory_space<vmem_shared>> -> memref<1x640xf32, #tpu.memory_space<vmem_shared>>
      %dma_start3A_237 = tpu.memref_squeeze %dma_start3A_236 : memref<1x640xf32, #tpu.memory_space<vmem_shared>> -> memref<640xf32, #tpu.memory_space<vmem_shared>>
      tpu.enqueue_dma source(%arg15 : memref<640xf32, #tpu.memory_space<vmem>>) target(%dma_start3A_237 : memref<640xf32, #tpu.memory_space<vmem_shared>>) target_semaphore(%run_scoped3A_234 : memref<!tpu.dma_semaphore, #tpu.memory_space<semaphore_mem>>)
      %dma_wait3A = tpu.memref_slice %arg27[%run_scoped3A_113, %mul3A_0] : memref<16x10240xf32, #tpu.memory_space<vmem_shared>> -> memref<1x640xf32, #tpu.memory_space<vmem_shared>>
      %dma_wait3A_238 = tpu.memref_squeeze %dma_wait3A : memref<1x640xf32, #tpu.memory_space<vmem_shared>> -> memref<640xf32, #tpu.memory_space<vmem_shared>>
      %dma_wait3A_239 = tpu.memref_slice %arg27[%run_scoped3A_113, %mul3A_0] : memref<16x10240xf32, #tpu.memory_space<vmem_shared>> -> memref<1x640xf32, #tpu.memory_space<vmem_shared>>
      %dma_wait3A_240 = tpu.memref_squeeze %dma_wait3A_239 : memref<1x640xf32, #tpu.memory_space<vmem_shared>> -> memref<640xf32, #tpu.memory_space<vmem_shared>>
      tpu.wait_dma2 semaphore(%run_scoped3A_234 : memref<!tpu.dma_semaphore, #tpu.memory_space<semaphore_mem>>) src(%arg15 : memref<640xf32, #tpu.memory_space<vmem>>) dst(%dma_wait3A_240 : memref<640xf32, #tpu.memory_space<vmem_shared>>)
      tpu.yield
    }) : () -> ()
    %barrier3A_114 = arith.constant 0 : index
    tpu.barrier barrier_id(%barrier3A_114)
    %run_scoped3A_115 = arith.constant 0 : i32
    "tpu.region"() ({
      %run_scoped3A_234 = tpu.sem_alloc : memref<!tpu.dma_semaphore, #tpu.memory_space<semaphore_mem>>
      %dma_start3A = arith.constant 0 : i32
      %dma_start3A_235 = tpu.memref_slice %arg27[%run_scoped3A_115, %dma_start3A] : memref<16x10240xf32, #tpu.memory_space<vmem_shared>> -> memref<1x10240xf32, #tpu.memory_space<vmem_shared>>
      %dma_start3A_236 = tpu.memref_squeeze %dma_start3A_235 : memref<1x10240xf32, #tpu.memory_space<vmem_shared>> -> memref<10240xf32, #tpu.memory_space<vmem_shared>>
      %dma_start3A_237 = arith.constant 0 : i32
      %dma_start3A_238 = tpu.memref_slice %arg27[%run_scoped3A_115, %dma_start3A_237] : memref<16x10240xf32, #tpu.memory_space<vmem_shared>> -> memref<1x10240xf32, #tpu.memory_space<vmem_shared>>
      %dma_start3A_239 = tpu.memref_squeeze %dma_start3A_238 : memref<1x10240xf32, #tpu.memory_space<vmem_shared>> -> memref<10240xf32, #tpu.memory_space<vmem_shared>>
      tpu.enqueue_dma source(%dma_start3A_239 : memref<10240xf32, #tpu.memory_space<vmem_shared>>) target(%arg13 : memref<10240xf32, #tpu.memory_space<vmem>>) target_semaphore(%run_scoped3A_234 : memref<!tpu.dma_semaphore, #tpu.memory_space<semaphore_mem>>)
      %dma_wait3A = arith.constant 0 : i32
      %dma_wait3A_240 = tpu.memref_slice %arg27[%run_scoped3A_115, %dma_wait3A] : memref<16x10240xf32, #tpu.memory_space<vmem_shared>> -> memref<1x10240xf32, #tpu.memory_space<vmem_shared>>
      %dma_wait3A_241 = tpu.memref_squeeze %dma_wait3A_240 : memref<1x10240xf32, #tpu.memory_space<vmem_shared>> -> memref<10240xf32, #tpu.memory_space<vmem_shared>>
      %dma_wait3A_242 = arith.constant 0 : i32
      %dma_wait3A_243 = tpu.memref_slice %arg27[%run_scoped3A_115, %dma_wait3A_242] : memref<16x10240xf32, #tpu.memory_space<vmem_shared>> -> memref<1x10240xf32, #tpu.memory_space<vmem_shared>>
      %dma_wait3A_244 = tpu.memref_squeeze %dma_wait3A_243 : memref<1x10240xf32, #tpu.memory_space<vmem_shared>> -> memref<10240xf32, #tpu.memory_space<vmem_shared>>
      tpu.wait_dma2 semaphore(%run_scoped3A_234 : memref<!tpu.dma_semaphore, #tpu.memory_space<semaphore_mem>>) src(%dma_wait3A_244 : memref<10240xf32, #tpu.memory_space<vmem_shared>>) dst(%arg13 : memref<10240xf32, #tpu.memory_space<vmem>>)
      tpu.yield
    }) : () -> ()
    %barrier3A_116 = arith.constant 0 : index
    tpu.barrier barrier_id(%barrier3A_116)
    %scan3A_117 = arith.constant 0 : i32
    %scan3A_118 = arith.constant 640 : i32
    %scan3A_119 = arith.addi %scan3A_117, %scan3A_118 : i32
    %scan3A_120 = arith.constant 1 : i32
    scf.for %scan3A_234 = %scan3A_117 to %scan3A_119 step %scan3A_120  : i32 {
      %mul3A_235 = arith.constant 1 : i32
      %mul3A_236 = arith.muli %scan3A_234, %mul3A_235 : i32
      %add3A = arith.constant 0 : i32
      %add3A_237 = arith.addi %add3A, %mul3A_236 : i32
      %broadcast_in_dim3A = arith.constant 0.000000e+00 : f32
      %broadcast_in_dim3A_238 = vector.broadcast %broadcast_in_dim3A : f32 to vector<16xf32>
      %mul3A_239 = arith.constant 16 : i32
      %mul3A_240 = arith.muli %add3A_237, %mul3A_239 : i32
      %swap3A = arith.index_cast %mul3A_240 : i32 to index
      %swap3A_241 = tpu.vector_load %arg14[%swap3A] {strides = array<i32>} : memref<10240xf32, #tpu.memory_space<vmem>>, vector<16xf32>,
      tpu.vector_store %arg14[%swap3A], %broadcast_in_dim3A_238 {strides = array<i32>} : memref<10240xf32, #tpu.memory_space<vmem>>, vector<16xf32>,
    }
    %scan3A_121 = arith.constant 640 : i32
    %scan3A_122 = arith.constant 0 : i32
    %scan3A_123 = arith.constant 5 : i32
    %scan3A_124 = arith.addi %scan3A_122, %scan3A_123 : i32
    %scan3A_125 = arith.constant 1 : i32
    scf.for %scan3A_234 = %scan3A_122 to %scan3A_124 step %scan3A_125  : i32 {
      %mul3A_235 = arith.constant 1 : i32
      %mul3A_236 = arith.muli %scan3A_234, %mul3A_235 : i32
      %add3A = arith.constant 0 : i32
      %add3A_237 = arith.addi %add3A, %mul3A_236 : i32
      %mul3A_238 = arith.constant 4000 : i32
      %mul3A_239 = arith.muli %add3A_237, %mul3A_238 : i32
      %add3A_240 = arith.addi %mul3A_2, %mul3A_239 : i32
      "tpu.region"() ({
        %run_scoped3A_246 = tpu.sem_alloc : memref<!tpu.dma_semaphore, #tpu.memory_space<semaphore_mem>>
        %dma_start3A = tpu.memref_slice %arg3[%add3A_240] : memref<320000xf32, #tpu.memory_space<hbm>> -> memref<4000xf32, #tpu.memory_space<hbm>>
        %dma_start3A_247 = tpu.memref_slice %arg3[%add3A_240] : memref<320000xf32, #tpu.memory_space<hbm>> -> memref<4000xf32, #tpu.memory_space<hbm>>
        tpu.enqueue_dma source(%dma_start3A_247 : memref<4000xf32, #tpu.memory_space<hbm>>) target(%arg10 : memref<4000xf32, #tpu.memory_space<vmem>>) target_semaphore(%run_scoped3A_246 : memref<!tpu.dma_semaphore, #tpu.memory_space<semaphore_mem>>)
        %dma_wait3A = tpu.memref_slice %arg3[%add3A_240] : memref<320000xf32, #tpu.memory_space<hbm>> -> memref<4000xf32, #tpu.memory_space<hbm>>
        %dma_wait3A_248 = tpu.memref_slice %arg3[%add3A_240] : memref<320000xf32, #tpu.memory_space<hbm>> -> memref<4000xf32, #tpu.memory_space<hbm>>
        tpu.wait_dma2 semaphore(%run_scoped3A_246 : memref<!tpu.dma_semaphore, #tpu.memory_space<semaphore_mem>>) src(%dma_wait3A_248 : memref<4000xf32, #tpu.memory_space<hbm>>) dst(%arg10 : memref<4000xf32, #tpu.memory_space<vmem>>)
        tpu.yield
      }) : () -> ()
      "tpu.region"() ({
        %run_scoped3A_246 = tpu.sem_alloc : memref<!tpu.dma_semaphore, #tpu.memory_space<semaphore_mem>>
        %dma_start3A = tpu.memref_slice %arg4[%add3A_240] : memref<320000xi32, #tpu.memory_space<hbm>> -> memref<4000xi32, #tpu.memory_space<hbm>>
        %dma_start3A_247 = tpu.memref_slice %arg4[%add3A_240] : memref<320000xi32, #tpu.memory_space<hbm>> -> memref<4000xi32, #tpu.memory_space<hbm>>
        tpu.enqueue_dma source(%dma_start3A_247 : memref<4000xi32, #tpu.memory_space<hbm>>) target(%arg11 : memref<4000xi32, #tpu.memory_space<vmem>>) target_semaphore(%run_scoped3A_246 : memref<!tpu.dma_semaphore, #tpu.memory_space<semaphore_mem>>)
        %dma_wait3A = tpu.memref_slice %arg4[%add3A_240] : memref<320000xi32, #tpu.memory_space<hbm>> -> memref<4000xi32, #tpu.memory_space<hbm>>
        %dma_wait3A_248 = tpu.memref_slice %arg4[%add3A_240] : memref<320000xi32, #tpu.memory_space<hbm>> -> memref<4000xi32, #tpu.memory_space<hbm>>
        tpu.wait_dma2 semaphore(%run_scoped3A_246 : memref<!tpu.dma_semaphore, #tpu.memory_space<semaphore_mem>>) src(%dma_wait3A_248 : memref<4000xi32, #tpu.memory_space<hbm>>) dst(%arg11 : memref<4000xi32, #tpu.memory_space<vmem>>)
        tpu.yield
      }) : () -> ()
      %scan3A_241 = arith.constant 0 : i32
      %scan3A_242 = arith.constant 250 : i32
      %scan3A_243 = arith.addi %scan3A_241, %scan3A_242 : i32
      %scan3A_244 = arith.constant 1 : i32
      scf.for %scan3A_246 = %scan3A_241 to %scan3A_243 step %scan3A_244  : i32 {
        %mul3A_247 = arith.constant 1 : i32
        %mul3A_248 = arith.muli %scan3A_246, %mul3A_247 : i32
        %add3A_249 = arith.constant 0 : i32
        %add3A_250 = arith.addi %add3A_249, %mul3A_248 : i32
        %mul3A_251 = arith.constant 16 : i32
        %mul3A_252 = arith.muli %add3A_250, %mul3A_251 : i32
        %get3A = arith.index_cast %mul3A_252 : i32 to index
        %get3A_253 = tpu.vector_load %arg11[%get3A] {strides = array<i32>} : memref<4000xi32, #tpu.memory_space<vmem>>, vector<16xi32>,
        %mul3A_254 = arith.constant 16 : i32
        %mul3A_255 = arith.muli %add3A_250, %mul3A_254 : i32
        %get3A_256 = arith.index_cast %mul3A_255 : i32 to index
        %get3A_257 = tpu.vector_load %arg10[%get3A_256] {strides = array<i32>} : memref<4000xf32, #tpu.memory_space<vmem>>, vector<16xf32>,
        %gather3A = tpu.vector_load_idx %arg13[%get3A_253] : memref<10240xf32, #tpu.memory_space<vmem>>[vector<16xi32>], vector<16xf32>,
        %sub3A = arith.subf %get3A_257, %gather3A : vector<16xf32>
        %exp3A = math.exp %sub3A : vector<16xf32>
        tpu.vector_store_idx %arg14[%get3A_253], %exp3A {add = true} : memref<10240xf32, #tpu.memory_space<vmem>>[vector<16xi32>], vector<16xf32>,
      }
      %scan3A_245 = arith.constant 250 : i32
    }
    %scan3A_126 = arith.constant 5 : i32
    "tpu.region"() ({
      %run_scoped3A_234 = tpu.sem_alloc : memref<!tpu.dma_semaphore, #tpu.memory_space<semaphore_mem>>
      %dma_start3A = arith.constant 0 : i32
      %dma_start3A_235 = tpu.memref_slice %arg27[%arg1, %dma_start3A] : memref<16x10240xf32, #tpu.memory_space<vmem_shared>> -> memref<1x10240xf32, #tpu.memory_space<vmem_shared>>
      %dma_start3A_236 = tpu.memref_squeeze %dma_start3A_235 : memref<1x10240xf32, #tpu.memory_space<vmem_shared>> -> memref<10240xf32, #tpu.memory_space<vmem_shared>>
      %dma_start3A_237 = arith.constant 0 : i32
      %dma_start3A_238 = tpu.memref_slice %arg27[%arg1, %dma_start3A_237] : memref<16x10240xf32, #tpu.memory_space<vmem_shared>> -> memref<1x10240xf32, #tpu.memory_space<vmem_shared>>
      %dma_start3A_239 = tpu.memref_squeeze %dma_start3A_238 : memref<1x10240xf32, #tpu.memory_space<vmem_shared>> -> memref<10240xf32, #tpu.memory_space<vmem_shared>>
      tpu.enqueue_dma source(%arg14 : memref<10240xf32, #tpu.memory_space<vmem>>) target(%dma_start3A_239 : memref<10240xf32, #tpu.memory_space<vmem_shared>>) target_semaphore(%run_scoped3A_234 : memref<!tpu.dma_semaphore, #tpu.memory_space<semaphore_mem>>)
      %dma_wait3A = arith.constant 0 : i32
      %dma_wait3A_240 = tpu.memref_slice %arg27[%arg1, %dma_wait3A] : memref<16x10240xf32, #tpu.memory_space<vmem_shared>> -> memref<1x10240xf32, #tpu.memory_space<vmem_shared>>
      %dma_wait3A_241 = tpu.memref_squeeze %dma_wait3A_240 : memref<1x10240xf32, #tpu.memory_space<vmem_shared>> -> memref<10240xf32, #tpu.memory_space<vmem_shared>>
      %dma_wait3A_242 = arith.constant 0 : i32
      %dma_wait3A_243 = tpu.memref_slice %arg27[%arg1, %dma_wait3A_242] : memref<16x10240xf32, #tpu.memory_space<vmem_shared>> -> memref<1x10240xf32, #tpu.memory_space<vmem_shared>>
      %dma_wait3A_244 = tpu.memref_squeeze %dma_wait3A_243 : memref<1x10240xf32, #tpu.memory_space<vmem_shared>> -> memref<10240xf32, #tpu.memory_space<vmem_shared>>
      tpu.wait_dma2 semaphore(%run_scoped3A_234 : memref<!tpu.dma_semaphore, #tpu.memory_space<semaphore_mem>>) src(%arg14 : memref<10240xf32, #tpu.memory_space<vmem>>) dst(%dma_wait3A_244 : memref<10240xf32, #tpu.memory_space<vmem_shared>>)
      tpu.yield
    }) : () -> ()
    %barrier3A_127 = arith.constant 0 : index
    tpu.barrier barrier_id(%barrier3A_127)
    %run_scoped3A_128 = arith.constant 0 : i32
    "tpu.region"() ({
      %run_scoped3A_234 = tpu.sem_alloc : memref<!tpu.dma_semaphore, #tpu.memory_space<semaphore_mem>>
      %dma_start3A = tpu.memref_slice %arg27[%run_scoped3A_128, %mul3A_0] : memref<16x10240xf32, #tpu.memory_space<vmem_shared>> -> memref<1x640xf32, #tpu.memory_space<vmem_shared>>
      %dma_start3A_235 = tpu.memref_squeeze %dma_start3A : memref<1x640xf32, #tpu.memory_space<vmem_shared>> -> memref<640xf32, #tpu.memory_space<vmem_shared>>
      %dma_start3A_236 = tpu.memref_slice %arg27[%run_scoped3A_128, %mul3A_0] : memref<16x10240xf32, #tpu.memory_space<vmem_shared>> -> memref<1x640xf32, #tpu.memory_space<vmem_shared>>
      %dma_start3A_237 = tpu.memref_squeeze %dma_start3A_236 : memref<1x640xf32, #tpu.memory_space<vmem_shared>> -> memref<640xf32, #tpu.memory_space<vmem_shared>>
      tpu.enqueue_dma source(%dma_start3A_237 : memref<640xf32, #tpu.memory_space<vmem_shared>>) target(%arg15 : memref<640xf32, #tpu.memory_space<vmem>>) target_semaphore(%run_scoped3A_234 : memref<!tpu.dma_semaphore, #tpu.memory_space<semaphore_mem>>)
      %dma_wait3A = tpu.memref_slice %arg27[%run_scoped3A_128, %mul3A_0] : memref<16x10240xf32, #tpu.memory_space<vmem_shared>> -> memref<1x640xf32, #tpu.memory_space<vmem_shared>>
      %dma_wait3A_238 = tpu.memref_squeeze %dma_wait3A : memref<1x640xf32, #tpu.memory_space<vmem_shared>> -> memref<640xf32, #tpu.memory_space<vmem_shared>>
      %dma_wait3A_239 = tpu.memref_slice %arg27[%run_scoped3A_128, %mul3A_0] : memref<16x10240xf32, #tpu.memory_space<vmem_shared>> -> memref<1x640xf32, #tpu.memory_space<vmem_shared>>
      %dma_wait3A_240 = tpu.memref_squeeze %dma_wait3A_239 : memref<1x640xf32, #tpu.memory_space<vmem_shared>> -> memref<640xf32, #tpu.memory_space<vmem_shared>>
      tpu.wait_dma2 semaphore(%run_scoped3A_234 : memref<!tpu.dma_semaphore, #tpu.memory_space<semaphore_mem>>) src(%dma_wait3A_240 : memref<640xf32, #tpu.memory_space<vmem_shared>>) dst(%arg15 : memref<640xf32, #tpu.memory_space<vmem>>)
      tpu.yield
    }) : () -> ()
    %run_scoped3A_129 = arith.constant 1 : i32
    "tpu.region"() ({
      %run_scoped3A_234 = tpu.sem_alloc : memref<!tpu.dma_semaphore, #tpu.memory_space<semaphore_mem>>
      %dma_start3A = tpu.memref_slice %arg27[%run_scoped3A_129, %mul3A_0] : memref<16x10240xf32, #tpu.memory_space<vmem_shared>> -> memref<1x640xf32, #tpu.memory_space<vmem_shared>>
      %dma_start3A_235 = tpu.memref_squeeze %dma_start3A : memref<1x640xf32, #tpu.memory_space<vmem_shared>> -> memref<640xf32, #tpu.memory_space<vmem_shared>>
      %dma_start3A_236 = tpu.memref_slice %arg27[%run_scoped3A_129, %mul3A_0] : memref<16x10240xf32, #tpu.memory_space<vmem_shared>> -> memref<1x640xf32, #tpu.memory_space<vmem_shared>>
      %dma_start3A_237 = tpu.memref_squeeze %dma_start3A_236 : memref<1x640xf32, #tpu.memory_space<vmem_shared>> -> memref<640xf32, #tpu.memory_space<vmem_shared>>
      tpu.enqueue_dma source(%dma_start3A_237 : memref<640xf32, #tpu.memory_space<vmem_shared>>) target(%arg16 : memref<640xf32, #tpu.memory_space<vmem>>) target_semaphore(%run_scoped3A_234 : memref<!tpu.dma_semaphore, #tpu.memory_space<semaphore_mem>>)
      %dma_wait3A = tpu.memref_slice %arg27[%run_scoped3A_129, %mul3A_0] : memref<16x10240xf32, #tpu.memory_space<vmem_shared>> -> memref<1x640xf32, #tpu.memory_space<vmem_shared>>
      %dma_wait3A_238 = tpu.memref_squeeze %dma_wait3A : memref<1x640xf32, #tpu.memory_space<vmem_shared>> -> memref<640xf32, #tpu.memory_space<vmem_shared>>
      %dma_wait3A_239 = tpu.memref_slice %arg27[%run_scoped3A_129, %mul3A_0] : memref<16x10240xf32, #tpu.memory_space<vmem_shared>> -> memref<1x640xf32, #tpu.memory_space<vmem_shared>>
      %dma_wait3A_240 = tpu.memref_squeeze %dma_wait3A_239 : memref<1x640xf32, #tpu.memory_space<vmem_shared>> -> memref<640xf32, #tpu.memory_space<vmem_shared>>
      tpu.wait_dma2 semaphore(%run_scoped3A_234 : memref<!tpu.dma_semaphore, #tpu.memory_space<semaphore_mem>>) src(%dma_wait3A_240 : memref<640xf32, #tpu.memory_space<vmem_shared>>) dst(%arg16 : memref<640xf32, #tpu.memory_space<vmem>>)
      tpu.yield
    }) : () -> ()
    %scan3A_130 = arith.constant 0 : i32
    %scan3A_131 = arith.constant 40 : i32
    %scan3A_132 = arith.addi %scan3A_130, %scan3A_131 : i32
    %scan3A_133 = arith.constant 1 : i32
    scf.for %scan3A_234 = %scan3A_130 to %scan3A_132 step %scan3A_133  : i32 {
      %mul3A_235 = arith.constant 1 : i32
      %mul3A_236 = arith.muli %scan3A_234, %mul3A_235 : i32
      %add3A = arith.constant 0 : i32
      %add3A_237 = arith.addi %add3A, %mul3A_236 : i32
      %mul3A_238 = arith.constant 16 : i32
      %mul3A_239 = arith.muli %add3A_237, %mul3A_238 : i32
      %get3A = arith.index_cast %mul3A_239 : i32 to index
      %get3A_240 = tpu.vector_load %arg15[%get3A] {strides = array<i32>} : memref<640xf32, #tpu.memory_space<vmem>>, vector<16xf32>,
      %get3A_241 = arith.index_cast %mul3A_239 : i32 to index
      %get3A_242 = tpu.vector_load %arg16[%get3A_241] {strides = array<i32>} : memref<640xf32, #tpu.memory_space<vmem>>, vector<16xf32>,
      %add3A_243 = arith.addf %get3A_240, %get3A_242 : vector<16xf32>
      %swap3A = arith.index_cast %mul3A_239 : i32 to index
      %swap3A_244 = tpu.vector_load %arg15[%swap3A] {strides = array<i32>} : memref<640xf32, #tpu.memory_space<vmem>>, vector<16xf32>,
      tpu.vector_store %arg15[%swap3A], %add3A_243 {strides = array<i32>} : memref<640xf32, #tpu.memory_space<vmem>>, vector<16xf32>,
    }
    %scan3A_134 = arith.constant 40 : i32
    %run_scoped3A_135 = arith.constant 2 : i32
    "tpu.region"() ({
      %run_scoped3A_234 = tpu.sem_alloc : memref<!tpu.dma_semaphore, #tpu.memory_space<semaphore_mem>>
      %dma_start3A = tpu.memref_slice %arg27[%run_scoped3A_135, %mul3A_0] : memref<16x10240xf32, #tpu.memory_space<vmem_shared>> -> memref<1x640xf32, #tpu.memory_space<vmem_shared>>
      %dma_start3A_235 = tpu.memref_squeeze %dma_start3A : memref<1x640xf32, #tpu.memory_space<vmem_shared>> -> memref<640xf32, #tpu.memory_space<vmem_shared>>
      %dma_start3A_236 = tpu.memref_slice %arg27[%run_scoped3A_135, %mul3A_0] : memref<16x10240xf32, #tpu.memory_space<vmem_shared>> -> memref<1x640xf32, #tpu.memory_space<vmem_shared>>
      %dma_start3A_237 = tpu.memref_squeeze %dma_start3A_236 : memref<1x640xf32, #tpu.memory_space<vmem_shared>> -> memref<640xf32, #tpu.memory_space<vmem_shared>>
      tpu.enqueue_dma source(%dma_start3A_237 : memref<640xf32, #tpu.memory_space<vmem_shared>>) target(%arg16 : memref<640xf32, #tpu.memory_space<vmem>>) target_semaphore(%run_scoped3A_234 : memref<!tpu.dma_semaphore, #tpu.memory_space<semaphore_mem>>)
      %dma_wait3A = tpu.memref_slice %arg27[%run_scoped3A_135, %mul3A_0] : memref<16x10240xf32, #tpu.memory_space<vmem_shared>> -> memref<1x640xf32, #tpu.memory_space<vmem_shared>>
      %dma_wait3A_238 = tpu.memref_squeeze %dma_wait3A : memref<1x640xf32, #tpu.memory_space<vmem_shared>> -> memref<640xf32, #tpu.memory_space<vmem_shared>>
      %dma_wait3A_239 = tpu.memref_slice %arg27[%run_scoped3A_135, %mul3A_0] : memref<16x10240xf32, #tpu.memory_space<vmem_shared>> -> memref<1x640xf32, #tpu.memory_space<vmem_shared>>
      %dma_wait3A_240 = tpu.memref_squeeze %dma_wait3A_239 : memref<1x640xf32, #tpu.memory_space<vmem_shared>> -> memref<640xf32, #tpu.memory_space<vmem_shared>>
      tpu.wait_dma2 semaphore(%run_scoped3A_234 : memref<!tpu.dma_semaphore, #tpu.memory_space<semaphore_mem>>) src(%dma_wait3A_240 : memref<640xf32, #tpu.memory_space<vmem_shared>>) dst(%arg16 : memref<640xf32, #tpu.memory_space<vmem>>)
      tpu.yield
    }) : () -> ()
    %scan3A_136 = arith.constant 0 : i32
    %scan3A_137 = arith.constant 40 : i32
    %scan3A_138 = arith.addi %scan3A_136, %scan3A_137 : i32
    %scan3A_139 = arith.constant 1 : i32
    scf.for %scan3A_234 = %scan3A_136 to %scan3A_138 step %scan3A_139  : i32 {
      %mul3A_235 = arith.constant 1 : i32
      %mul3A_236 = arith.muli %scan3A_234, %mul3A_235 : i32
      %add3A = arith.constant 0 : i32
      %add3A_237 = arith.addi %add3A, %mul3A_236 : i32
      %mul3A_238 = arith.constant 16 : i32
      %mul3A_239 = arith.muli %add3A_237, %mul3A_238 : i32
      %get3A = arith.index_cast %mul3A_239 : i32 to index
      %get3A_240 = tpu.vector_load %arg15[%get3A] {strides = array<i32>} : memref<640xf32, #tpu.memory_space<vmem>>, vector<16xf32>,
      %get3A_241 = arith.index_cast %mul3A_239 : i32 to index
      %get3A_242 = tpu.vector_load %arg16[%get3A_241] {strides = array<i32>} : memref<640xf32, #tpu.memory_space<vmem>>, vector<16xf32>,
      %add3A_243 = arith.addf %get3A_240, %get3A_242 : vector<16xf32>
      %swap3A = arith.index_cast %mul3A_239 : i32 to index
      %swap3A_244 = tpu.vector_load %arg15[%swap3A] {strides = array<i32>} : memref<640xf32, #tpu.memory_space<vmem>>, vector<16xf32>,
      tpu.vector_store %arg15[%swap3A], %add3A_243 {strides = array<i32>} : memref<640xf32, #tpu.memory_space<vmem>>, vector<16xf32>,
    }
    %scan3A_140 = arith.constant 40 : i32
    %run_scoped3A_141 = arith.constant 3 : i32
    "tpu.region"() ({
      %run_scoped3A_234 = tpu.sem_alloc : memref<!tpu.dma_semaphore, #tpu.memory_space<semaphore_mem>>
      %dma_start3A = tpu.memref_slice %arg27[%run_scoped3A_141, %mul3A_0] : memref<16x10240xf32, #tpu.memory_space<vmem_shared>> -> memref<1x640xf32, #tpu.memory_space<vmem_shared>>
      %dma_start3A_235 = tpu.memref_squeeze %dma_start3A : memref<1x640xf32, #tpu.memory_space<vmem_shared>> -> memref<640xf32, #tpu.memory_space<vmem_shared>>
      %dma_start3A_236 = tpu.memref_slice %arg27[%run_scoped3A_141, %mul3A_0] : memref<16x10240xf32, #tpu.memory_space<vmem_shared>> -> memref<1x640xf32, #tpu.memory_space<vmem_shared>>
      %dma_start3A_237 = tpu.memref_squeeze %dma_start3A_236 : memref<1x640xf32, #tpu.memory_space<vmem_shared>> -> memref<640xf32, #tpu.memory_space<vmem_shared>>
      tpu.enqueue_dma source(%dma_start3A_237 : memref<640xf32, #tpu.memory_space<vmem_shared>>) target(%arg16 : memref<640xf32, #tpu.memory_space<vmem>>) target_semaphore(%run_scoped3A_234 : memref<!tpu.dma_semaphore, #tpu.memory_space<semaphore_mem>>)
      %dma_wait3A = tpu.memref_slice %arg27[%run_scoped3A_141, %mul3A_0] : memref<16x10240xf32, #tpu.memory_space<vmem_shared>> -> memref<1x640xf32, #tpu.memory_space<vmem_shared>>
      %dma_wait3A_238 = tpu.memref_squeeze %dma_wait3A : memref<1x640xf32, #tpu.memory_space<vmem_shared>> -> memref<640xf32, #tpu.memory_space<vmem_shared>>
      %dma_wait3A_239 = tpu.memref_slice %arg27[%run_scoped3A_141, %mul3A_0] : memref<16x10240xf32, #tpu.memory_space<vmem_shared>> -> memref<1x640xf32, #tpu.memory_space<vmem_shared>>
      %dma_wait3A_240 = tpu.memref_squeeze %dma_wait3A_239 : memref<1x640xf32, #tpu.memory_space<vmem_shared>> -> memref<640xf32, #tpu.memory_space<vmem_shared>>
      tpu.wait_dma2 semaphore(%run_scoped3A_234 : memref<!tpu.dma_semaphore, #tpu.memory_space<semaphore_mem>>) src(%dma_wait3A_240 : memref<640xf32, #tpu.memory_space<vmem_shared>>) dst(%arg16 : memref<640xf32, #tpu.memory_space<vmem>>)
      tpu.yield
    }) : () -> ()
    %scan3A_142 = arith.constant 0 : i32
    %scan3A_143 = arith.constant 40 : i32
    %scan3A_144 = arith.addi %scan3A_142, %scan3A_143 : i32
    %scan3A_145 = arith.constant 1 : i32
    scf.for %scan3A_234 = %scan3A_142 to %scan3A_144 step %scan3A_145  : i32 {
      %mul3A_235 = arith.constant 1 : i32
      %mul3A_236 = arith.muli %scan3A_234, %mul3A_235 : i32
      %add3A = arith.constant 0 : i32
      %add3A_237 = arith.addi %add3A, %mul3A_236 : i32
      %mul3A_238 = arith.constant 16 : i32
      %mul3A_239 = arith.muli %add3A_237, %mul3A_238 : i32
      %get3A = arith.index_cast %mul3A_239 : i32 to index
      %get3A_240 = tpu.vector_load %arg15[%get3A] {strides = array<i32>} : memref<640xf32, #tpu.memory_space<vmem>>, vector<16xf32>,
      %get3A_241 = arith.index_cast %mul3A_239 : i32 to index
      %get3A_242 = tpu.vector_load %arg16[%get3A_241] {strides = array<i32>} : memref<640xf32, #tpu.memory_space<vmem>>, vector<16xf32>,
      %add3A_243 = arith.addf %get3A_240, %get3A_242 : vector<16xf32>
      %swap3A = arith.index_cast %mul3A_239 : i32 to index
      %swap3A_244 = tpu.vector_load %arg15[%swap3A] {strides = array<i32>} : memref<640xf32, #tpu.memory_space<vmem>>, vector<16xf32>,
      tpu.vector_store %arg15[%swap3A], %add3A_243 {strides = array<i32>} : memref<640xf32, #tpu.memory_space<vmem>>, vector<16xf32>,
    }
    %scan3A_146 = arith.constant 40 : i32
    %run_scoped3A_147 = arith.constant 4 : i32
    "tpu.region"() ({
      %run_scoped3A_234 = tpu.sem_alloc : memref<!tpu.dma_semaphore, #tpu.memory_space<semaphore_mem>>
      %dma_start3A = tpu.memref_slice %arg27[%run_scoped3A_147, %mul3A_0] : memref<16x10240xf32, #tpu.memory_space<vmem_shared>> -> memref<1x640xf32, #tpu.memory_space<vmem_shared>>
      %dma_start3A_235 = tpu.memref_squeeze %dma_start3A : memref<1x640xf32, #tpu.memory_space<vmem_shared>> -> memref<640xf32, #tpu.memory_space<vmem_shared>>
      %dma_start3A_236 = tpu.memref_slice %arg27[%run_scoped3A_147, %mul3A_0] : memref<16x10240xf32, #tpu.memory_space<vmem_shared>> -> memref<1x640xf32, #tpu.memory_space<vmem_shared>>
      %dma_start3A_237 = tpu.memref_squeeze %dma_start3A_236 : memref<1x640xf32, #tpu.memory_space<vmem_shared>> -> memref<640xf32, #tpu.memory_space<vmem_shared>>
      tpu.enqueue_dma source(%dma_start3A_237 : memref<640xf32, #tpu.memory_space<vmem_shared>>) target(%arg16 : memref<640xf32, #tpu.memory_space<vmem>>) target_semaphore(%run_scoped3A_234 : memref<!tpu.dma_semaphore, #tpu.memory_space<semaphore_mem>>)
      %dma_wait3A = tpu.memref_slice %arg27[%run_scoped3A_147, %mul3A_0] : memref<16x10240xf32, #tpu.memory_space<vmem_shared>> -> memref<1x640xf32, #tpu.memory_space<vmem_shared>>
      %dma_wait3A_238 = tpu.memref_squeeze %dma_wait3A : memref<1x640xf32, #tpu.memory_space<vmem_shared>> -> memref<640xf32, #tpu.memory_space<vmem_shared>>
      %dma_wait3A_239 = tpu.memref_slice %arg27[%run_scoped3A_147, %mul3A_0] : memref<16x10240xf32, #tpu.memory_space<vmem_shared>> -> memref<1x640xf32, #tpu.memory_space<vmem_shared>>
      %dma_wait3A_240 = tpu.memref_squeeze %dma_wait3A_239 : memref<1x640xf32, #tpu.memory_space<vmem_shared>> -> memref<640xf32, #tpu.memory_space<vmem_shared>>
      tpu.wait_dma2 semaphore(%run_scoped3A_234 : memref<!tpu.dma_semaphore, #tpu.memory_space<semaphore_mem>>) src(%dma_wait3A_240 : memref<640xf32, #tpu.memory_space<vmem_shared>>) dst(%arg16 : memref<640xf32, #tpu.memory_space<vmem>>)
      tpu.yield
    }) : () -> ()
    %scan3A_148 = arith.constant 0 : i32
    %scan3A_149 = arith.constant 40 : i32
    %scan3A_150 = arith.addi %scan3A_148, %scan3A_149 : i32
    %scan3A_151 = arith.constant 1 : i32
    scf.for %scan3A_234 = %scan3A_148 to %scan3A_150 step %scan3A_151  : i32 {
      %mul3A_235 = arith.constant 1 : i32
      %mul3A_236 = arith.muli %scan3A_234, %mul3A_235 : i32
      %add3A = arith.constant 0 : i32
      %add3A_237 = arith.addi %add3A, %mul3A_236 : i32
      %mul3A_238 = arith.constant 16 : i32
      %mul3A_239 = arith.muli %add3A_237, %mul3A_238 : i32
      %get3A = arith.index_cast %mul3A_239 : i32 to index
      %get3A_240 = tpu.vector_load %arg15[%get3A] {strides = array<i32>} : memref<640xf32, #tpu.memory_space<vmem>>, vector<16xf32>,
      %get3A_241 = arith.index_cast %mul3A_239 : i32 to index
      %get3A_242 = tpu.vector_load %arg16[%get3A_241] {strides = array<i32>} : memref<640xf32, #tpu.memory_space<vmem>>, vector<16xf32>,
      %add3A_243 = arith.addf %get3A_240, %get3A_242 : vector<16xf32>
      %swap3A = arith.index_cast %mul3A_239 : i32 to index
      %swap3A_244 = tpu.vector_load %arg15[%swap3A] {strides = array<i32>} : memref<640xf32, #tpu.memory_space<vmem>>, vector<16xf32>,
      tpu.vector_store %arg15[%swap3A], %add3A_243 {strides = array<i32>} : memref<640xf32, #tpu.memory_space<vmem>>, vector<16xf32>,
    }
    %scan3A_152 = arith.constant 40 : i32
    %run_scoped3A_153 = arith.constant 5 : i32
    "tpu.region"() ({
      %run_scoped3A_234 = tpu.sem_alloc : memref<!tpu.dma_semaphore, #tpu.memory_space<semaphore_mem>>
      %dma_start3A = tpu.memref_slice %arg27[%run_scoped3A_153, %mul3A_0] : memref<16x10240xf32, #tpu.memory_space<vmem_shared>> -> memref<1x640xf32, #tpu.memory_space<vmem_shared>>
      %dma_start3A_235 = tpu.memref_squeeze %dma_start3A : memref<1x640xf32, #tpu.memory_space<vmem_shared>> -> memref<640xf32, #tpu.memory_space<vmem_shared>>
      %dma_start3A_236 = tpu.memref_slice %arg27[%run_scoped3A_153, %mul3A_0] : memref<16x10240xf32, #tpu.memory_space<vmem_shared>> -> memref<1x640xf32, #tpu.memory_space<vmem_shared>>
      %dma_start3A_237 = tpu.memref_squeeze %dma_start3A_236 : memref<1x640xf32, #tpu.memory_space<vmem_shared>> -> memref<640xf32, #tpu.memory_space<vmem_shared>>
      tpu.enqueue_dma source(%dma_start3A_237 : memref<640xf32, #tpu.memory_space<vmem_shared>>) target(%arg16 : memref<640xf32, #tpu.memory_space<vmem>>) target_semaphore(%run_scoped3A_234 : memref<!tpu.dma_semaphore, #tpu.memory_space<semaphore_mem>>)
      %dma_wait3A = tpu.memref_slice %arg27[%run_scoped3A_153, %mul3A_0] : memref<16x10240xf32, #tpu.memory_space<vmem_shared>> -> memref<1x640xf32, #tpu.memory_space<vmem_shared>>
      %dma_wait3A_238 = tpu.memref_squeeze %dma_wait3A : memref<1x640xf32, #tpu.memory_space<vmem_shared>> -> memref<640xf32, #tpu.memory_space<vmem_shared>>
      %dma_wait3A_239 = tpu.memref_slice %arg27[%run_scoped3A_153, %mul3A_0] : memref<16x10240xf32, #tpu.memory_space<vmem_shared>> -> memref<1x640xf32, #tpu.memory_space<vmem_shared>>
      %dma_wait3A_240 = tpu.memref_squeeze %dma_wait3A_239 : memref<1x640xf32, #tpu.memory_space<vmem_shared>> -> memref<640xf32, #tpu.memory_space<vmem_shared>>
      tpu.wait_dma2 semaphore(%run_scoped3A_234 : memref<!tpu.dma_semaphore, #tpu.memory_space<semaphore_mem>>) src(%dma_wait3A_240 : memref<640xf32, #tpu.memory_space<vmem_shared>>) dst(%arg16 : memref<640xf32, #tpu.memory_space<vmem>>)
      tpu.yield
    }) : () -> ()
    %scan3A_154 = arith.constant 0 : i32
    %scan3A_155 = arith.constant 40 : i32
    %scan3A_156 = arith.addi %scan3A_154, %scan3A_155 : i32
    %scan3A_157 = arith.constant 1 : i32
    scf.for %scan3A_234 = %scan3A_154 to %scan3A_156 step %scan3A_157  : i32 {
      %mul3A_235 = arith.constant 1 : i32
      %mul3A_236 = arith.muli %scan3A_234, %mul3A_235 : i32
      %add3A = arith.constant 0 : i32
      %add3A_237 = arith.addi %add3A, %mul3A_236 : i32
      %mul3A_238 = arith.constant 16 : i32
      %mul3A_239 = arith.muli %add3A_237, %mul3A_238 : i32
      %get3A = arith.index_cast %mul3A_239 : i32 to index
      %get3A_240 = tpu.vector_load %arg15[%get3A] {strides = array<i32>} : memref<640xf32, #tpu.memory_space<vmem>>, vector<16xf32>,
      %get3A_241 = arith.index_cast %mul3A_239 : i32 to index
      %get3A_242 = tpu.vector_load %arg16[%get3A_241] {strides = array<i32>} : memref<640xf32, #tpu.memory_space<vmem>>, vector<16xf32>,
      %add3A_243 = arith.addf %get3A_240, %get3A_242 : vector<16xf32>
      %swap3A = arith.index_cast %mul3A_239 : i32 to index
      %swap3A_244 = tpu.vector_load %arg15[%swap3A] {strides = array<i32>} : memref<640xf32, #tpu.memory_space<vmem>>, vector<16xf32>,
      tpu.vector_store %arg15[%swap3A], %add3A_243 {strides = array<i32>} : memref<640xf32, #tpu.memory_space<vmem>>, vector<16xf32>,
    }
    %scan3A_158 = arith.constant 40 : i32
    %run_scoped3A_159 = arith.constant 6 : i32
    "tpu.region"() ({
      %run_scoped3A_234 = tpu.sem_alloc : memref<!tpu.dma_semaphore, #tpu.memory_space<semaphore_mem>>
      %dma_start3A = tpu.memref_slice %arg27[%run_scoped3A_159, %mul3A_0] : memref<16x10240xf32, #tpu.memory_space<vmem_shared>> -> memref<1x640xf32, #tpu.memory_space<vmem_shared>>
      %dma_start3A_235 = tpu.memref_squeeze %dma_start3A : memref<1x640xf32, #tpu.memory_space<vmem_shared>> -> memref<640xf32, #tpu.memory_space<vmem_shared>>
      %dma_start3A_236 = tpu.memref_slice %arg27[%run_scoped3A_159, %mul3A_0] : memref<16x10240xf32, #tpu.memory_space<vmem_shared>> -> memref<1x640xf32, #tpu.memory_space<vmem_shared>>
      %dma_start3A_237 = tpu.memref_squeeze %dma_start3A_236 : memref<1x640xf32, #tpu.memory_space<vmem_shared>> -> memref<640xf32, #tpu.memory_space<vmem_shared>>
      tpu.enqueue_dma source(%dma_start3A_237 : memref<640xf32, #tpu.memory_space<vmem_shared>>) target(%arg16 : memref<640xf32, #tpu.memory_space<vmem>>) target_semaphore(%run_scoped3A_234 : memref<!tpu.dma_semaphore, #tpu.memory_space<semaphore_mem>>)
      %dma_wait3A = tpu.memref_slice %arg27[%run_scoped3A_159, %mul3A_0] : memref<16x10240xf32, #tpu.memory_space<vmem_shared>> -> memref<1x640xf32, #tpu.memory_space<vmem_shared>>
      %dma_wait3A_238 = tpu.memref_squeeze %dma_wait3A : memref<1x640xf32, #tpu.memory_space<vmem_shared>> -> memref<640xf32, #tpu.memory_space<vmem_shared>>
      %dma_wait3A_239 = tpu.memref_slice %arg27[%run_scoped3A_159, %mul3A_0] : memref<16x10240xf32, #tpu.memory_space<vmem_shared>> -> memref<1x640xf32, #tpu.memory_space<vmem_shared>>
      %dma_wait3A_240 = tpu.memref_squeeze %dma_wait3A_239 : memref<1x640xf32, #tpu.memory_space<vmem_shared>> -> memref<640xf32, #tpu.memory_space<vmem_shared>>
      tpu.wait_dma2 semaphore(%run_scoped3A_234 : memref<!tpu.dma_semaphore, #tpu.memory_space<semaphore_mem>>) src(%dma_wait3A_240 : memref<640xf32, #tpu.memory_space<vmem_shared>>) dst(%arg16 : memref<640xf32, #tpu.memory_space<vmem>>)
      tpu.yield
    }) : () -> ()
    %scan3A_160 = arith.constant 0 : i32
    %scan3A_161 = arith.constant 40 : i32
    %scan3A_162 = arith.addi %scan3A_160, %scan3A_161 : i32
    %scan3A_163 = arith.constant 1 : i32
    scf.for %scan3A_234 = %scan3A_160 to %scan3A_162 step %scan3A_163  : i32 {
      %mul3A_235 = arith.constant 1 : i32
      %mul3A_236 = arith.muli %scan3A_234, %mul3A_235 : i32
      %add3A = arith.constant 0 : i32
      %add3A_237 = arith.addi %add3A, %mul3A_236 : i32
      %mul3A_238 = arith.constant 16 : i32
      %mul3A_239 = arith.muli %add3A_237, %mul3A_238 : i32
      %get3A = arith.index_cast %mul3A_239 : i32 to index
      %get3A_240 = tpu.vector_load %arg15[%get3A] {strides = array<i32>} : memref<640xf32, #tpu.memory_space<vmem>>, vector<16xf32>,
      %get3A_241 = arith.index_cast %mul3A_239 : i32 to index
      %get3A_242 = tpu.vector_load %arg16[%get3A_241] {strides = array<i32>} : memref<640xf32, #tpu.memory_space<vmem>>, vector<16xf32>,
      %add3A_243 = arith.addf %get3A_240, %get3A_242 : vector<16xf32>
      %swap3A = arith.index_cast %mul3A_239 : i32 to index
      %swap3A_244 = tpu.vector_load %arg15[%swap3A] {strides = array<i32>} : memref<640xf32, #tpu.memory_space<vmem>>, vector<16xf32>,
      tpu.vector_store %arg15[%swap3A], %add3A_243 {strides = array<i32>} : memref<640xf32, #tpu.memory_space<vmem>>, vector<16xf32>,
    }
    %scan3A_164 = arith.constant 40 : i32
    %run_scoped3A_165 = arith.constant 7 : i32
    "tpu.region"() ({
      %run_scoped3A_234 = tpu.sem_alloc : memref<!tpu.dma_semaphore, #tpu.memory_space<semaphore_mem>>
      %dma_start3A = tpu.memref_slice %arg27[%run_scoped3A_165, %mul3A_0] : memref<16x10240xf32, #tpu.memory_space<vmem_shared>> -> memref<1x640xf32, #tpu.memory_space<vmem_shared>>
      %dma_start3A_235 = tpu.memref_squeeze %dma_start3A : memref<1x640xf32, #tpu.memory_space<vmem_shared>> -> memref<640xf32, #tpu.memory_space<vmem_shared>>
      %dma_start3A_236 = tpu.memref_slice %arg27[%run_scoped3A_165, %mul3A_0] : memref<16x10240xf32, #tpu.memory_space<vmem_shared>> -> memref<1x640xf32, #tpu.memory_space<vmem_shared>>
      %dma_start3A_237 = tpu.memref_squeeze %dma_start3A_236 : memref<1x640xf32, #tpu.memory_space<vmem_shared>> -> memref<640xf32, #tpu.memory_space<vmem_shared>>
      tpu.enqueue_dma source(%dma_start3A_237 : memref<640xf32, #tpu.memory_space<vmem_shared>>) target(%arg16 : memref<640xf32, #tpu.memory_space<vmem>>) target_semaphore(%run_scoped3A_234 : memref<!tpu.dma_semaphore, #tpu.memory_space<semaphore_mem>>)
      %dma_wait3A = tpu.memref_slice %arg27[%run_scoped3A_165, %mul3A_0] : memref<16x10240xf32, #tpu.memory_space<vmem_shared>> -> memref<1x640xf32, #tpu.memory_space<vmem_shared>>
      %dma_wait3A_238 = tpu.memref_squeeze %dma_wait3A : memref<1x640xf32, #tpu.memory_space<vmem_shared>> -> memref<640xf32, #tpu.memory_space<vmem_shared>>
      %dma_wait3A_239 = tpu.memref_slice %arg27[%run_scoped3A_165, %mul3A_0] : memref<16x10240xf32, #tpu.memory_space<vmem_shared>> -> memref<1x640xf32, #tpu.memory_space<vmem_shared>>
      %dma_wait3A_240 = tpu.memref_squeeze %dma_wait3A_239 : memref<1x640xf32, #tpu.memory_space<vmem_shared>> -> memref<640xf32, #tpu.memory_space<vmem_shared>>
      tpu.wait_dma2 semaphore(%run_scoped3A_234 : memref<!tpu.dma_semaphore, #tpu.memory_space<semaphore_mem>>) src(%dma_wait3A_240 : memref<640xf32, #tpu.memory_space<vmem_shared>>) dst(%arg16 : memref<640xf32, #tpu.memory_space<vmem>>)
      tpu.yield
    }) : () -> ()
    %scan3A_166 = arith.constant 0 : i32
    %scan3A_167 = arith.constant 40 : i32
    %scan3A_168 = arith.addi %scan3A_166, %scan3A_167 : i32
    %scan3A_169 = arith.constant 1 : i32
    scf.for %scan3A_234 = %scan3A_166 to %scan3A_168 step %scan3A_169  : i32 {
      %mul3A_235 = arith.constant 1 : i32
      %mul3A_236 = arith.muli %scan3A_234, %mul3A_235 : i32
      %add3A = arith.constant 0 : i32
      %add3A_237 = arith.addi %add3A, %mul3A_236 : i32
      %mul3A_238 = arith.constant 16 : i32
      %mul3A_239 = arith.muli %add3A_237, %mul3A_238 : i32
      %get3A = arith.index_cast %mul3A_239 : i32 to index
      %get3A_240 = tpu.vector_load %arg15[%get3A] {strides = array<i32>} : memref<640xf32, #tpu.memory_space<vmem>>, vector<16xf32>,
      %get3A_241 = arith.index_cast %mul3A_239 : i32 to index
      %get3A_242 = tpu.vector_load %arg16[%get3A_241] {strides = array<i32>} : memref<640xf32, #tpu.memory_space<vmem>>, vector<16xf32>,
      %add3A_243 = arith.addf %get3A_240, %get3A_242 : vector<16xf32>
      %swap3A = arith.index_cast %mul3A_239 : i32 to index
      %swap3A_244 = tpu.vector_load %arg15[%swap3A] {strides = array<i32>} : memref<640xf32, #tpu.memory_space<vmem>>, vector<16xf32>,
      tpu.vector_store %arg15[%swap3A], %add3A_243 {strides = array<i32>} : memref<640xf32, #tpu.memory_space<vmem>>, vector<16xf32>,
    }
    %scan3A_170 = arith.constant 40 : i32
    %run_scoped3A_171 = arith.constant 8 : i32
    "tpu.region"() ({
      %run_scoped3A_234 = tpu.sem_alloc : memref<!tpu.dma_semaphore, #tpu.memory_space<semaphore_mem>>
      %dma_start3A = tpu.memref_slice %arg27[%run_scoped3A_171, %mul3A_0] : memref<16x10240xf32, #tpu.memory_space<vmem_shared>> -> memref<1x640xf32, #tpu.memory_space<vmem_shared>>
      %dma_start3A_235 = tpu.memref_squeeze %dma_start3A : memref<1x640xf32, #tpu.memory_space<vmem_shared>> -> memref<640xf32, #tpu.memory_space<vmem_shared>>
      %dma_start3A_236 = tpu.memref_slice %arg27[%run_scoped3A_171, %mul3A_0] : memref<16x10240xf32, #tpu.memory_space<vmem_shared>> -> memref<1x640xf32, #tpu.memory_space<vmem_shared>>
      %dma_start3A_237 = tpu.memref_squeeze %dma_start3A_236 : memref<1x640xf32, #tpu.memory_space<vmem_shared>> -> memref<640xf32, #tpu.memory_space<vmem_shared>>
      tpu.enqueue_dma source(%dma_start3A_237 : memref<640xf32, #tpu.memory_space<vmem_shared>>) target(%arg16 : memref<640xf32, #tpu.memory_space<vmem>>) target_semaphore(%run_scoped3A_234 : memref<!tpu.dma_semaphore, #tpu.memory_space<semaphore_mem>>)
      %dma_wait3A = tpu.memref_slice %arg27[%run_scoped3A_171, %mul3A_0] : memref<16x10240xf32, #tpu.memory_space<vmem_shared>> -> memref<1x640xf32, #tpu.memory_space<vmem_shared>>
      %dma_wait3A_238 = tpu.memref_squeeze %dma_wait3A : memref<1x640xf32, #tpu.memory_space<vmem_shared>> -> memref<640xf32, #tpu.memory_space<vmem_shared>>
      %dma_wait3A_239 = tpu.memref_slice %arg27[%run_scoped3A_171, %mul3A_0] : memref<16x10240xf32, #tpu.memory_space<vmem_shared>> -> memref<1x640xf32, #tpu.memory_space<vmem_shared>>
      %dma_wait3A_240 = tpu.memref_squeeze %dma_wait3A_239 : memref<1x640xf32, #tpu.memory_space<vmem_shared>> -> memref<640xf32, #tpu.memory_space<vmem_shared>>
      tpu.wait_dma2 semaphore(%run_scoped3A_234 : memref<!tpu.dma_semaphore, #tpu.memory_space<semaphore_mem>>) src(%dma_wait3A_240 : memref<640xf32, #tpu.memory_space<vmem_shared>>) dst(%arg16 : memref<640xf32, #tpu.memory_space<vmem>>)
      tpu.yield
    }) : () -> ()
    %scan3A_172 = arith.constant 0 : i32
    %scan3A_173 = arith.constant 40 : i32
    %scan3A_174 = arith.addi %scan3A_172, %scan3A_173 : i32
    %scan3A_175 = arith.constant 1 : i32
    scf.for %scan3A_234 = %scan3A_172 to %scan3A_174 step %scan3A_175  : i32 {
      %mul3A_235 = arith.constant 1 : i32
      %mul3A_236 = arith.muli %scan3A_234, %mul3A_235 : i32
      %add3A = arith.constant 0 : i32
      %add3A_237 = arith.addi %add3A, %mul3A_236 : i32
      %mul3A_238 = arith.constant 16 : i32
      %mul3A_239 = arith.muli %add3A_237, %mul3A_238 : i32
      %get3A = arith.index_cast %mul3A_239 : i32 to index
      %get3A_240 = tpu.vector_load %arg15[%get3A] {strides = array<i32>} : memref<640xf32, #tpu.memory_space<vmem>>, vector<16xf32>,
      %get3A_241 = arith.index_cast %mul3A_239 : i32 to index
      %get3A_242 = tpu.vector_load %arg16[%get3A_241] {strides = array<i32>} : memref<640xf32, #tpu.memory_space<vmem>>, vector<16xf32>,
      %add3A_243 = arith.addf %get3A_240, %get3A_242 : vector<16xf32>
      %swap3A = arith.index_cast %mul3A_239 : i32 to index
      %swap3A_244 = tpu.vector_load %arg15[%swap3A] {strides = array<i32>} : memref<640xf32, #tpu.memory_space<vmem>>, vector<16xf32>,
      tpu.vector_store %arg15[%swap3A], %add3A_243 {strides = array<i32>} : memref<640xf32, #tpu.memory_space<vmem>>, vector<16xf32>,
    }
    %scan3A_176 = arith.constant 40 : i32
    %run_scoped3A_177 = arith.constant 9 : i32
    "tpu.region"() ({
      %run_scoped3A_234 = tpu.sem_alloc : memref<!tpu.dma_semaphore, #tpu.memory_space<semaphore_mem>>
      %dma_start3A = tpu.memref_slice %arg27[%run_scoped3A_177, %mul3A_0] : memref<16x10240xf32, #tpu.memory_space<vmem_shared>> -> memref<1x640xf32, #tpu.memory_space<vmem_shared>>
      %dma_start3A_235 = tpu.memref_squeeze %dma_start3A : memref<1x640xf32, #tpu.memory_space<vmem_shared>> -> memref<640xf32, #tpu.memory_space<vmem_shared>>
      %dma_start3A_236 = tpu.memref_slice %arg27[%run_scoped3A_177, %mul3A_0] : memref<16x10240xf32, #tpu.memory_space<vmem_shared>> -> memref<1x640xf32, #tpu.memory_space<vmem_shared>>
      %dma_start3A_237 = tpu.memref_squeeze %dma_start3A_236 : memref<1x640xf32, #tpu.memory_space<vmem_shared>> -> memref<640xf32, #tpu.memory_space<vmem_shared>>
      tpu.enqueue_dma source(%dma_start3A_237 : memref<640xf32, #tpu.memory_space<vmem_shared>>) target(%arg16 : memref<640xf32, #tpu.memory_space<vmem>>) target_semaphore(%run_scoped3A_234 : memref<!tpu.dma_semaphore, #tpu.memory_space<semaphore_mem>>)
      %dma_wait3A = tpu.memref_slice %arg27[%run_scoped3A_177, %mul3A_0] : memref<16x10240xf32, #tpu.memory_space<vmem_shared>> -> memref<1x640xf32, #tpu.memory_space<vmem_shared>>
      %dma_wait3A_238 = tpu.memref_squeeze %dma_wait3A : memref<1x640xf32, #tpu.memory_space<vmem_shared>> -> memref<640xf32, #tpu.memory_space<vmem_shared>>
      %dma_wait3A_239 = tpu.memref_slice %arg27[%run_scoped3A_177, %mul3A_0] : memref<16x10240xf32, #tpu.memory_space<vmem_shared>> -> memref<1x640xf32, #tpu.memory_space<vmem_shared>>
      %dma_wait3A_240 = tpu.memref_squeeze %dma_wait3A_239 : memref<1x640xf32, #tpu.memory_space<vmem_shared>> -> memref<640xf32, #tpu.memory_space<vmem_shared>>
      tpu.wait_dma2 semaphore(%run_scoped3A_234 : memref<!tpu.dma_semaphore, #tpu.memory_space<semaphore_mem>>) src(%dma_wait3A_240 : memref<640xf32, #tpu.memory_space<vmem_shared>>) dst(%arg16 : memref<640xf32, #tpu.memory_space<vmem>>)
      tpu.yield
    }) : () -> ()
    %scan3A_178 = arith.constant 0 : i32
    %scan3A_179 = arith.constant 40 : i32
    %scan3A_180 = arith.addi %scan3A_178, %scan3A_179 : i32
    %scan3A_181 = arith.constant 1 : i32
    scf.for %scan3A_234 = %scan3A_178 to %scan3A_180 step %scan3A_181  : i32 {
      %mul3A_235 = arith.constant 1 : i32
      %mul3A_236 = arith.muli %scan3A_234, %mul3A_235 : i32
      %add3A = arith.constant 0 : i32
      %add3A_237 = arith.addi %add3A, %mul3A_236 : i32
      %mul3A_238 = arith.constant 16 : i32
      %mul3A_239 = arith.muli %add3A_237, %mul3A_238 : i32
      %get3A = arith.index_cast %mul3A_239 : i32 to index
      %get3A_240 = tpu.vector_load %arg15[%get3A] {strides = array<i32>} : memref<640xf32, #tpu.memory_space<vmem>>, vector<16xf32>,
      %get3A_241 = arith.index_cast %mul3A_239 : i32 to index
      %get3A_242 = tpu.vector_load %arg16[%get3A_241] {strides = array<i32>} : memref<640xf32, #tpu.memory_space<vmem>>, vector<16xf32>,
      %add3A_243 = arith.addf %get3A_240, %get3A_242 : vector<16xf32>
      %swap3A = arith.index_cast %mul3A_239 : i32 to index
      %swap3A_244 = tpu.vector_load %arg15[%swap3A] {strides = array<i32>} : memref<640xf32, #tpu.memory_space<vmem>>, vector<16xf32>,
      tpu.vector_store %arg15[%swap3A], %add3A_243 {strides = array<i32>} : memref<640xf32, #tpu.memory_space<vmem>>, vector<16xf32>,
    }
    %scan3A_182 = arith.constant 40 : i32
    %run_scoped3A_183 = arith.constant 10 : i32
    "tpu.region"() ({
      %run_scoped3A_234 = tpu.sem_alloc : memref<!tpu.dma_semaphore, #tpu.memory_space<semaphore_mem>>
      %dma_start3A = tpu.memref_slice %arg27[%run_scoped3A_183, %mul3A_0] : memref<16x10240xf32, #tpu.memory_space<vmem_shared>> -> memref<1x640xf32, #tpu.memory_space<vmem_shared>>
      %dma_start3A_235 = tpu.memref_squeeze %dma_start3A : memref<1x640xf32, #tpu.memory_space<vmem_shared>> -> memref<640xf32, #tpu.memory_space<vmem_shared>>
      %dma_start3A_236 = tpu.memref_slice %arg27[%run_scoped3A_183, %mul3A_0] : memref<16x10240xf32, #tpu.memory_space<vmem_shared>> -> memref<1x640xf32, #tpu.memory_space<vmem_shared>>
      %dma_start3A_237 = tpu.memref_squeeze %dma_start3A_236 : memref<1x640xf32, #tpu.memory_space<vmem_shared>> -> memref<640xf32, #tpu.memory_space<vmem_shared>>
      tpu.enqueue_dma source(%dma_start3A_237 : memref<640xf32, #tpu.memory_space<vmem_shared>>) target(%arg16 : memref<640xf32, #tpu.memory_space<vmem>>) target_semaphore(%run_scoped3A_234 : memref<!tpu.dma_semaphore, #tpu.memory_space<semaphore_mem>>)
      %dma_wait3A = tpu.memref_slice %arg27[%run_scoped3A_183, %mul3A_0] : memref<16x10240xf32, #tpu.memory_space<vmem_shared>> -> memref<1x640xf32, #tpu.memory_space<vmem_shared>>
      %dma_wait3A_238 = tpu.memref_squeeze %dma_wait3A : memref<1x640xf32, #tpu.memory_space<vmem_shared>> -> memref<640xf32, #tpu.memory_space<vmem_shared>>
      %dma_wait3A_239 = tpu.memref_slice %arg27[%run_scoped3A_183, %mul3A_0] : memref<16x10240xf32, #tpu.memory_space<vmem_shared>> -> memref<1x640xf32, #tpu.memory_space<vmem_shared>>
      %dma_wait3A_240 = tpu.memref_squeeze %dma_wait3A_239 : memref<1x640xf32, #tpu.memory_space<vmem_shared>> -> memref<640xf32, #tpu.memory_space<vmem_shared>>
      tpu.wait_dma2 semaphore(%run_scoped3A_234 : memref<!tpu.dma_semaphore, #tpu.memory_space<semaphore_mem>>) src(%dma_wait3A_240 : memref<640xf32, #tpu.memory_space<vmem_shared>>) dst(%arg16 : memref<640xf32, #tpu.memory_space<vmem>>)
      tpu.yield
    }) : () -> ()
    %scan3A_184 = arith.constant 0 : i32
    %scan3A_185 = arith.constant 40 : i32
    %scan3A_186 = arith.addi %scan3A_184, %scan3A_185 : i32
    %scan3A_187 = arith.constant 1 : i32
    scf.for %scan3A_234 = %scan3A_184 to %scan3A_186 step %scan3A_187  : i32 {
      %mul3A_235 = arith.constant 1 : i32
      %mul3A_236 = arith.muli %scan3A_234, %mul3A_235 : i32
      %add3A = arith.constant 0 : i32
      %add3A_237 = arith.addi %add3A, %mul3A_236 : i32
      %mul3A_238 = arith.constant 16 : i32
      %mul3A_239 = arith.muli %add3A_237, %mul3A_238 : i32
      %get3A = arith.index_cast %mul3A_239 : i32 to index
      %get3A_240 = tpu.vector_load %arg15[%get3A] {strides = array<i32>} : memref<640xf32, #tpu.memory_space<vmem>>, vector<16xf32>,
      %get3A_241 = arith.index_cast %mul3A_239 : i32 to index
      %get3A_242 = tpu.vector_load %arg16[%get3A_241] {strides = array<i32>} : memref<640xf32, #tpu.memory_space<vmem>>, vector<16xf32>,
      %add3A_243 = arith.addf %get3A_240, %get3A_242 : vector<16xf32>
      %swap3A = arith.index_cast %mul3A_239 : i32 to index
      %swap3A_244 = tpu.vector_load %arg15[%swap3A] {strides = array<i32>} : memref<640xf32, #tpu.memory_space<vmem>>, vector<16xf32>,
      tpu.vector_store %arg15[%swap3A], %add3A_243 {strides = array<i32>} : memref<640xf32, #tpu.memory_space<vmem>>, vector<16xf32>,
    }
    %scan3A_188 = arith.constant 40 : i32
    %run_scoped3A_189 = arith.constant 11 : i32
    "tpu.region"() ({
      %run_scoped3A_234 = tpu.sem_alloc : memref<!tpu.dma_semaphore, #tpu.memory_space<semaphore_mem>>
      %dma_start3A = tpu.memref_slice %arg27[%run_scoped3A_189, %mul3A_0] : memref<16x10240xf32, #tpu.memory_space<vmem_shared>> -> memref<1x640xf32, #tpu.memory_space<vmem_shared>>
      %dma_start3A_235 = tpu.memref_squeeze %dma_start3A : memref<1x640xf32, #tpu.memory_space<vmem_shared>> -> memref<640xf32, #tpu.memory_space<vmem_shared>>
      %dma_start3A_236 = tpu.memref_slice %arg27[%run_scoped3A_189, %mul3A_0] : memref<16x10240xf32, #tpu.memory_space<vmem_shared>> -> memref<1x640xf32, #tpu.memory_space<vmem_shared>>
      %dma_start3A_237 = tpu.memref_squeeze %dma_start3A_236 : memref<1x640xf32, #tpu.memory_space<vmem_shared>> -> memref<640xf32, #tpu.memory_space<vmem_shared>>
      tpu.enqueue_dma source(%dma_start3A_237 : memref<640xf32, #tpu.memory_space<vmem_shared>>) target(%arg16 : memref<640xf32, #tpu.memory_space<vmem>>) target_semaphore(%run_scoped3A_234 : memref<!tpu.dma_semaphore, #tpu.memory_space<semaphore_mem>>)
      %dma_wait3A = tpu.memref_slice %arg27[%run_scoped3A_189, %mul3A_0] : memref<16x10240xf32, #tpu.memory_space<vmem_shared>> -> memref<1x640xf32, #tpu.memory_space<vmem_shared>>
      %dma_wait3A_238 = tpu.memref_squeeze %dma_wait3A : memref<1x640xf32, #tpu.memory_space<vmem_shared>> -> memref<640xf32, #tpu.memory_space<vmem_shared>>
      %dma_wait3A_239 = tpu.memref_slice %arg27[%run_scoped3A_189, %mul3A_0] : memref<16x10240xf32, #tpu.memory_space<vmem_shared>> -> memref<1x640xf32, #tpu.memory_space<vmem_shared>>
      %dma_wait3A_240 = tpu.memref_squeeze %dma_wait3A_239 : memref<1x640xf32, #tpu.memory_space<vmem_shared>> -> memref<640xf32, #tpu.memory_space<vmem_shared>>
      tpu.wait_dma2 semaphore(%run_scoped3A_234 : memref<!tpu.dma_semaphore, #tpu.memory_space<semaphore_mem>>) src(%dma_wait3A_240 : memref<640xf32, #tpu.memory_space<vmem_shared>>) dst(%arg16 : memref<640xf32, #tpu.memory_space<vmem>>)
      tpu.yield
    }) : () -> ()
    %scan3A_190 = arith.constant 0 : i32
    %scan3A_191 = arith.constant 40 : i32
    %scan3A_192 = arith.addi %scan3A_190, %scan3A_191 : i32
    %scan3A_193 = arith.constant 1 : i32
    scf.for %scan3A_234 = %scan3A_190 to %scan3A_192 step %scan3A_193  : i32 {
      %mul3A_235 = arith.constant 1 : i32
      %mul3A_236 = arith.muli %scan3A_234, %mul3A_235 : i32
      %add3A = arith.constant 0 : i32
      %add3A_237 = arith.addi %add3A, %mul3A_236 : i32
      %mul3A_238 = arith.constant 16 : i32
      %mul3A_239 = arith.muli %add3A_237, %mul3A_238 : i32
      %get3A = arith.index_cast %mul3A_239 : i32 to index
      %get3A_240 = tpu.vector_load %arg15[%get3A] {strides = array<i32>} : memref<640xf32, #tpu.memory_space<vmem>>, vector<16xf32>,
      %get3A_241 = arith.index_cast %mul3A_239 : i32 to index
      %get3A_242 = tpu.vector_load %arg16[%get3A_241] {strides = array<i32>} : memref<640xf32, #tpu.memory_space<vmem>>, vector<16xf32>,
      %add3A_243 = arith.addf %get3A_240, %get3A_242 : vector<16xf32>
      %swap3A = arith.index_cast %mul3A_239 : i32 to index
      %swap3A_244 = tpu.vector_load %arg15[%swap3A] {strides = array<i32>} : memref<640xf32, #tpu.memory_space<vmem>>, vector<16xf32>,
      tpu.vector_store %arg15[%swap3A], %add3A_243 {strides = array<i32>} : memref<640xf32, #tpu.memory_space<vmem>>, vector<16xf32>,
    }
    %scan3A_194 = arith.constant 40 : i32
    %run_scoped3A_195 = arith.constant 12 : i32
    "tpu.region"() ({
      %run_scoped3A_234 = tpu.sem_alloc : memref<!tpu.dma_semaphore, #tpu.memory_space<semaphore_mem>>
      %dma_start3A = tpu.memref_slice %arg27[%run_scoped3A_195, %mul3A_0] : memref<16x10240xf32, #tpu.memory_space<vmem_shared>> -> memref<1x640xf32, #tpu.memory_space<vmem_shared>>
      %dma_start3A_235 = tpu.memref_squeeze %dma_start3A : memref<1x640xf32, #tpu.memory_space<vmem_shared>> -> memref<640xf32, #tpu.memory_space<vmem_shared>>
      %dma_start3A_236 = tpu.memref_slice %arg27[%run_scoped3A_195, %mul3A_0] : memref<16x10240xf32, #tpu.memory_space<vmem_shared>> -> memref<1x640xf32, #tpu.memory_space<vmem_shared>>
      %dma_start3A_237 = tpu.memref_squeeze %dma_start3A_236 : memref<1x640xf32, #tpu.memory_space<vmem_shared>> -> memref<640xf32, #tpu.memory_space<vmem_shared>>
      tpu.enqueue_dma source(%dma_start3A_237 : memref<640xf32, #tpu.memory_space<vmem_shared>>) target(%arg16 : memref<640xf32, #tpu.memory_space<vmem>>) target_semaphore(%run_scoped3A_234 : memref<!tpu.dma_semaphore, #tpu.memory_space<semaphore_mem>>)
      %dma_wait3A = tpu.memref_slice %arg27[%run_scoped3A_195, %mul3A_0] : memref<16x10240xf32, #tpu.memory_space<vmem_shared>> -> memref<1x640xf32, #tpu.memory_space<vmem_shared>>
      %dma_wait3A_238 = tpu.memref_squeeze %dma_wait3A : memref<1x640xf32, #tpu.memory_space<vmem_shared>> -> memref<640xf32, #tpu.memory_space<vmem_shared>>
      %dma_wait3A_239 = tpu.memref_slice %arg27[%run_scoped3A_195, %mul3A_0] : memref<16x10240xf32, #tpu.memory_space<vmem_shared>> -> memref<1x640xf32, #tpu.memory_space<vmem_shared>>
      %dma_wait3A_240 = tpu.memref_squeeze %dma_wait3A_239 : memref<1x640xf32, #tpu.memory_space<vmem_shared>> -> memref<640xf32, #tpu.memory_space<vmem_shared>>
      tpu.wait_dma2 semaphore(%run_scoped3A_234 : memref<!tpu.dma_semaphore, #tpu.memory_space<semaphore_mem>>) src(%dma_wait3A_240 : memref<640xf32, #tpu.memory_space<vmem_shared>>) dst(%arg16 : memref<640xf32, #tpu.memory_space<vmem>>)
      tpu.yield
    }) : () -> ()
    %scan3A_196 = arith.constant 0 : i32
    %scan3A_197 = arith.constant 40 : i32
    %scan3A_198 = arith.addi %scan3A_196, %scan3A_197 : i32
    %scan3A_199 = arith.constant 1 : i32
    scf.for %scan3A_234 = %scan3A_196 to %scan3A_198 step %scan3A_199  : i32 {
      %mul3A_235 = arith.constant 1 : i32
      %mul3A_236 = arith.muli %scan3A_234, %mul3A_235 : i32
      %add3A = arith.constant 0 : i32
      %add3A_237 = arith.addi %add3A, %mul3A_236 : i32
      %mul3A_238 = arith.constant 16 : i32
      %mul3A_239 = arith.muli %add3A_237, %mul3A_238 : i32
      %get3A = arith.index_cast %mul3A_239 : i32 to index
      %get3A_240 = tpu.vector_load %arg15[%get3A] {strides = array<i32>} : memref<640xf32, #tpu.memory_space<vmem>>, vector<16xf32>,
      %get3A_241 = arith.index_cast %mul3A_239 : i32 to index
      %get3A_242 = tpu.vector_load %arg16[%get3A_241] {strides = array<i32>} : memref<640xf32, #tpu.memory_space<vmem>>, vector<16xf32>,
      %add3A_243 = arith.addf %get3A_240, %get3A_242 : vector<16xf32>
      %swap3A = arith.index_cast %mul3A_239 : i32 to index
      %swap3A_244 = tpu.vector_load %arg15[%swap3A] {strides = array<i32>} : memref<640xf32, #tpu.memory_space<vmem>>, vector<16xf32>,
      tpu.vector_store %arg15[%swap3A], %add3A_243 {strides = array<i32>} : memref<640xf32, #tpu.memory_space<vmem>>, vector<16xf32>,
    }
    %scan3A_200 = arith.constant 40 : i32
    %run_scoped3A_201 = arith.constant 13 : i32
    "tpu.region"() ({
      %run_scoped3A_234 = tpu.sem_alloc : memref<!tpu.dma_semaphore, #tpu.memory_space<semaphore_mem>>
      %dma_start3A = tpu.memref_slice %arg27[%run_scoped3A_201, %mul3A_0] : memref<16x10240xf32, #tpu.memory_space<vmem_shared>> -> memref<1x640xf32, #tpu.memory_space<vmem_shared>>
      %dma_start3A_235 = tpu.memref_squeeze %dma_start3A : memref<1x640xf32, #tpu.memory_space<vmem_shared>> -> memref<640xf32, #tpu.memory_space<vmem_shared>>
      %dma_start3A_236 = tpu.memref_slice %arg27[%run_scoped3A_201, %mul3A_0] : memref<16x10240xf32, #tpu.memory_space<vmem_shared>> -> memref<1x640xf32, #tpu.memory_space<vmem_shared>>
      %dma_start3A_237 = tpu.memref_squeeze %dma_start3A_236 : memref<1x640xf32, #tpu.memory_space<vmem_shared>> -> memref<640xf32, #tpu.memory_space<vmem_shared>>
      tpu.enqueue_dma source(%dma_start3A_237 : memref<640xf32, #tpu.memory_space<vmem_shared>>) target(%arg16 : memref<640xf32, #tpu.memory_space<vmem>>) target_semaphore(%run_scoped3A_234 : memref<!tpu.dma_semaphore, #tpu.memory_space<semaphore_mem>>)
      %dma_wait3A = tpu.memref_slice %arg27[%run_scoped3A_201, %mul3A_0] : memref<16x10240xf32, #tpu.memory_space<vmem_shared>> -> memref<1x640xf32, #tpu.memory_space<vmem_shared>>
      %dma_wait3A_238 = tpu.memref_squeeze %dma_wait3A : memref<1x640xf32, #tpu.memory_space<vmem_shared>> -> memref<640xf32, #tpu.memory_space<vmem_shared>>
      %dma_wait3A_239 = tpu.memref_slice %arg27[%run_scoped3A_201, %mul3A_0] : memref<16x10240xf32, #tpu.memory_space<vmem_shared>> -> memref<1x640xf32, #tpu.memory_space<vmem_shared>>
      %dma_wait3A_240 = tpu.memref_squeeze %dma_wait3A_239 : memref<1x640xf32, #tpu.memory_space<vmem_shared>> -> memref<640xf32, #tpu.memory_space<vmem_shared>>
      tpu.wait_dma2 semaphore(%run_scoped3A_234 : memref<!tpu.dma_semaphore, #tpu.memory_space<semaphore_mem>>) src(%dma_wait3A_240 : memref<640xf32, #tpu.memory_space<vmem_shared>>) dst(%arg16 : memref<640xf32, #tpu.memory_space<vmem>>)
      tpu.yield
    }) : () -> ()
    %scan3A_202 = arith.constant 0 : i32
    %scan3A_203 = arith.constant 40 : i32
    %scan3A_204 = arith.addi %scan3A_202, %scan3A_203 : i32
    %scan3A_205 = arith.constant 1 : i32
    scf.for %scan3A_234 = %scan3A_202 to %scan3A_204 step %scan3A_205  : i32 {
      %mul3A_235 = arith.constant 1 : i32
      %mul3A_236 = arith.muli %scan3A_234, %mul3A_235 : i32
      %add3A = arith.constant 0 : i32
      %add3A_237 = arith.addi %add3A, %mul3A_236 : i32
      %mul3A_238 = arith.constant 16 : i32
      %mul3A_239 = arith.muli %add3A_237, %mul3A_238 : i32
      %get3A = arith.index_cast %mul3A_239 : i32 to index
      %get3A_240 = tpu.vector_load %arg15[%get3A] {strides = array<i32>} : memref<640xf32, #tpu.memory_space<vmem>>, vector<16xf32>,
      %get3A_241 = arith.index_cast %mul3A_239 : i32 to index
      %get3A_242 = tpu.vector_load %arg16[%get3A_241] {strides = array<i32>} : memref<640xf32, #tpu.memory_space<vmem>>, vector<16xf32>,
      %add3A_243 = arith.addf %get3A_240, %get3A_242 : vector<16xf32>
      %swap3A = arith.index_cast %mul3A_239 : i32 to index
      %swap3A_244 = tpu.vector_load %arg15[%swap3A] {strides = array<i32>} : memref<640xf32, #tpu.memory_space<vmem>>, vector<16xf32>,
      tpu.vector_store %arg15[%swap3A], %add3A_243 {strides = array<i32>} : memref<640xf32, #tpu.memory_space<vmem>>, vector<16xf32>,
    }
    %scan3A_206 = arith.constant 40 : i32
    %run_scoped3A_207 = arith.constant 14 : i32
    "tpu.region"() ({
      %run_scoped3A_234 = tpu.sem_alloc : memref<!tpu.dma_semaphore, #tpu.memory_space<semaphore_mem>>
      %dma_start3A = tpu.memref_slice %arg27[%run_scoped3A_207, %mul3A_0] : memref<16x10240xf32, #tpu.memory_space<vmem_shared>> -> memref<1x640xf32, #tpu.memory_space<vmem_shared>>
      %dma_start3A_235 = tpu.memref_squeeze %dma_start3A : memref<1x640xf32, #tpu.memory_space<vmem_shared>> -> memref<640xf32, #tpu.memory_space<vmem_shared>>
      %dma_start3A_236 = tpu.memref_slice %arg27[%run_scoped3A_207, %mul3A_0] : memref<16x10240xf32, #tpu.memory_space<vmem_shared>> -> memref<1x640xf32, #tpu.memory_space<vmem_shared>>
      %dma_start3A_237 = tpu.memref_squeeze %dma_start3A_236 : memref<1x640xf32, #tpu.memory_space<vmem_shared>> -> memref<640xf32, #tpu.memory_space<vmem_shared>>
      tpu.enqueue_dma source(%dma_start3A_237 : memref<640xf32, #tpu.memory_space<vmem_shared>>) target(%arg16 : memref<640xf32, #tpu.memory_space<vmem>>) target_semaphore(%run_scoped3A_234 : memref<!tpu.dma_semaphore, #tpu.memory_space<semaphore_mem>>)
      %dma_wait3A = tpu.memref_slice %arg27[%run_scoped3A_207, %mul3A_0] : memref<16x10240xf32, #tpu.memory_space<vmem_shared>> -> memref<1x640xf32, #tpu.memory_space<vmem_shared>>
      %dma_wait3A_238 = tpu.memref_squeeze %dma_wait3A : memref<1x640xf32, #tpu.memory_space<vmem_shared>> -> memref<640xf32, #tpu.memory_space<vmem_shared>>
      %dma_wait3A_239 = tpu.memref_slice %arg27[%run_scoped3A_207, %mul3A_0] : memref<16x10240xf32, #tpu.memory_space<vmem_shared>> -> memref<1x640xf32, #tpu.memory_space<vmem_shared>>
      %dma_wait3A_240 = tpu.memref_squeeze %dma_wait3A_239 : memref<1x640xf32, #tpu.memory_space<vmem_shared>> -> memref<640xf32, #tpu.memory_space<vmem_shared>>
      tpu.wait_dma2 semaphore(%run_scoped3A_234 : memref<!tpu.dma_semaphore, #tpu.memory_space<semaphore_mem>>) src(%dma_wait3A_240 : memref<640xf32, #tpu.memory_space<vmem_shared>>) dst(%arg16 : memref<640xf32, #tpu.memory_space<vmem>>)
      tpu.yield
    }) : () -> ()
    %scan3A_208 = arith.constant 0 : i32
    %scan3A_209 = arith.constant 40 : i32
    %scan3A_210 = arith.addi %scan3A_208, %scan3A_209 : i32
    %scan3A_211 = arith.constant 1 : i32
    scf.for %scan3A_234 = %scan3A_208 to %scan3A_210 step %scan3A_211  : i32 {
      %mul3A_235 = arith.constant 1 : i32
      %mul3A_236 = arith.muli %scan3A_234, %mul3A_235 : i32
      %add3A = arith.constant 0 : i32
      %add3A_237 = arith.addi %add3A, %mul3A_236 : i32
      %mul3A_238 = arith.constant 16 : i32
      %mul3A_239 = arith.muli %add3A_237, %mul3A_238 : i32
      %get3A = arith.index_cast %mul3A_239 : i32 to index
      %get3A_240 = tpu.vector_load %arg15[%get3A] {strides = array<i32>} : memref<640xf32, #tpu.memory_space<vmem>>, vector<16xf32>,
      %get3A_241 = arith.index_cast %mul3A_239 : i32 to index
      %get3A_242 = tpu.vector_load %arg16[%get3A_241] {strides = array<i32>} : memref<640xf32, #tpu.memory_space<vmem>>, vector<16xf32>,
      %add3A_243 = arith.addf %get3A_240, %get3A_242 : vector<16xf32>
      %swap3A = arith.index_cast %mul3A_239 : i32 to index
      %swap3A_244 = tpu.vector_load %arg15[%swap3A] {strides = array<i32>} : memref<640xf32, #tpu.memory_space<vmem>>, vector<16xf32>,
      tpu.vector_store %arg15[%swap3A], %add3A_243 {strides = array<i32>} : memref<640xf32, #tpu.memory_space<vmem>>, vector<16xf32>,
    }
    %scan3A_212 = arith.constant 40 : i32
    %run_scoped3A_213 = arith.constant 15 : i32
    "tpu.region"() ({
      %run_scoped3A_234 = tpu.sem_alloc : memref<!tpu.dma_semaphore, #tpu.memory_space<semaphore_mem>>
      %dma_start3A = tpu.memref_slice %arg27[%run_scoped3A_213, %mul3A_0] : memref<16x10240xf32, #tpu.memory_space<vmem_shared>> -> memref<1x640xf32, #tpu.memory_space<vmem_shared>>
      %dma_start3A_235 = tpu.memref_squeeze %dma_start3A : memref<1x640xf32, #tpu.memory_space<vmem_shared>> -> memref<640xf32, #tpu.memory_space<vmem_shared>>
      %dma_start3A_236 = tpu.memref_slice %arg27[%run_scoped3A_213, %mul3A_0] : memref<16x10240xf32, #tpu.memory_space<vmem_shared>> -> memref<1x640xf32, #tpu.memory_space<vmem_shared>>
      %dma_start3A_237 = tpu.memref_squeeze %dma_start3A_236 : memref<1x640xf32, #tpu.memory_space<vmem_shared>> -> memref<640xf32, #tpu.memory_space<vmem_shared>>
      tpu.enqueue_dma source(%dma_start3A_237 : memref<640xf32, #tpu.memory_space<vmem_shared>>) target(%arg16 : memref<640xf32, #tpu.memory_space<vmem>>) target_semaphore(%run_scoped3A_234 : memref<!tpu.dma_semaphore, #tpu.memory_space<semaphore_mem>>)
      %dma_wait3A = tpu.memref_slice %arg27[%run_scoped3A_213, %mul3A_0] : memref<16x10240xf32, #tpu.memory_space<vmem_shared>> -> memref<1x640xf32, #tpu.memory_space<vmem_shared>>
      %dma_wait3A_238 = tpu.memref_squeeze %dma_wait3A : memref<1x640xf32, #tpu.memory_space<vmem_shared>> -> memref<640xf32, #tpu.memory_space<vmem_shared>>
      %dma_wait3A_239 = tpu.memref_slice %arg27[%run_scoped3A_213, %mul3A_0] : memref<16x10240xf32, #tpu.memory_space<vmem_shared>> -> memref<1x640xf32, #tpu.memory_space<vmem_shared>>
      %dma_wait3A_240 = tpu.memref_squeeze %dma_wait3A_239 : memref<1x640xf32, #tpu.memory_space<vmem_shared>> -> memref<640xf32, #tpu.memory_space<vmem_shared>>
      tpu.wait_dma2 semaphore(%run_scoped3A_234 : memref<!tpu.dma_semaphore, #tpu.memory_space<semaphore_mem>>) src(%dma_wait3A_240 : memref<640xf32, #tpu.memory_space<vmem_shared>>) dst(%arg16 : memref<640xf32, #tpu.memory_space<vmem>>)
      tpu.yield
    }) : () -> ()
    %scan3A_214 = arith.constant 0 : i32
    %scan3A_215 = arith.constant 40 : i32
    %scan3A_216 = arith.addi %scan3A_214, %scan3A_215 : i32
    %scan3A_217 = arith.constant 1 : i32
    scf.for %scan3A_234 = %scan3A_214 to %scan3A_216 step %scan3A_217  : i32 {
      %mul3A_235 = arith.constant 1 : i32
      %mul3A_236 = arith.muli %scan3A_234, %mul3A_235 : i32
      %add3A = arith.constant 0 : i32
      %add3A_237 = arith.addi %add3A, %mul3A_236 : i32
      %mul3A_238 = arith.constant 16 : i32
      %mul3A_239 = arith.muli %add3A_237, %mul3A_238 : i32
      %get3A = arith.index_cast %mul3A_239 : i32 to index
      %get3A_240 = tpu.vector_load %arg15[%get3A] {strides = array<i32>} : memref<640xf32, #tpu.memory_space<vmem>>, vector<16xf32>,
      %get3A_241 = arith.index_cast %mul3A_239 : i32 to index
      %get3A_242 = tpu.vector_load %arg16[%get3A_241] {strides = array<i32>} : memref<640xf32, #tpu.memory_space<vmem>>, vector<16xf32>,
      %add3A_243 = arith.addf %get3A_240, %get3A_242 : vector<16xf32>
      %swap3A = arith.index_cast %mul3A_239 : i32 to index
      %swap3A_244 = tpu.vector_load %arg15[%swap3A] {strides = array<i32>} : memref<640xf32, #tpu.memory_space<vmem>>, vector<16xf32>,
      tpu.vector_store %arg15[%swap3A], %add3A_243 {strides = array<i32>} : memref<640xf32, #tpu.memory_space<vmem>>, vector<16xf32>,
    }
    %scan3A_218 = arith.constant 40 : i32
    %barrier3A_219 = arith.constant 0 : index
    tpu.barrier barrier_id(%barrier3A_219)
    %run_scoped3A_220 = arith.constant 0 : i32
    "tpu.region"() ({
      %run_scoped3A_234 = tpu.sem_alloc : memref<!tpu.dma_semaphore, #tpu.memory_space<semaphore_mem>>
      %dma_start3A = tpu.memref_slice %arg27[%run_scoped3A_220, %mul3A_0] : memref<16x10240xf32, #tpu.memory_space<vmem_shared>> -> memref<1x640xf32, #tpu.memory_space<vmem_shared>>
      %dma_start3A_235 = tpu.memref_squeeze %dma_start3A : memref<1x640xf32, #tpu.memory_space<vmem_shared>> -> memref<640xf32, #tpu.memory_space<vmem_shared>>
      %dma_start3A_236 = tpu.memref_slice %arg27[%run_scoped3A_220, %mul3A_0] : memref<16x10240xf32, #tpu.memory_space<vmem_shared>> -> memref<1x640xf32, #tpu.memory_space<vmem_shared>>
      %dma_start3A_237 = tpu.memref_squeeze %dma_start3A_236 : memref<1x640xf32, #tpu.memory_space<vmem_shared>> -> memref<640xf32, #tpu.memory_space<vmem_shared>>
      tpu.enqueue_dma source(%arg15 : memref<640xf32, #tpu.memory_space<vmem>>) target(%dma_start3A_237 : memref<640xf32, #tpu.memory_space<vmem_shared>>) target_semaphore(%run_scoped3A_234 : memref<!tpu.dma_semaphore, #tpu.memory_space<semaphore_mem>>)
      %dma_wait3A = tpu.memref_slice %arg27[%run_scoped3A_220, %mul3A_0] : memref<16x10240xf32, #tpu.memory_space<vmem_shared>> -> memref<1x640xf32, #tpu.memory_space<vmem_shared>>
      %dma_wait3A_238 = tpu.memref_squeeze %dma_wait3A : memref<1x640xf32, #tpu.memory_space<vmem_shared>> -> memref<640xf32, #tpu.memory_space<vmem_shared>>
      %dma_wait3A_239 = tpu.memref_slice %arg27[%run_scoped3A_220, %mul3A_0] : memref<16x10240xf32, #tpu.memory_space<vmem_shared>> -> memref<1x640xf32, #tpu.memory_space<vmem_shared>>
      %dma_wait3A_240 = tpu.memref_squeeze %dma_wait3A_239 : memref<1x640xf32, #tpu.memory_space<vmem_shared>> -> memref<640xf32, #tpu.memory_space<vmem_shared>>
      tpu.wait_dma2 semaphore(%run_scoped3A_234 : memref<!tpu.dma_semaphore, #tpu.memory_space<semaphore_mem>>) src(%arg15 : memref<640xf32, #tpu.memory_space<vmem>>) dst(%dma_wait3A_240 : memref<640xf32, #tpu.memory_space<vmem_shared>>)
      tpu.yield
    }) : () -> ()
    %barrier3A_221 = arith.constant 0 : index
    tpu.barrier barrier_id(%barrier3A_221)
    %run_scoped3A_222 = arith.constant 0 : i32
    "tpu.region"() ({
      %run_scoped3A_234 = tpu.sem_alloc : memref<!tpu.dma_semaphore, #tpu.memory_space<semaphore_mem>>
      %dma_start3A = arith.constant 0 : i32
      %dma_start3A_235 = tpu.memref_slice %arg27[%run_scoped3A_222, %dma_start3A] : memref<16x10240xf32, #tpu.memory_space<vmem_shared>> -> memref<1x10240xf32, #tpu.memory_space<vmem_shared>>
      %dma_start3A_236 = tpu.memref_squeeze %dma_start3A_235 : memref<1x10240xf32, #tpu.memory_space<vmem_shared>> -> memref<10240xf32, #tpu.memory_space<vmem_shared>>
      %dma_start3A_237 = arith.constant 0 : i32
      %dma_start3A_238 = tpu.memref_slice %arg27[%run_scoped3A_222, %dma_start3A_237] : memref<16x10240xf32, #tpu.memory_space<vmem_shared>> -> memref<1x10240xf32, #tpu.memory_space<vmem_shared>>
      %dma_start3A_239 = tpu.memref_squeeze %dma_start3A_238 : memref<1x10240xf32, #tpu.memory_space<vmem_shared>> -> memref<10240xf32, #tpu.memory_space<vmem_shared>>
      tpu.enqueue_dma source(%dma_start3A_239 : memref<10240xf32, #tpu.memory_space<vmem_shared>>) target(%arg14 : memref<10240xf32, #tpu.memory_space<vmem>>) target_semaphore(%run_scoped3A_234 : memref<!tpu.dma_semaphore, #tpu.memory_space<semaphore_mem>>)
      %dma_wait3A = arith.constant 0 : i32
      %dma_wait3A_240 = tpu.memref_slice %arg27[%run_scoped3A_222, %dma_wait3A] : memref<16x10240xf32, #tpu.memory_space<vmem_shared>> -> memref<1x10240xf32, #tpu.memory_space<vmem_shared>>
      %dma_wait3A_241 = tpu.memref_squeeze %dma_wait3A_240 : memref<1x10240xf32, #tpu.memory_space<vmem_shared>> -> memref<10240xf32, #tpu.memory_space<vmem_shared>>
      %dma_wait3A_242 = arith.constant 0 : i32
      %dma_wait3A_243 = tpu.memref_slice %arg27[%run_scoped3A_222, %dma_wait3A_242] : memref<16x10240xf32, #tpu.memory_space<vmem_shared>> -> memref<1x10240xf32, #tpu.memory_space<vmem_shared>>
      %dma_wait3A_244 = tpu.memref_squeeze %dma_wait3A_243 : memref<1x10240xf32, #tpu.memory_space<vmem_shared>> -> memref<10240xf32, #tpu.memory_space<vmem_shared>>
      tpu.wait_dma2 semaphore(%run_scoped3A_234 : memref<!tpu.dma_semaphore, #tpu.memory_space<semaphore_mem>>) src(%dma_wait3A_244 : memref<10240xf32, #tpu.memory_space<vmem_shared>>) dst(%arg14 : memref<10240xf32, #tpu.memory_space<vmem>>)
      tpu.yield
    }) : () -> ()
    %scan3A_223 = arith.constant 0 : i32
    %scan3A_224 = arith.constant 5 : i32
    %scan3A_225 = arith.addi %scan3A_223, %scan3A_224 : i32
    %scan3A_226 = arith.constant 1 : i32
    scf.for %scan3A_234 = %scan3A_223 to %scan3A_225 step %scan3A_226  : i32 {
      %mul3A_235 = arith.constant 1 : i32
      %mul3A_236 = arith.muli %scan3A_234, %mul3A_235 : i32
      %add3A = arith.constant 0 : i32
      %add3A_237 = arith.addi %add3A, %mul3A_236 : i32
      %mul3A_238 = arith.constant 4000 : i32
      %mul3A_239 = arith.muli %add3A_237, %mul3A_238 : i32
      %add3A_240 = arith.addi %mul3A_2, %mul3A_239 : i32
      "tpu.region"() ({
        %run_scoped3A_258 = tpu.sem_alloc : memref<!tpu.dma_semaphore, #tpu.memory_space<semaphore_mem>>
        %dma_start3A = tpu.memref_slice %arg3[%add3A_240] : memref<320000xf32, #tpu.memory_space<hbm>> -> memref<4000xf32, #tpu.memory_space<hbm>>
        %dma_start3A_259 = tpu.memref_slice %arg3[%add3A_240] : memref<320000xf32, #tpu.memory_space<hbm>> -> memref<4000xf32, #tpu.memory_space<hbm>>
        tpu.enqueue_dma source(%dma_start3A_259 : memref<4000xf32, #tpu.memory_space<hbm>>) target(%arg10 : memref<4000xf32, #tpu.memory_space<vmem>>) target_semaphore(%run_scoped3A_258 : memref<!tpu.dma_semaphore, #tpu.memory_space<semaphore_mem>>)
        %dma_wait3A = tpu.memref_slice %arg3[%add3A_240] : memref<320000xf32, #tpu.memory_space<hbm>> -> memref<4000xf32, #tpu.memory_space<hbm>>
        %dma_wait3A_260 = tpu.memref_slice %arg3[%add3A_240] : memref<320000xf32, #tpu.memory_space<hbm>> -> memref<4000xf32, #tpu.memory_space<hbm>>
        tpu.wait_dma2 semaphore(%run_scoped3A_258 : memref<!tpu.dma_semaphore, #tpu.memory_space<semaphore_mem>>) src(%dma_wait3A_260 : memref<4000xf32, #tpu.memory_space<hbm>>) dst(%arg10 : memref<4000xf32, #tpu.memory_space<vmem>>)
        tpu.yield
      }) : () -> ()
      "tpu.region"() ({
        %run_scoped3A_258 = tpu.sem_alloc : memref<!tpu.dma_semaphore, #tpu.memory_space<semaphore_mem>>
        %dma_start3A = tpu.memref_slice %arg4[%add3A_240] : memref<320000xi32, #tpu.memory_space<hbm>> -> memref<4000xi32, #tpu.memory_space<hbm>>
        %dma_start3A_259 = tpu.memref_slice %arg4[%add3A_240] : memref<320000xi32, #tpu.memory_space<hbm>> -> memref<4000xi32, #tpu.memory_space<hbm>>
        tpu.enqueue_dma source(%dma_start3A_259 : memref<4000xi32, #tpu.memory_space<hbm>>) target(%arg11 : memref<4000xi32, #tpu.memory_space<vmem>>) target_semaphore(%run_scoped3A_258 : memref<!tpu.dma_semaphore, #tpu.memory_space<semaphore_mem>>)
        %dma_wait3A = tpu.memref_slice %arg4[%add3A_240] : memref<320000xi32, #tpu.memory_space<hbm>> -> memref<4000xi32, #tpu.memory_space<hbm>>
        %dma_wait3A_260 = tpu.memref_slice %arg4[%add3A_240] : memref<320000xi32, #tpu.memory_space<hbm>> -> memref<4000xi32, #tpu.memory_space<hbm>>
        tpu.wait_dma2 semaphore(%run_scoped3A_258 : memref<!tpu.dma_semaphore, #tpu.memory_space<semaphore_mem>>) src(%dma_wait3A_260 : memref<4000xi32, #tpu.memory_space<hbm>>) dst(%arg11 : memref<4000xi32, #tpu.memory_space<vmem>>)
        tpu.yield
      }) : () -> ()
      %mul3A_241 = arith.constant 4000 : i32
      %mul3A_242 = arith.muli %add3A_237, %mul3A_241 : i32
      %add3A_243 = arith.addi %mul3A_2, %mul3A_242 : i32
      %add3A_244 = arith.constant 0 : i32
      %add3A_245 = arith.addi %add3A_243, %add3A_244 : i32
      %eq3A = arith.constant 0 : i32
      %eq3A_246 = arith.cmpi eq, %arg0, %eq3A : i32
      %convert_element_type3A = arith.extui %eq3A_246 : i1 to i32
      %cond3A = arith.constant 0 : i32
      %cond3A_247 = arith.cmpi ne, %convert_element_type3A, %cond3A : i32
      scf.if %cond3A_247 {
        %dma_start3A = arith.constant 0 : i32
        %dma_start3A_258 = tpu.memref_slice %arg2[%add3A_245, %dma_start3A] : memref<320000x128xf32, #tpu.memory_space<hbm>> -> memref<80x64xf32, #tpu.memory_space<hbm>>
        %dma_start3A_259 = arith.constant 0 : i32
        %dma_start3A_260 = tpu.memref_slice %arg2[%add3A_245, %dma_start3A_259] : memref<320000x128xf32, #tpu.memory_space<hbm>> -> memref<80x64xf32, #tpu.memory_space<hbm>>
        tpu.enqueue_dma source(%dma_start3A_260 : memref<80x64xf32, #tpu.memory_space<hbm>>) target(%arg19 : memref<80x64xf32, #tpu.memory_space<vmem>>) target_semaphore(%arg29 : memref<!tpu.dma_semaphore, #tpu.memory_space<semaphore_mem>>)
      } else {
      }
      %eq3A_248 = arith.constant 1 : i32
      %eq3A_249 = arith.cmpi eq, %arg0, %eq3A_248 : i32
      %convert_element_type3A_250 = arith.extui %eq3A_249 : i1 to i32
      %cond3A_251 = arith.constant 0 : i32
      %cond3A_252 = arith.cmpi ne, %convert_element_type3A_250, %cond3A_251 : i32
      scf.if %cond3A_252 {
        %dma_start3A = arith.constant 64 : i32
        %dma_start3A_258 = tpu.memref_slice %arg2[%add3A_245, %dma_start3A] : memref<320000x128xf32, #tpu.memory_space<hbm>> -> memref<80x64xf32, #tpu.memory_space<hbm>>
        %dma_start3A_259 = arith.constant 64 : i32
        %dma_start3A_260 = tpu.memref_slice %arg2[%add3A_245, %dma_start3A_259] : memref<320000x128xf32, #tpu.memory_space<hbm>> -> memref<80x64xf32, #tpu.memory_space<hbm>>
        tpu.enqueue_dma source(%dma_start3A_260 : memref<80x64xf32, #tpu.memory_space<hbm>>) target(%arg19 : memref<80x64xf32, #tpu.memory_space<vmem>>) target_semaphore(%arg29 : memref<!tpu.dma_semaphore, #tpu.memory_space<semaphore_mem>>)
      } else {
      }
      %scan3A_253 = arith.constant 0 : i32
      %scan3A_254 = arith.constant 25 : i32
      %scan3A_255 = arith.addi %scan3A_253, %scan3A_254 : i32
      %scan3A_256 = arith.constant 1 : i32
      scf.for %scan3A_258 = %scan3A_253 to %scan3A_255 step %scan3A_256  : i32 {
        %mul3A_259 = arith.constant 1 : i32
        %mul3A_260 = arith.muli %scan3A_258, %mul3A_259 : i32
        %add3A_261 = arith.constant 0 : i32
        %add3A_262 = arith.addi %add3A_261, %mul3A_260 : i32
        %mul3A_263 = arith.constant 2 : i32
        %mul3A_264 = arith.muli %add3A_262, %mul3A_263 : i32
        %add3A_265 = arith.constant 1 : i32
        %add3A_266 = arith.addi %mul3A_264, %add3A_265 : i32
        %mul3A_267 = arith.constant 4000 : i32
        %mul3A_268 = arith.muli %add3A_237, %mul3A_267 : i32
        %add3A_269 = arith.addi %mul3A_2, %mul3A_268 : i32
        %mul3A_270 = arith.constant 80 : i32
        %mul3A_271 = arith.muli %add3A_266, %mul3A_270 : i32
        %add3A_272 = arith.addi %add3A_269, %mul3A_271 : i32
        %eq3A_273 = arith.constant 0 : i32
        %eq3A_274 = arith.cmpi eq, %arg0, %eq3A_273 : i32
        %convert_element_type3A_275 = arith.extui %eq3A_274 : i1 to i32
        %cond3A_276 = arith.constant 0 : i32
        %cond3A_277 = arith.cmpi ne, %convert_element_type3A_275, %cond3A_276 : i32
        scf.if %cond3A_277 {
          %dma_start3A = arith.constant 0 : i32
          %dma_start3A_372 = tpu.memref_slice %arg2[%add3A_272, %dma_start3A] : memref<320000x128xf32, #tpu.memory_space<hbm>> -> memref<80x64xf32, #tpu.memory_space<hbm>>
          %dma_start3A_373 = arith.constant 0 : i32
          %dma_start3A_374 = tpu.memref_slice %arg2[%add3A_272, %dma_start3A_373] : memref<320000x128xf32, #tpu.memory_space<hbm>> -> memref<80x64xf32, #tpu.memory_space<hbm>>
          tpu.enqueue_dma source(%dma_start3A_374 : memref<80x64xf32, #tpu.memory_space<hbm>>) target(%arg20 : memref<80x64xf32, #tpu.memory_space<vmem>>) target_semaphore(%arg30 : memref<!tpu.dma_semaphore, #tpu.memory_space<semaphore_mem>>)
        } else {
        }
        %eq3A_278 = arith.constant 1 : i32
        %eq3A_279 = arith.cmpi eq, %arg0, %eq3A_278 : i32
        %convert_element_type3A_280 = arith.extui %eq3A_279 : i1 to i32
        %cond3A_281 = arith.constant 0 : i32
        %cond3A_282 = arith.cmpi ne, %convert_element_type3A_280, %cond3A_281 : i32
        scf.if %cond3A_282 {
          %dma_start3A = arith.constant 64 : i32
          %dma_start3A_372 = tpu.memref_slice %arg2[%add3A_272, %dma_start3A] : memref<320000x128xf32, #tpu.memory_space<hbm>> -> memref<80x64xf32, #tpu.memory_space<hbm>>
          %dma_start3A_373 = arith.constant 64 : i32
          %dma_start3A_374 = tpu.memref_slice %arg2[%add3A_272, %dma_start3A_373] : memref<320000x128xf32, #tpu.memory_space<hbm>> -> memref<80x64xf32, #tpu.memory_space<hbm>>
          tpu.enqueue_dma source(%dma_start3A_374 : memref<80x64xf32, #tpu.memory_space<hbm>>) target(%arg20 : memref<80x64xf32, #tpu.memory_space<vmem>>) target_semaphore(%arg30 : memref<!tpu.dma_semaphore, #tpu.memory_space<semaphore_mem>>)
        } else {
        }
        %mul3A_283 = arith.constant 80 : i32
        %mul3A_284 = arith.muli %mul3A_264, %mul3A_283 : i32
        %scan3A_285 = arith.constant 0 : i32
        %scan3A_286 = arith.constant 5 : i32
        %scan3A_287 = arith.addi %scan3A_285, %scan3A_286 : i32
        %scan3A_288 = arith.constant 1 : i32
        scf.for %scan3A_372 = %scan3A_285 to %scan3A_287 step %scan3A_288  : i32 {
          %mul3A_373 = arith.constant 1 : i32
          %mul3A_374 = arith.muli %scan3A_372, %mul3A_373 : i32
          %add3A_375 = arith.constant 0 : i32
          %add3A_376 = arith.addi %add3A_375, %mul3A_374 : i32
          %mul3A_377 = arith.constant 16 : i32
          %mul3A_378 = arith.muli %add3A_376, %mul3A_377 : i32
          %add3A_379 = arith.addi %mul3A_284, %mul3A_378 : i32
          %get3A = arith.index_cast %add3A_379 : i32 to index
          %get3A_380 = tpu.vector_load %arg11[%get3A] {strides = array<i32>} : memref<4000xi32, #tpu.memory_space<vmem>>, vector<16xi32>,
          %mul3A_381 = arith.constant 16 : i32
          %mul3A_382 = arith.muli %add3A_376, %mul3A_381 : i32
          %add3A_383 = arith.addi %mul3A_284, %mul3A_382 : i32
          %get3A_384 = arith.index_cast %add3A_383 : i32 to index
          %get3A_385 = tpu.vector_load %arg10[%get3A_384] {strides = array<i32>} : memref<4000xf32, #tpu.memory_space<vmem>>, vector<16xf32>,
          %gather3A = tpu.vector_load_idx %arg13[%get3A_380] : memref<10240xf32, #tpu.memory_space<vmem>>[vector<16xi32>], vector<16xf32>,
          %gather3A_386 = tpu.vector_load_idx %arg14[%get3A_380] : memref<10240xf32, #tpu.memory_space<vmem>>[vector<16xi32>], vector<16xf32>,
          %sub3A = arith.subf %get3A_385, %gather3A : vector<16xf32>
          %exp3A = math.exp %sub3A : vector<16xf32>
          %add3A_387 = arith.constant 1.000000e-16 : f32
          %add3A_388 = vector.broadcast %add3A_387 : f32 to vector<16xf32>
          %add3A_389 = arith.addf %gather3A_386, %add3A_388 : vector<16xf32>
          %div3A = arith.divf %exp3A, %add3A_389 : vector<16xf32>
          %mul3A_390 = arith.constant 16 : i32
          %mul3A_391 = arith.muli %add3A_376, %mul3A_390 : i32
          %swap3A = arith.index_cast %mul3A_391 : i32 to index
          %swap3A_392 = tpu.vector_load %arg17[%swap3A] {strides = array<i32>} : memref<80xf32, #tpu.memory_space<vmem>>, vector<16xf32>,
          tpu.vector_store %arg17[%swap3A], %div3A {strides = array<i32>} : memref<80xf32, #tpu.memory_space<vmem>>, vector<16xf32>,
          %mul3A_393 = arith.constant 16 : i32
          %mul3A_394 = arith.muli %add3A_376, %mul3A_393 : i32
          %swap3A_395 = arith.index_cast %mul3A_394 : i32 to index
          %swap3A_396 = tpu.vector_load %arg18[%swap3A_395] {strides = array<i32>} : memref<80xi32, #tpu.memory_space<vmem>>, vector<16xi32>,
          tpu.vector_store %arg18[%swap3A_395], %get3A_380 {strides = array<i32>} : memref<80xi32, #tpu.memory_space<vmem>>, vector<16xi32>,
        }
        %scan3A_289 = arith.constant 5 : i32
        %dma_wait3A = arith.constant 0 : i32
        %dma_wait3A_290 = arith.constant 0 : i32
        %dma_wait3A_291 = tpu.memref_slice %arg2[%dma_wait3A, %dma_wait3A_290] : memref<320000x128xf32, #tpu.memory_space<hbm>> -> memref<80x64xf32, #tpu.memory_space<hbm>>
        %dma_wait3A_292 = arith.constant 0 : i32
        %dma_wait3A_293 = arith.constant 0 : i32
        %dma_wait3A_294 = tpu.memref_slice %arg2[%dma_wait3A_292, %dma_wait3A_293] : memref<320000x128xf32, #tpu.memory_space<hbm>> -> memref<80x64xf32, #tpu.memory_space<hbm>>
        tpu.wait_dma2 semaphore(%arg29 : memref<!tpu.dma_semaphore, #tpu.memory_space<semaphore_mem>>) src(%dma_wait3A_294 : memref<80x64xf32, #tpu.memory_space<hbm>>) dst(%arg19 : memref<80x64xf32, #tpu.memory_space<vmem>>)
        %mul3A_295 = arith.constant 4000 : i32
        %mul3A_296 = arith.muli %add3A_237, %mul3A_295 : i32
        %add3A_297 = arith.addi %mul3A_2, %mul3A_296 : i32
        %mul3A_298 = arith.constant 80 : i32
        %mul3A_299 = arith.muli %mul3A_264, %mul3A_298 : i32
        %add3A_300 = arith.addi %add3A_297, %mul3A_299 : i32
        %scan3A_301 = arith.constant 0 : i32
        %scan3A_302 = arith.constant 5 : i32
        %scan3A_303 = arith.addi %scan3A_301, %scan3A_302 : i32
        %scan3A_304 = arith.constant 1 : i32
        scf.for %scan3A_372 = %scan3A_301 to %scan3A_303 step %scan3A_304  : i32 {
          %mul3A_373 = arith.constant 1 : i32
          %mul3A_374 = arith.muli %scan3A_372, %mul3A_373 : i32
          %add3A_375 = arith.constant 0 : i32
          %add3A_376 = arith.addi %add3A_375, %mul3A_374 : i32
          %mul3A_377 = arith.constant 16 : i32
          %mul3A_378 = arith.muli %add3A_376, %mul3A_377 : i32
          %get3A = arith.index_cast %mul3A_378 : i32 to index
          %get3A_379 = tpu.vector_load %arg17[%get3A] {strides = array<i32>} : memref<80xf32, #tpu.memory_space<vmem>>, vector<16xf32>,
          %slice3A = vector.extract_strided_slice %get3A_379 {offsets = [0], sizes = [1], strides = [1]} : vector<16xf32> to vector<1xf32>
          %squeeze3A = vector.extract %slice3A[0] : f32 from vector<1xf32>
          %mul3A_380 = arith.constant 16 : i32
          %mul3A_381 = arith.muli %add3A_376, %mul3A_380 : i32
          %add3A_382 = arith.constant 0 : i32
          %add3A_383 = arith.addi %mul3A_381, %add3A_382 : i32
          %get3A_384 = arith.index_cast %add3A_383 : i32 to index
          %get3A_385 = arith.constant 0 : index
          %get3A_386 = tpu.vector_load %arg19[%get3A_384, %get3A_385] {strides = array<i32>} : memref<80x64xf32, #tpu.memory_space<vmem>>, vector<16xf32>,
          %mul3A_387 = vector.broadcast %squeeze3A : f32 to vector<16xf32>
          %mul3A_388 = arith.mulf %get3A_386, %mul3A_387 : vector<16xf32>
          %swap3A = arith.index_cast %add3A_383 : i32 to index
          %swap3A_389 = arith.constant 0 : index
          %swap3A_390 = tpu.vector_load %arg19[%swap3A, %swap3A_389] {strides = array<i32>} : memref<80x64xf32, #tpu.memory_space<vmem>>, vector<16xf32>,
          tpu.vector_store %arg19[%swap3A, %swap3A_389], %mul3A_388 {strides = array<i32>} : memref<80x64xf32, #tpu.memory_space<vmem>>, vector<16xf32>,
          %get3A_391 = arith.index_cast %add3A_383 : i32 to index
          %get3A_392 = arith.constant 16 : index
          %get3A_393 = tpu.vector_load %arg19[%get3A_391, %get3A_392] {strides = array<i32>} : memref<80x64xf32, #tpu.memory_space<vmem>>, vector<16xf32>,
          %mul3A_394 = vector.broadcast %squeeze3A : f32 to vector<16xf32>
          %mul3A_395 = arith.mulf %get3A_393, %mul3A_394 : vector<16xf32>
          %swap3A_396 = arith.index_cast %add3A_383 : i32 to index
          %swap3A_397 = arith.constant 16 : index
          %swap3A_398 = tpu.vector_load %arg19[%swap3A_396, %swap3A_397] {strides = array<i32>} : memref<80x64xf32, #tpu.memory_space<vmem>>, vector<16xf32>,
          tpu.vector_store %arg19[%swap3A_396, %swap3A_397], %mul3A_395 {strides = array<i32>} : memref<80x64xf32, #tpu.memory_space<vmem>>, vector<16xf32>,
          %get3A_399 = arith.index_cast %add3A_383 : i32 to index
          %get3A_400 = arith.constant 32 : index
          %get3A_401 = tpu.vector_load %arg19[%get3A_399, %get3A_400] {strides = array<i32>} : memref<80x64xf32, #tpu.memory_space<vmem>>, vector<16xf32>,
          %mul3A_402 = vector.broadcast %squeeze3A : f32 to vector<16xf32>
          %mul3A_403 = arith.mulf %get3A_401, %mul3A_402 : vector<16xf32>
          %swap3A_404 = arith.index_cast %add3A_383 : i32 to index
          %swap3A_405 = arith.constant 32 : index
          %swap3A_406 = tpu.vector_load %arg19[%swap3A_404, %swap3A_405] {strides = array<i32>} : memref<80x64xf32, #tpu.memory_space<vmem>>, vector<16xf32>,
          tpu.vector_store %arg19[%swap3A_404, %swap3A_405], %mul3A_403 {strides = array<i32>} : memref<80x64xf32, #tpu.memory_space<vmem>>, vector<16xf32>,
          %get3A_407 = arith.index_cast %add3A_383 : i32 to index
          %get3A_408 = arith.constant 48 : index
          %get3A_409 = tpu.vector_load %arg19[%get3A_407, %get3A_408] {strides = array<i32>} : memref<80x64xf32, #tpu.memory_space<vmem>>, vector<16xf32>,
          %mul3A_410 = vector.broadcast %squeeze3A : f32 to vector<16xf32>
          %mul3A_411 = arith.mulf %get3A_409, %mul3A_410 : vector<16xf32>
          %swap3A_412 = arith.index_cast %add3A_383 : i32 to index
          %swap3A_413 = arith.constant 48 : index
          %swap3A_414 = tpu.vector_load %arg19[%swap3A_412, %swap3A_413] {strides = array<i32>} : memref<80x64xf32, #tpu.memory_space<vmem>>, vector<16xf32>,
          tpu.vector_store %arg19[%swap3A_412, %swap3A_413], %mul3A_411 {strides = array<i32>} : memref<80x64xf32, #tpu.memory_space<vmem>>, vector<16xf32>,
          %slice3A_415 = vector.extract_strided_slice %get3A_379 {offsets = [1], sizes = [1], strides = [1]} : vector<16xf32> to vector<1xf32>
          %squeeze3A_416 = vector.extract %slice3A_415[0] : f32 from vector<1xf32>
          %mul3A_417 = arith.constant 16 : i32
          %mul3A_418 = arith.muli %add3A_376, %mul3A_417 : i32
          %add3A_419 = arith.constant 1 : i32
          %add3A_420 = arith.addi %mul3A_418, %add3A_419 : i32
          %get3A_421 = arith.index_cast %add3A_420 : i32 to index
          %get3A_422 = arith.constant 0 : index
          %get3A_423 = tpu.vector_load %arg19[%get3A_421, %get3A_422] {strides = array<i32>} : memref<80x64xf32, #tpu.memory_space<vmem>>, vector<16xf32>,
          %mul3A_424 = vector.broadcast %squeeze3A_416 : f32 to vector<16xf32>
          %mul3A_425 = arith.mulf %get3A_423, %mul3A_424 : vector<16xf32>
          %swap3A_426 = arith.index_cast %add3A_420 : i32 to index
          %swap3A_427 = arith.constant 0 : index
          %swap3A_428 = tpu.vector_load %arg19[%swap3A_426, %swap3A_427] {strides = array<i32>} : memref<80x64xf32, #tpu.memory_space<vmem>>, vector<16xf32>,
          tpu.vector_store %arg19[%swap3A_426, %swap3A_427], %mul3A_425 {strides = array<i32>} : memref<80x64xf32, #tpu.memory_space<vmem>>, vector<16xf32>,
          %get3A_429 = arith.index_cast %add3A_420 : i32 to index
          %get3A_430 = arith.constant 16 : index
          %get3A_431 = tpu.vector_load %arg19[%get3A_429, %get3A_430] {strides = array<i32>} : memref<80x64xf32, #tpu.memory_space<vmem>>, vector<16xf32>,
          %mul3A_432 = vector.broadcast %squeeze3A_416 : f32 to vector<16xf32>
          %mul3A_433 = arith.mulf %get3A_431, %mul3A_432 : vector<16xf32>
          %swap3A_434 = arith.index_cast %add3A_420 : i32 to index
          %swap3A_435 = arith.constant 16 : index
          %swap3A_436 = tpu.vector_load %arg19[%swap3A_434, %swap3A_435] {strides = array<i32>} : memref<80x64xf32, #tpu.memory_space<vmem>>, vector<16xf32>,
          tpu.vector_store %arg19[%swap3A_434, %swap3A_435], %mul3A_433 {strides = array<i32>} : memref<80x64xf32, #tpu.memory_space<vmem>>, vector<16xf32>,
          %get3A_437 = arith.index_cast %add3A_420 : i32 to index
          %get3A_438 = arith.constant 32 : index
          %get3A_439 = tpu.vector_load %arg19[%get3A_437, %get3A_438] {strides = array<i32>} : memref<80x64xf32, #tpu.memory_space<vmem>>, vector<16xf32>,
          %mul3A_440 = vector.broadcast %squeeze3A_416 : f32 to vector<16xf32>
          %mul3A_441 = arith.mulf %get3A_439, %mul3A_440 : vector<16xf32>
          %swap3A_442 = arith.index_cast %add3A_420 : i32 to index
          %swap3A_443 = arith.constant 32 : index
          %swap3A_444 = tpu.vector_load %arg19[%swap3A_442, %swap3A_443] {strides = array<i32>} : memref<80x64xf32, #tpu.memory_space<vmem>>, vector<16xf32>,
          tpu.vector_store %arg19[%swap3A_442, %swap3A_443], %mul3A_441 {strides = array<i32>} : memref<80x64xf32, #tpu.memory_space<vmem>>, vector<16xf32>,
          %get3A_445 = arith.index_cast %add3A_420 : i32 to index
          %get3A_446 = arith.constant 48 : index
          %get3A_447 = tpu.vector_load %arg19[%get3A_445, %get3A_446] {strides = array<i32>} : memref<80x64xf32, #tpu.memory_space<vmem>>, vector<16xf32>,
          %mul3A_448 = vector.broadcast %squeeze3A_416 : f32 to vector<16xf32>
          %mul3A_449 = arith.mulf %get3A_447, %mul3A_448 : vector<16xf32>
          %swap3A_450 = arith.index_cast %add3A_420 : i32 to index
          %swap3A_451 = arith.constant 48 : index
          %swap3A_452 = tpu.vector_load %arg19[%swap3A_450, %swap3A_451] {strides = array<i32>} : memref<80x64xf32, #tpu.memory_space<vmem>>, vector<16xf32>,
          tpu.vector_store %arg19[%swap3A_450, %swap3A_451], %mul3A_449 {strides = array<i32>} : memref<80x64xf32, #tpu.memory_space<vmem>>, vector<16xf32>,
          %slice3A_453 = vector.extract_strided_slice %get3A_379 {offsets = [2], sizes = [1], strides = [1]} : vector<16xf32> to vector<1xf32>
          %squeeze3A_454 = vector.extract %slice3A_453[0] : f32 from vector<1xf32>
          %mul3A_455 = arith.constant 16 : i32
          %mul3A_456 = arith.muli %add3A_376, %mul3A_455 : i32
          %add3A_457 = arith.constant 2 : i32
          %add3A_458 = arith.addi %mul3A_456, %add3A_457 : i32
          %get3A_459 = arith.index_cast %add3A_458 : i32 to index
          %get3A_460 = arith.constant 0 : index
          %get3A_461 = tpu.vector_load %arg19[%get3A_459, %get3A_460] {strides = array<i32>} : memref<80x64xf32, #tpu.memory_space<vmem>>, vector<16xf32>,
          %mul3A_462 = vector.broadcast %squeeze3A_454 : f32 to vector<16xf32>
          %mul3A_463 = arith.mulf %get3A_461, %mul3A_462 : vector<16xf32>
          %swap3A_464 = arith.index_cast %add3A_458 : i32 to index
          %swap3A_465 = arith.constant 0 : index
          %swap3A_466 = tpu.vector_load %arg19[%swap3A_464, %swap3A_465] {strides = array<i32>} : memref<80x64xf32, #tpu.memory_space<vmem>>, vector<16xf32>,
          tpu.vector_store %arg19[%swap3A_464, %swap3A_465], %mul3A_463 {strides = array<i32>} : memref<80x64xf32, #tpu.memory_space<vmem>>, vector<16xf32>,
          %get3A_467 = arith.index_cast %add3A_458 : i32 to index
          %get3A_468 = arith.constant 16 : index
          %get3A_469 = tpu.vector_load %arg19[%get3A_467, %get3A_468] {strides = array<i32>} : memref<80x64xf32, #tpu.memory_space<vmem>>, vector<16xf32>,
          %mul3A_470 = vector.broadcast %squeeze3A_454 : f32 to vector<16xf32>
          %mul3A_471 = arith.mulf %get3A_469, %mul3A_470 : vector<16xf32>
          %swap3A_472 = arith.index_cast %add3A_458 : i32 to index
          %swap3A_473 = arith.constant 16 : index
          %swap3A_474 = tpu.vector_load %arg19[%swap3A_472, %swap3A_473] {strides = array<i32>} : memref<80x64xf32, #tpu.memory_space<vmem>>, vector<16xf32>,
          tpu.vector_store %arg19[%swap3A_472, %swap3A_473], %mul3A_471 {strides = array<i32>} : memref<80x64xf32, #tpu.memory_space<vmem>>, vector<16xf32>,
          %get3A_475 = arith.index_cast %add3A_458 : i32 to index
          %get3A_476 = arith.constant 32 : index
          %get3A_477 = tpu.vector_load %arg19[%get3A_475, %get3A_476] {strides = array<i32>} : memref<80x64xf32, #tpu.memory_space<vmem>>, vector<16xf32>,
          %mul3A_478 = vector.broadcast %squeeze3A_454 : f32 to vector<16xf32>
          %mul3A_479 = arith.mulf %get3A_477, %mul3A_478 : vector<16xf32>
          %swap3A_480 = arith.index_cast %add3A_458 : i32 to index
          %swap3A_481 = arith.constant 32 : index
          %swap3A_482 = tpu.vector_load %arg19[%swap3A_480, %swap3A_481] {strides = array<i32>} : memref<80x64xf32, #tpu.memory_space<vmem>>, vector<16xf32>,
          tpu.vector_store %arg19[%swap3A_480, %swap3A_481], %mul3A_479 {strides = array<i32>} : memref<80x64xf32, #tpu.memory_space<vmem>>, vector<16xf32>,
          %get3A_483 = arith.index_cast %add3A_458 : i32 to index
          %get3A_484 = arith.constant 48 : index
          %get3A_485 = tpu.vector_load %arg19[%get3A_483, %get3A_484] {strides = array<i32>} : memref<80x64xf32, #tpu.memory_space<vmem>>, vector<16xf32>,
          %mul3A_486 = vector.broadcast %squeeze3A_454 : f32 to vector<16xf32>
          %mul3A_487 = arith.mulf %get3A_485, %mul3A_486 : vector<16xf32>
          %swap3A_488 = arith.index_cast %add3A_458 : i32 to index
          %swap3A_489 = arith.constant 48 : index
          %swap3A_490 = tpu.vector_load %arg19[%swap3A_488, %swap3A_489] {strides = array<i32>} : memref<80x64xf32, #tpu.memory_space<vmem>>, vector<16xf32>,
          tpu.vector_store %arg19[%swap3A_488, %swap3A_489], %mul3A_487 {strides = array<i32>} : memref<80x64xf32, #tpu.memory_space<vmem>>, vector<16xf32>,
          %slice3A_491 = vector.extract_strided_slice %get3A_379 {offsets = [3], sizes = [1], strides = [1]} : vector<16xf32> to vector<1xf32>
          %squeeze3A_492 = vector.extract %slice3A_491[0] : f32 from vector<1xf32>
          %mul3A_493 = arith.constant 16 : i32
          %mul3A_494 = arith.muli %add3A_376, %mul3A_493 : i32
          %add3A_495 = arith.constant 3 : i32
          %add3A_496 = arith.addi %mul3A_494, %add3A_495 : i32
          %get3A_497 = arith.index_cast %add3A_496 : i32 to index
          %get3A_498 = arith.constant 0 : index
          %get3A_499 = tpu.vector_load %arg19[%get3A_497, %get3A_498] {strides = array<i32>} : memref<80x64xf32, #tpu.memory_space<vmem>>, vector<16xf32>,
          %mul3A_500 = vector.broadcast %squeeze3A_492 : f32 to vector<16xf32>
          %mul3A_501 = arith.mulf %get3A_499, %mul3A_500 : vector<16xf32>
          %swap3A_502 = arith.index_cast %add3A_496 : i32 to index
          %swap3A_503 = arith.constant 0 : index
          %swap3A_504 = tpu.vector_load %arg19[%swap3A_502, %swap3A_503] {strides = array<i32>} : memref<80x64xf32, #tpu.memory_space<vmem>>, vector<16xf32>,
          tpu.vector_store %arg19[%swap3A_502, %swap3A_503], %mul3A_501 {strides = array<i32>} : memref<80x64xf32, #tpu.memory_space<vmem>>, vector<16xf32>,
          %get3A_505 = arith.index_cast %add3A_496 : i32 to index
          %get3A_506 = arith.constant 16 : index
          %get3A_507 = tpu.vector_load %arg19[%get3A_505, %get3A_506] {strides = array<i32>} : memref<80x64xf32, #tpu.memory_space<vmem>>, vector<16xf32>,
          %mul3A_508 = vector.broadcast %squeeze3A_492 : f32 to vector<16xf32>
          %mul3A_509 = arith.mulf %get3A_507, %mul3A_508 : vector<16xf32>
          %swap3A_510 = arith.index_cast %add3A_496 : i32 to index
          %swap3A_511 = arith.constant 16 : index
          %swap3A_512 = tpu.vector_load %arg19[%swap3A_510, %swap3A_511] {strides = array<i32>} : memref<80x64xf32, #tpu.memory_space<vmem>>, vector<16xf32>,
          tpu.vector_store %arg19[%swap3A_510, %swap3A_511], %mul3A_509 {strides = array<i32>} : memref<80x64xf32, #tpu.memory_space<vmem>>, vector<16xf32>,
          %get3A_513 = arith.index_cast %add3A_496 : i32 to index
          %get3A_514 = arith.constant 32 : index
          %get3A_515 = tpu.vector_load %arg19[%get3A_513, %get3A_514] {strides = array<i32>} : memref<80x64xf32, #tpu.memory_space<vmem>>, vector<16xf32>,
          %mul3A_516 = vector.broadcast %squeeze3A_492 : f32 to vector<16xf32>
          %mul3A_517 = arith.mulf %get3A_515, %mul3A_516 : vector<16xf32>
          %swap3A_518 = arith.index_cast %add3A_496 : i32 to index
          %swap3A_519 = arith.constant 32 : index
          %swap3A_520 = tpu.vector_load %arg19[%swap3A_518, %swap3A_519] {strides = array<i32>} : memref<80x64xf32, #tpu.memory_space<vmem>>, vector<16xf32>,
          tpu.vector_store %arg19[%swap3A_518, %swap3A_519], %mul3A_517 {strides = array<i32>} : memref<80x64xf32, #tpu.memory_space<vmem>>, vector<16xf32>,
          %get3A_521 = arith.index_cast %add3A_496 : i32 to index
          %get3A_522 = arith.constant 48 : index
          %get3A_523 = tpu.vector_load %arg19[%get3A_521, %get3A_522] {strides = array<i32>} : memref<80x64xf32, #tpu.memory_space<vmem>>, vector<16xf32>,
          %mul3A_524 = vector.broadcast %squeeze3A_492 : f32 to vector<16xf32>
          %mul3A_525 = arith.mulf %get3A_523, %mul3A_524 : vector<16xf32>
          %swap3A_526 = arith.index_cast %add3A_496 : i32 to index
          %swap3A_527 = arith.constant 48 : index
          %swap3A_528 = tpu.vector_load %arg19[%swap3A_526, %swap3A_527] {strides = array<i32>} : memref<80x64xf32, #tpu.memory_space<vmem>>, vector<16xf32>,
          tpu.vector_store %arg19[%swap3A_526, %swap3A_527], %mul3A_525 {strides = array<i32>} : memref<80x64xf32, #tpu.memory_space<vmem>>, vector<16xf32>,
          %slice3A_529 = vector.extract_strided_slice %get3A_379 {offsets = [4], sizes = [1], strides = [1]} : vector<16xf32> to vector<1xf32>
          %squeeze3A_530 = vector.extract %slice3A_529[0] : f32 from vector<1xf32>
          %mul3A_531 = arith.constant 16 : i32
          %mul3A_532 = arith.muli %add3A_376, %mul3A_531 : i32
          %add3A_533 = arith.constant 4 : i32
          %add3A_534 = arith.addi %mul3A_532, %add3A_533 : i32
          %get3A_535 = arith.index_cast %add3A_534 : i32 to index
          %get3A_536 = arith.constant 0 : index
          %get3A_537 = tpu.vector_load %arg19[%get3A_535, %get3A_536] {strides = array<i32>} : memref<80x64xf32, #tpu.memory_space<vmem>>, vector<16xf32>,
          %mul3A_538 = vector.broadcast %squeeze3A_530 : f32 to vector<16xf32>
          %mul3A_539 = arith.mulf %get3A_537, %mul3A_538 : vector<16xf32>
          %swap3A_540 = arith.index_cast %add3A_534 : i32 to index
          %swap3A_541 = arith.constant 0 : index
          %swap3A_542 = tpu.vector_load %arg19[%swap3A_540, %swap3A_541] {strides = array<i32>} : memref<80x64xf32, #tpu.memory_space<vmem>>, vector<16xf32>,
          tpu.vector_store %arg19[%swap3A_540, %swap3A_541], %mul3A_539 {strides = array<i32>} : memref<80x64xf32, #tpu.memory_space<vmem>>, vector<16xf32>,
          %get3A_543 = arith.index_cast %add3A_534 : i32 to index
          %get3A_544 = arith.constant 16 : index
          %get3A_545 = tpu.vector_load %arg19[%get3A_543, %get3A_544] {strides = array<i32>} : memref<80x64xf32, #tpu.memory_space<vmem>>, vector<16xf32>,
          %mul3A_546 = vector.broadcast %squeeze3A_530 : f32 to vector<16xf32>
          %mul3A_547 = arith.mulf %get3A_545, %mul3A_546 : vector<16xf32>
          %swap3A_548 = arith.index_cast %add3A_534 : i32 to index
          %swap3A_549 = arith.constant 16 : index
          %swap3A_550 = tpu.vector_load %arg19[%swap3A_548, %swap3A_549] {strides = array<i32>} : memref<80x64xf32, #tpu.memory_space<vmem>>, vector<16xf32>,
          tpu.vector_store %arg19[%swap3A_548, %swap3A_549], %mul3A_547 {strides = array<i32>} : memref<80x64xf32, #tpu.memory_space<vmem>>, vector<16xf32>,
          %get3A_551 = arith.index_cast %add3A_534 : i32 to index
          %get3A_552 = arith.constant 32 : index
          %get3A_553 = tpu.vector_load %arg19[%get3A_551, %get3A_552] {strides = array<i32>} : memref<80x64xf32, #tpu.memory_space<vmem>>, vector<16xf32>,
          %mul3A_554 = vector.broadcast %squeeze3A_530 : f32 to vector<16xf32>
          %mul3A_555 = arith.mulf %get3A_553, %mul3A_554 : vector<16xf32>
          %swap3A_556 = arith.index_cast %add3A_534 : i32 to index
          %swap3A_557 = arith.constant 32 : index
          %swap3A_558 = tpu.vector_load %arg19[%swap3A_556, %swap3A_557] {strides = array<i32>} : memref<80x64xf32, #tpu.memory_space<vmem>>, vector<16xf32>,
          tpu.vector_store %arg19[%swap3A_556, %swap3A_557], %mul3A_555 {strides = array<i32>} : memref<80x64xf32, #tpu.memory_space<vmem>>, vector<16xf32>,
          %get3A_559 = arith.index_cast %add3A_534 : i32 to index
          %get3A_560 = arith.constant 48 : index
          %get3A_561 = tpu.vector_load %arg19[%get3A_559, %get3A_560] {strides = array<i32>} : memref<80x64xf32, #tpu.memory_space<vmem>>, vector<16xf32>,
          %mul3A_562 = vector.broadcast %squeeze3A_530 : f32 to vector<16xf32>
          %mul3A_563 = arith.mulf %get3A_561, %mul3A_562 : vector<16xf32>
          %swap3A_564 = arith.index_cast %add3A_534 : i32 to index
          %swap3A_565 = arith.constant 48 : index
          %swap3A_566 = tpu.vector_load %arg19[%swap3A_564, %swap3A_565] {strides = array<i32>} : memref<80x64xf32, #tpu.memory_space<vmem>>, vector<16xf32>,
          tpu.vector_store %arg19[%swap3A_564, %swap3A_565], %mul3A_563 {strides = array<i32>} : memref<80x64xf32, #tpu.memory_space<vmem>>, vector<16xf32>,
          %slice3A_567 = vector.extract_strided_slice %get3A_379 {offsets = [5], sizes = [1], strides = [1]} : vector<16xf32> to vector<1xf32>
          %squeeze3A_568 = vector.extract %slice3A_567[0] : f32 from vector<1xf32>
          %mul3A_569 = arith.constant 16 : i32
          %mul3A_570 = arith.muli %add3A_376, %mul3A_569 : i32
          %add3A_571 = arith.constant 5 : i32
          %add3A_572 = arith.addi %mul3A_570, %add3A_571 : i32
          %get3A_573 = arith.index_cast %add3A_572 : i32 to index
          %get3A_574 = arith.constant 0 : index
          %get3A_575 = tpu.vector_load %arg19[%get3A_573, %get3A_574] {strides = array<i32>} : memref<80x64xf32, #tpu.memory_space<vmem>>, vector<16xf32>,
          %mul3A_576 = vector.broadcast %squeeze3A_568 : f32 to vector<16xf32>
          %mul3A_577 = arith.mulf %get3A_575, %mul3A_576 : vector<16xf32>
          %swap3A_578 = arith.index_cast %add3A_572 : i32 to index
          %swap3A_579 = arith.constant 0 : index
          %swap3A_580 = tpu.vector_load %arg19[%swap3A_578, %swap3A_579] {strides = array<i32>} : memref<80x64xf32, #tpu.memory_space<vmem>>, vector<16xf32>,
          tpu.vector_store %arg19[%swap3A_578, %swap3A_579], %mul3A_577 {strides = array<i32>} : memref<80x64xf32, #tpu.memory_space<vmem>>, vector<16xf32>,
          %get3A_581 = arith.index_cast %add3A_572 : i32 to index
          %get3A_582 = arith.constant 16 : index
          %get3A_583 = tpu.vector_load %arg19[%get3A_581, %get3A_582] {strides = array<i32>} : memref<80x64xf32, #tpu.memory_space<vmem>>, vector<16xf32>,
          %mul3A_584 = vector.broadcast %squeeze3A_568 : f32 to vector<16xf32>
          %mul3A_585 = arith.mulf %get3A_583, %mul3A_584 : vector<16xf32>
          %swap3A_586 = arith.index_cast %add3A_572 : i32 to index
          %swap3A_587 = arith.constant 16 : index
          %swap3A_588 = tpu.vector_load %arg19[%swap3A_586, %swap3A_587] {strides = array<i32>} : memref<80x64xf32, #tpu.memory_space<vmem>>, vector<16xf32>,
          tpu.vector_store %arg19[%swap3A_586, %swap3A_587], %mul3A_585 {strides = array<i32>} : memref<80x64xf32, #tpu.memory_space<vmem>>, vector<16xf32>,
          %get3A_589 = arith.index_cast %add3A_572 : i32 to index
          %get3A_590 = arith.constant 32 : index
          %get3A_591 = tpu.vector_load %arg19[%get3A_589, %get3A_590] {strides = array<i32>} : memref<80x64xf32, #tpu.memory_space<vmem>>, vector<16xf32>,
          %mul3A_592 = vector.broadcast %squeeze3A_568 : f32 to vector<16xf32>
          %mul3A_593 = arith.mulf %get3A_591, %mul3A_592 : vector<16xf32>
          %swap3A_594 = arith.index_cast %add3A_572 : i32 to index
          %swap3A_595 = arith.constant 32 : index
          %swap3A_596 = tpu.vector_load %arg19[%swap3A_594, %swap3A_595] {strides = array<i32>} : memref<80x64xf32, #tpu.memory_space<vmem>>, vector<16xf32>,
          tpu.vector_store %arg19[%swap3A_594, %swap3A_595], %mul3A_593 {strides = array<i32>} : memref<80x64xf32, #tpu.memory_space<vmem>>, vector<16xf32>,
          %get3A_597 = arith.index_cast %add3A_572 : i32 to index
          %get3A_598 = arith.constant 48 : index
          %get3A_599 = tpu.vector_load %arg19[%get3A_597, %get3A_598] {strides = array<i32>} : memref<80x64xf32, #tpu.memory_space<vmem>>, vector<16xf32>,
          %mul3A_600 = vector.broadcast %squeeze3A_568 : f32 to vector<16xf32>
          %mul3A_601 = arith.mulf %get3A_599, %mul3A_600 : vector<16xf32>
          %swap3A_602 = arith.index_cast %add3A_572 : i32 to index
          %swap3A_603 = arith.constant 48 : index
          %swap3A_604 = tpu.vector_load %arg19[%swap3A_602, %swap3A_603] {strides = array<i32>} : memref<80x64xf32, #tpu.memory_space<vmem>>, vector<16xf32>,
          tpu.vector_store %arg19[%swap3A_602, %swap3A_603], %mul3A_601 {strides = array<i32>} : memref<80x64xf32, #tpu.memory_space<vmem>>, vector<16xf32>,
          %slice3A_605 = vector.extract_strided_slice %get3A_379 {offsets = [6], sizes = [1], strides = [1]} : vector<16xf32> to vector<1xf32>
          %squeeze3A_606 = vector.extract %slice3A_605[0] : f32 from vector<1xf32>
          %mul3A_607 = arith.constant 16 : i32
          %mul3A_608 = arith.muli %add3A_376, %mul3A_607 : i32
          %add3A_609 = arith.constant 6 : i32
          %add3A_610 = arith.addi %mul3A_608, %add3A_609 : i32
          %get3A_611 = arith.index_cast %add3A_610 : i32 to index
          %get3A_612 = arith.constant 0 : index
          %get3A_613 = tpu.vector_load %arg19[%get3A_611, %get3A_612] {strides = array<i32>} : memref<80x64xf32, #tpu.memory_space<vmem>>, vector<16xf32>,
          %mul3A_614 = vector.broadcast %squeeze3A_606 : f32 to vector<16xf32>
          %mul3A_615 = arith.mulf %get3A_613, %mul3A_614 : vector<16xf32>
          %swap3A_616 = arith.index_cast %add3A_610 : i32 to index
          %swap3A_617 = arith.constant 0 : index
          %swap3A_618 = tpu.vector_load %arg19[%swap3A_616, %swap3A_617] {strides = array<i32>} : memref<80x64xf32, #tpu.memory_space<vmem>>, vector<16xf32>,
          tpu.vector_store %arg19[%swap3A_616, %swap3A_617], %mul3A_615 {strides = array<i32>} : memref<80x64xf32, #tpu.memory_space<vmem>>, vector<16xf32>,
          %get3A_619 = arith.index_cast %add3A_610 : i32 to index
          %get3A_620 = arith.constant 16 : index
          %get3A_621 = tpu.vector_load %arg19[%get3A_619, %get3A_620] {strides = array<i32>} : memref<80x64xf32, #tpu.memory_space<vmem>>, vector<16xf32>,
          %mul3A_622 = vector.broadcast %squeeze3A_606 : f32 to vector<16xf32>
          %mul3A_623 = arith.mulf %get3A_621, %mul3A_622 : vector<16xf32>
          %swap3A_624 = arith.index_cast %add3A_610 : i32 to index
          %swap3A_625 = arith.constant 16 : index
          %swap3A_626 = tpu.vector_load %arg19[%swap3A_624, %swap3A_625] {strides = array<i32>} : memref<80x64xf32, #tpu.memory_space<vmem>>, vector<16xf32>,
          tpu.vector_store %arg19[%swap3A_624, %swap3A_625], %mul3A_623 {strides = array<i32>} : memref<80x64xf32, #tpu.memory_space<vmem>>, vector<16xf32>,
          %get3A_627 = arith.index_cast %add3A_610 : i32 to index
          %get3A_628 = arith.constant 32 : index
          %get3A_629 = tpu.vector_load %arg19[%get3A_627, %get3A_628] {strides = array<i32>} : memref<80x64xf32, #tpu.memory_space<vmem>>, vector<16xf32>,
          %mul3A_630 = vector.broadcast %squeeze3A_606 : f32 to vector<16xf32>
          %mul3A_631 = arith.mulf %get3A_629, %mul3A_630 : vector<16xf32>
          %swap3A_632 = arith.index_cast %add3A_610 : i32 to index
          %swap3A_633 = arith.constant 32 : index
          %swap3A_634 = tpu.vector_load %arg19[%swap3A_632, %swap3A_633] {strides = array<i32>} : memref<80x64xf32, #tpu.memory_space<vmem>>, vector<16xf32>,
          tpu.vector_store %arg19[%swap3A_632, %swap3A_633], %mul3A_631 {strides = array<i32>} : memref<80x64xf32, #tpu.memory_space<vmem>>, vector<16xf32>,
          %get3A_635 = arith.index_cast %add3A_610 : i32 to index
          %get3A_636 = arith.constant 48 : index
          %get3A_637 = tpu.vector_load %arg19[%get3A_635, %get3A_636] {strides = array<i32>} : memref<80x64xf32, #tpu.memory_space<vmem>>, vector<16xf32>,
          %mul3A_638 = vector.broadcast %squeeze3A_606 : f32 to vector<16xf32>
          %mul3A_639 = arith.mulf %get3A_637, %mul3A_638 : vector<16xf32>
          %swap3A_640 = arith.index_cast %add3A_610 : i32 to index
          %swap3A_641 = arith.constant 48 : index
          %swap3A_642 = tpu.vector_load %arg19[%swap3A_640, %swap3A_641] {strides = array<i32>} : memref<80x64xf32, #tpu.memory_space<vmem>>, vector<16xf32>,
          tpu.vector_store %arg19[%swap3A_640, %swap3A_641], %mul3A_639 {strides = array<i32>} : memref<80x64xf32, #tpu.memory_space<vmem>>, vector<16xf32>,
          %slice3A_643 = vector.extract_strided_slice %get3A_379 {offsets = [7], sizes = [1], strides = [1]} : vector<16xf32> to vector<1xf32>
          %squeeze3A_644 = vector.extract %slice3A_643[0] : f32 from vector<1xf32>
          %mul3A_645 = arith.constant 16 : i32
          %mul3A_646 = arith.muli %add3A_376, %mul3A_645 : i32
          %add3A_647 = arith.constant 7 : i32
          %add3A_648 = arith.addi %mul3A_646, %add3A_647 : i32
          %get3A_649 = arith.index_cast %add3A_648 : i32 to index
          %get3A_650 = arith.constant 0 : index
          %get3A_651 = tpu.vector_load %arg19[%get3A_649, %get3A_650] {strides = array<i32>} : memref<80x64xf32, #tpu.memory_space<vmem>>, vector<16xf32>,
          %mul3A_652 = vector.broadcast %squeeze3A_644 : f32 to vector<16xf32>
          %mul3A_653 = arith.mulf %get3A_651, %mul3A_652 : vector<16xf32>
          %swap3A_654 = arith.index_cast %add3A_648 : i32 to index
          %swap3A_655 = arith.constant 0 : index
          %swap3A_656 = tpu.vector_load %arg19[%swap3A_654, %swap3A_655] {strides = array<i32>} : memref<80x64xf32, #tpu.memory_space<vmem>>, vector<16xf32>,
          tpu.vector_store %arg19[%swap3A_654, %swap3A_655], %mul3A_653 {strides = array<i32>} : memref<80x64xf32, #tpu.memory_space<vmem>>, vector<16xf32>,
          %get3A_657 = arith.index_cast %add3A_648 : i32 to index
          %get3A_658 = arith.constant 16 : index
          %get3A_659 = tpu.vector_load %arg19[%get3A_657, %get3A_658] {strides = array<i32>} : memref<80x64xf32, #tpu.memory_space<vmem>>, vector<16xf32>,
          %mul3A_660 = vector.broadcast %squeeze3A_644 : f32 to vector<16xf32>
          %mul3A_661 = arith.mulf %get3A_659, %mul3A_660 : vector<16xf32>
          %swap3A_662 = arith.index_cast %add3A_648 : i32 to index
          %swap3A_663 = arith.constant 16 : index
          %swap3A_664 = tpu.vector_load %arg19[%swap3A_662, %swap3A_663] {strides = array<i32>} : memref<80x64xf32, #tpu.memory_space<vmem>>, vector<16xf32>,
          tpu.vector_store %arg19[%swap3A_662, %swap3A_663], %mul3A_661 {strides = array<i32>} : memref<80x64xf32, #tpu.memory_space<vmem>>, vector<16xf32>,
          %get3A_665 = arith.index_cast %add3A_648 : i32 to index
          %get3A_666 = arith.constant 32 : index
          %get3A_667 = tpu.vector_load %arg19[%get3A_665, %get3A_666] {strides = array<i32>} : memref<80x64xf32, #tpu.memory_space<vmem>>, vector<16xf32>,
          %mul3A_668 = vector.broadcast %squeeze3A_644 : f32 to vector<16xf32>
          %mul3A_669 = arith.mulf %get3A_667, %mul3A_668 : vector<16xf32>
          %swap3A_670 = arith.index_cast %add3A_648 : i32 to index
          %swap3A_671 = arith.constant 32 : index
          %swap3A_672 = tpu.vector_load %arg19[%swap3A_670, %swap3A_671] {strides = array<i32>} : memref<80x64xf32, #tpu.memory_space<vmem>>, vector<16xf32>,
          tpu.vector_store %arg19[%swap3A_670, %swap3A_671], %mul3A_669 {strides = array<i32>} : memref<80x64xf32, #tpu.memory_space<vmem>>, vector<16xf32>,
          %get3A_673 = arith.index_cast %add3A_648 : i32 to index
          %get3A_674 = arith.constant 48 : index
          %get3A_675 = tpu.vector_load %arg19[%get3A_673, %get3A_674] {strides = array<i32>} : memref<80x64xf32, #tpu.memory_space<vmem>>, vector<16xf32>,
          %mul3A_676 = vector.broadcast %squeeze3A_644 : f32 to vector<16xf32>
          %mul3A_677 = arith.mulf %get3A_675, %mul3A_676 : vector<16xf32>
          %swap3A_678 = arith.index_cast %add3A_648 : i32 to index
          %swap3A_679 = arith.constant 48 : index
          %swap3A_680 = tpu.vector_load %arg19[%swap3A_678, %swap3A_679] {strides = array<i32>} : memref<80x64xf32, #tpu.memory_space<vmem>>, vector<16xf32>,
          tpu.vector_store %arg19[%swap3A_678, %swap3A_679], %mul3A_677 {strides = array<i32>} : memref<80x64xf32, #tpu.memory_space<vmem>>, vector<16xf32>,
          %slice3A_681 = vector.extract_strided_slice %get3A_379 {offsets = [8], sizes = [1], strides = [1]} : vector<16xf32> to vector<1xf32>
          %squeeze3A_682 = vector.extract %slice3A_681[0] : f32 from vector<1xf32>
          %mul3A_683 = arith.constant 16 : i32
          %mul3A_684 = arith.muli %add3A_376, %mul3A_683 : i32
          %add3A_685 = arith.constant 8 : i32
          %add3A_686 = arith.addi %mul3A_684, %add3A_685 : i32
          %get3A_687 = arith.index_cast %add3A_686 : i32 to index
          %get3A_688 = arith.constant 0 : index
          %get3A_689 = tpu.vector_load %arg19[%get3A_687, %get3A_688] {strides = array<i32>} : memref<80x64xf32, #tpu.memory_space<vmem>>, vector<16xf32>,
          %mul3A_690 = vector.broadcast %squeeze3A_682 : f32 to vector<16xf32>
          %mul3A_691 = arith.mulf %get3A_689, %mul3A_690 : vector<16xf32>
          %swap3A_692 = arith.index_cast %add3A_686 : i32 to index
          %swap3A_693 = arith.constant 0 : index
          %swap3A_694 = tpu.vector_load %arg19[%swap3A_692, %swap3A_693] {strides = array<i32>} : memref<80x64xf32, #tpu.memory_space<vmem>>, vector<16xf32>,
          tpu.vector_store %arg19[%swap3A_692, %swap3A_693], %mul3A_691 {strides = array<i32>} : memref<80x64xf32, #tpu.memory_space<vmem>>, vector<16xf32>,
          %get3A_695 = arith.index_cast %add3A_686 : i32 to index
          %get3A_696 = arith.constant 16 : index
          %get3A_697 = tpu.vector_load %arg19[%get3A_695, %get3A_696] {strides = array<i32>} : memref<80x64xf32, #tpu.memory_space<vmem>>, vector<16xf32>,
          %mul3A_698 = vector.broadcast %squeeze3A_682 : f32 to vector<16xf32>
          %mul3A_699 = arith.mulf %get3A_697, %mul3A_698 : vector<16xf32>
          %swap3A_700 = arith.index_cast %add3A_686 : i32 to index
          %swap3A_701 = arith.constant 16 : index
          %swap3A_702 = tpu.vector_load %arg19[%swap3A_700, %swap3A_701] {strides = array<i32>} : memref<80x64xf32, #tpu.memory_space<vmem>>, vector<16xf32>,
          tpu.vector_store %arg19[%swap3A_700, %swap3A_701], %mul3A_699 {strides = array<i32>} : memref<80x64xf32, #tpu.memory_space<vmem>>, vector<16xf32>,
          %get3A_703 = arith.index_cast %add3A_686 : i32 to index
          %get3A_704 = arith.constant 32 : index
          %get3A_705 = tpu.vector_load %arg19[%get3A_703, %get3A_704] {strides = array<i32>} : memref<80x64xf32, #tpu.memory_space<vmem>>, vector<16xf32>,
          %mul3A_706 = vector.broadcast %squeeze3A_682 : f32 to vector<16xf32>
          %mul3A_707 = arith.mulf %get3A_705, %mul3A_706 : vector<16xf32>
          %swap3A_708 = arith.index_cast %add3A_686 : i32 to index
          %swap3A_709 = arith.constant 32 : index
          %swap3A_710 = tpu.vector_load %arg19[%swap3A_708, %swap3A_709] {strides = array<i32>} : memref<80x64xf32, #tpu.memory_space<vmem>>, vector<16xf32>,
          tpu.vector_store %arg19[%swap3A_708, %swap3A_709], %mul3A_707 {strides = array<i32>} : memref<80x64xf32, #tpu.memory_space<vmem>>, vector<16xf32>,
          %get3A_711 = arith.index_cast %add3A_686 : i32 to index
          %get3A_712 = arith.constant 48 : index
          %get3A_713 = tpu.vector_load %arg19[%get3A_711, %get3A_712] {strides = array<i32>} : memref<80x64xf32, #tpu.memory_space<vmem>>, vector<16xf32>,
          %mul3A_714 = vector.broadcast %squeeze3A_682 : f32 to vector<16xf32>
          %mul3A_715 = arith.mulf %get3A_713, %mul3A_714 : vector<16xf32>
          %swap3A_716 = arith.index_cast %add3A_686 : i32 to index
          %swap3A_717 = arith.constant 48 : index
          %swap3A_718 = tpu.vector_load %arg19[%swap3A_716, %swap3A_717] {strides = array<i32>} : memref<80x64xf32, #tpu.memory_space<vmem>>, vector<16xf32>,
          tpu.vector_store %arg19[%swap3A_716, %swap3A_717], %mul3A_715 {strides = array<i32>} : memref<80x64xf32, #tpu.memory_space<vmem>>, vector<16xf32>,
          %slice3A_719 = vector.extract_strided_slice %get3A_379 {offsets = [9], sizes = [1], strides = [1]} : vector<16xf32> to vector<1xf32>
          %squeeze3A_720 = vector.extract %slice3A_719[0] : f32 from vector<1xf32>
          %mul3A_721 = arith.constant 16 : i32
          %mul3A_722 = arith.muli %add3A_376, %mul3A_721 : i32
          %add3A_723 = arith.constant 9 : i32
          %add3A_724 = arith.addi %mul3A_722, %add3A_723 : i32
          %get3A_725 = arith.index_cast %add3A_724 : i32 to index
          %get3A_726 = arith.constant 0 : index
          %get3A_727 = tpu.vector_load %arg19[%get3A_725, %get3A_726] {strides = array<i32>} : memref<80x64xf32, #tpu.memory_space<vmem>>, vector<16xf32>,
          %mul3A_728 = vector.broadcast %squeeze3A_720 : f32 to vector<16xf32>
          %mul3A_729 = arith.mulf %get3A_727, %mul3A_728 : vector<16xf32>
          %swap3A_730 = arith.index_cast %add3A_724 : i32 to index
          %swap3A_731 = arith.constant 0 : index
          %swap3A_732 = tpu.vector_load %arg19[%swap3A_730, %swap3A_731] {strides = array<i32>} : memref<80x64xf32, #tpu.memory_space<vmem>>, vector<16xf32>,
          tpu.vector_store %arg19[%swap3A_730, %swap3A_731], %mul3A_729 {strides = array<i32>} : memref<80x64xf32, #tpu.memory_space<vmem>>, vector<16xf32>,
          %get3A_733 = arith.index_cast %add3A_724 : i32 to index
          %get3A_734 = arith.constant 16 : index
          %get3A_735 = tpu.vector_load %arg19[%get3A_733, %get3A_734] {strides = array<i32>} : memref<80x64xf32, #tpu.memory_space<vmem>>, vector<16xf32>,
          %mul3A_736 = vector.broadcast %squeeze3A_720 : f32 to vector<16xf32>
          %mul3A_737 = arith.mulf %get3A_735, %mul3A_736 : vector<16xf32>
          %swap3A_738 = arith.index_cast %add3A_724 : i32 to index
          %swap3A_739 = arith.constant 16 : index
          %swap3A_740 = tpu.vector_load %arg19[%swap3A_738, %swap3A_739] {strides = array<i32>} : memref<80x64xf32, #tpu.memory_space<vmem>>, vector<16xf32>,
          tpu.vector_store %arg19[%swap3A_738, %swap3A_739], %mul3A_737 {strides = array<i32>} : memref<80x64xf32, #tpu.memory_space<vmem>>, vector<16xf32>,
          %get3A_741 = arith.index_cast %add3A_724 : i32 to index
          %get3A_742 = arith.constant 32 : index
          %get3A_743 = tpu.vector_load %arg19[%get3A_741, %get3A_742] {strides = array<i32>} : memref<80x64xf32, #tpu.memory_space<vmem>>, vector<16xf32>,
          %mul3A_744 = vector.broadcast %squeeze3A_720 : f32 to vector<16xf32>
          %mul3A_745 = arith.mulf %get3A_743, %mul3A_744 : vector<16xf32>
          %swap3A_746 = arith.index_cast %add3A_724 : i32 to index
          %swap3A_747 = arith.constant 32 : index
          %swap3A_748 = tpu.vector_load %arg19[%swap3A_746, %swap3A_747] {strides = array<i32>} : memref<80x64xf32, #tpu.memory_space<vmem>>, vector<16xf32>,
          tpu.vector_store %arg19[%swap3A_746, %swap3A_747], %mul3A_745 {strides = array<i32>} : memref<80x64xf32, #tpu.memory_space<vmem>>, vector<16xf32>,
          %get3A_749 = arith.index_cast %add3A_724 : i32 to index
          %get3A_750 = arith.constant 48 : index
          %get3A_751 = tpu.vector_load %arg19[%get3A_749, %get3A_750] {strides = array<i32>} : memref<80x64xf32, #tpu.memory_space<vmem>>, vector<16xf32>,
          %mul3A_752 = vector.broadcast %squeeze3A_720 : f32 to vector<16xf32>
          %mul3A_753 = arith.mulf %get3A_751, %mul3A_752 : vector<16xf32>
          %swap3A_754 = arith.index_cast %add3A_724 : i32 to index
          %swap3A_755 = arith.constant 48 : index
          %swap3A_756 = tpu.vector_load %arg19[%swap3A_754, %swap3A_755] {strides = array<i32>} : memref<80x64xf32, #tpu.memory_space<vmem>>, vector<16xf32>,
          tpu.vector_store %arg19[%swap3A_754, %swap3A_755], %mul3A_753 {strides = array<i32>} : memref<80x64xf32, #tpu.memory_space<vmem>>, vector<16xf32>,
          %slice3A_757 = vector.extract_strided_slice %get3A_379 {offsets = [10], sizes = [1], strides = [1]} : vector<16xf32> to vector<1xf32>
          %squeeze3A_758 = vector.extract %slice3A_757[0] : f32 from vector<1xf32>
          %mul3A_759 = arith.constant 16 : i32
          %mul3A_760 = arith.muli %add3A_376, %mul3A_759 : i32
          %add3A_761 = arith.constant 10 : i32
          %add3A_762 = arith.addi %mul3A_760, %add3A_761 : i32
          %get3A_763 = arith.index_cast %add3A_762 : i32 to index
          %get3A_764 = arith.constant 0 : index
          %get3A_765 = tpu.vector_load %arg19[%get3A_763, %get3A_764] {strides = array<i32>} : memref<80x64xf32, #tpu.memory_space<vmem>>, vector<16xf32>,
          %mul3A_766 = vector.broadcast %squeeze3A_758 : f32 to vector<16xf32>
          %mul3A_767 = arith.mulf %get3A_765, %mul3A_766 : vector<16xf32>
          %swap3A_768 = arith.index_cast %add3A_762 : i32 to index
          %swap3A_769 = arith.constant 0 : index
          %swap3A_770 = tpu.vector_load %arg19[%swap3A_768, %swap3A_769] {strides = array<i32>} : memref<80x64xf32, #tpu.memory_space<vmem>>, vector<16xf32>,
          tpu.vector_store %arg19[%swap3A_768, %swap3A_769], %mul3A_767 {strides = array<i32>} : memref<80x64xf32, #tpu.memory_space<vmem>>, vector<16xf32>,
          %get3A_771 = arith.index_cast %add3A_762 : i32 to index
          %get3A_772 = arith.constant 16 : index
          %get3A_773 = tpu.vector_load %arg19[%get3A_771, %get3A_772] {strides = array<i32>} : memref<80x64xf32, #tpu.memory_space<vmem>>, vector<16xf32>,
          %mul3A_774 = vector.broadcast %squeeze3A_758 : f32 to vector<16xf32>
          %mul3A_775 = arith.mulf %get3A_773, %mul3A_774 : vector<16xf32>
          %swap3A_776 = arith.index_cast %add3A_762 : i32 to index
          %swap3A_777 = arith.constant 16 : index
          %swap3A_778 = tpu.vector_load %arg19[%swap3A_776, %swap3A_777] {strides = array<i32>} : memref<80x64xf32, #tpu.memory_space<vmem>>, vector<16xf32>,
          tpu.vector_store %arg19[%swap3A_776, %swap3A_777], %mul3A_775 {strides = array<i32>} : memref<80x64xf32, #tpu.memory_space<vmem>>, vector<16xf32>,
          %get3A_779 = arith.index_cast %add3A_762 : i32 to index
          %get3A_780 = arith.constant 32 : index
          %get3A_781 = tpu.vector_load %arg19[%get3A_779, %get3A_780] {strides = array<i32>} : memref<80x64xf32, #tpu.memory_space<vmem>>, vector<16xf32>,
          %mul3A_782 = vector.broadcast %squeeze3A_758 : f32 to vector<16xf32>
          %mul3A_783 = arith.mulf %get3A_781, %mul3A_782 : vector<16xf32>
          %swap3A_784 = arith.index_cast %add3A_762 : i32 to index
          %swap3A_785 = arith.constant 32 : index
          %swap3A_786 = tpu.vector_load %arg19[%swap3A_784, %swap3A_785] {strides = array<i32>} : memref<80x64xf32, #tpu.memory_space<vmem>>, vector<16xf32>,
          tpu.vector_store %arg19[%swap3A_784, %swap3A_785], %mul3A_783 {strides = array<i32>} : memref<80x64xf32, #tpu.memory_space<vmem>>, vector<16xf32>,
          %get3A_787 = arith.index_cast %add3A_762 : i32 to index
          %get3A_788 = arith.constant 48 : index
          %get3A_789 = tpu.vector_load %arg19[%get3A_787, %get3A_788] {strides = array<i32>} : memref<80x64xf32, #tpu.memory_space<vmem>>, vector<16xf32>,
          %mul3A_790 = vector.broadcast %squeeze3A_758 : f32 to vector<16xf32>
          %mul3A_791 = arith.mulf %get3A_789, %mul3A_790 : vector<16xf32>
          %swap3A_792 = arith.index_cast %add3A_762 : i32 to index
          %swap3A_793 = arith.constant 48 : index
          %swap3A_794 = tpu.vector_load %arg19[%swap3A_792, %swap3A_793] {strides = array<i32>} : memref<80x64xf32, #tpu.memory_space<vmem>>, vector<16xf32>,
          tpu.vector_store %arg19[%swap3A_792, %swap3A_793], %mul3A_791 {strides = array<i32>} : memref<80x64xf32, #tpu.memory_space<vmem>>, vector<16xf32>,
          %slice3A_795 = vector.extract_strided_slice %get3A_379 {offsets = [11], sizes = [1], strides = [1]} : vector<16xf32> to vector<1xf32>
          %squeeze3A_796 = vector.extract %slice3A_795[0] : f32 from vector<1xf32>
          %mul3A_797 = arith.constant 16 : i32
          %mul3A_798 = arith.muli %add3A_376, %mul3A_797 : i32
          %add3A_799 = arith.constant 11 : i32
          %add3A_800 = arith.addi %mul3A_798, %add3A_799 : i32
          %get3A_801 = arith.index_cast %add3A_800 : i32 to index
          %get3A_802 = arith.constant 0 : index
          %get3A_803 = tpu.vector_load %arg19[%get3A_801, %get3A_802] {strides = array<i32>} : memref<80x64xf32, #tpu.memory_space<vmem>>, vector<16xf32>,
          %mul3A_804 = vector.broadcast %squeeze3A_796 : f32 to vector<16xf32>
          %mul3A_805 = arith.mulf %get3A_803, %mul3A_804 : vector<16xf32>
          %swap3A_806 = arith.index_cast %add3A_800 : i32 to index
          %swap3A_807 = arith.constant 0 : index
          %swap3A_808 = tpu.vector_load %arg19[%swap3A_806, %swap3A_807] {strides = array<i32>} : memref<80x64xf32, #tpu.memory_space<vmem>>, vector<16xf32>,
          tpu.vector_store %arg19[%swap3A_806, %swap3A_807], %mul3A_805 {strides = array<i32>} : memref<80x64xf32, #tpu.memory_space<vmem>>, vector<16xf32>,
          %get3A_809 = arith.index_cast %add3A_800 : i32 to index
          %get3A_810 = arith.constant 16 : index
          %get3A_811 = tpu.vector_load %arg19[%get3A_809, %get3A_810] {strides = array<i32>} : memref<80x64xf32, #tpu.memory_space<vmem>>, vector<16xf32>,
          %mul3A_812 = vector.broadcast %squeeze3A_796 : f32 to vector<16xf32>
          %mul3A_813 = arith.mulf %get3A_811, %mul3A_812 : vector<16xf32>
          %swap3A_814 = arith.index_cast %add3A_800 : i32 to index
          %swap3A_815 = arith.constant 16 : index
          %swap3A_816 = tpu.vector_load %arg19[%swap3A_814, %swap3A_815] {strides = array<i32>} : memref<80x64xf32, #tpu.memory_space<vmem>>, vector<16xf32>,
          tpu.vector_store %arg19[%swap3A_814, %swap3A_815], %mul3A_813 {strides = array<i32>} : memref<80x64xf32, #tpu.memory_space<vmem>>, vector<16xf32>,
          %get3A_817 = arith.index_cast %add3A_800 : i32 to index
          %get3A_818 = arith.constant 32 : index
          %get3A_819 = tpu.vector_load %arg19[%get3A_817, %get3A_818] {strides = array<i32>} : memref<80x64xf32, #tpu.memory_space<vmem>>, vector<16xf32>,
          %mul3A_820 = vector.broadcast %squeeze3A_796 : f32 to vector<16xf32>
          %mul3A_821 = arith.mulf %get3A_819, %mul3A_820 : vector<16xf32>
          %swap3A_822 = arith.index_cast %add3A_800 : i32 to index
          %swap3A_823 = arith.constant 32 : index
          %swap3A_824 = tpu.vector_load %arg19[%swap3A_822, %swap3A_823] {strides = array<i32>} : memref<80x64xf32, #tpu.memory_space<vmem>>, vector<16xf32>,
          tpu.vector_store %arg19[%swap3A_822, %swap3A_823], %mul3A_821 {strides = array<i32>} : memref<80x64xf32, #tpu.memory_space<vmem>>, vector<16xf32>,
          %get3A_825 = arith.index_cast %add3A_800 : i32 to index
          %get3A_826 = arith.constant 48 : index
          %get3A_827 = tpu.vector_load %arg19[%get3A_825, %get3A_826] {strides = array<i32>} : memref<80x64xf32, #tpu.memory_space<vmem>>, vector<16xf32>,
          %mul3A_828 = vector.broadcast %squeeze3A_796 : f32 to vector<16xf32>
          %mul3A_829 = arith.mulf %get3A_827, %mul3A_828 : vector<16xf32>
          %swap3A_830 = arith.index_cast %add3A_800 : i32 to index
          %swap3A_831 = arith.constant 48 : index
          %swap3A_832 = tpu.vector_load %arg19[%swap3A_830, %swap3A_831] {strides = array<i32>} : memref<80x64xf32, #tpu.memory_space<vmem>>, vector<16xf32>,
          tpu.vector_store %arg19[%swap3A_830, %swap3A_831], %mul3A_829 {strides = array<i32>} : memref<80x64xf32, #tpu.memory_space<vmem>>, vector<16xf32>,
          %slice3A_833 = vector.extract_strided_slice %get3A_379 {offsets = [12], sizes = [1], strides = [1]} : vector<16xf32> to vector<1xf32>
          %squeeze3A_834 = vector.extract %slice3A_833[0] : f32 from vector<1xf32>
          %mul3A_835 = arith.constant 16 : i32
          %mul3A_836 = arith.muli %add3A_376, %mul3A_835 : i32
          %add3A_837 = arith.constant 12 : i32
          %add3A_838 = arith.addi %mul3A_836, %add3A_837 : i32
          %get3A_839 = arith.index_cast %add3A_838 : i32 to index
          %get3A_840 = arith.constant 0 : index
          %get3A_841 = tpu.vector_load %arg19[%get3A_839, %get3A_840] {strides = array<i32>} : memref<80x64xf32, #tpu.memory_space<vmem>>, vector<16xf32>,
          %mul3A_842 = vector.broadcast %squeeze3A_834 : f32 to vector<16xf32>
          %mul3A_843 = arith.mulf %get3A_841, %mul3A_842 : vector<16xf32>
          %swap3A_844 = arith.index_cast %add3A_838 : i32 to index
          %swap3A_845 = arith.constant 0 : index
          %swap3A_846 = tpu.vector_load %arg19[%swap3A_844, %swap3A_845] {strides = array<i32>} : memref<80x64xf32, #tpu.memory_space<vmem>>, vector<16xf32>,
          tpu.vector_store %arg19[%swap3A_844, %swap3A_845], %mul3A_843 {strides = array<i32>} : memref<80x64xf32, #tpu.memory_space<vmem>>, vector<16xf32>,
          %get3A_847 = arith.index_cast %add3A_838 : i32 to index
          %get3A_848 = arith.constant 16 : index
          %get3A_849 = tpu.vector_load %arg19[%get3A_847, %get3A_848] {strides = array<i32>} : memref<80x64xf32, #tpu.memory_space<vmem>>, vector<16xf32>,
          %mul3A_850 = vector.broadcast %squeeze3A_834 : f32 to vector<16xf32>
          %mul3A_851 = arith.mulf %get3A_849, %mul3A_850 : vector<16xf32>
          %swap3A_852 = arith.index_cast %add3A_838 : i32 to index
          %swap3A_853 = arith.constant 16 : index
          %swap3A_854 = tpu.vector_load %arg19[%swap3A_852, %swap3A_853] {strides = array<i32>} : memref<80x64xf32, #tpu.memory_space<vmem>>, vector<16xf32>,
          tpu.vector_store %arg19[%swap3A_852, %swap3A_853], %mul3A_851 {strides = array<i32>} : memref<80x64xf32, #tpu.memory_space<vmem>>, vector<16xf32>,
          %get3A_855 = arith.index_cast %add3A_838 : i32 to index
          %get3A_856 = arith.constant 32 : index
          %get3A_857 = tpu.vector_load %arg19[%get3A_855, %get3A_856] {strides = array<i32>} : memref<80x64xf32, #tpu.memory_space<vmem>>, vector<16xf32>,
          %mul3A_858 = vector.broadcast %squeeze3A_834 : f32 to vector<16xf32>
          %mul3A_859 = arith.mulf %get3A_857, %mul3A_858 : vector<16xf32>
          %swap3A_860 = arith.index_cast %add3A_838 : i32 to index
          %swap3A_861 = arith.constant 32 : index
          %swap3A_862 = tpu.vector_load %arg19[%swap3A_860, %swap3A_861] {strides = array<i32>} : memref<80x64xf32, #tpu.memory_space<vmem>>, vector<16xf32>,
          tpu.vector_store %arg19[%swap3A_860, %swap3A_861], %mul3A_859 {strides = array<i32>} : memref<80x64xf32, #tpu.memory_space<vmem>>, vector<16xf32>,
          %get3A_863 = arith.index_cast %add3A_838 : i32 to index
          %get3A_864 = arith.constant 48 : index
          %get3A_865 = tpu.vector_load %arg19[%get3A_863, %get3A_864] {strides = array<i32>} : memref<80x64xf32, #tpu.memory_space<vmem>>, vector<16xf32>,
          %mul3A_866 = vector.broadcast %squeeze3A_834 : f32 to vector<16xf32>
          %mul3A_867 = arith.mulf %get3A_865, %mul3A_866 : vector<16xf32>
          %swap3A_868 = arith.index_cast %add3A_838 : i32 to index
          %swap3A_869 = arith.constant 48 : index
          %swap3A_870 = tpu.vector_load %arg19[%swap3A_868, %swap3A_869] {strides = array<i32>} : memref<80x64xf32, #tpu.memory_space<vmem>>, vector<16xf32>,
          tpu.vector_store %arg19[%swap3A_868, %swap3A_869], %mul3A_867 {strides = array<i32>} : memref<80x64xf32, #tpu.memory_space<vmem>>, vector<16xf32>,
          %slice3A_871 = vector.extract_strided_slice %get3A_379 {offsets = [13], sizes = [1], strides = [1]} : vector<16xf32> to vector<1xf32>
          %squeeze3A_872 = vector.extract %slice3A_871[0] : f32 from vector<1xf32>
          %mul3A_873 = arith.constant 16 : i32
          %mul3A_874 = arith.muli %add3A_376, %mul3A_873 : i32
          %add3A_875 = arith.constant 13 : i32
          %add3A_876 = arith.addi %mul3A_874, %add3A_875 : i32
          %get3A_877 = arith.index_cast %add3A_876 : i32 to index
          %get3A_878 = arith.constant 0 : index
          %get3A_879 = tpu.vector_load %arg19[%get3A_877, %get3A_878] {strides = array<i32>} : memref<80x64xf32, #tpu.memory_space<vmem>>, vector<16xf32>,
          %mul3A_880 = vector.broadcast %squeeze3A_872 : f32 to vector<16xf32>
          %mul3A_881 = arith.mulf %get3A_879, %mul3A_880 : vector<16xf32>
          %swap3A_882 = arith.index_cast %add3A_876 : i32 to index
          %swap3A_883 = arith.constant 0 : index
          %swap3A_884 = tpu.vector_load %arg19[%swap3A_882, %swap3A_883] {strides = array<i32>} : memref<80x64xf32, #tpu.memory_space<vmem>>, vector<16xf32>,
          tpu.vector_store %arg19[%swap3A_882, %swap3A_883], %mul3A_881 {strides = array<i32>} : memref<80x64xf32, #tpu.memory_space<vmem>>, vector<16xf32>,
          %get3A_885 = arith.index_cast %add3A_876 : i32 to index
          %get3A_886 = arith.constant 16 : index
          %get3A_887 = tpu.vector_load %arg19[%get3A_885, %get3A_886] {strides = array<i32>} : memref<80x64xf32, #tpu.memory_space<vmem>>, vector<16xf32>,
          %mul3A_888 = vector.broadcast %squeeze3A_872 : f32 to vector<16xf32>
          %mul3A_889 = arith.mulf %get3A_887, %mul3A_888 : vector<16xf32>
          %swap3A_890 = arith.index_cast %add3A_876 : i32 to index
          %swap3A_891 = arith.constant 16 : index
          %swap3A_892 = tpu.vector_load %arg19[%swap3A_890, %swap3A_891] {strides = array<i32>} : memref<80x64xf32, #tpu.memory_space<vmem>>, vector<16xf32>,
          tpu.vector_store %arg19[%swap3A_890, %swap3A_891], %mul3A_889 {strides = array<i32>} : memref<80x64xf32, #tpu.memory_space<vmem>>, vector<16xf32>,
          %get3A_893 = arith.index_cast %add3A_876 : i32 to index
          %get3A_894 = arith.constant 32 : index
          %get3A_895 = tpu.vector_load %arg19[%get3A_893, %get3A_894] {strides = array<i32>} : memref<80x64xf32, #tpu.memory_space<vmem>>, vector<16xf32>,
          %mul3A_896 = vector.broadcast %squeeze3A_872 : f32 to vector<16xf32>
          %mul3A_897 = arith.mulf %get3A_895, %mul3A_896 : vector<16xf32>
          %swap3A_898 = arith.index_cast %add3A_876 : i32 to index
          %swap3A_899 = arith.constant 32 : index
          %swap3A_900 = tpu.vector_load %arg19[%swap3A_898, %swap3A_899] {strides = array<i32>} : memref<80x64xf32, #tpu.memory_space<vmem>>, vector<16xf32>,
          tpu.vector_store %arg19[%swap3A_898, %swap3A_899], %mul3A_897 {strides = array<i32>} : memref<80x64xf32, #tpu.memory_space<vmem>>, vector<16xf32>,
          %get3A_901 = arith.index_cast %add3A_876 : i32 to index
          %get3A_902 = arith.constant 48 : index
          %get3A_903 = tpu.vector_load %arg19[%get3A_901, %get3A_902] {strides = array<i32>} : memref<80x64xf32, #tpu.memory_space<vmem>>, vector<16xf32>,
          %mul3A_904 = vector.broadcast %squeeze3A_872 : f32 to vector<16xf32>
          %mul3A_905 = arith.mulf %get3A_903, %mul3A_904 : vector<16xf32>
          %swap3A_906 = arith.index_cast %add3A_876 : i32 to index
          %swap3A_907 = arith.constant 48 : index
          %swap3A_908 = tpu.vector_load %arg19[%swap3A_906, %swap3A_907] {strides = array<i32>} : memref<80x64xf32, #tpu.memory_space<vmem>>, vector<16xf32>,
          tpu.vector_store %arg19[%swap3A_906, %swap3A_907], %mul3A_905 {strides = array<i32>} : memref<80x64xf32, #tpu.memory_space<vmem>>, vector<16xf32>,
          %slice3A_909 = vector.extract_strided_slice %get3A_379 {offsets = [14], sizes = [1], strides = [1]} : vector<16xf32> to vector<1xf32>
          %squeeze3A_910 = vector.extract %slice3A_909[0] : f32 from vector<1xf32>
          %mul3A_911 = arith.constant 16 : i32
          %mul3A_912 = arith.muli %add3A_376, %mul3A_911 : i32
          %add3A_913 = arith.constant 14 : i32
          %add3A_914 = arith.addi %mul3A_912, %add3A_913 : i32
          %get3A_915 = arith.index_cast %add3A_914 : i32 to index
          %get3A_916 = arith.constant 0 : index
          %get3A_917 = tpu.vector_load %arg19[%get3A_915, %get3A_916] {strides = array<i32>} : memref<80x64xf32, #tpu.memory_space<vmem>>, vector<16xf32>,
          %mul3A_918 = vector.broadcast %squeeze3A_910 : f32 to vector<16xf32>
          %mul3A_919 = arith.mulf %get3A_917, %mul3A_918 : vector<16xf32>
          %swap3A_920 = arith.index_cast %add3A_914 : i32 to index
          %swap3A_921 = arith.constant 0 : index
          %swap3A_922 = tpu.vector_load %arg19[%swap3A_920, %swap3A_921] {strides = array<i32>} : memref<80x64xf32, #tpu.memory_space<vmem>>, vector<16xf32>,
          tpu.vector_store %arg19[%swap3A_920, %swap3A_921], %mul3A_919 {strides = array<i32>} : memref<80x64xf32, #tpu.memory_space<vmem>>, vector<16xf32>,
          %get3A_923 = arith.index_cast %add3A_914 : i32 to index
          %get3A_924 = arith.constant 16 : index
          %get3A_925 = tpu.vector_load %arg19[%get3A_923, %get3A_924] {strides = array<i32>} : memref<80x64xf32, #tpu.memory_space<vmem>>, vector<16xf32>,
          %mul3A_926 = vector.broadcast %squeeze3A_910 : f32 to vector<16xf32>
          %mul3A_927 = arith.mulf %get3A_925, %mul3A_926 : vector<16xf32>
          %swap3A_928 = arith.index_cast %add3A_914 : i32 to index
          %swap3A_929 = arith.constant 16 : index
          %swap3A_930 = tpu.vector_load %arg19[%swap3A_928, %swap3A_929] {strides = array<i32>} : memref<80x64xf32, #tpu.memory_space<vmem>>, vector<16xf32>,
          tpu.vector_store %arg19[%swap3A_928, %swap3A_929], %mul3A_927 {strides = array<i32>} : memref<80x64xf32, #tpu.memory_space<vmem>>, vector<16xf32>,
          %get3A_931 = arith.index_cast %add3A_914 : i32 to index
          %get3A_932 = arith.constant 32 : index
          %get3A_933 = tpu.vector_load %arg19[%get3A_931, %get3A_932] {strides = array<i32>} : memref<80x64xf32, #tpu.memory_space<vmem>>, vector<16xf32>,
          %mul3A_934 = vector.broadcast %squeeze3A_910 : f32 to vector<16xf32>
          %mul3A_935 = arith.mulf %get3A_933, %mul3A_934 : vector<16xf32>
          %swap3A_936 = arith.index_cast %add3A_914 : i32 to index
          %swap3A_937 = arith.constant 32 : index
          %swap3A_938 = tpu.vector_load %arg19[%swap3A_936, %swap3A_937] {strides = array<i32>} : memref<80x64xf32, #tpu.memory_space<vmem>>, vector<16xf32>,
          tpu.vector_store %arg19[%swap3A_936, %swap3A_937], %mul3A_935 {strides = array<i32>} : memref<80x64xf32, #tpu.memory_space<vmem>>, vector<16xf32>,
          %get3A_939 = arith.index_cast %add3A_914 : i32 to index
          %get3A_940 = arith.constant 48 : index
          %get3A_941 = tpu.vector_load %arg19[%get3A_939, %get3A_940] {strides = array<i32>} : memref<80x64xf32, #tpu.memory_space<vmem>>, vector<16xf32>,
          %mul3A_942 = vector.broadcast %squeeze3A_910 : f32 to vector<16xf32>
          %mul3A_943 = arith.mulf %get3A_941, %mul3A_942 : vector<16xf32>
          %swap3A_944 = arith.index_cast %add3A_914 : i32 to index
          %swap3A_945 = arith.constant 48 : index
          %swap3A_946 = tpu.vector_load %arg19[%swap3A_944, %swap3A_945] {strides = array<i32>} : memref<80x64xf32, #tpu.memory_space<vmem>>, vector<16xf32>,
          tpu.vector_store %arg19[%swap3A_944, %swap3A_945], %mul3A_943 {strides = array<i32>} : memref<80x64xf32, #tpu.memory_space<vmem>>, vector<16xf32>,
          %slice3A_947 = vector.extract_strided_slice %get3A_379 {offsets = [15], sizes = [1], strides = [1]} : vector<16xf32> to vector<1xf32>
          %squeeze3A_948 = vector.extract %slice3A_947[0] : f32 from vector<1xf32>
          %mul3A_949 = arith.constant 16 : i32
          %mul3A_950 = arith.muli %add3A_376, %mul3A_949 : i32
          %add3A_951 = arith.constant 15 : i32
          %add3A_952 = arith.addi %mul3A_950, %add3A_951 : i32
          %get3A_953 = arith.index_cast %add3A_952 : i32 to index
          %get3A_954 = arith.constant 0 : index
          %get3A_955 = tpu.vector_load %arg19[%get3A_953, %get3A_954] {strides = array<i32>} : memref<80x64xf32, #tpu.memory_space<vmem>>, vector<16xf32>,
          %mul3A_956 = vector.broadcast %squeeze3A_948 : f32 to vector<16xf32>
          %mul3A_957 = arith.mulf %get3A_955, %mul3A_956 : vector<16xf32>
          %swap3A_958 = arith.index_cast %add3A_952 : i32 to index
          %swap3A_959 = arith.constant 0 : index
          %swap3A_960 = tpu.vector_load %arg19[%swap3A_958, %swap3A_959] {strides = array<i32>} : memref<80x64xf32, #tpu.memory_space<vmem>>, vector<16xf32>,
          tpu.vector_store %arg19[%swap3A_958, %swap3A_959], %mul3A_957 {strides = array<i32>} : memref<80x64xf32, #tpu.memory_space<vmem>>, vector<16xf32>,
          %get3A_961 = arith.index_cast %add3A_952 : i32 to index
          %get3A_962 = arith.constant 16 : index
          %get3A_963 = tpu.vector_load %arg19[%get3A_961, %get3A_962] {strides = array<i32>} : memref<80x64xf32, #tpu.memory_space<vmem>>, vector<16xf32>,
          %mul3A_964 = vector.broadcast %squeeze3A_948 : f32 to vector<16xf32>
          %mul3A_965 = arith.mulf %get3A_963, %mul3A_964 : vector<16xf32>
          %swap3A_966 = arith.index_cast %add3A_952 : i32 to index
          %swap3A_967 = arith.constant 16 : index
          %swap3A_968 = tpu.vector_load %arg19[%swap3A_966, %swap3A_967] {strides = array<i32>} : memref<80x64xf32, #tpu.memory_space<vmem>>, vector<16xf32>,
          tpu.vector_store %arg19[%swap3A_966, %swap3A_967], %mul3A_965 {strides = array<i32>} : memref<80x64xf32, #tpu.memory_space<vmem>>, vector<16xf32>,
          %get3A_969 = arith.index_cast %add3A_952 : i32 to index
          %get3A_970 = arith.constant 32 : index
          %get3A_971 = tpu.vector_load %arg19[%get3A_969, %get3A_970] {strides = array<i32>} : memref<80x64xf32, #tpu.memory_space<vmem>>, vector<16xf32>,
          %mul3A_972 = vector.broadcast %squeeze3A_948 : f32 to vector<16xf32>
          %mul3A_973 = arith.mulf %get3A_971, %mul3A_972 : vector<16xf32>
          %swap3A_974 = arith.index_cast %add3A_952 : i32 to index
          %swap3A_975 = arith.constant 32 : index
          %swap3A_976 = tpu.vector_load %arg19[%swap3A_974, %swap3A_975] {strides = array<i32>} : memref<80x64xf32, #tpu.memory_space<vmem>>, vector<16xf32>,
          tpu.vector_store %arg19[%swap3A_974, %swap3A_975], %mul3A_973 {strides = array<i32>} : memref<80x64xf32, #tpu.memory_space<vmem>>, vector<16xf32>,
          %get3A_977 = arith.index_cast %add3A_952 : i32 to index
          %get3A_978 = arith.constant 48 : index
          %get3A_979 = tpu.vector_load %arg19[%get3A_977, %get3A_978] {strides = array<i32>} : memref<80x64xf32, #tpu.memory_space<vmem>>, vector<16xf32>,
          %mul3A_980 = vector.broadcast %squeeze3A_948 : f32 to vector<16xf32>
          %mul3A_981 = arith.mulf %get3A_979, %mul3A_980 : vector<16xf32>
          %swap3A_982 = arith.index_cast %add3A_952 : i32 to index
          %swap3A_983 = arith.constant 48 : index
          %swap3A_984 = tpu.vector_load %arg19[%swap3A_982, %swap3A_983] {strides = array<i32>} : memref<80x64xf32, #tpu.memory_space<vmem>>, vector<16xf32>,
          tpu.vector_store %arg19[%swap3A_982, %swap3A_983], %mul3A_981 {strides = array<i32>} : memref<80x64xf32, #tpu.memory_space<vmem>>, vector<16xf32>,
        }
        %scan3A_305 = arith.constant 5 : i32
        %eq3A_306 = arith.constant 0 : i32
        %eq3A_307 = arith.cmpi eq, %arg0, %eq3A_306 : i32
        %convert_element_type3A_308 = arith.extui %eq3A_307 : i1 to i32
        %cond3A_309 = arith.constant 0 : i32
        %cond3A_310 = arith.cmpi ne, %convert_element_type3A_308, %cond3A_309 : i32
        scf.if %cond3A_310 {
          %dma_start3A = arith.constant 0 : i32
          %dma_start3A_372 = tpu.memref_slice %arg8[%add3A_300, %dma_start3A] : memref<320000x64xf32, #tpu.memory_space<hbm>> -> memref<80x64xf32, #tpu.memory_space<hbm>>
          %dma_start3A_373 = arith.constant 0 : i32
          %dma_start3A_374 = tpu.memref_slice %arg8[%add3A_300, %dma_start3A_373] : memref<320000x64xf32, #tpu.memory_space<hbm>> -> memref<80x64xf32, #tpu.memory_space<hbm>>
          tpu.enqueue_dma source(%arg19 : memref<80x64xf32, #tpu.memory_space<vmem>>) target(%dma_start3A_374 : memref<80x64xf32, #tpu.memory_space<hbm>>) target_semaphore(%arg31 : memref<!tpu.dma_semaphore, #tpu.memory_space<semaphore_mem>>)
        } else {
        }
        %eq3A_311 = arith.constant 1 : i32
        %eq3A_312 = arith.cmpi eq, %arg0, %eq3A_311 : i32
        %convert_element_type3A_313 = arith.extui %eq3A_312 : i1 to i32
        %cond3A_314 = arith.constant 0 : i32
        %cond3A_315 = arith.cmpi ne, %convert_element_type3A_313, %cond3A_314 : i32
        scf.if %cond3A_315 {
          %dma_start3A = arith.constant 0 : i32
          %dma_start3A_372 = tpu.memref_slice %arg9[%add3A_300, %dma_start3A] : memref<320000x64xf32, #tpu.memory_space<hbm>> -> memref<80x64xf32, #tpu.memory_space<hbm>>
          %dma_start3A_373 = arith.constant 0 : i32
          %dma_start3A_374 = tpu.memref_slice %arg9[%add3A_300, %dma_start3A_373] : memref<320000x64xf32, #tpu.memory_space<hbm>> -> memref<80x64xf32, #tpu.memory_space<hbm>>
          tpu.enqueue_dma source(%arg19 : memref<80x64xf32, #tpu.memory_space<vmem>>) target(%dma_start3A_374 : memref<80x64xf32, #tpu.memory_space<hbm>>) target_semaphore(%arg31 : memref<!tpu.dma_semaphore, #tpu.memory_space<semaphore_mem>>)
        } else {
        }
        "tpu.region"() ({
          %run_scoped3A_372 = tpu.sem_alloc : memref<!tpu.dma_semaphore, #tpu.memory_space<semaphore_mem>>
          %dma_start3A = arith.constant 0 : i32
          %dma_start3A_373 = arith.constant 0 : i32
          %dma_start3A_374 = tpu.memref_slice %arg28[%dma_start3A, %dma_start3A_373] : memref<10240x64xf32, #tpu.memory_space<vmem_shared>> -> memref<10240x64xf32, #tpu.memory_space<vmem_shared>>
          tpu.enqueue_indirect_dma source(%arg19 : memref<80x64xf32, #tpu.memory_space<vmem>>) target(%dma_start3A_374 : memref<10240x64xf32, #tpu.memory_space<vmem_shared>>) offsets(%arg18 : memref<80xi32, #tpu.memory_space<vmem>>) semaphore(%run_scoped3A_372 : memref<!tpu.dma_semaphore, #tpu.memory_space<semaphore_mem>>) {add = true}
          %dma_wait3A_375 = arith.constant 0 : i32
          %dma_wait3A_376 = arith.constant 0 : i32
          %dma_wait3A_377 = tpu.memref_slice %arg28[%dma_wait3A_375, %dma_wait3A_376] : memref<10240x64xf32, #tpu.memory_space<vmem_shared>> -> memref<10240x64xf32, #tpu.memory_space<vmem_shared>>
          tpu.wait_indirect_dma semaphore(%run_scoped3A_372 : memref<!tpu.dma_semaphore, #tpu.memory_space<semaphore_mem>>) src(%arg19 : memref<80x64xf32, #tpu.memory_space<vmem>>) dst(%dma_wait3A_377 : memref<10240x64xf32, #tpu.memory_space<vmem_shared>>)
          tpu.yield
        }) : () -> ()
        %dma_wait3A_316 = arith.constant 0 : i32
        %dma_wait3A_317 = arith.constant 0 : i32
        %dma_wait3A_318 = tpu.memref_slice %arg8[%dma_wait3A_316, %dma_wait3A_317] : memref<320000x64xf32, #tpu.memory_space<hbm>> -> memref<80x64xf32, #tpu.memory_space<hbm>>
        %dma_wait3A_319 = arith.constant 0 : i32
        %dma_wait3A_320 = arith.constant 0 : i32
        %dma_wait3A_321 = tpu.memref_slice %arg8[%dma_wait3A_319, %dma_wait3A_320] : memref<320000x64xf32, #tpu.memory_space<hbm>> -> memref<80x64xf32, #tpu.memory_space<hbm>>
        tpu.wait_dma2 semaphore(%arg31 : memref<!tpu.dma_semaphore, #tpu.memory_space<semaphore_mem>>) src(%arg19 : memref<80x64xf32, #tpu.memory_space<vmem>>) dst(%dma_wait3A_321 : memref<80x64xf32, #tpu.memory_space<hbm>>)
        %add3A_322 = arith.constant 2 : i32
        %add3A_323 = arith.addi %mul3A_264, %add3A_322 : i32
        %lt3A = arith.constant 50 : i32
        %lt3A_324 = arith.cmpi slt, %add3A_323, %lt3A : i32
        %convert_element_type3A_325 = arith.extui %lt3A_324 : i1 to i32
        %cond3A_326 = arith.constant 0 : i32
        %cond3A_327 = arith.cmpi ne, %convert_element_type3A_325, %cond3A_326 : i32
        scf.if %cond3A_327 {
          %add3A_372 = arith.constant 2 : i32
          %add3A_373 = arith.addi %mul3A_264, %add3A_372 : i32
          %mul3A_374 = arith.constant 4000 : i32
          %mul3A_375 = arith.muli %add3A_237, %mul3A_374 : i32
          %add3A_376 = arith.addi %mul3A_2, %mul3A_375 : i32
          %mul3A_377 = arith.constant 80 : i32
          %mul3A_378 = arith.muli %add3A_373, %mul3A_377 : i32
          %add3A_379 = arith.addi %add3A_376, %mul3A_378 : i32
          %eq3A_380 = arith.constant 0 : i32
          %eq3A_381 = arith.cmpi eq, %arg0, %eq3A_380 : i32
          %convert_element_type3A_382 = arith.extui %eq3A_381 : i1 to i32
          %cond3A_383 = arith.constant 0 : i32
          %cond3A_384 = arith.cmpi ne, %convert_element_type3A_382, %cond3A_383 : i32
          scf.if %cond3A_384 {
            %dma_start3A = arith.constant 0 : i32
            %dma_start3A_390 = tpu.memref_slice %arg2[%add3A_379, %dma_start3A] : memref<320000x128xf32, #tpu.memory_space<hbm>> -> memref<80x64xf32, #tpu.memory_space<hbm>>
            %dma_start3A_391 = arith.constant 0 : i32
            %dma_start3A_392 = tpu.memref_slice %arg2[%add3A_379, %dma_start3A_391] : memref<320000x128xf32, #tpu.memory_space<hbm>> -> memref<80x64xf32, #tpu.memory_space<hbm>>
            tpu.enqueue_dma source(%dma_start3A_392 : memref<80x64xf32, #tpu.memory_space<hbm>>) target(%arg19 : memref<80x64xf32, #tpu.memory_space<vmem>>) target_semaphore(%arg29 : memref<!tpu.dma_semaphore, #tpu.memory_space<semaphore_mem>>)
          } else {
          }
          %eq3A_385 = arith.constant 1 : i32
          %eq3A_386 = arith.cmpi eq, %arg0, %eq3A_385 : i32
          %convert_element_type3A_387 = arith.extui %eq3A_386 : i1 to i32
          %cond3A_388 = arith.constant 0 : i32
          %cond3A_389 = arith.cmpi ne, %convert_element_type3A_387, %cond3A_388 : i32
          scf.if %cond3A_389 {
            %dma_start3A = arith.constant 64 : i32
            %dma_start3A_390 = tpu.memref_slice %arg2[%add3A_379, %dma_start3A] : memref<320000x128xf32, #tpu.memory_space<hbm>> -> memref<80x64xf32, #tpu.memory_space<hbm>>
            %dma_start3A_391 = arith.constant 64 : i32
            %dma_start3A_392 = tpu.memref_slice %arg2[%add3A_379, %dma_start3A_391] : memref<320000x128xf32, #tpu.memory_space<hbm>> -> memref<80x64xf32, #tpu.memory_space<hbm>>
            tpu.enqueue_dma source(%dma_start3A_392 : memref<80x64xf32, #tpu.memory_space<hbm>>) target(%arg19 : memref<80x64xf32, #tpu.memory_space<vmem>>) target_semaphore(%arg29 : memref<!tpu.dma_semaphore, #tpu.memory_space<semaphore_mem>>)
          } else {
          }
        } else {
        }
        %add3A_328 = arith.constant 1 : i32
        %add3A_329 = arith.addi %mul3A_264, %add3A_328 : i32
        %mul3A_330 = arith.constant 80 : i32
        %mul3A_331 = arith.muli %add3A_329, %mul3A_330 : i32
        %scan3A_332 = arith.constant 0 : i32
        %scan3A_333 = arith.constant 5 : i32
        %scan3A_334 = arith.addi %scan3A_332, %scan3A_333 : i32
        %scan3A_335 = arith.constant 1 : i32
        scf.for %scan3A_372 = %scan3A_332 to %scan3A_334 step %scan3A_335  : i32 {
          %mul3A_373 = arith.constant 1 : i32
          %mul3A_374 = arith.muli %scan3A_372, %mul3A_373 : i32
          %add3A_375 = arith.constant 0 : i32
          %add3A_376 = arith.addi %add3A_375, %mul3A_374 : i32
          %mul3A_377 = arith.constant 16 : i32
          %mul3A_378 = arith.muli %add3A_376, %mul3A_377 : i32
          %add3A_379 = arith.addi %mul3A_331, %mul3A_378 : i32
          %get3A = arith.index_cast %add3A_379 : i32 to index
          %get3A_380 = tpu.vector_load %arg11[%get3A] {strides = array<i32>} : memref<4000xi32, #tpu.memory_space<vmem>>, vector<16xi32>,
          %mul3A_381 = arith.constant 16 : i32
          %mul3A_382 = arith.muli %add3A_376, %mul3A_381 : i32
          %add3A_383 = arith.addi %mul3A_331, %mul3A_382 : i32
          %get3A_384 = arith.index_cast %add3A_383 : i32 to index
          %get3A_385 = tpu.vector_load %arg10[%get3A_384] {strides = array<i32>} : memref<4000xf32, #tpu.memory_space<vmem>>, vector<16xf32>,
          %gather3A = tpu.vector_load_idx %arg13[%get3A_380] : memref<10240xf32, #tpu.memory_space<vmem>>[vector<16xi32>], vector<16xf32>,
          %gather3A_386 = tpu.vector_load_idx %arg14[%get3A_380] : memref<10240xf32, #tpu.memory_space<vmem>>[vector<16xi32>], vector<16xf32>,
          %sub3A = arith.subf %get3A_385, %gather3A : vector<16xf32>
          %exp3A = math.exp %sub3A : vector<16xf32>
          %add3A_387 = arith.constant 1.000000e-16 : f32
          %add3A_388 = vector.broadcast %add3A_387 : f32 to vector<16xf32>
          %add3A_389 = arith.addf %gather3A_386, %add3A_388 : vector<16xf32>
          %div3A = arith.divf %exp3A, %add3A_389 : vector<16xf32>
          %mul3A_390 = arith.constant 16 : i32
          %mul3A_391 = arith.muli %add3A_376, %mul3A_390 : i32
          %swap3A = arith.index_cast %mul3A_391 : i32 to index
          %swap3A_392 = tpu.vector_load %arg17[%swap3A] {strides = array<i32>} : memref<80xf32, #tpu.memory_space<vmem>>, vector<16xf32>,
          tpu.vector_store %arg17[%swap3A], %div3A {strides = array<i32>} : memref<80xf32, #tpu.memory_space<vmem>>, vector<16xf32>,
          %mul3A_393 = arith.constant 16 : i32
          %mul3A_394 = arith.muli %add3A_376, %mul3A_393 : i32
          %swap3A_395 = arith.index_cast %mul3A_394 : i32 to index
          %swap3A_396 = tpu.vector_load %arg18[%swap3A_395] {strides = array<i32>} : memref<80xi32, #tpu.memory_space<vmem>>, vector<16xi32>,
          tpu.vector_store %arg18[%swap3A_395], %get3A_380 {strides = array<i32>} : memref<80xi32, #tpu.memory_space<vmem>>, vector<16xi32>,
        }
        %scan3A_336 = arith.constant 5 : i32
        %dma_wait3A_337 = arith.constant 0 : i32
        %dma_wait3A_338 = arith.constant 0 : i32
        %dma_wait3A_339 = tpu.memref_slice %arg2[%dma_wait3A_337, %dma_wait3A_338] : memref<320000x128xf32, #tpu.memory_space<hbm>> -> memref<80x64xf32, #tpu.memory_space<hbm>>
        %dma_wait3A_340 = arith.constant 0 : i32
        %dma_wait3A_341 = arith.constant 0 : i32
        %dma_wait3A_342 = tpu.memref_slice %arg2[%dma_wait3A_340, %dma_wait3A_341] : memref<320000x128xf32, #tpu.memory_space<hbm>> -> memref<80x64xf32, #tpu.memory_space<hbm>>
        tpu.wait_dma2 semaphore(%arg30 : memref<!tpu.dma_semaphore, #tpu.memory_space<semaphore_mem>>) src(%dma_wait3A_342 : memref<80x64xf32, #tpu.memory_space<hbm>>) dst(%arg20 : memref<80x64xf32, #tpu.memory_space<vmem>>)
        %add3A_343 = arith.constant 1 : i32
        %add3A_344 = arith.addi %mul3A_264, %add3A_343 : i32
        %mul3A_345 = arith.constant 4000 : i32
        %mul3A_346 = arith.muli %add3A_237, %mul3A_345 : i32
        %add3A_347 = arith.addi %mul3A_2, %mul3A_346 : i32
        %mul3A_348 = arith.constant 80 : i32
        %mul3A_349 = arith.muli %add3A_344, %mul3A_348 : i32
        %add3A_350 = arith.addi %add3A_347, %mul3A_349 : i32
        %scan3A_351 = arith.constant 0 : i32
        %scan3A_352 = arith.constant 5 : i32
        %scan3A_353 = arith.addi %scan3A_351, %scan3A_352 : i32
        %scan3A_354 = arith.constant 1 : i32
        scf.for %scan3A_372 = %scan3A_351 to %scan3A_353 step %scan3A_354  : i32 {
          %mul3A_373 = arith.constant 1 : i32
          %mul3A_374 = arith.muli %scan3A_372, %mul3A_373 : i32
          %add3A_375 = arith.constant 0 : i32
          %add3A_376 = arith.addi %add3A_375, %mul3A_374 : i32
          %mul3A_377 = arith.constant 16 : i32
          %mul3A_378 = arith.muli %add3A_376, %mul3A_377 : i32
          %get3A = arith.index_cast %mul3A_378 : i32 to index
          %get3A_379 = tpu.vector_load %arg17[%get3A] {strides = array<i32>} : memref<80xf32, #tpu.memory_space<vmem>>, vector<16xf32>,
          %slice3A = vector.extract_strided_slice %get3A_379 {offsets = [0], sizes = [1], strides = [1]} : vector<16xf32> to vector<1xf32>
          %squeeze3A = vector.extract %slice3A[0] : f32 from vector<1xf32>
          %mul3A_380 = arith.constant 16 : i32
          %mul3A_381 = arith.muli %add3A_376, %mul3A_380 : i32
          %add3A_382 = arith.constant 0 : i32
          %add3A_383 = arith.addi %mul3A_381, %add3A_382 : i32
          %get3A_384 = arith.index_cast %add3A_383 : i32 to index
          %get3A_385 = arith.constant 0 : index
          %get3A_386 = tpu.vector_load %arg20[%get3A_384, %get3A_385] {strides = array<i32>} : memref<80x64xf32, #tpu.memory_space<vmem>>, vector<16xf32>,
          %mul3A_387 = vector.broadcast %squeeze3A : f32 to vector<16xf32>
          %mul3A_388 = arith.mulf %get3A_386, %mul3A_387 : vector<16xf32>
          %swap3A = arith.index_cast %add3A_383 : i32 to index
          %swap3A_389 = arith.constant 0 : index
          %swap3A_390 = tpu.vector_load %arg20[%swap3A, %swap3A_389] {strides = array<i32>} : memref<80x64xf32, #tpu.memory_space<vmem>>, vector<16xf32>,
          tpu.vector_store %arg20[%swap3A, %swap3A_389], %mul3A_388 {strides = array<i32>} : memref<80x64xf32, #tpu.memory_space<vmem>>, vector<16xf32>,
          %get3A_391 = arith.index_cast %add3A_383 : i32 to index
          %get3A_392 = arith.constant 16 : index
          %get3A_393 = tpu.vector_load %arg20[%get3A_391, %get3A_392] {strides = array<i32>} : memref<80x64xf32, #tpu.memory_space<vmem>>, vector<16xf32>,
          %mul3A_394 = vector.broadcast %squeeze3A : f32 to vector<16xf32>
          %mul3A_395 = arith.mulf %get3A_393, %mul3A_394 : vector<16xf32>
          %swap3A_396 = arith.index_cast %add3A_383 : i32 to index
          %swap3A_397 = arith.constant 16 : index
          %swap3A_398 = tpu.vector_load %arg20[%swap3A_396, %swap3A_397] {strides = array<i32>} : memref<80x64xf32, #tpu.memory_space<vmem>>, vector<16xf32>,
          tpu.vector_store %arg20[%swap3A_396, %swap3A_397], %mul3A_395 {strides = array<i32>} : memref<80x64xf32, #tpu.memory_space<vmem>>, vector<16xf32>,
          %get3A_399 = arith.index_cast %add3A_383 : i32 to index
          %get3A_400 = arith.constant 32 : index
          %get3A_401 = tpu.vector_load %arg20[%get3A_399, %get3A_400] {strides = array<i32>} : memref<80x64xf32, #tpu.memory_space<vmem>>, vector<16xf32>,
          %mul3A_402 = vector.broadcast %squeeze3A : f32 to vector<16xf32>
          %mul3A_403 = arith.mulf %get3A_401, %mul3A_402 : vector<16xf32>
          %swap3A_404 = arith.index_cast %add3A_383 : i32 to index
          %swap3A_405 = arith.constant 32 : index
          %swap3A_406 = tpu.vector_load %arg20[%swap3A_404, %swap3A_405] {strides = array<i32>} : memref<80x64xf32, #tpu.memory_space<vmem>>, vector<16xf32>,
          tpu.vector_store %arg20[%swap3A_404, %swap3A_405], %mul3A_403 {strides = array<i32>} : memref<80x64xf32, #tpu.memory_space<vmem>>, vector<16xf32>,
          %get3A_407 = arith.index_cast %add3A_383 : i32 to index
          %get3A_408 = arith.constant 48 : index
          %get3A_409 = tpu.vector_load %arg20[%get3A_407, %get3A_408] {strides = array<i32>} : memref<80x64xf32, #tpu.memory_space<vmem>>, vector<16xf32>,
          %mul3A_410 = vector.broadcast %squeeze3A : f32 to vector<16xf32>
          %mul3A_411 = arith.mulf %get3A_409, %mul3A_410 : vector<16xf32>
          %swap3A_412 = arith.index_cast %add3A_383 : i32 to index
          %swap3A_413 = arith.constant 48 : index
          %swap3A_414 = tpu.vector_load %arg20[%swap3A_412, %swap3A_413] {strides = array<i32>} : memref<80x64xf32, #tpu.memory_space<vmem>>, vector<16xf32>,
          tpu.vector_store %arg20[%swap3A_412, %swap3A_413], %mul3A_411 {strides = array<i32>} : memref<80x64xf32, #tpu.memory_space<vmem>>, vector<16xf32>,
          %slice3A_415 = vector.extract_strided_slice %get3A_379 {offsets = [1], sizes = [1], strides = [1]} : vector<16xf32> to vector<1xf32>
          %squeeze3A_416 = vector.extract %slice3A_415[0] : f32 from vector<1xf32>
          %mul3A_417 = arith.constant 16 : i32
          %mul3A_418 = arith.muli %add3A_376, %mul3A_417 : i32
          %add3A_419 = arith.constant 1 : i32
          %add3A_420 = arith.addi %mul3A_418, %add3A_419 : i32
          %get3A_421 = arith.index_cast %add3A_420 : i32 to index
          %get3A_422 = arith.constant 0 : index
          %get3A_423 = tpu.vector_load %arg20[%get3A_421, %get3A_422] {strides = array<i32>} : memref<80x64xf32, #tpu.memory_space<vmem>>, vector<16xf32>,
          %mul3A_424 = vector.broadcast %squeeze3A_416 : f32 to vector<16xf32>
          %mul3A_425 = arith.mulf %get3A_423, %mul3A_424 : vector<16xf32>
          %swap3A_426 = arith.index_cast %add3A_420 : i32 to index
          %swap3A_427 = arith.constant 0 : index
          %swap3A_428 = tpu.vector_load %arg20[%swap3A_426, %swap3A_427] {strides = array<i32>} : memref<80x64xf32, #tpu.memory_space<vmem>>, vector<16xf32>,
          tpu.vector_store %arg20[%swap3A_426, %swap3A_427], %mul3A_425 {strides = array<i32>} : memref<80x64xf32, #tpu.memory_space<vmem>>, vector<16xf32>,
          %get3A_429 = arith.index_cast %add3A_420 : i32 to index
          %get3A_430 = arith.constant 16 : index
          %get3A_431 = tpu.vector_load %arg20[%get3A_429, %get3A_430] {strides = array<i32>} : memref<80x64xf32, #tpu.memory_space<vmem>>, vector<16xf32>,
          %mul3A_432 = vector.broadcast %squeeze3A_416 : f32 to vector<16xf32>
          %mul3A_433 = arith.mulf %get3A_431, %mul3A_432 : vector<16xf32>
          %swap3A_434 = arith.index_cast %add3A_420 : i32 to index
          %swap3A_435 = arith.constant 16 : index
          %swap3A_436 = tpu.vector_load %arg20[%swap3A_434, %swap3A_435] {strides = array<i32>} : memref<80x64xf32, #tpu.memory_space<vmem>>, vector<16xf32>,
          tpu.vector_store %arg20[%swap3A_434, %swap3A_435], %mul3A_433 {strides = array<i32>} : memref<80x64xf32, #tpu.memory_space<vmem>>, vector<16xf32>,
          %get3A_437 = arith.index_cast %add3A_420 : i32 to index
          %get3A_438 = arith.constant 32 : index
          %get3A_439 = tpu.vector_load %arg20[%get3A_437, %get3A_438] {strides = array<i32>} : memref<80x64xf32, #tpu.memory_space<vmem>>, vector<16xf32>,
          %mul3A_440 = vector.broadcast %squeeze3A_416 : f32 to vector<16xf32>
          %mul3A_441 = arith.mulf %get3A_439, %mul3A_440 : vector<16xf32>
          %swap3A_442 = arith.index_cast %add3A_420 : i32 to index
          %swap3A_443 = arith.constant 32 : index
          %swap3A_444 = tpu.vector_load %arg20[%swap3A_442, %swap3A_443] {strides = array<i32>} : memref<80x64xf32, #tpu.memory_space<vmem>>, vector<16xf32>,
          tpu.vector_store %arg20[%swap3A_442, %swap3A_443], %mul3A_441 {strides = array<i32>} : memref<80x64xf32, #tpu.memory_space<vmem>>, vector<16xf32>,
          %get3A_445 = arith.index_cast %add3A_420 : i32 to index
          %get3A_446 = arith.constant 48 : index
          %get3A_447 = tpu.vector_load %arg20[%get3A_445, %get3A_446] {strides = array<i32>} : memref<80x64xf32, #tpu.memory_space<vmem>>, vector<16xf32>,
          %mul3A_448 = vector.broadcast %squeeze3A_416 : f32 to vector<16xf32>
          %mul3A_449 = arith.mulf %get3A_447, %mul3A_448 : vector<16xf32>
          %swap3A_450 = arith.index_cast %add3A_420 : i32 to index
          %swap3A_451 = arith.constant 48 : index
          %swap3A_452 = tpu.vector_load %arg20[%swap3A_450, %swap3A_451] {strides = array<i32>} : memref<80x64xf32, #tpu.memory_space<vmem>>, vector<16xf32>,
          tpu.vector_store %arg20[%swap3A_450, %swap3A_451], %mul3A_449 {strides = array<i32>} : memref<80x64xf32, #tpu.memory_space<vmem>>, vector<16xf32>,
          %slice3A_453 = vector.extract_strided_slice %get3A_379 {offsets = [2], sizes = [1], strides = [1]} : vector<16xf32> to vector<1xf32>
          %squeeze3A_454 = vector.extract %slice3A_453[0] : f32 from vector<1xf32>
          %mul3A_455 = arith.constant 16 : i32
          %mul3A_456 = arith.muli %add3A_376, %mul3A_455 : i32
          %add3A_457 = arith.constant 2 : i32
          %add3A_458 = arith.addi %mul3A_456, %add3A_457 : i32
          %get3A_459 = arith.index_cast %add3A_458 : i32 to index
          %get3A_460 = arith.constant 0 : index
          %get3A_461 = tpu.vector_load %arg20[%get3A_459, %get3A_460] {strides = array<i32>} : memref<80x64xf32, #tpu.memory_space<vmem>>, vector<16xf32>,
          %mul3A_462 = vector.broadcast %squeeze3A_454 : f32 to vector<16xf32>
          %mul3A_463 = arith.mulf %get3A_461, %mul3A_462 : vector<16xf32>
          %swap3A_464 = arith.index_cast %add3A_458 : i32 to index
          %swap3A_465 = arith.constant 0 : index
          %swap3A_466 = tpu.vector_load %arg20[%swap3A_464, %swap3A_465] {strides = array<i32>} : memref<80x64xf32, #tpu.memory_space<vmem>>, vector<16xf32>,
          tpu.vector_store %arg20[%swap3A_464, %swap3A_465], %mul3A_463 {strides = array<i32>} : memref<80x64xf32, #tpu.memory_space<vmem>>, vector<16xf32>,
          %get3A_467 = arith.index_cast %add3A_458 : i32 to index
          %get3A_468 = arith.constant 16 : index
          %get3A_469 = tpu.vector_load %arg20[%get3A_467, %get3A_468] {strides = array<i32>} : memref<80x64xf32, #tpu.memory_space<vmem>>, vector<16xf32>,
          %mul3A_470 = vector.broadcast %squeeze3A_454 : f32 to vector<16xf32>
          %mul3A_471 = arith.mulf %get3A_469, %mul3A_470 : vector<16xf32>
          %swap3A_472 = arith.index_cast %add3A_458 : i32 to index
          %swap3A_473 = arith.constant 16 : index
          %swap3A_474 = tpu.vector_load %arg20[%swap3A_472, %swap3A_473] {strides = array<i32>} : memref<80x64xf32, #tpu.memory_space<vmem>>, vector<16xf32>,
          tpu.vector_store %arg20[%swap3A_472, %swap3A_473], %mul3A_471 {strides = array<i32>} : memref<80x64xf32, #tpu.memory_space<vmem>>, vector<16xf32>,
          %get3A_475 = arith.index_cast %add3A_458 : i32 to index
          %get3A_476 = arith.constant 32 : index
          %get3A_477 = tpu.vector_load %arg20[%get3A_475, %get3A_476] {strides = array<i32>} : memref<80x64xf32, #tpu.memory_space<vmem>>, vector<16xf32>,
          %mul3A_478 = vector.broadcast %squeeze3A_454 : f32 to vector<16xf32>
          %mul3A_479 = arith.mulf %get3A_477, %mul3A_478 : vector<16xf32>
          %swap3A_480 = arith.index_cast %add3A_458 : i32 to index
          %swap3A_481 = arith.constant 32 : index
          %swap3A_482 = tpu.vector_load %arg20[%swap3A_480, %swap3A_481] {strides = array<i32>} : memref<80x64xf32, #tpu.memory_space<vmem>>, vector<16xf32>,
          tpu.vector_store %arg20[%swap3A_480, %swap3A_481], %mul3A_479 {strides = array<i32>} : memref<80x64xf32, #tpu.memory_space<vmem>>, vector<16xf32>,
          %get3A_483 = arith.index_cast %add3A_458 : i32 to index
          %get3A_484 = arith.constant 48 : index
          %get3A_485 = tpu.vector_load %arg20[%get3A_483, %get3A_484] {strides = array<i32>} : memref<80x64xf32, #tpu.memory_space<vmem>>, vector<16xf32>,
          %mul3A_486 = vector.broadcast %squeeze3A_454 : f32 to vector<16xf32>
          %mul3A_487 = arith.mulf %get3A_485, %mul3A_486 : vector<16xf32>
          %swap3A_488 = arith.index_cast %add3A_458 : i32 to index
          %swap3A_489 = arith.constant 48 : index
          %swap3A_490 = tpu.vector_load %arg20[%swap3A_488, %swap3A_489] {strides = array<i32>} : memref<80x64xf32, #tpu.memory_space<vmem>>, vector<16xf32>,
          tpu.vector_store %arg20[%swap3A_488, %swap3A_489], %mul3A_487 {strides = array<i32>} : memref<80x64xf32, #tpu.memory_space<vmem>>, vector<16xf32>,
          %slice3A_491 = vector.extract_strided_slice %get3A_379 {offsets = [3], sizes = [1], strides = [1]} : vector<16xf32> to vector<1xf32>
          %squeeze3A_492 = vector.extract %slice3A_491[0] : f32 from vector<1xf32>
          %mul3A_493 = arith.constant 16 : i32
          %mul3A_494 = arith.muli %add3A_376, %mul3A_493 : i32
          %add3A_495 = arith.constant 3 : i32
          %add3A_496 = arith.addi %mul3A_494, %add3A_495 : i32
          %get3A_497 = arith.index_cast %add3A_496 : i32 to index
          %get3A_498 = arith.constant 0 : index
          %get3A_499 = tpu.vector_load %arg20[%get3A_497, %get3A_498] {strides = array<i32>} : memref<80x64xf32, #tpu.memory_space<vmem>>, vector<16xf32>,
          %mul3A_500 = vector.broadcast %squeeze3A_492 : f32 to vector<16xf32>
          %mul3A_501 = arith.mulf %get3A_499, %mul3A_500 : vector<16xf32>
          %swap3A_502 = arith.index_cast %add3A_496 : i32 to index
          %swap3A_503 = arith.constant 0 : index
          %swap3A_504 = tpu.vector_load %arg20[%swap3A_502, %swap3A_503] {strides = array<i32>} : memref<80x64xf32, #tpu.memory_space<vmem>>, vector<16xf32>,
          tpu.vector_store %arg20[%swap3A_502, %swap3A_503], %mul3A_501 {strides = array<i32>} : memref<80x64xf32, #tpu.memory_space<vmem>>, vector<16xf32>,
          %get3A_505 = arith.index_cast %add3A_496 : i32 to index
          %get3A_506 = arith.constant 16 : index
          %get3A_507 = tpu.vector_load %arg20[%get3A_505, %get3A_506] {strides = array<i32>} : memref<80x64xf32, #tpu.memory_space<vmem>>, vector<16xf32>,
          %mul3A_508 = vector.broadcast %squeeze3A_492 : f32 to vector<16xf32>
          %mul3A_509 = arith.mulf %get3A_507, %mul3A_508 : vector<16xf32>
          %swap3A_510 = arith.index_cast %add3A_496 : i32 to index
          %swap3A_511 = arith.constant 16 : index
          %swap3A_512 = tpu.vector_load %arg20[%swap3A_510, %swap3A_511] {strides = array<i32>} : memref<80x64xf32, #tpu.memory_space<vmem>>, vector<16xf32>,
          tpu.vector_store %arg20[%swap3A_510, %swap3A_511], %mul3A_509 {strides = array<i32>} : memref<80x64xf32, #tpu.memory_space<vmem>>, vector<16xf32>,
          %get3A_513 = arith.index_cast %add3A_496 : i32 to index
          %get3A_514 = arith.constant 32 : index
          %get3A_515 = tpu.vector_load %arg20[%get3A_513, %get3A_514] {strides = array<i32>} : memref<80x64xf32, #tpu.memory_space<vmem>>, vector<16xf32>,
          %mul3A_516 = vector.broadcast %squeeze3A_492 : f32 to vector<16xf32>
          %mul3A_517 = arith.mulf %get3A_515, %mul3A_516 : vector<16xf32>
          %swap3A_518 = arith.index_cast %add3A_496 : i32 to index
          %swap3A_519 = arith.constant 32 : index
          %swap3A_520 = tpu.vector_load %arg20[%swap3A_518, %swap3A_519] {strides = array<i32>} : memref<80x64xf32, #tpu.memory_space<vmem>>, vector<16xf32>,
          tpu.vector_store %arg20[%swap3A_518, %swap3A_519], %mul3A_517 {strides = array<i32>} : memref<80x64xf32, #tpu.memory_space<vmem>>, vector<16xf32>,
          %get3A_521 = arith.index_cast %add3A_496 : i32 to index
          %get3A_522 = arith.constant 48 : index
          %get3A_523 = tpu.vector_load %arg20[%get3A_521, %get3A_522] {strides = array<i32>} : memref<80x64xf32, #tpu.memory_space<vmem>>, vector<16xf32>,
          %mul3A_524 = vector.broadcast %squeeze3A_492 : f32 to vector<16xf32>
          %mul3A_525 = arith.mulf %get3A_523, %mul3A_524 : vector<16xf32>
          %swap3A_526 = arith.index_cast %add3A_496 : i32 to index
          %swap3A_527 = arith.constant 48 : index
          %swap3A_528 = tpu.vector_load %arg20[%swap3A_526, %swap3A_527] {strides = array<i32>} : memref<80x64xf32, #tpu.memory_space<vmem>>, vector<16xf32>,
          tpu.vector_store %arg20[%swap3A_526, %swap3A_527], %mul3A_525 {strides = array<i32>} : memref<80x64xf32, #tpu.memory_space<vmem>>, vector<16xf32>,
          %slice3A_529 = vector.extract_strided_slice %get3A_379 {offsets = [4], sizes = [1], strides = [1]} : vector<16xf32> to vector<1xf32>
          %squeeze3A_530 = vector.extract %slice3A_529[0] : f32 from vector<1xf32>
          %mul3A_531 = arith.constant 16 : i32
          %mul3A_532 = arith.muli %add3A_376, %mul3A_531 : i32
          %add3A_533 = arith.constant 4 : i32
          %add3A_534 = arith.addi %mul3A_532, %add3A_533 : i32
          %get3A_535 = arith.index_cast %add3A_534 : i32 to index
          %get3A_536 = arith.constant 0 : index
          %get3A_537 = tpu.vector_load %arg20[%get3A_535, %get3A_536] {strides = array<i32>} : memref<80x64xf32, #tpu.memory_space<vmem>>, vector<16xf32>,
          %mul3A_538 = vector.broadcast %squeeze3A_530 : f32 to vector<16xf32>
          %mul3A_539 = arith.mulf %get3A_537, %mul3A_538 : vector<16xf32>
          %swap3A_540 = arith.index_cast %add3A_534 : i32 to index
          %swap3A_541 = arith.constant 0 : index
          %swap3A_542 = tpu.vector_load %arg20[%swap3A_540, %swap3A_541] {strides = array<i32>} : memref<80x64xf32, #tpu.memory_space<vmem>>, vector<16xf32>,
          tpu.vector_store %arg20[%swap3A_540, %swap3A_541], %mul3A_539 {strides = array<i32>} : memref<80x64xf32, #tpu.memory_space<vmem>>, vector<16xf32>,
          %get3A_543 = arith.index_cast %add3A_534 : i32 to index
          %get3A_544 = arith.constant 16 : index
          %get3A_545 = tpu.vector_load %arg20[%get3A_543, %get3A_544] {strides = array<i32>} : memref<80x64xf32, #tpu.memory_space<vmem>>, vector<16xf32>,
          %mul3A_546 = vector.broadcast %squeeze3A_530 : f32 to vector<16xf32>
          %mul3A_547 = arith.mulf %get3A_545, %mul3A_546 : vector<16xf32>
          %swap3A_548 = arith.index_cast %add3A_534 : i32 to index
          %swap3A_549 = arith.constant 16 : index
          %swap3A_550 = tpu.vector_load %arg20[%swap3A_548, %swap3A_549] {strides = array<i32>} : memref<80x64xf32, #tpu.memory_space<vmem>>, vector<16xf32>,
          tpu.vector_store %arg20[%swap3A_548, %swap3A_549], %mul3A_547 {strides = array<i32>} : memref<80x64xf32, #tpu.memory_space<vmem>>, vector<16xf32>,
          %get3A_551 = arith.index_cast %add3A_534 : i32 to index
          %get3A_552 = arith.constant 32 : index
          %get3A_553 = tpu.vector_load %arg20[%get3A_551, %get3A_552] {strides = array<i32>} : memref<80x64xf32, #tpu.memory_space<vmem>>, vector<16xf32>,
          %mul3A_554 = vector.broadcast %squeeze3A_530 : f32 to vector<16xf32>
          %mul3A_555 = arith.mulf %get3A_553, %mul3A_554 : vector<16xf32>
          %swap3A_556 = arith.index_cast %add3A_534 : i32 to index
          %swap3A_557 = arith.constant 32 : index
          %swap3A_558 = tpu.vector_load %arg20[%swap3A_556, %swap3A_557] {strides = array<i32>} : memref<80x64xf32, #tpu.memory_space<vmem>>, vector<16xf32>,
          tpu.vector_store %arg20[%swap3A_556, %swap3A_557], %mul3A_555 {strides = array<i32>} : memref<80x64xf32, #tpu.memory_space<vmem>>, vector<16xf32>,
          %get3A_559 = arith.index_cast %add3A_534 : i32 to index
          %get3A_560 = arith.constant 48 : index
          %get3A_561 = tpu.vector_load %arg20[%get3A_559, %get3A_560] {strides = array<i32>} : memref<80x64xf32, #tpu.memory_space<vmem>>, vector<16xf32>,
          %mul3A_562 = vector.broadcast %squeeze3A_530 : f32 to vector<16xf32>
          %mul3A_563 = arith.mulf %get3A_561, %mul3A_562 : vector<16xf32>
          %swap3A_564 = arith.index_cast %add3A_534 : i32 to index
          %swap3A_565 = arith.constant 48 : index
          %swap3A_566 = tpu.vector_load %arg20[%swap3A_564, %swap3A_565] {strides = array<i32>} : memref<80x64xf32, #tpu.memory_space<vmem>>, vector<16xf32>,
          tpu.vector_store %arg20[%swap3A_564, %swap3A_565], %mul3A_563 {strides = array<i32>} : memref<80x64xf32, #tpu.memory_space<vmem>>, vector<16xf32>,
          %slice3A_567 = vector.extract_strided_slice %get3A_379 {offsets = [5], sizes = [1], strides = [1]} : vector<16xf32> to vector<1xf32>
          %squeeze3A_568 = vector.extract %slice3A_567[0] : f32 from vector<1xf32>
          %mul3A_569 = arith.constant 16 : i32
          %mul3A_570 = arith.muli %add3A_376, %mul3A_569 : i32
          %add3A_571 = arith.constant 5 : i32
          %add3A_572 = arith.addi %mul3A_570, %add3A_571 : i32
          %get3A_573 = arith.index_cast %add3A_572 : i32 to index
          %get3A_574 = arith.constant 0 : index
          %get3A_575 = tpu.vector_load %arg20[%get3A_573, %get3A_574] {strides = array<i32>} : memref<80x64xf32, #tpu.memory_space<vmem>>, vector<16xf32>,
          %mul3A_576 = vector.broadcast %squeeze3A_568 : f32 to vector<16xf32>
          %mul3A_577 = arith.mulf %get3A_575, %mul3A_576 : vector<16xf32>
          %swap3A_578 = arith.index_cast %add3A_572 : i32 to index
          %swap3A_579 = arith.constant 0 : index
          %swap3A_580 = tpu.vector_load %arg20[%swap3A_578, %swap3A_579] {strides = array<i32>} : memref<80x64xf32, #tpu.memory_space<vmem>>, vector<16xf32>,
          tpu.vector_store %arg20[%swap3A_578, %swap3A_579], %mul3A_577 {strides = array<i32>} : memref<80x64xf32, #tpu.memory_space<vmem>>, vector<16xf32>,
          %get3A_581 = arith.index_cast %add3A_572 : i32 to index
          %get3A_582 = arith.constant 16 : index
          %get3A_583 = tpu.vector_load %arg20[%get3A_581, %get3A_582] {strides = array<i32>} : memref<80x64xf32, #tpu.memory_space<vmem>>, vector<16xf32>,
          %mul3A_584 = vector.broadcast %squeeze3A_568 : f32 to vector<16xf32>
          %mul3A_585 = arith.mulf %get3A_583, %mul3A_584 : vector<16xf32>
          %swap3A_586 = arith.index_cast %add3A_572 : i32 to index
          %swap3A_587 = arith.constant 16 : index
          %swap3A_588 = tpu.vector_load %arg20[%swap3A_586, %swap3A_587] {strides = array<i32>} : memref<80x64xf32, #tpu.memory_space<vmem>>, vector<16xf32>,
          tpu.vector_store %arg20[%swap3A_586, %swap3A_587], %mul3A_585 {strides = array<i32>} : memref<80x64xf32, #tpu.memory_space<vmem>>, vector<16xf32>,
          %get3A_589 = arith.index_cast %add3A_572 : i32 to index
          %get3A_590 = arith.constant 32 : index
          %get3A_591 = tpu.vector_load %arg20[%get3A_589, %get3A_590] {strides = array<i32>} : memref<80x64xf32, #tpu.memory_space<vmem>>, vector<16xf32>,
          %mul3A_592 = vector.broadcast %squeeze3A_568 : f32 to vector<16xf32>
          %mul3A_593 = arith.mulf %get3A_591, %mul3A_592 : vector<16xf32>
          %swap3A_594 = arith.index_cast %add3A_572 : i32 to index
          %swap3A_595 = arith.constant 32 : index
          %swap3A_596 = tpu.vector_load %arg20[%swap3A_594, %swap3A_595] {strides = array<i32>} : memref<80x64xf32, #tpu.memory_space<vmem>>, vector<16xf32>,
          tpu.vector_store %arg20[%swap3A_594, %swap3A_595], %mul3A_593 {strides = array<i32>} : memref<80x64xf32, #tpu.memory_space<vmem>>, vector<16xf32>,
          %get3A_597 = arith.index_cast %add3A_572 : i32 to index
          %get3A_598 = arith.constant 48 : index
          %get3A_599 = tpu.vector_load %arg20[%get3A_597, %get3A_598] {strides = array<i32>} : memref<80x64xf32, #tpu.memory_space<vmem>>, vector<16xf32>,
          %mul3A_600 = vector.broadcast %squeeze3A_568 : f32 to vector<16xf32>
          %mul3A_601 = arith.mulf %get3A_599, %mul3A_600 : vector<16xf32>
          %swap3A_602 = arith.index_cast %add3A_572 : i32 to index
          %swap3A_603 = arith.constant 48 : index
          %swap3A_604 = tpu.vector_load %arg20[%swap3A_602, %swap3A_603] {strides = array<i32>} : memref<80x64xf32, #tpu.memory_space<vmem>>, vector<16xf32>,
          tpu.vector_store %arg20[%swap3A_602, %swap3A_603], %mul3A_601 {strides = array<i32>} : memref<80x64xf32, #tpu.memory_space<vmem>>, vector<16xf32>,
          %slice3A_605 = vector.extract_strided_slice %get3A_379 {offsets = [6], sizes = [1], strides = [1]} : vector<16xf32> to vector<1xf32>
          %squeeze3A_606 = vector.extract %slice3A_605[0] : f32 from vector<1xf32>
          %mul3A_607 = arith.constant 16 : i32
          %mul3A_608 = arith.muli %add3A_376, %mul3A_607 : i32
          %add3A_609 = arith.constant 6 : i32
          %add3A_610 = arith.addi %mul3A_608, %add3A_609 : i32
          %get3A_611 = arith.index_cast %add3A_610 : i32 to index
          %get3A_612 = arith.constant 0 : index
          %get3A_613 = tpu.vector_load %arg20[%get3A_611, %get3A_612] {strides = array<i32>} : memref<80x64xf32, #tpu.memory_space<vmem>>, vector<16xf32>,
          %mul3A_614 = vector.broadcast %squeeze3A_606 : f32 to vector<16xf32>
          %mul3A_615 = arith.mulf %get3A_613, %mul3A_614 : vector<16xf32>
          %swap3A_616 = arith.index_cast %add3A_610 : i32 to index
          %swap3A_617 = arith.constant 0 : index
          %swap3A_618 = tpu.vector_load %arg20[%swap3A_616, %swap3A_617] {strides = array<i32>} : memref<80x64xf32, #tpu.memory_space<vmem>>, vector<16xf32>,
          tpu.vector_store %arg20[%swap3A_616, %swap3A_617], %mul3A_615 {strides = array<i32>} : memref<80x64xf32, #tpu.memory_space<vmem>>, vector<16xf32>,
          %get3A_619 = arith.index_cast %add3A_610 : i32 to index
          %get3A_620 = arith.constant 16 : index
          %get3A_621 = tpu.vector_load %arg20[%get3A_619, %get3A_620] {strides = array<i32>} : memref<80x64xf32, #tpu.memory_space<vmem>>, vector<16xf32>,
          %mul3A_622 = vector.broadcast %squeeze3A_606 : f32 to vector<16xf32>
          %mul3A_623 = arith.mulf %get3A_621, %mul3A_622 : vector<16xf32>
          %swap3A_624 = arith.index_cast %add3A_610 : i32 to index
          %swap3A_625 = arith.constant 16 : index
          %swap3A_626 = tpu.vector_load %arg20[%swap3A_624, %swap3A_625] {strides = array<i32>} : memref<80x64xf32, #tpu.memory_space<vmem>>, vector<16xf32>,
          tpu.vector_store %arg20[%swap3A_624, %swap3A_625], %mul3A_623 {strides = array<i32>} : memref<80x64xf32, #tpu.memory_space<vmem>>, vector<16xf32>,
          %get3A_627 = arith.index_cast %add3A_610 : i32 to index
          %get3A_628 = arith.constant 32 : index
          %get3A_629 = tpu.vector_load %arg20[%get3A_627, %get3A_628] {strides = array<i32>} : memref<80x64xf32, #tpu.memory_space<vmem>>, vector<16xf32>,
          %mul3A_630 = vector.broadcast %squeeze3A_606 : f32 to vector<16xf32>
          %mul3A_631 = arith.mulf %get3A_629, %mul3A_630 : vector<16xf32>
          %swap3A_632 = arith.index_cast %add3A_610 : i32 to index
          %swap3A_633 = arith.constant 32 : index
          %swap3A_634 = tpu.vector_load %arg20[%swap3A_632, %swap3A_633] {strides = array<i32>} : memref<80x64xf32, #tpu.memory_space<vmem>>, vector<16xf32>,
          tpu.vector_store %arg20[%swap3A_632, %swap3A_633], %mul3A_631 {strides = array<i32>} : memref<80x64xf32, #tpu.memory_space<vmem>>, vector<16xf32>,
          %get3A_635 = arith.index_cast %add3A_610 : i32 to index
          %get3A_636 = arith.constant 48 : index
          %get3A_637 = tpu.vector_load %arg20[%get3A_635, %get3A_636] {strides = array<i32>} : memref<80x64xf32, #tpu.memory_space<vmem>>, vector<16xf32>,
          %mul3A_638 = vector.broadcast %squeeze3A_606 : f32 to vector<16xf32>
          %mul3A_639 = arith.mulf %get3A_637, %mul3A_638 : vector<16xf32>
          %swap3A_640 = arith.index_cast %add3A_610 : i32 to index
          %swap3A_641 = arith.constant 48 : index
          %swap3A_642 = tpu.vector_load %arg20[%swap3A_640, %swap3A_641] {strides = array<i32>} : memref<80x64xf32, #tpu.memory_space<vmem>>, vector<16xf32>,
          tpu.vector_store %arg20[%swap3A_640, %swap3A_641], %mul3A_639 {strides = array<i32>} : memref<80x64xf32, #tpu.memory_space<vmem>>, vector<16xf32>,
          %slice3A_643 = vector.extract_strided_slice %get3A_379 {offsets = [7], sizes = [1], strides = [1]} : vector<16xf32> to vector<1xf32>
          %squeeze3A_644 = vector.extract %slice3A_643[0] : f32 from vector<1xf32>
          %mul3A_645 = arith.constant 16 : i32
          %mul3A_646 = arith.muli %add3A_376, %mul3A_645 : i32
          %add3A_647 = arith.constant 7 : i32
          %add3A_648 = arith.addi %mul3A_646, %add3A_647 : i32
          %get3A_649 = arith.index_cast %add3A_648 : i32 to index
          %get3A_650 = arith.constant 0 : index
          %get3A_651 = tpu.vector_load %arg20[%get3A_649, %get3A_650] {strides = array<i32>} : memref<80x64xf32, #tpu.memory_space<vmem>>, vector<16xf32>,
          %mul3A_652 = vector.broadcast %squeeze3A_644 : f32 to vector<16xf32>
          %mul3A_653 = arith.mulf %get3A_651, %mul3A_652 : vector<16xf32>
          %swap3A_654 = arith.index_cast %add3A_648 : i32 to index
          %swap3A_655 = arith.constant 0 : index
          %swap3A_656 = tpu.vector_load %arg20[%swap3A_654, %swap3A_655] {strides = array<i32>} : memref<80x64xf32, #tpu.memory_space<vmem>>, vector<16xf32>,
          tpu.vector_store %arg20[%swap3A_654, %swap3A_655], %mul3A_653 {strides = array<i32>} : memref<80x64xf32, #tpu.memory_space<vmem>>, vector<16xf32>,
          %get3A_657 = arith.index_cast %add3A_648 : i32 to index
          %get3A_658 = arith.constant 16 : index
          %get3A_659 = tpu.vector_load %arg20[%get3A_657, %get3A_658] {strides = array<i32>} : memref<80x64xf32, #tpu.memory_space<vmem>>, vector<16xf32>,
          %mul3A_660 = vector.broadcast %squeeze3A_644 : f32 to vector<16xf32>
          %mul3A_661 = arith.mulf %get3A_659, %mul3A_660 : vector<16xf32>
          %swap3A_662 = arith.index_cast %add3A_648 : i32 to index
          %swap3A_663 = arith.constant 16 : index
          %swap3A_664 = tpu.vector_load %arg20[%swap3A_662, %swap3A_663] {strides = array<i32>} : memref<80x64xf32, #tpu.memory_space<vmem>>, vector<16xf32>,
          tpu.vector_store %arg20[%swap3A_662, %swap3A_663], %mul3A_661 {strides = array<i32>} : memref<80x64xf32, #tpu.memory_space<vmem>>, vector<16xf32>,
          %get3A_665 = arith.index_cast %add3A_648 : i32 to index
          %get3A_666 = arith.constant 32 : index
          %get3A_667 = tpu.vector_load %arg20[%get3A_665, %get3A_666] {strides = array<i32>} : memref<80x64xf32, #tpu.memory_space<vmem>>, vector<16xf32>,
          %mul3A_668 = vector.broadcast %squeeze3A_644 : f32 to vector<16xf32>
          %mul3A_669 = arith.mulf %get3A_667, %mul3A_668 : vector<16xf32>
          %swap3A_670 = arith.index_cast %add3A_648 : i32 to index
          %swap3A_671 = arith.constant 32 : index
          %swap3A_672 = tpu.vector_load %arg20[%swap3A_670, %swap3A_671] {strides = array<i32>} : memref<80x64xf32, #tpu.memory_space<vmem>>, vector<16xf32>,
          tpu.vector_store %arg20[%swap3A_670, %swap3A_671], %mul3A_669 {strides = array<i32>} : memref<80x64xf32, #tpu.memory_space<vmem>>, vector<16xf32>,
          %get3A_673 = arith.index_cast %add3A_648 : i32 to index
          %get3A_674 = arith.constant 48 : index
          %get3A_675 = tpu.vector_load %arg20[%get3A_673, %get3A_674] {strides = array<i32>} : memref<80x64xf32, #tpu.memory_space<vmem>>, vector<16xf32>,
          %mul3A_676 = vector.broadcast %squeeze3A_644 : f32 to vector<16xf32>
          %mul3A_677 = arith.mulf %get3A_675, %mul3A_676 : vector<16xf32>
          %swap3A_678 = arith.index_cast %add3A_648 : i32 to index
          %swap3A_679 = arith.constant 48 : index
          %swap3A_680 = tpu.vector_load %arg20[%swap3A_678, %swap3A_679] {strides = array<i32>} : memref<80x64xf32, #tpu.memory_space<vmem>>, vector<16xf32>,
          tpu.vector_store %arg20[%swap3A_678, %swap3A_679], %mul3A_677 {strides = array<i32>} : memref<80x64xf32, #tpu.memory_space<vmem>>, vector<16xf32>,
          %slice3A_681 = vector.extract_strided_slice %get3A_379 {offsets = [8], sizes = [1], strides = [1]} : vector<16xf32> to vector<1xf32>
          %squeeze3A_682 = vector.extract %slice3A_681[0] : f32 from vector<1xf32>
          %mul3A_683 = arith.constant 16 : i32
          %mul3A_684 = arith.muli %add3A_376, %mul3A_683 : i32
          %add3A_685 = arith.constant 8 : i32
          %add3A_686 = arith.addi %mul3A_684, %add3A_685 : i32
          %get3A_687 = arith.index_cast %add3A_686 : i32 to index
          %get3A_688 = arith.constant 0 : index
          %get3A_689 = tpu.vector_load %arg20[%get3A_687, %get3A_688] {strides = array<i32>} : memref<80x64xf32, #tpu.memory_space<vmem>>, vector<16xf32>,
          %mul3A_690 = vector.broadcast %squeeze3A_682 : f32 to vector<16xf32>
          %mul3A_691 = arith.mulf %get3A_689, %mul3A_690 : vector<16xf32>
          %swap3A_692 = arith.index_cast %add3A_686 : i32 to index
          %swap3A_693 = arith.constant 0 : index
          %swap3A_694 = tpu.vector_load %arg20[%swap3A_692, %swap3A_693] {strides = array<i32>} : memref<80x64xf32, #tpu.memory_space<vmem>>, vector<16xf32>,
          tpu.vector_store %arg20[%swap3A_692, %swap3A_693], %mul3A_691 {strides = array<i32>} : memref<80x64xf32, #tpu.memory_space<vmem>>, vector<16xf32>,
          %get3A_695 = arith.index_cast %add3A_686 : i32 to index
          %get3A_696 = arith.constant 16 : index
          %get3A_697 = tpu.vector_load %arg20[%get3A_695, %get3A_696] {strides = array<i32>} : memref<80x64xf32, #tpu.memory_space<vmem>>, vector<16xf32>,
          %mul3A_698 = vector.broadcast %squeeze3A_682 : f32 to vector<16xf32>
          %mul3A_699 = arith.mulf %get3A_697, %mul3A_698 : vector<16xf32>
          %swap3A_700 = arith.index_cast %add3A_686 : i32 to index
          %swap3A_701 = arith.constant 16 : index
          %swap3A_702 = tpu.vector_load %arg20[%swap3A_700, %swap3A_701] {strides = array<i32>} : memref<80x64xf32, #tpu.memory_space<vmem>>, vector<16xf32>,
          tpu.vector_store %arg20[%swap3A_700, %swap3A_701], %mul3A_699 {strides = array<i32>} : memref<80x64xf32, #tpu.memory_space<vmem>>, vector<16xf32>,
          %get3A_703 = arith.index_cast %add3A_686 : i32 to index
          %get3A_704 = arith.constant 32 : index
          %get3A_705 = tpu.vector_load %arg20[%get3A_703, %get3A_704] {strides = array<i32>} : memref<80x64xf32, #tpu.memory_space<vmem>>, vector<16xf32>,
          %mul3A_706 = vector.broadcast %squeeze3A_682 : f32 to vector<16xf32>
          %mul3A_707 = arith.mulf %get3A_705, %mul3A_706 : vector<16xf32>
          %swap3A_708 = arith.index_cast %add3A_686 : i32 to index
          %swap3A_709 = arith.constant 32 : index
          %swap3A_710 = tpu.vector_load %arg20[%swap3A_708, %swap3A_709] {strides = array<i32>} : memref<80x64xf32, #tpu.memory_space<vmem>>, vector<16xf32>,
          tpu.vector_store %arg20[%swap3A_708, %swap3A_709], %mul3A_707 {strides = array<i32>} : memref<80x64xf32, #tpu.memory_space<vmem>>, vector<16xf32>,
          %get3A_711 = arith.index_cast %add3A_686 : i32 to index
          %get3A_712 = arith.constant 48 : index
          %get3A_713 = tpu.vector_load %arg20[%get3A_711, %get3A_712] {strides = array<i32>} : memref<80x64xf32, #tpu.memory_space<vmem>>, vector<16xf32>,
          %mul3A_714 = vector.broadcast %squeeze3A_682 : f32 to vector<16xf32>
          %mul3A_715 = arith.mulf %get3A_713, %mul3A_714 : vector<16xf32>
          %swap3A_716 = arith.index_cast %add3A_686 : i32 to index
          %swap3A_717 = arith.constant 48 : index
          %swap3A_718 = tpu.vector_load %arg20[%swap3A_716, %swap3A_717] {strides = array<i32>} : memref<80x64xf32, #tpu.memory_space<vmem>>, vector<16xf32>,
          tpu.vector_store %arg20[%swap3A_716, %swap3A_717], %mul3A_715 {strides = array<i32>} : memref<80x64xf32, #tpu.memory_space<vmem>>, vector<16xf32>,
          %slice3A_719 = vector.extract_strided_slice %get3A_379 {offsets = [9], sizes = [1], strides = [1]} : vector<16xf32> to vector<1xf32>
          %squeeze3A_720 = vector.extract %slice3A_719[0] : f32 from vector<1xf32>
          %mul3A_721 = arith.constant 16 : i32
          %mul3A_722 = arith.muli %add3A_376, %mul3A_721 : i32
          %add3A_723 = arith.constant 9 : i32
          %add3A_724 = arith.addi %mul3A_722, %add3A_723 : i32
          %get3A_725 = arith.index_cast %add3A_724 : i32 to index
          %get3A_726 = arith.constant 0 : index
          %get3A_727 = tpu.vector_load %arg20[%get3A_725, %get3A_726] {strides = array<i32>} : memref<80x64xf32, #tpu.memory_space<vmem>>, vector<16xf32>,
          %mul3A_728 = vector.broadcast %squeeze3A_720 : f32 to vector<16xf32>
          %mul3A_729 = arith.mulf %get3A_727, %mul3A_728 : vector<16xf32>
          %swap3A_730 = arith.index_cast %add3A_724 : i32 to index
          %swap3A_731 = arith.constant 0 : index
          %swap3A_732 = tpu.vector_load %arg20[%swap3A_730, %swap3A_731] {strides = array<i32>} : memref<80x64xf32, #tpu.memory_space<vmem>>, vector<16xf32>,
          tpu.vector_store %arg20[%swap3A_730, %swap3A_731], %mul3A_729 {strides = array<i32>} : memref<80x64xf32, #tpu.memory_space<vmem>>, vector<16xf32>,
          %get3A_733 = arith.index_cast %add3A_724 : i32 to index
          %get3A_734 = arith.constant 16 : index
          %get3A_735 = tpu.vector_load %arg20[%get3A_733, %get3A_734] {strides = array<i32>} : memref<80x64xf32, #tpu.memory_space<vmem>>, vector<16xf32>,
          %mul3A_736 = vector.broadcast %squeeze3A_720 : f32 to vector<16xf32>
          %mul3A_737 = arith.mulf %get3A_735, %mul3A_736 : vector<16xf32>
          %swap3A_738 = arith.index_cast %add3A_724 : i32 to index
          %swap3A_739 = arith.constant 16 : index
          %swap3A_740 = tpu.vector_load %arg20[%swap3A_738, %swap3A_739] {strides = array<i32>} : memref<80x64xf32, #tpu.memory_space<vmem>>, vector<16xf32>,
          tpu.vector_store %arg20[%swap3A_738, %swap3A_739], %mul3A_737 {strides = array<i32>} : memref<80x64xf32, #tpu.memory_space<vmem>>, vector<16xf32>,
          %get3A_741 = arith.index_cast %add3A_724 : i32 to index
          %get3A_742 = arith.constant 32 : index
          %get3A_743 = tpu.vector_load %arg20[%get3A_741, %get3A_742] {strides = array<i32>} : memref<80x64xf32, #tpu.memory_space<vmem>>, vector<16xf32>,
          %mul3A_744 = vector.broadcast %squeeze3A_720 : f32 to vector<16xf32>
          %mul3A_745 = arith.mulf %get3A_743, %mul3A_744 : vector<16xf32>
          %swap3A_746 = arith.index_cast %add3A_724 : i32 to index
          %swap3A_747 = arith.constant 32 : index
          %swap3A_748 = tpu.vector_load %arg20[%swap3A_746, %swap3A_747] {strides = array<i32>} : memref<80x64xf32, #tpu.memory_space<vmem>>, vector<16xf32>,
          tpu.vector_store %arg20[%swap3A_746, %swap3A_747], %mul3A_745 {strides = array<i32>} : memref<80x64xf32, #tpu.memory_space<vmem>>, vector<16xf32>,
          %get3A_749 = arith.index_cast %add3A_724 : i32 to index
          %get3A_750 = arith.constant 48 : index
          %get3A_751 = tpu.vector_load %arg20[%get3A_749, %get3A_750] {strides = array<i32>} : memref<80x64xf32, #tpu.memory_space<vmem>>, vector<16xf32>,
          %mul3A_752 = vector.broadcast %squeeze3A_720 : f32 to vector<16xf32>
          %mul3A_753 = arith.mulf %get3A_751, %mul3A_752 : vector<16xf32>
          %swap3A_754 = arith.index_cast %add3A_724 : i32 to index
          %swap3A_755 = arith.constant 48 : index
          %swap3A_756 = tpu.vector_load %arg20[%swap3A_754, %swap3A_755] {strides = array<i32>} : memref<80x64xf32, #tpu.memory_space<vmem>>, vector<16xf32>,
          tpu.vector_store %arg20[%swap3A_754, %swap3A_755], %mul3A_753 {strides = array<i32>} : memref<80x64xf32, #tpu.memory_space<vmem>>, vector<16xf32>,
          %slice3A_757 = vector.extract_strided_slice %get3A_379 {offsets = [10], sizes = [1], strides = [1]} : vector<16xf32> to vector<1xf32>
          %squeeze3A_758 = vector.extract %slice3A_757[0] : f32 from vector<1xf32>
          %mul3A_759 = arith.constant 16 : i32
          %mul3A_760 = arith.muli %add3A_376, %mul3A_759 : i32
          %add3A_761 = arith.constant 10 : i32
          %add3A_762 = arith.addi %mul3A_760, %add3A_761 : i32
          %get3A_763 = arith.index_cast %add3A_762 : i32 to index
          %get3A_764 = arith.constant 0 : index
          %get3A_765 = tpu.vector_load %arg20[%get3A_763, %get3A_764] {strides = array<i32>} : memref<80x64xf32, #tpu.memory_space<vmem>>, vector<16xf32>,
          %mul3A_766 = vector.broadcast %squeeze3A_758 : f32 to vector<16xf32>
          %mul3A_767 = arith.mulf %get3A_765, %mul3A_766 : vector<16xf32>
          %swap3A_768 = arith.index_cast %add3A_762 : i32 to index
          %swap3A_769 = arith.constant 0 : index
          %swap3A_770 = tpu.vector_load %arg20[%swap3A_768, %swap3A_769] {strides = array<i32>} : memref<80x64xf32, #tpu.memory_space<vmem>>, vector<16xf32>,
          tpu.vector_store %arg20[%swap3A_768, %swap3A_769], %mul3A_767 {strides = array<i32>} : memref<80x64xf32, #tpu.memory_space<vmem>>, vector<16xf32>,
          %get3A_771 = arith.index_cast %add3A_762 : i32 to index
          %get3A_772 = arith.constant 16 : index
          %get3A_773 = tpu.vector_load %arg20[%get3A_771, %get3A_772] {strides = array<i32>} : memref<80x64xf32, #tpu.memory_space<vmem>>, vector<16xf32>,
          %mul3A_774 = vector.broadcast %squeeze3A_758 : f32 to vector<16xf32>
          %mul3A_775 = arith.mulf %get3A_773, %mul3A_774 : vector<16xf32>
          %swap3A_776 = arith.index_cast %add3A_762 : i32 to index
          %swap3A_777 = arith.constant 16 : index
          %swap3A_778 = tpu.vector_load %arg20[%swap3A_776, %swap3A_777] {strides = array<i32>} : memref<80x64xf32, #tpu.memory_space<vmem>>, vector<16xf32>,
          tpu.vector_store %arg20[%swap3A_776, %swap3A_777], %mul3A_775 {strides = array<i32>} : memref<80x64xf32, #tpu.memory_space<vmem>>, vector<16xf32>,
          %get3A_779 = arith.index_cast %add3A_762 : i32 to index
          %get3A_780 = arith.constant 32 : index
          %get3A_781 = tpu.vector_load %arg20[%get3A_779, %get3A_780] {strides = array<i32>} : memref<80x64xf32, #tpu.memory_space<vmem>>, vector<16xf32>,
          %mul3A_782 = vector.broadcast %squeeze3A_758 : f32 to vector<16xf32>
          %mul3A_783 = arith.mulf %get3A_781, %mul3A_782 : vector<16xf32>
          %swap3A_784 = arith.index_cast %add3A_762 : i32 to index
          %swap3A_785 = arith.constant 32 : index
          %swap3A_786 = tpu.vector_load %arg20[%swap3A_784, %swap3A_785] {strides = array<i32>} : memref<80x64xf32, #tpu.memory_space<vmem>>, vector<16xf32>,
          tpu.vector_store %arg20[%swap3A_784, %swap3A_785], %mul3A_783 {strides = array<i32>} : memref<80x64xf32, #tpu.memory_space<vmem>>, vector<16xf32>,
          %get3A_787 = arith.index_cast %add3A_762 : i32 to index
          %get3A_788 = arith.constant 48 : index
          %get3A_789 = tpu.vector_load %arg20[%get3A_787, %get3A_788] {strides = array<i32>} : memref<80x64xf32, #tpu.memory_space<vmem>>, vector<16xf32>,
          %mul3A_790 = vector.broadcast %squeeze3A_758 : f32 to vector<16xf32>
          %mul3A_791 = arith.mulf %get3A_789, %mul3A_790 : vector<16xf32>
          %swap3A_792 = arith.index_cast %add3A_762 : i32 to index
          %swap3A_793 = arith.constant 48 : index
          %swap3A_794 = tpu.vector_load %arg20[%swap3A_792, %swap3A_793] {strides = array<i32>} : memref<80x64xf32, #tpu.memory_space<vmem>>, vector<16xf32>,
          tpu.vector_store %arg20[%swap3A_792, %swap3A_793], %mul3A_791 {strides = array<i32>} : memref<80x64xf32, #tpu.memory_space<vmem>>, vector<16xf32>,
          %slice3A_795 = vector.extract_strided_slice %get3A_379 {offsets = [11], sizes = [1], strides = [1]} : vector<16xf32> to vector<1xf32>
          %squeeze3A_796 = vector.extract %slice3A_795[0] : f32 from vector<1xf32>
          %mul3A_797 = arith.constant 16 : i32
          %mul3A_798 = arith.muli %add3A_376, %mul3A_797 : i32
          %add3A_799 = arith.constant 11 : i32
          %add3A_800 = arith.addi %mul3A_798, %add3A_799 : i32
          %get3A_801 = arith.index_cast %add3A_800 : i32 to index
          %get3A_802 = arith.constant 0 : index
          %get3A_803 = tpu.vector_load %arg20[%get3A_801, %get3A_802] {strides = array<i32>} : memref<80x64xf32, #tpu.memory_space<vmem>>, vector<16xf32>,
          %mul3A_804 = vector.broadcast %squeeze3A_796 : f32 to vector<16xf32>
          %mul3A_805 = arith.mulf %get3A_803, %mul3A_804 : vector<16xf32>
          %swap3A_806 = arith.index_cast %add3A_800 : i32 to index
          %swap3A_807 = arith.constant 0 : index
          %swap3A_808 = tpu.vector_load %arg20[%swap3A_806, %swap3A_807] {strides = array<i32>} : memref<80x64xf32, #tpu.memory_space<vmem>>, vector<16xf32>,
          tpu.vector_store %arg20[%swap3A_806, %swap3A_807], %mul3A_805 {strides = array<i32>} : memref<80x64xf32, #tpu.memory_space<vmem>>, vector<16xf32>,
          %get3A_809 = arith.index_cast %add3A_800 : i32 to index
          %get3A_810 = arith.constant 16 : index
          %get3A_811 = tpu.vector_load %arg20[%get3A_809, %get3A_810] {strides = array<i32>} : memref<80x64xf32, #tpu.memory_space<vmem>>, vector<16xf32>,
          %mul3A_812 = vector.broadcast %squeeze3A_796 : f32 to vector<16xf32>
          %mul3A_813 = arith.mulf %get3A_811, %mul3A_812 : vector<16xf32>
          %swap3A_814 = arith.index_cast %add3A_800 : i32 to index
          %swap3A_815 = arith.constant 16 : index
          %swap3A_816 = tpu.vector_load %arg20[%swap3A_814, %swap3A_815] {strides = array<i32>} : memref<80x64xf32, #tpu.memory_space<vmem>>, vector<16xf32>,
          tpu.vector_store %arg20[%swap3A_814, %swap3A_815], %mul3A_813 {strides = array<i32>} : memref<80x64xf32, #tpu.memory_space<vmem>>, vector<16xf32>,
          %get3A_817 = arith.index_cast %add3A_800 : i32 to index
          %get3A_818 = arith.constant 32 : index
          %get3A_819 = tpu.vector_load %arg20[%get3A_817, %get3A_818] {strides = array<i32>} : memref<80x64xf32, #tpu.memory_space<vmem>>, vector<16xf32>,
          %mul3A_820 = vector.broadcast %squeeze3A_796 : f32 to vector<16xf32>
          %mul3A_821 = arith.mulf %get3A_819, %mul3A_820 : vector<16xf32>
          %swap3A_822 = arith.index_cast %add3A_800 : i32 to index
          %swap3A_823 = arith.constant 32 : index
          %swap3A_824 = tpu.vector_load %arg20[%swap3A_822, %swap3A_823] {strides = array<i32>} : memref<80x64xf32, #tpu.memory_space<vmem>>, vector<16xf32>,
          tpu.vector_store %arg20[%swap3A_822, %swap3A_823], %mul3A_821 {strides = array<i32>} : memref<80x64xf32, #tpu.memory_space<vmem>>, vector<16xf32>,
          %get3A_825 = arith.index_cast %add3A_800 : i32 to index
          %get3A_826 = arith.constant 48 : index
          %get3A_827 = tpu.vector_load %arg20[%get3A_825, %get3A_826] {strides = array<i32>} : memref<80x64xf32, #tpu.memory_space<vmem>>, vector<16xf32>,
          %mul3A_828 = vector.broadcast %squeeze3A_796 : f32 to vector<16xf32>
          %mul3A_829 = arith.mulf %get3A_827, %mul3A_828 : vector<16xf32>
          %swap3A_830 = arith.index_cast %add3A_800 : i32 to index
          %swap3A_831 = arith.constant 48 : index
          %swap3A_832 = tpu.vector_load %arg20[%swap3A_830, %swap3A_831] {strides = array<i32>} : memref<80x64xf32, #tpu.memory_space<vmem>>, vector<16xf32>,
          tpu.vector_store %arg20[%swap3A_830, %swap3A_831], %mul3A_829 {strides = array<i32>} : memref<80x64xf32, #tpu.memory_space<vmem>>, vector<16xf32>,
          %slice3A_833 = vector.extract_strided_slice %get3A_379 {offsets = [12], sizes = [1], strides = [1]} : vector<16xf32> to vector<1xf32>
          %squeeze3A_834 = vector.extract %slice3A_833[0] : f32 from vector<1xf32>
          %mul3A_835 = arith.constant 16 : i32
          %mul3A_836 = arith.muli %add3A_376, %mul3A_835 : i32
          %add3A_837 = arith.constant 12 : i32
          %add3A_838 = arith.addi %mul3A_836, %add3A_837 : i32
          %get3A_839 = arith.index_cast %add3A_838 : i32 to index
          %get3A_840 = arith.constant 0 : index
          %get3A_841 = tpu.vector_load %arg20[%get3A_839, %get3A_840] {strides = array<i32>} : memref<80x64xf32, #tpu.memory_space<vmem>>, vector<16xf32>,
          %mul3A_842 = vector.broadcast %squeeze3A_834 : f32 to vector<16xf32>
          %mul3A_843 = arith.mulf %get3A_841, %mul3A_842 : vector<16xf32>
          %swap3A_844 = arith.index_cast %add3A_838 : i32 to index
          %swap3A_845 = arith.constant 0 : index
          %swap3A_846 = tpu.vector_load %arg20[%swap3A_844, %swap3A_845] {strides = array<i32>} : memref<80x64xf32, #tpu.memory_space<vmem>>, vector<16xf32>,
          tpu.vector_store %arg20[%swap3A_844, %swap3A_845], %mul3A_843 {strides = array<i32>} : memref<80x64xf32, #tpu.memory_space<vmem>>, vector<16xf32>,
          %get3A_847 = arith.index_cast %add3A_838 : i32 to index
          %get3A_848 = arith.constant 16 : index
          %get3A_849 = tpu.vector_load %arg20[%get3A_847, %get3A_848] {strides = array<i32>} : memref<80x64xf32, #tpu.memory_space<vmem>>, vector<16xf32>,
          %mul3A_850 = vector.broadcast %squeeze3A_834 : f32 to vector<16xf32>
          %mul3A_851 = arith.mulf %get3A_849, %mul3A_850 : vector<16xf32>
          %swap3A_852 = arith.index_cast %add3A_838 : i32 to index
          %swap3A_853 = arith.constant 16 : index
          %swap3A_854 = tpu.vector_load %arg20[%swap3A_852, %swap3A_853] {strides = array<i32>} : memref<80x64xf32, #tpu.memory_space<vmem>>, vector<16xf32>,
          tpu.vector_store %arg20[%swap3A_852, %swap3A_853], %mul3A_851 {strides = array<i32>} : memref<80x64xf32, #tpu.memory_space<vmem>>, vector<16xf32>,
          %get3A_855 = arith.index_cast %add3A_838 : i32 to index
          %get3A_856 = arith.constant 32 : index
          %get3A_857 = tpu.vector_load %arg20[%get3A_855, %get3A_856] {strides = array<i32>} : memref<80x64xf32, #tpu.memory_space<vmem>>, vector<16xf32>,
          %mul3A_858 = vector.broadcast %squeeze3A_834 : f32 to vector<16xf32>
          %mul3A_859 = arith.mulf %get3A_857, %mul3A_858 : vector<16xf32>
          %swap3A_860 = arith.index_cast %add3A_838 : i32 to index
          %swap3A_861 = arith.constant 32 : index
          %swap3A_862 = tpu.vector_load %arg20[%swap3A_860, %swap3A_861] {strides = array<i32>} : memref<80x64xf32, #tpu.memory_space<vmem>>, vector<16xf32>,
          tpu.vector_store %arg20[%swap3A_860, %swap3A_861], %mul3A_859 {strides = array<i32>} : memref<80x64xf32, #tpu.memory_space<vmem>>, vector<16xf32>,
          %get3A_863 = arith.index_cast %add3A_838 : i32 to index
          %get3A_864 = arith.constant 48 : index
          %get3A_865 = tpu.vector_load %arg20[%get3A_863, %get3A_864] {strides = array<i32>} : memref<80x64xf32, #tpu.memory_space<vmem>>, vector<16xf32>,
          %mul3A_866 = vector.broadcast %squeeze3A_834 : f32 to vector<16xf32>
          %mul3A_867 = arith.mulf %get3A_865, %mul3A_866 : vector<16xf32>
          %swap3A_868 = arith.index_cast %add3A_838 : i32 to index
          %swap3A_869 = arith.constant 48 : index
          %swap3A_870 = tpu.vector_load %arg20[%swap3A_868, %swap3A_869] {strides = array<i32>} : memref<80x64xf32, #tpu.memory_space<vmem>>, vector<16xf32>,
          tpu.vector_store %arg20[%swap3A_868, %swap3A_869], %mul3A_867 {strides = array<i32>} : memref<80x64xf32, #tpu.memory_space<vmem>>, vector<16xf32>,
          %slice3A_871 = vector.extract_strided_slice %get3A_379 {offsets = [13], sizes = [1], strides = [1]} : vector<16xf32> to vector<1xf32>
          %squeeze3A_872 = vector.extract %slice3A_871[0] : f32 from vector<1xf32>
          %mul3A_873 = arith.constant 16 : i32
          %mul3A_874 = arith.muli %add3A_376, %mul3A_873 : i32
          %add3A_875 = arith.constant 13 : i32
          %add3A_876 = arith.addi %mul3A_874, %add3A_875 : i32
          %get3A_877 = arith.index_cast %add3A_876 : i32 to index
          %get3A_878 = arith.constant 0 : index
          %get3A_879 = tpu.vector_load %arg20[%get3A_877, %get3A_878] {strides = array<i32>} : memref<80x64xf32, #tpu.memory_space<vmem>>, vector<16xf32>,
          %mul3A_880 = vector.broadcast %squeeze3A_872 : f32 to vector<16xf32>
          %mul3A_881 = arith.mulf %get3A_879, %mul3A_880 : vector<16xf32>
          %swap3A_882 = arith.index_cast %add3A_876 : i32 to index
          %swap3A_883 = arith.constant 0 : index
          %swap3A_884 = tpu.vector_load %arg20[%swap3A_882, %swap3A_883] {strides = array<i32>} : memref<80x64xf32, #tpu.memory_space<vmem>>, vector<16xf32>,
          tpu.vector_store %arg20[%swap3A_882, %swap3A_883], %mul3A_881 {strides = array<i32>} : memref<80x64xf32, #tpu.memory_space<vmem>>, vector<16xf32>,
          %get3A_885 = arith.index_cast %add3A_876 : i32 to index
          %get3A_886 = arith.constant 16 : index
          %get3A_887 = tpu.vector_load %arg20[%get3A_885, %get3A_886] {strides = array<i32>} : memref<80x64xf32, #tpu.memory_space<vmem>>, vector<16xf32>,
          %mul3A_888 = vector.broadcast %squeeze3A_872 : f32 to vector<16xf32>
          %mul3A_889 = arith.mulf %get3A_887, %mul3A_888 : vector<16xf32>
          %swap3A_890 = arith.index_cast %add3A_876 : i32 to index
          %swap3A_891 = arith.constant 16 : index
          %swap3A_892 = tpu.vector_load %arg20[%swap3A_890, %swap3A_891] {strides = array<i32>} : memref<80x64xf32, #tpu.memory_space<vmem>>, vector<16xf32>,
          tpu.vector_store %arg20[%swap3A_890, %swap3A_891], %mul3A_889 {strides = array<i32>} : memref<80x64xf32, #tpu.memory_space<vmem>>, vector<16xf32>,
          %get3A_893 = arith.index_cast %add3A_876 : i32 to index
          %get3A_894 = arith.constant 32 : index
          %get3A_895 = tpu.vector_load %arg20[%get3A_893, %get3A_894] {strides = array<i32>} : memref<80x64xf32, #tpu.memory_space<vmem>>, vector<16xf32>,
          %mul3A_896 = vector.broadcast %squeeze3A_872 : f32 to vector<16xf32>
          %mul3A_897 = arith.mulf %get3A_895, %mul3A_896 : vector<16xf32>
          %swap3A_898 = arith.index_cast %add3A_876 : i32 to index
          %swap3A_899 = arith.constant 32 : index
          %swap3A_900 = tpu.vector_load %arg20[%swap3A_898, %swap3A_899] {strides = array<i32>} : memref<80x64xf32, #tpu.memory_space<vmem>>, vector<16xf32>,
          tpu.vector_store %arg20[%swap3A_898, %swap3A_899], %mul3A_897 {strides = array<i32>} : memref<80x64xf32, #tpu.memory_space<vmem>>, vector<16xf32>,
          %get3A_901 = arith.index_cast %add3A_876 : i32 to index
          %get3A_902 = arith.constant 48 : index
          %get3A_903 = tpu.vector_load %arg20[%get3A_901, %get3A_902] {strides = array<i32>} : memref<80x64xf32, #tpu.memory_space<vmem>>, vector<16xf32>,
          %mul3A_904 = vector.broadcast %squeeze3A_872 : f32 to vector<16xf32>
          %mul3A_905 = arith.mulf %get3A_903, %mul3A_904 : vector<16xf32>
          %swap3A_906 = arith.index_cast %add3A_876 : i32 to index
          %swap3A_907 = arith.constant 48 : index
          %swap3A_908 = tpu.vector_load %arg20[%swap3A_906, %swap3A_907] {strides = array<i32>} : memref<80x64xf32, #tpu.memory_space<vmem>>, vector<16xf32>,
          tpu.vector_store %arg20[%swap3A_906, %swap3A_907], %mul3A_905 {strides = array<i32>} : memref<80x64xf32, #tpu.memory_space<vmem>>, vector<16xf32>,
          %slice3A_909 = vector.extract_strided_slice %get3A_379 {offsets = [14], sizes = [1], strides = [1]} : vector<16xf32> to vector<1xf32>
          %squeeze3A_910 = vector.extract %slice3A_909[0] : f32 from vector<1xf32>
          %mul3A_911 = arith.constant 16 : i32
          %mul3A_912 = arith.muli %add3A_376, %mul3A_911 : i32
          %add3A_913 = arith.constant 14 : i32
          %add3A_914 = arith.addi %mul3A_912, %add3A_913 : i32
          %get3A_915 = arith.index_cast %add3A_914 : i32 to index
          %get3A_916 = arith.constant 0 : index
          %get3A_917 = tpu.vector_load %arg20[%get3A_915, %get3A_916] {strides = array<i32>} : memref<80x64xf32, #tpu.memory_space<vmem>>, vector<16xf32>,
          %mul3A_918 = vector.broadcast %squeeze3A_910 : f32 to vector<16xf32>
          %mul3A_919 = arith.mulf %get3A_917, %mul3A_918 : vector<16xf32>
          %swap3A_920 = arith.index_cast %add3A_914 : i32 to index
          %swap3A_921 = arith.constant 0 : index
          %swap3A_922 = tpu.vector_load %arg20[%swap3A_920, %swap3A_921] {strides = array<i32>} : memref<80x64xf32, #tpu.memory_space<vmem>>, vector<16xf32>,
          tpu.vector_store %arg20[%swap3A_920, %swap3A_921], %mul3A_919 {strides = array<i32>} : memref<80x64xf32, #tpu.memory_space<vmem>>, vector<16xf32>,
          %get3A_923 = arith.index_cast %add3A_914 : i32 to index
          %get3A_924 = arith.constant 16 : index
          %get3A_925 = tpu.vector_load %arg20[%get3A_923, %get3A_924] {strides = array<i32>} : memref<80x64xf32, #tpu.memory_space<vmem>>, vector<16xf32>,
          %mul3A_926 = vector.broadcast %squeeze3A_910 : f32 to vector<16xf32>
          %mul3A_927 = arith.mulf %get3A_925, %mul3A_926 : vector<16xf32>
          %swap3A_928 = arith.index_cast %add3A_914 : i32 to index
          %swap3A_929 = arith.constant 16 : index
          %swap3A_930 = tpu.vector_load %arg20[%swap3A_928, %swap3A_929] {strides = array<i32>} : memref<80x64xf32, #tpu.memory_space<vmem>>, vector<16xf32>,
          tpu.vector_store %arg20[%swap3A_928, %swap3A_929], %mul3A_927 {strides = array<i32>} : memref<80x64xf32, #tpu.memory_space<vmem>>, vector<16xf32>,
          %get3A_931 = arith.index_cast %add3A_914 : i32 to index
          %get3A_932 = arith.constant 32 : index
          %get3A_933 = tpu.vector_load %arg20[%get3A_931, %get3A_932] {strides = array<i32>} : memref<80x64xf32, #tpu.memory_space<vmem>>, vector<16xf32>,
          %mul3A_934 = vector.broadcast %squeeze3A_910 : f32 to vector<16xf32>
          %mul3A_935 = arith.mulf %get3A_933, %mul3A_934 : vector<16xf32>
          %swap3A_936 = arith.index_cast %add3A_914 : i32 to index
          %swap3A_937 = arith.constant 32 : index
          %swap3A_938 = tpu.vector_load %arg20[%swap3A_936, %swap3A_937] {strides = array<i32>} : memref<80x64xf32, #tpu.memory_space<vmem>>, vector<16xf32>,
          tpu.vector_store %arg20[%swap3A_936, %swap3A_937], %mul3A_935 {strides = array<i32>} : memref<80x64xf32, #tpu.memory_space<vmem>>, vector<16xf32>,
          %get3A_939 = arith.index_cast %add3A_914 : i32 to index
          %get3A_940 = arith.constant 48 : index
          %get3A_941 = tpu.vector_load %arg20[%get3A_939, %get3A_940] {strides = array<i32>} : memref<80x64xf32, #tpu.memory_space<vmem>>, vector<16xf32>,
          %mul3A_942 = vector.broadcast %squeeze3A_910 : f32 to vector<16xf32>
          %mul3A_943 = arith.mulf %get3A_941, %mul3A_942 : vector<16xf32>
          %swap3A_944 = arith.index_cast %add3A_914 : i32 to index
          %swap3A_945 = arith.constant 48 : index
          %swap3A_946 = tpu.vector_load %arg20[%swap3A_944, %swap3A_945] {strides = array<i32>} : memref<80x64xf32, #tpu.memory_space<vmem>>, vector<16xf32>,
          tpu.vector_store %arg20[%swap3A_944, %swap3A_945], %mul3A_943 {strides = array<i32>} : memref<80x64xf32, #tpu.memory_space<vmem>>, vector<16xf32>,
          %slice3A_947 = vector.extract_strided_slice %get3A_379 {offsets = [15], sizes = [1], strides = [1]} : vector<16xf32> to vector<1xf32>
          %squeeze3A_948 = vector.extract %slice3A_947[0] : f32 from vector<1xf32>
          %mul3A_949 = arith.constant 16 : i32
          %mul3A_950 = arith.muli %add3A_376, %mul3A_949 : i32
          %add3A_951 = arith.constant 15 : i32
          %add3A_952 = arith.addi %mul3A_950, %add3A_951 : i32
          %get3A_953 = arith.index_cast %add3A_952 : i32 to index
          %get3A_954 = arith.constant 0 : index
          %get3A_955 = tpu.vector_load %arg20[%get3A_953, %get3A_954] {strides = array<i32>} : memref<80x64xf32, #tpu.memory_space<vmem>>, vector<16xf32>,
          %mul3A_956 = vector.broadcast %squeeze3A_948 : f32 to vector<16xf32>
          %mul3A_957 = arith.mulf %get3A_955, %mul3A_956 : vector<16xf32>
          %swap3A_958 = arith.index_cast %add3A_952 : i32 to index
          %swap3A_959 = arith.constant 0 : index
          %swap3A_960 = tpu.vector_load %arg20[%swap3A_958, %swap3A_959] {strides = array<i32>} : memref<80x64xf32, #tpu.memory_space<vmem>>, vector<16xf32>,
          tpu.vector_store %arg20[%swap3A_958, %swap3A_959], %mul3A_957 {strides = array<i32>} : memref<80x64xf32, #tpu.memory_space<vmem>>, vector<16xf32>,
          %get3A_961 = arith.index_cast %add3A_952 : i32 to index
          %get3A_962 = arith.constant 16 : index
          %get3A_963 = tpu.vector_load %arg20[%get3A_961, %get3A_962] {strides = array<i32>} : memref<80x64xf32, #tpu.memory_space<vmem>>, vector<16xf32>,
          %mul3A_964 = vector.broadcast %squeeze3A_948 : f32 to vector<16xf32>
          %mul3A_965 = arith.mulf %get3A_963, %mul3A_964 : vector<16xf32>
          %swap3A_966 = arith.index_cast %add3A_952 : i32 to index
          %swap3A_967 = arith.constant 16 : index
          %swap3A_968 = tpu.vector_load %arg20[%swap3A_966, %swap3A_967] {strides = array<i32>} : memref<80x64xf32, #tpu.memory_space<vmem>>, vector<16xf32>,
          tpu.vector_store %arg20[%swap3A_966, %swap3A_967], %mul3A_965 {strides = array<i32>} : memref<80x64xf32, #tpu.memory_space<vmem>>, vector<16xf32>,
          %get3A_969 = arith.index_cast %add3A_952 : i32 to index
          %get3A_970 = arith.constant 32 : index
          %get3A_971 = tpu.vector_load %arg20[%get3A_969, %get3A_970] {strides = array<i32>} : memref<80x64xf32, #tpu.memory_space<vmem>>, vector<16xf32>,
          %mul3A_972 = vector.broadcast %squeeze3A_948 : f32 to vector<16xf32>
          %mul3A_973 = arith.mulf %get3A_971, %mul3A_972 : vector<16xf32>
          %swap3A_974 = arith.index_cast %add3A_952 : i32 to index
          %swap3A_975 = arith.constant 32 : index
          %swap3A_976 = tpu.vector_load %arg20[%swap3A_974, %swap3A_975] {strides = array<i32>} : memref<80x64xf32, #tpu.memory_space<vmem>>, vector<16xf32>,
          tpu.vector_store %arg20[%swap3A_974, %swap3A_975], %mul3A_973 {strides = array<i32>} : memref<80x64xf32, #tpu.memory_space<vmem>>, vector<16xf32>,
          %get3A_977 = arith.index_cast %add3A_952 : i32 to index
          %get3A_978 = arith.constant 48 : index
          %get3A_979 = tpu.vector_load %arg20[%get3A_977, %get3A_978] {strides = array<i32>} : memref<80x64xf32, #tpu.memory_space<vmem>>, vector<16xf32>,
          %mul3A_980 = vector.broadcast %squeeze3A_948 : f32 to vector<16xf32>
          %mul3A_981 = arith.mulf %get3A_979, %mul3A_980 : vector<16xf32>
          %swap3A_982 = arith.index_cast %add3A_952 : i32 to index
          %swap3A_983 = arith.constant 48 : index
          %swap3A_984 = tpu.vector_load %arg20[%swap3A_982, %swap3A_983] {strides = array<i32>} : memref<80x64xf32, #tpu.memory_space<vmem>>, vector<16xf32>,
          tpu.vector_store %arg20[%swap3A_982, %swap3A_983], %mul3A_981 {strides = array<i32>} : memref<80x64xf32, #tpu.memory_space<vmem>>, vector<16xf32>,
        }
        %scan3A_355 = arith.constant 5 : i32
        %eq3A_356 = arith.constant 0 : i32
        %eq3A_357 = arith.cmpi eq, %arg0, %eq3A_356 : i32
        %convert_element_type3A_358 = arith.extui %eq3A_357 : i1 to i32
        %cond3A_359 = arith.constant 0 : i32
        %cond3A_360 = arith.cmpi ne, %convert_element_type3A_358, %cond3A_359 : i32
        scf.if %cond3A_360 {
          %dma_start3A = arith.constant 0 : i32
          %dma_start3A_372 = tpu.memref_slice %arg8[%add3A_350, %dma_start3A] : memref<320000x64xf32, #tpu.memory_space<hbm>> -> memref<80x64xf32, #tpu.memory_space<hbm>>
          %dma_start3A_373 = arith.constant 0 : i32
          %dma_start3A_374 = tpu.memref_slice %arg8[%add3A_350, %dma_start3A_373] : memref<320000x64xf32, #tpu.memory_space<hbm>> -> memref<80x64xf32, #tpu.memory_space<hbm>>
          tpu.enqueue_dma source(%arg20 : memref<80x64xf32, #tpu.memory_space<vmem>>) target(%dma_start3A_374 : memref<80x64xf32, #tpu.memory_space<hbm>>) target_semaphore(%arg32 : memref<!tpu.dma_semaphore, #tpu.memory_space<semaphore_mem>>)
        } else {
        }
        %eq3A_361 = arith.constant 1 : i32
        %eq3A_362 = arith.cmpi eq, %arg0, %eq3A_361 : i32
        %convert_element_type3A_363 = arith.extui %eq3A_362 : i1 to i32
        %cond3A_364 = arith.constant 0 : i32
        %cond3A_365 = arith.cmpi ne, %convert_element_type3A_363, %cond3A_364 : i32
        scf.if %cond3A_365 {
          %dma_start3A = arith.constant 0 : i32
          %dma_start3A_372 = tpu.memref_slice %arg9[%add3A_350, %dma_start3A] : memref<320000x64xf32, #tpu.memory_space<hbm>> -> memref<80x64xf32, #tpu.memory_space<hbm>>
          %dma_start3A_373 = arith.constant 0 : i32
          %dma_start3A_374 = tpu.memref_slice %arg9[%add3A_350, %dma_start3A_373] : memref<320000x64xf32, #tpu.memory_space<hbm>> -> memref<80x64xf32, #tpu.memory_space<hbm>>
          tpu.enqueue_dma source(%arg20 : memref<80x64xf32, #tpu.memory_space<vmem>>) target(%dma_start3A_374 : memref<80x64xf32, #tpu.memory_space<hbm>>) target_semaphore(%arg32 : memref<!tpu.dma_semaphore, #tpu.memory_space<semaphore_mem>>)
        } else {
        }
        "tpu.region"() ({
          %run_scoped3A_372 = tpu.sem_alloc : memref<!tpu.dma_semaphore, #tpu.memory_space<semaphore_mem>>
          %dma_start3A = arith.constant 0 : i32
          %dma_start3A_373 = arith.constant 0 : i32
          %dma_start3A_374 = tpu.memref_slice %arg28[%dma_start3A, %dma_start3A_373] : memref<10240x64xf32, #tpu.memory_space<vmem_shared>> -> memref<10240x64xf32, #tpu.memory_space<vmem_shared>>
          tpu.enqueue_indirect_dma source(%arg20 : memref<80x64xf32, #tpu.memory_space<vmem>>) target(%dma_start3A_374 : memref<10240x64xf32, #tpu.memory_space<vmem_shared>>) offsets(%arg18 : memref<80xi32, #tpu.memory_space<vmem>>) semaphore(%run_scoped3A_372 : memref<!tpu.dma_semaphore, #tpu.memory_space<semaphore_mem>>) {add = true}
          %dma_wait3A_375 = arith.constant 0 : i32
          %dma_wait3A_376 = arith.constant 0 : i32
          %dma_wait3A_377 = tpu.memref_slice %arg28[%dma_wait3A_375, %dma_wait3A_376] : memref<10240x64xf32, #tpu.memory_space<vmem_shared>> -> memref<10240x64xf32, #tpu.memory_space<vmem_shared>>
          tpu.wait_indirect_dma semaphore(%run_scoped3A_372 : memref<!tpu.dma_semaphore, #tpu.memory_space<semaphore_mem>>) src(%arg20 : memref<80x64xf32, #tpu.memory_space<vmem>>) dst(%dma_wait3A_377 : memref<10240x64xf32, #tpu.memory_space<vmem_shared>>)
          tpu.yield
        }) : () -> ()
        %dma_wait3A_366 = arith.constant 0 : i32
        %dma_wait3A_367 = arith.constant 0 : i32
        %dma_wait3A_368 = tpu.memref_slice %arg8[%dma_wait3A_366, %dma_wait3A_367] : memref<320000x64xf32, #tpu.memory_space<hbm>> -> memref<80x64xf32, #tpu.memory_space<hbm>>
        %dma_wait3A_369 = arith.constant 0 : i32
        %dma_wait3A_370 = arith.constant 0 : i32
        %dma_wait3A_371 = tpu.memref_slice %arg8[%dma_wait3A_369, %dma_wait3A_370] : memref<320000x64xf32, #tpu.memory_space<hbm>> -> memref<80x64xf32, #tpu.memory_space<hbm>>
        tpu.wait_dma2 semaphore(%arg32 : memref<!tpu.dma_semaphore, #tpu.memory_space<semaphore_mem>>) src(%arg20 : memref<80x64xf32, #tpu.memory_space<vmem>>) dst(%dma_wait3A_371 : memref<80x64xf32, #tpu.memory_space<hbm>>)
      }
      %scan3A_257 = arith.constant 25 : i32
    }
    %scan3A_227 = arith.constant 5 : i32
    %barrier3A_228 = arith.constant 0 : index
    tpu.barrier barrier_id(%barrier3A_228)
    %scan3A_229 = arith.constant 0 : i32
    %scan3A_230 = arith.constant 5 : i32
    %scan3A_231 = arith.addi %scan3A_229, %scan3A_230 : i32
    %scan3A_232 = arith.constant 1 : i32
    scf.for %scan3A_234 = %scan3A_229 to %scan3A_231 step %scan3A_232  : i32 {
      %mul3A_235 = arith.constant 1 : i32
      %mul3A_236 = arith.muli %scan3A_234, %mul3A_235 : i32
      %add3A = arith.constant 0 : i32
      %add3A_237 = arith.addi %add3A, %mul3A_236 : i32
      %mul3A_238 = arith.constant 4000 : i32
      %mul3A_239 = arith.muli %add3A_237, %mul3A_238 : i32
      %add3A_240 = arith.addi %mul3A_2, %mul3A_239 : i32
      "tpu.region"() ({
        %run_scoped3A_264 = tpu.sem_alloc : memref<!tpu.dma_semaphore, #tpu.memory_space<semaphore_mem>>
        %dma_start3A = tpu.memref_slice %arg5[%add3A_240] : memref<320000xi32, #tpu.memory_space<hbm>> -> memref<4000xi32, #tpu.memory_space<hbm>>
        %dma_start3A_265 = tpu.memref_slice %arg5[%add3A_240] : memref<320000xi32, #tpu.memory_space<hbm>> -> memref<4000xi32, #tpu.memory_space<hbm>>
        tpu.enqueue_dma source(%dma_start3A_265 : memref<4000xi32, #tpu.memory_space<hbm>>) target(%arg11 : memref<4000xi32, #tpu.memory_space<vmem>>) target_semaphore(%run_scoped3A_264 : memref<!tpu.dma_semaphore, #tpu.memory_space<semaphore_mem>>)
        %dma_wait3A_266 = tpu.memref_slice %arg5[%add3A_240] : memref<320000xi32, #tpu.memory_space<hbm>> -> memref<4000xi32, #tpu.memory_space<hbm>>
        %dma_wait3A_267 = tpu.memref_slice %arg5[%add3A_240] : memref<320000xi32, #tpu.memory_space<hbm>> -> memref<4000xi32, #tpu.memory_space<hbm>>
        tpu.wait_dma2 semaphore(%run_scoped3A_264 : memref<!tpu.dma_semaphore, #tpu.memory_space<semaphore_mem>>) src(%dma_wait3A_267 : memref<4000xi32, #tpu.memory_space<hbm>>) dst(%arg11 : memref<4000xi32, #tpu.memory_space<vmem>>)
        tpu.yield
      }) : () -> ()
      "tpu.region"() ({
        %run_scoped3A_264 = tpu.sem_alloc : memref<!tpu.dma_semaphore, #tpu.memory_space<semaphore_mem>>
        %dma_start3A = tpu.memref_slice %arg6[%add3A_240] : memref<320000xi32, #tpu.memory_space<hbm>> -> memref<4000xi32, #tpu.memory_space<hbm>>
        %dma_start3A_265 = tpu.memref_slice %arg6[%add3A_240] : memref<320000xi32, #tpu.memory_space<hbm>> -> memref<4000xi32, #tpu.memory_space<hbm>>
        tpu.enqueue_dma source(%dma_start3A_265 : memref<4000xi32, #tpu.memory_space<hbm>>) target(%arg12 : memref<4000xi32, #tpu.memory_space<vmem>>) target_semaphore(%run_scoped3A_264 : memref<!tpu.dma_semaphore, #tpu.memory_space<semaphore_mem>>)
        %dma_wait3A_266 = tpu.memref_slice %arg6[%add3A_240] : memref<320000xi32, #tpu.memory_space<hbm>> -> memref<4000xi32, #tpu.memory_space<hbm>>
        %dma_wait3A_267 = tpu.memref_slice %arg6[%add3A_240] : memref<320000xi32, #tpu.memory_space<hbm>> -> memref<4000xi32, #tpu.memory_space<hbm>>
        tpu.wait_dma2 semaphore(%run_scoped3A_264 : memref<!tpu.dma_semaphore, #tpu.memory_space<semaphore_mem>>) src(%dma_wait3A_267 : memref<4000xi32, #tpu.memory_space<hbm>>) dst(%arg12 : memref<4000xi32, #tpu.memory_space<vmem>>)
        tpu.yield
      }) : () -> ()
      %eq3A = arith.constant 0 : i32
      %eq3A_241 = arith.cmpi eq, %arg0, %eq3A : i32
      %convert_element_type3A = arith.extui %eq3A_241 : i1 to i32
      %cond3A = arith.constant 0 : i32
      %cond3A_242 = arith.cmpi ne, %convert_element_type3A, %cond3A : i32
      scf.if %cond3A_242 {
        %dma_start3A = arith.constant 0 : i32
        %dma_start3A_264 = tpu.memref_slice %arg12[%dma_start3A] : memref<4000xi32, #tpu.memory_space<vmem>> -> memref<80xi32, #tpu.memory_space<vmem>>
        %dma_start3A_265 = arith.constant 0 : i32
        %dma_start3A_266 = arith.constant 0 : i32
        %dma_start3A_267 = tpu.memref_slice %arg8[%dma_start3A_265, %dma_start3A_266] : memref<320000x64xf32, #tpu.memory_space<hbm>> -> memref<320000x64xf32, #tpu.memory_space<hbm>>
        tpu.enqueue_indirect_dma source(%dma_start3A_267 : memref<320000x64xf32, #tpu.memory_space<hbm>>) target(%arg22 : memref<80x64xf32, #tpu.memory_space<vmem>>) offsets(%dma_start3A_264 : memref<80xi32, #tpu.memory_space<vmem>>) semaphore(%arg29 : memref<!tpu.dma_semaphore, #tpu.memory_space<semaphore_mem>>)
      } else {
      }
      %eq3A_243 = arith.constant 1 : i32
      %eq3A_244 = arith.cmpi eq, %arg0, %eq3A_243 : i32
      %convert_element_type3A_245 = arith.extui %eq3A_244 : i1 to i32
      %cond3A_246 = arith.constant 0 : i32
      %cond3A_247 = arith.cmpi ne, %convert_element_type3A_245, %cond3A_246 : i32
      scf.if %cond3A_247 {
        %dma_start3A = arith.constant 0 : i32
        %dma_start3A_264 = tpu.memref_slice %arg12[%dma_start3A] : memref<4000xi32, #tpu.memory_space<vmem>> -> memref<80xi32, #tpu.memory_space<vmem>>
        %dma_start3A_265 = arith.constant 0 : i32
        %dma_start3A_266 = arith.constant 0 : i32
        %dma_start3A_267 = tpu.memref_slice %arg9[%dma_start3A_265, %dma_start3A_266] : memref<320000x64xf32, #tpu.memory_space<hbm>> -> memref<320000x64xf32, #tpu.memory_space<hbm>>
        tpu.enqueue_indirect_dma source(%dma_start3A_267 : memref<320000x64xf32, #tpu.memory_space<hbm>>) target(%arg22 : memref<80x64xf32, #tpu.memory_space<vmem>>) offsets(%dma_start3A_264 : memref<80xi32, #tpu.memory_space<vmem>>) semaphore(%arg29 : memref<!tpu.dma_semaphore, #tpu.memory_space<semaphore_mem>>)
      } else {
      }
      "tpu.region"() ({
        %run_scoped3A_264 = tpu.sem_alloc : memref<!tpu.dma_semaphore, #tpu.memory_space<semaphore_mem>>
        %dma_start3A = arith.constant 0 : i32
        %dma_start3A_265 = tpu.memref_slice %arg11[%dma_start3A] : memref<4000xi32, #tpu.memory_space<vmem>> -> memref<80xi32, #tpu.memory_space<vmem>>
        %dma_start3A_266 = arith.constant 0 : i32
        %dma_start3A_267 = arith.constant 0 : i32
        %dma_start3A_268 = tpu.memref_slice %arg28[%dma_start3A_266, %dma_start3A_267] : memref<10240x64xf32, #tpu.memory_space<vmem_shared>> -> memref<10240x64xf32, #tpu.memory_space<vmem_shared>>
        tpu.enqueue_indirect_dma source(%dma_start3A_268 : memref<10240x64xf32, #tpu.memory_space<vmem_shared>>) target(%arg21 : memref<80x64xf32, #tpu.memory_space<vmem>>) offsets(%dma_start3A_265 : memref<80xi32, #tpu.memory_space<vmem>>) semaphore(%run_scoped3A_264 : memref<!tpu.dma_semaphore, #tpu.memory_space<semaphore_mem>>)
        %dma_wait3A_269 = arith.constant 0 : i32
        %dma_wait3A_270 = tpu.memref_slice %arg11[%dma_wait3A_269] : memref<4000xi32, #tpu.memory_space<vmem>> -> memref<80xi32, #tpu.memory_space<vmem>>
        %dma_wait3A_271 = arith.constant 0 : i32
        %dma_wait3A_272 = arith.constant 0 : i32
        %dma_wait3A_273 = tpu.memref_slice %arg28[%dma_wait3A_271, %dma_wait3A_272] : memref<10240x64xf32, #tpu.memory_space<vmem_shared>> -> memref<10240x64xf32, #tpu.memory_space<vmem_shared>>
        tpu.wait_indirect_dma semaphore(%run_scoped3A_264 : memref<!tpu.dma_semaphore, #tpu.memory_space<semaphore_mem>>) src(%dma_wait3A_273 : memref<10240x64xf32, #tpu.memory_space<vmem_shared>>) dst(%arg21 : memref<80x64xf32, #tpu.memory_space<vmem>>)
        tpu.yield
      }) : () -> ()
      %scan3A_248 = arith.constant 0 : i32
      %scan3A_249 = arith.constant 25 : i32
      %scan3A_250 = arith.addi %scan3A_248, %scan3A_249 : i32
      %scan3A_251 = arith.constant 1 : i32
      scf.for %scan3A_264 = %scan3A_248 to %scan3A_250 step %scan3A_251  : i32 {
        %mul3A_265 = arith.constant 1 : i32
        %mul3A_266 = arith.muli %scan3A_264, %mul3A_265 : i32
        %add3A_267 = arith.constant 0 : i32
        %add3A_268 = arith.addi %add3A_267, %mul3A_266 : i32
        %mul3A_269 = arith.constant 2 : i32
        %mul3A_270 = arith.muli %add3A_268, %mul3A_269 : i32
        %add3A_271 = arith.constant 1 : i32
        %add3A_272 = arith.addi %mul3A_270, %add3A_271 : i32
        %mul3A_273 = arith.constant 80 : i32
        %mul3A_274 = arith.muli %add3A_272, %mul3A_273 : i32
        %eq3A_275 = arith.constant 0 : i32
        %eq3A_276 = arith.cmpi eq, %arg0, %eq3A_275 : i32
        %convert_element_type3A_277 = arith.extui %eq3A_276 : i1 to i32
        %cond3A_278 = arith.constant 0 : i32
        %cond3A_279 = arith.cmpi ne, %convert_element_type3A_277, %cond3A_278 : i32
        scf.if %cond3A_279 {
          %dma_start3A = tpu.memref_slice %arg12[%mul3A_274] : memref<4000xi32, #tpu.memory_space<vmem>> -> memref<80xi32, #tpu.memory_space<vmem>>
          %dma_start3A_356 = arith.constant 0 : i32
          %dma_start3A_357 = arith.constant 0 : i32
          %dma_start3A_358 = tpu.memref_slice %arg8[%dma_start3A_356, %dma_start3A_357] : memref<320000x64xf32, #tpu.memory_space<hbm>> -> memref<320000x64xf32, #tpu.memory_space<hbm>>
          tpu.enqueue_indirect_dma source(%dma_start3A_358 : memref<320000x64xf32, #tpu.memory_space<hbm>>) target(%arg25 : memref<80x64xf32, #tpu.memory_space<vmem>>) offsets(%dma_start3A : memref<80xi32, #tpu.memory_space<vmem>>) semaphore(%arg30 : memref<!tpu.dma_semaphore, #tpu.memory_space<semaphore_mem>>)
        } else {
        }
        %eq3A_280 = arith.constant 1 : i32
        %eq3A_281 = arith.cmpi eq, %arg0, %eq3A_280 : i32
        %convert_element_type3A_282 = arith.extui %eq3A_281 : i1 to i32
        %cond3A_283 = arith.constant 0 : i32
        %cond3A_284 = arith.cmpi ne, %convert_element_type3A_282, %cond3A_283 : i32
        scf.if %cond3A_284 {
          %dma_start3A = tpu.memref_slice %arg12[%mul3A_274] : memref<4000xi32, #tpu.memory_space<vmem>> -> memref<80xi32, #tpu.memory_space<vmem>>
          %dma_start3A_356 = arith.constant 0 : i32
          %dma_start3A_357 = arith.constant 0 : i32
          %dma_start3A_358 = tpu.memref_slice %arg9[%dma_start3A_356, %dma_start3A_357] : memref<320000x64xf32, #tpu.memory_space<hbm>> -> memref<320000x64xf32, #tpu.memory_space<hbm>>
          tpu.enqueue_indirect_dma source(%dma_start3A_358 : memref<320000x64xf32, #tpu.memory_space<hbm>>) target(%arg25 : memref<80x64xf32, #tpu.memory_space<vmem>>) offsets(%dma_start3A : memref<80xi32, #tpu.memory_space<vmem>>) semaphore(%arg30 : memref<!tpu.dma_semaphore, #tpu.memory_space<semaphore_mem>>)
        } else {
        }
        "tpu.region"() ({
          %run_scoped3A_356 = tpu.sem_alloc : memref<!tpu.dma_semaphore, #tpu.memory_space<semaphore_mem>>
          %dma_start3A = tpu.memref_slice %arg11[%mul3A_274] : memref<4000xi32, #tpu.memory_space<vmem>> -> memref<80xi32, #tpu.memory_space<vmem>>
          %dma_start3A_357 = arith.constant 0 : i32
          %dma_start3A_358 = arith.constant 0 : i32
          %dma_start3A_359 = tpu.memref_slice %arg28[%dma_start3A_357, %dma_start3A_358] : memref<10240x64xf32, #tpu.memory_space<vmem_shared>> -> memref<10240x64xf32, #tpu.memory_space<vmem_shared>>
          tpu.enqueue_indirect_dma source(%dma_start3A_359 : memref<10240x64xf32, #tpu.memory_space<vmem_shared>>) target(%arg24 : memref<80x64xf32, #tpu.memory_space<vmem>>) offsets(%dma_start3A : memref<80xi32, #tpu.memory_space<vmem>>) semaphore(%run_scoped3A_356 : memref<!tpu.dma_semaphore, #tpu.memory_space<semaphore_mem>>)
          %dma_wait3A_360 = tpu.memref_slice %arg11[%mul3A_274] : memref<4000xi32, #tpu.memory_space<vmem>> -> memref<80xi32, #tpu.memory_space<vmem>>
          %dma_wait3A_361 = arith.constant 0 : i32
          %dma_wait3A_362 = arith.constant 0 : i32
          %dma_wait3A_363 = tpu.memref_slice %arg28[%dma_wait3A_361, %dma_wait3A_362] : memref<10240x64xf32, #tpu.memory_space<vmem_shared>> -> memref<10240x64xf32, #tpu.memory_space<vmem_shared>>
          tpu.wait_indirect_dma semaphore(%run_scoped3A_356 : memref<!tpu.dma_semaphore, #tpu.memory_space<semaphore_mem>>) src(%dma_wait3A_363 : memref<10240x64xf32, #tpu.memory_space<vmem_shared>>) dst(%arg24 : memref<80x64xf32, #tpu.memory_space<vmem>>)
          tpu.yield
        }) : () -> ()
        %dma_wait3A_285 = arith.constant 0 : i32
        %dma_wait3A_286 = arith.constant 0 : i32
        %dma_wait3A_287 = tpu.memref_slice %arg8[%dma_wait3A_285, %dma_wait3A_286] : memref<320000x64xf32, #tpu.memory_space<hbm>> -> memref<80x64xf32, #tpu.memory_space<hbm>>
        %dma_wait3A_288 = arith.constant 0 : i32
        %dma_wait3A_289 = arith.constant 0 : i32
        %dma_wait3A_290 = tpu.memref_slice %arg8[%dma_wait3A_288, %dma_wait3A_289] : memref<320000x64xf32, #tpu.memory_space<hbm>> -> memref<80x64xf32, #tpu.memory_space<hbm>>
        tpu.wait_dma2 semaphore(%arg29 : memref<!tpu.dma_semaphore, #tpu.memory_space<semaphore_mem>>) src(%dma_wait3A_290 : memref<80x64xf32, #tpu.memory_space<hbm>>) dst(%arg22 : memref<80x64xf32, #tpu.memory_space<vmem>>)
        %gt3A = arith.constant 0 : i32
        %gt3A_291 = arith.cmpi sgt, %add3A_268, %gt3A : i32
        %convert_element_type3A_292 = arith.extui %gt3A_291 : i1 to i32
        %cond3A_293 = arith.constant 0 : i32
        %cond3A_294 = arith.cmpi ne, %convert_element_type3A_292, %cond3A_293 : i32
        scf.if %cond3A_294 {
          %dma_wait3A_356 = arith.constant 0 : i32
          %dma_wait3A_357 = arith.constant 0 : i32
          %dma_wait3A_358 = tpu.memref_slice %arg7[%dma_wait3A_356, %dma_wait3A_357] : memref<320000x128xf32, #tpu.memory_space<hbm>> -> memref<80x64xf32, #tpu.memory_space<hbm>>
          %dma_wait3A_359 = arith.constant 0 : i32
          %dma_wait3A_360 = arith.constant 0 : i32
          %dma_wait3A_361 = tpu.memref_slice %arg7[%dma_wait3A_359, %dma_wait3A_360] : memref<320000x128xf32, #tpu.memory_space<hbm>> -> memref<80x64xf32, #tpu.memory_space<hbm>>
          tpu.wait_dma2 semaphore(%arg31 : memref<!tpu.dma_semaphore, #tpu.memory_space<semaphore_mem>>) src(%arg23 : memref<80x64xf32, #tpu.memory_space<vmem>>) dst(%dma_wait3A_361 : memref<80x64xf32, #tpu.memory_space<hbm>>)
        } else {
        }
        %scan3A_295 = arith.constant 0 : i32
        %scan3A_296 = arith.constant 80 : i32
        %scan3A_297 = arith.addi %scan3A_295, %scan3A_296 : i32
        %scan3A_298 = arith.constant 4 : i32
        scf.for %scan3A_356 = %scan3A_295 to %scan3A_297 step %scan3A_298  : i32 {
          %mul3A_357 = arith.constant 1 : i32
          %mul3A_358 = arith.muli %scan3A_356, %mul3A_357 : i32
          %add3A_359 = arith.constant 0 : i32
          %add3A_360 = arith.addi %add3A_359, %mul3A_358 : i32
          %get3A = arith.index_cast %add3A_360 : i32 to index
          %get3A_361 = arith.constant 0 : index
          %get3A_362 = tpu.vector_load %arg21[%get3A, %get3A_361] {strides = array<i32>} : memref<80x64xf32, #tpu.memory_space<vmem>>, vector<16xf32>,
          %get3A_363 = arith.index_cast %add3A_360 : i32 to index
          %get3A_364 = arith.constant 0 : index
          %get3A_365 = tpu.vector_load %arg22[%get3A_363, %get3A_364] {strides = array<i32>} : memref<80x64xf32, #tpu.memory_space<vmem>>, vector<16xf32>,
          %sub3A = arith.subf %get3A_362, %get3A_365 : vector<16xf32>
          %swap3A = arith.index_cast %add3A_360 : i32 to index
          %swap3A_366 = arith.constant 0 : index
          %swap3A_367 = tpu.vector_load %arg23[%swap3A, %swap3A_366] {strides = array<i32>} : memref<80x64xf32, #tpu.memory_space<vmem>>, vector<16xf32>,
          tpu.vector_store %arg23[%swap3A, %swap3A_366], %sub3A {strides = array<i32>} : memref<80x64xf32, #tpu.memory_space<vmem>>, vector<16xf32>,
          %get3A_368 = arith.index_cast %add3A_360 : i32 to index
          %get3A_369 = arith.constant 16 : index
          %get3A_370 = tpu.vector_load %arg21[%get3A_368, %get3A_369] {strides = array<i32>} : memref<80x64xf32, #tpu.memory_space<vmem>>, vector<16xf32>,
          %get3A_371 = arith.index_cast %add3A_360 : i32 to index
          %get3A_372 = arith.constant 16 : index
          %get3A_373 = tpu.vector_load %arg22[%get3A_371, %get3A_372] {strides = array<i32>} : memref<80x64xf32, #tpu.memory_space<vmem>>, vector<16xf32>,
          %sub3A_374 = arith.subf %get3A_370, %get3A_373 : vector<16xf32>
          %swap3A_375 = arith.index_cast %add3A_360 : i32 to index
          %swap3A_376 = arith.constant 16 : index
          %swap3A_377 = tpu.vector_load %arg23[%swap3A_375, %swap3A_376] {strides = array<i32>} : memref<80x64xf32, #tpu.memory_space<vmem>>, vector<16xf32>,
          tpu.vector_store %arg23[%swap3A_375, %swap3A_376], %sub3A_374 {strides = array<i32>} : memref<80x64xf32, #tpu.memory_space<vmem>>, vector<16xf32>,
          %get3A_378 = arith.index_cast %add3A_360 : i32 to index
          %get3A_379 = arith.constant 32 : index
          %get3A_380 = tpu.vector_load %arg21[%get3A_378, %get3A_379] {strides = array<i32>} : memref<80x64xf32, #tpu.memory_space<vmem>>, vector<16xf32>,
          %get3A_381 = arith.index_cast %add3A_360 : i32 to index
          %get3A_382 = arith.constant 32 : index
          %get3A_383 = tpu.vector_load %arg22[%get3A_381, %get3A_382] {strides = array<i32>} : memref<80x64xf32, #tpu.memory_space<vmem>>, vector<16xf32>,
          %sub3A_384 = arith.subf %get3A_380, %get3A_383 : vector<16xf32>
          %swap3A_385 = arith.index_cast %add3A_360 : i32 to index
          %swap3A_386 = arith.constant 32 : index
          %swap3A_387 = tpu.vector_load %arg23[%swap3A_385, %swap3A_386] {strides = array<i32>} : memref<80x64xf32, #tpu.memory_space<vmem>>, vector<16xf32>,
          tpu.vector_store %arg23[%swap3A_385, %swap3A_386], %sub3A_384 {strides = array<i32>} : memref<80x64xf32, #tpu.memory_space<vmem>>, vector<16xf32>,
          %get3A_388 = arith.index_cast %add3A_360 : i32 to index
          %get3A_389 = arith.constant 48 : index
          %get3A_390 = tpu.vector_load %arg21[%get3A_388, %get3A_389] {strides = array<i32>} : memref<80x64xf32, #tpu.memory_space<vmem>>, vector<16xf32>,
          %get3A_391 = arith.index_cast %add3A_360 : i32 to index
          %get3A_392 = arith.constant 48 : index
          %get3A_393 = tpu.vector_load %arg22[%get3A_391, %get3A_392] {strides = array<i32>} : memref<80x64xf32, #tpu.memory_space<vmem>>, vector<16xf32>,
          %sub3A_394 = arith.subf %get3A_390, %get3A_393 : vector<16xf32>
          %swap3A_395 = arith.index_cast %add3A_360 : i32 to index
          %swap3A_396 = arith.constant 48 : index
          %swap3A_397 = tpu.vector_load %arg23[%swap3A_395, %swap3A_396] {strides = array<i32>} : memref<80x64xf32, #tpu.memory_space<vmem>>, vector<16xf32>,
          tpu.vector_store %arg23[%swap3A_395, %swap3A_396], %sub3A_394 {strides = array<i32>} : memref<80x64xf32, #tpu.memory_space<vmem>>, vector<16xf32>,
          %scan3A_398 = arith.constant 1 : i32
          %scan3A_399 = arith.addi %scan3A_356, %scan3A_398 : i32
          %mul3A_400 = arith.constant 1 : i32
          %mul3A_401 = arith.muli %scan3A_399, %mul3A_400 : i32
          %add3A_402 = arith.constant 0 : i32
          %add3A_403 = arith.addi %add3A_402, %mul3A_401 : i32
          %get3A_404 = arith.index_cast %add3A_403 : i32 to index
          %get3A_405 = arith.constant 0 : index
          %get3A_406 = tpu.vector_load %arg21[%get3A_404, %get3A_405] {strides = array<i32>} : memref<80x64xf32, #tpu.memory_space<vmem>>, vector<16xf32>,
          %get3A_407 = arith.index_cast %add3A_403 : i32 to index
          %get3A_408 = arith.constant 0 : index
          %get3A_409 = tpu.vector_load %arg22[%get3A_407, %get3A_408] {strides = array<i32>} : memref<80x64xf32, #tpu.memory_space<vmem>>, vector<16xf32>,
          %sub3A_410 = arith.subf %get3A_406, %get3A_409 : vector<16xf32>
          %swap3A_411 = arith.index_cast %add3A_403 : i32 to index
          %swap3A_412 = arith.constant 0 : index
          %swap3A_413 = tpu.vector_load %arg23[%swap3A_411, %swap3A_412] {strides = array<i32>} : memref<80x64xf32, #tpu.memory_space<vmem>>, vector<16xf32>,
          tpu.vector_store %arg23[%swap3A_411, %swap3A_412], %sub3A_410 {strides = array<i32>} : memref<80x64xf32, #tpu.memory_space<vmem>>, vector<16xf32>,
          %get3A_414 = arith.index_cast %add3A_403 : i32 to index
          %get3A_415 = arith.constant 16 : index
          %get3A_416 = tpu.vector_load %arg21[%get3A_414, %get3A_415] {strides = array<i32>} : memref<80x64xf32, #tpu.memory_space<vmem>>, vector<16xf32>,
          %get3A_417 = arith.index_cast %add3A_403 : i32 to index
          %get3A_418 = arith.constant 16 : index
          %get3A_419 = tpu.vector_load %arg22[%get3A_417, %get3A_418] {strides = array<i32>} : memref<80x64xf32, #tpu.memory_space<vmem>>, vector<16xf32>,
          %sub3A_420 = arith.subf %get3A_416, %get3A_419 : vector<16xf32>
          %swap3A_421 = arith.index_cast %add3A_403 : i32 to index
          %swap3A_422 = arith.constant 16 : index
          %swap3A_423 = tpu.vector_load %arg23[%swap3A_421, %swap3A_422] {strides = array<i32>} : memref<80x64xf32, #tpu.memory_space<vmem>>, vector<16xf32>,
          tpu.vector_store %arg23[%swap3A_421, %swap3A_422], %sub3A_420 {strides = array<i32>} : memref<80x64xf32, #tpu.memory_space<vmem>>, vector<16xf32>,
          %get3A_424 = arith.index_cast %add3A_403 : i32 to index
          %get3A_425 = arith.constant 32 : index
          %get3A_426 = tpu.vector_load %arg21[%get3A_424, %get3A_425] {strides = array<i32>} : memref<80x64xf32, #tpu.memory_space<vmem>>, vector<16xf32>,
          %get3A_427 = arith.index_cast %add3A_403 : i32 to index
          %get3A_428 = arith.constant 32 : index
          %get3A_429 = tpu.vector_load %arg22[%get3A_427, %get3A_428] {strides = array<i32>} : memref<80x64xf32, #tpu.memory_space<vmem>>, vector<16xf32>,
          %sub3A_430 = arith.subf %get3A_426, %get3A_429 : vector<16xf32>
          %swap3A_431 = arith.index_cast %add3A_403 : i32 to index
          %swap3A_432 = arith.constant 32 : index
          %swap3A_433 = tpu.vector_load %arg23[%swap3A_431, %swap3A_432] {strides = array<i32>} : memref<80x64xf32, #tpu.memory_space<vmem>>, vector<16xf32>,
          tpu.vector_store %arg23[%swap3A_431, %swap3A_432], %sub3A_430 {strides = array<i32>} : memref<80x64xf32, #tpu.memory_space<vmem>>, vector<16xf32>,
          %get3A_434 = arith.index_cast %add3A_403 : i32 to index
          %get3A_435 = arith.constant 48 : index
          %get3A_436 = tpu.vector_load %arg21[%get3A_434, %get3A_435] {strides = array<i32>} : memref<80x64xf32, #tpu.memory_space<vmem>>, vector<16xf32>,
          %get3A_437 = arith.index_cast %add3A_403 : i32 to index
          %get3A_438 = arith.constant 48 : index
          %get3A_439 = tpu.vector_load %arg22[%get3A_437, %get3A_438] {strides = array<i32>} : memref<80x64xf32, #tpu.memory_space<vmem>>, vector<16xf32>,
          %sub3A_440 = arith.subf %get3A_436, %get3A_439 : vector<16xf32>
          %swap3A_441 = arith.index_cast %add3A_403 : i32 to index
          %swap3A_442 = arith.constant 48 : index
          %swap3A_443 = tpu.vector_load %arg23[%swap3A_441, %swap3A_442] {strides = array<i32>} : memref<80x64xf32, #tpu.memory_space<vmem>>, vector<16xf32>,
          tpu.vector_store %arg23[%swap3A_441, %swap3A_442], %sub3A_440 {strides = array<i32>} : memref<80x64xf32, #tpu.memory_space<vmem>>, vector<16xf32>,
          %scan3A_444 = arith.constant 2 : i32
          %scan3A_445 = arith.addi %scan3A_356, %scan3A_444 : i32
          %mul3A_446 = arith.constant 1 : i32
          %mul3A_447 = arith.muli %scan3A_445, %mul3A_446 : i32
          %add3A_448 = arith.constant 0 : i32
          %add3A_449 = arith.addi %add3A_448, %mul3A_447 : i32
          %get3A_450 = arith.index_cast %add3A_449 : i32 to index
          %get3A_451 = arith.constant 0 : index
          %get3A_452 = tpu.vector_load %arg21[%get3A_450, %get3A_451] {strides = array<i32>} : memref<80x64xf32, #tpu.memory_space<vmem>>, vector<16xf32>,
          %get3A_453 = arith.index_cast %add3A_449 : i32 to index
          %get3A_454 = arith.constant 0 : index
          %get3A_455 = tpu.vector_load %arg22[%get3A_453, %get3A_454] {strides = array<i32>} : memref<80x64xf32, #tpu.memory_space<vmem>>, vector<16xf32>,
          %sub3A_456 = arith.subf %get3A_452, %get3A_455 : vector<16xf32>
          %swap3A_457 = arith.index_cast %add3A_449 : i32 to index
          %swap3A_458 = arith.constant 0 : index
          %swap3A_459 = tpu.vector_load %arg23[%swap3A_457, %swap3A_458] {strides = array<i32>} : memref<80x64xf32, #tpu.memory_space<vmem>>, vector<16xf32>,
          tpu.vector_store %arg23[%swap3A_457, %swap3A_458], %sub3A_456 {strides = array<i32>} : memref<80x64xf32, #tpu.memory_space<vmem>>, vector<16xf32>,
          %get3A_460 = arith.index_cast %add3A_449 : i32 to index
          %get3A_461 = arith.constant 16 : index
          %get3A_462 = tpu.vector_load %arg21[%get3A_460, %get3A_461] {strides = array<i32>} : memref<80x64xf32, #tpu.memory_space<vmem>>, vector<16xf32>,
          %get3A_463 = arith.index_cast %add3A_449 : i32 to index
          %get3A_464 = arith.constant 16 : index
          %get3A_465 = tpu.vector_load %arg22[%get3A_463, %get3A_464] {strides = array<i32>} : memref<80x64xf32, #tpu.memory_space<vmem>>, vector<16xf32>,
          %sub3A_466 = arith.subf %get3A_462, %get3A_465 : vector<16xf32>
          %swap3A_467 = arith.index_cast %add3A_449 : i32 to index
          %swap3A_468 = arith.constant 16 : index
          %swap3A_469 = tpu.vector_load %arg23[%swap3A_467, %swap3A_468] {strides = array<i32>} : memref<80x64xf32, #tpu.memory_space<vmem>>, vector<16xf32>,
          tpu.vector_store %arg23[%swap3A_467, %swap3A_468], %sub3A_466 {strides = array<i32>} : memref<80x64xf32, #tpu.memory_space<vmem>>, vector<16xf32>,
          %get3A_470 = arith.index_cast %add3A_449 : i32 to index
          %get3A_471 = arith.constant 32 : index
          %get3A_472 = tpu.vector_load %arg21[%get3A_470, %get3A_471] {strides = array<i32>} : memref<80x64xf32, #tpu.memory_space<vmem>>, vector<16xf32>,
          %get3A_473 = arith.index_cast %add3A_449 : i32 to index
          %get3A_474 = arith.constant 32 : index
          %get3A_475 = tpu.vector_load %arg22[%get3A_473, %get3A_474] {strides = array<i32>} : memref<80x64xf32, #tpu.memory_space<vmem>>, vector<16xf32>,
          %sub3A_476 = arith.subf %get3A_472, %get3A_475 : vector<16xf32>
          %swap3A_477 = arith.index_cast %add3A_449 : i32 to index
          %swap3A_478 = arith.constant 32 : index
          %swap3A_479 = tpu.vector_load %arg23[%swap3A_477, %swap3A_478] {strides = array<i32>} : memref<80x64xf32, #tpu.memory_space<vmem>>, vector<16xf32>,
          tpu.vector_store %arg23[%swap3A_477, %swap3A_478], %sub3A_476 {strides = array<i32>} : memref<80x64xf32, #tpu.memory_space<vmem>>, vector<16xf32>,
          %get3A_480 = arith.index_cast %add3A_449 : i32 to index
          %get3A_481 = arith.constant 48 : index
          %get3A_482 = tpu.vector_load %arg21[%get3A_480, %get3A_481] {strides = array<i32>} : memref<80x64xf32, #tpu.memory_space<vmem>>, vector<16xf32>,
          %get3A_483 = arith.index_cast %add3A_449 : i32 to index
          %get3A_484 = arith.constant 48 : index
          %get3A_485 = tpu.vector_load %arg22[%get3A_483, %get3A_484] {strides = array<i32>} : memref<80x64xf32, #tpu.memory_space<vmem>>, vector<16xf32>,
          %sub3A_486 = arith.subf %get3A_482, %get3A_485 : vector<16xf32>
          %swap3A_487 = arith.index_cast %add3A_449 : i32 to index
          %swap3A_488 = arith.constant 48 : index
          %swap3A_489 = tpu.vector_load %arg23[%swap3A_487, %swap3A_488] {strides = array<i32>} : memref<80x64xf32, #tpu.memory_space<vmem>>, vector<16xf32>,
          tpu.vector_store %arg23[%swap3A_487, %swap3A_488], %sub3A_486 {strides = array<i32>} : memref<80x64xf32, #tpu.memory_space<vmem>>, vector<16xf32>,
          %scan3A_490 = arith.constant 3 : i32
          %scan3A_491 = arith.addi %scan3A_356, %scan3A_490 : i32
          %mul3A_492 = arith.constant 1 : i32
          %mul3A_493 = arith.muli %scan3A_491, %mul3A_492 : i32
          %add3A_494 = arith.constant 0 : i32
          %add3A_495 = arith.addi %add3A_494, %mul3A_493 : i32
          %get3A_496 = arith.index_cast %add3A_495 : i32 to index
          %get3A_497 = arith.constant 0 : index
          %get3A_498 = tpu.vector_load %arg21[%get3A_496, %get3A_497] {strides = array<i32>} : memref<80x64xf32, #tpu.memory_space<vmem>>, vector<16xf32>,
          %get3A_499 = arith.index_cast %add3A_495 : i32 to index
          %get3A_500 = arith.constant 0 : index
          %get3A_501 = tpu.vector_load %arg22[%get3A_499, %get3A_500] {strides = array<i32>} : memref<80x64xf32, #tpu.memory_space<vmem>>, vector<16xf32>,
          %sub3A_502 = arith.subf %get3A_498, %get3A_501 : vector<16xf32>
          %swap3A_503 = arith.index_cast %add3A_495 : i32 to index
          %swap3A_504 = arith.constant 0 : index
          %swap3A_505 = tpu.vector_load %arg23[%swap3A_503, %swap3A_504] {strides = array<i32>} : memref<80x64xf32, #tpu.memory_space<vmem>>, vector<16xf32>,
          tpu.vector_store %arg23[%swap3A_503, %swap3A_504], %sub3A_502 {strides = array<i32>} : memref<80x64xf32, #tpu.memory_space<vmem>>, vector<16xf32>,
          %get3A_506 = arith.index_cast %add3A_495 : i32 to index
          %get3A_507 = arith.constant 16 : index
          %get3A_508 = tpu.vector_load %arg21[%get3A_506, %get3A_507] {strides = array<i32>} : memref<80x64xf32, #tpu.memory_space<vmem>>, vector<16xf32>,
          %get3A_509 = arith.index_cast %add3A_495 : i32 to index
          %get3A_510 = arith.constant 16 : index
          %get3A_511 = tpu.vector_load %arg22[%get3A_509, %get3A_510] {strides = array<i32>} : memref<80x64xf32, #tpu.memory_space<vmem>>, vector<16xf32>,
          %sub3A_512 = arith.subf %get3A_508, %get3A_511 : vector<16xf32>
          %swap3A_513 = arith.index_cast %add3A_495 : i32 to index
          %swap3A_514 = arith.constant 16 : index
          %swap3A_515 = tpu.vector_load %arg23[%swap3A_513, %swap3A_514] {strides = array<i32>} : memref<80x64xf32, #tpu.memory_space<vmem>>, vector<16xf32>,
          tpu.vector_store %arg23[%swap3A_513, %swap3A_514], %sub3A_512 {strides = array<i32>} : memref<80x64xf32, #tpu.memory_space<vmem>>, vector<16xf32>,
          %get3A_516 = arith.index_cast %add3A_495 : i32 to index
          %get3A_517 = arith.constant 32 : index
          %get3A_518 = tpu.vector_load %arg21[%get3A_516, %get3A_517] {strides = array<i32>} : memref<80x64xf32, #tpu.memory_space<vmem>>, vector<16xf32>,
          %get3A_519 = arith.index_cast %add3A_495 : i32 to index
          %get3A_520 = arith.constant 32 : index
          %get3A_521 = tpu.vector_load %arg22[%get3A_519, %get3A_520] {strides = array<i32>} : memref<80x64xf32, #tpu.memory_space<vmem>>, vector<16xf32>,
          %sub3A_522 = arith.subf %get3A_518, %get3A_521 : vector<16xf32>
          %swap3A_523 = arith.index_cast %add3A_495 : i32 to index
          %swap3A_524 = arith.constant 32 : index
          %swap3A_525 = tpu.vector_load %arg23[%swap3A_523, %swap3A_524] {strides = array<i32>} : memref<80x64xf32, #tpu.memory_space<vmem>>, vector<16xf32>,
          tpu.vector_store %arg23[%swap3A_523, %swap3A_524], %sub3A_522 {strides = array<i32>} : memref<80x64xf32, #tpu.memory_space<vmem>>, vector<16xf32>,
          %get3A_526 = arith.index_cast %add3A_495 : i32 to index
          %get3A_527 = arith.constant 48 : index
          %get3A_528 = tpu.vector_load %arg21[%get3A_526, %get3A_527] {strides = array<i32>} : memref<80x64xf32, #tpu.memory_space<vmem>>, vector<16xf32>,
          %get3A_529 = arith.index_cast %add3A_495 : i32 to index
          %get3A_530 = arith.constant 48 : index
          %get3A_531 = tpu.vector_load %arg22[%get3A_529, %get3A_530] {strides = array<i32>} : memref<80x64xf32, #tpu.memory_space<vmem>>, vector<16xf32>,
          %sub3A_532 = arith.subf %get3A_528, %get3A_531 : vector<16xf32>
          %swap3A_533 = arith.index_cast %add3A_495 : i32 to index
          %swap3A_534 = arith.constant 48 : index
          %swap3A_535 = tpu.vector_load %arg23[%swap3A_533, %swap3A_534] {strides = array<i32>} : memref<80x64xf32, #tpu.memory_space<vmem>>, vector<16xf32>,
          tpu.vector_store %arg23[%swap3A_533, %swap3A_534], %sub3A_532 {strides = array<i32>} : memref<80x64xf32, #tpu.memory_space<vmem>>, vector<16xf32>,
        }
        %scan3A_299 = arith.constant 80 : i32
        %mul3A_300 = arith.constant 4000 : i32
        %mul3A_301 = arith.muli %add3A_237, %mul3A_300 : i32
        %add3A_302 = arith.addi %mul3A_2, %mul3A_301 : i32
        %mul3A_303 = arith.constant 80 : i32
        %mul3A_304 = arith.muli %mul3A_270, %mul3A_303 : i32
        %add3A_305 = arith.addi %add3A_302, %mul3A_304 : i32
        %eq3A_306 = arith.constant 0 : i32
        %eq3A_307 = arith.cmpi eq, %arg0, %eq3A_306 : i32
        %convert_element_type3A_308 = arith.extui %eq3A_307 : i1 to i32
        %cond3A_309 = arith.constant 0 : i32
        %cond3A_310 = arith.cmpi ne, %convert_element_type3A_308, %cond3A_309 : i32
        scf.if %cond3A_310 {
          %dma_start3A = arith.constant 0 : i32
          %dma_start3A_356 = tpu.memref_slice %arg7[%add3A_305, %dma_start3A] : memref<320000x128xf32, #tpu.memory_space<hbm>> -> memref<80x64xf32, #tpu.memory_space<hbm>>
          %dma_start3A_357 = arith.constant 0 : i32
          %dma_start3A_358 = tpu.memref_slice %arg7[%add3A_305, %dma_start3A_357] : memref<320000x128xf32, #tpu.memory_space<hbm>> -> memref<80x64xf32, #tpu.memory_space<hbm>>
          tpu.enqueue_dma source(%arg23 : memref<80x64xf32, #tpu.memory_space<vmem>>) target(%dma_start3A_358 : memref<80x64xf32, #tpu.memory_space<hbm>>) target_semaphore(%arg31 : memref<!tpu.dma_semaphore, #tpu.memory_space<semaphore_mem>>)
        } else {
        }
        %eq3A_311 = arith.constant 1 : i32
        %eq3A_312 = arith.cmpi eq, %arg0, %eq3A_311 : i32
        %convert_element_type3A_313 = arith.extui %eq3A_312 : i1 to i32
        %cond3A_314 = arith.constant 0 : i32
        %cond3A_315 = arith.cmpi ne, %convert_element_type3A_313, %cond3A_314 : i32
        scf.if %cond3A_315 {
          %dma_start3A = arith.constant 64 : i32
          %dma_start3A_356 = tpu.memref_slice %arg7[%add3A_305, %dma_start3A] : memref<320000x128xf32, #tpu.memory_space<hbm>> -> memref<80x64xf32, #tpu.memory_space<hbm>>
          %dma_start3A_357 = arith.constant 64 : i32
          %dma_start3A_358 = tpu.memref_slice %arg7[%add3A_305, %dma_start3A_357] : memref<320000x128xf32, #tpu.memory_space<hbm>> -> memref<80x64xf32, #tpu.memory_space<hbm>>
          tpu.enqueue_dma source(%arg23 : memref<80x64xf32, #tpu.memory_space<vmem>>) target(%dma_start3A_358 : memref<80x64xf32, #tpu.memory_space<hbm>>) target_semaphore(%arg31 : memref<!tpu.dma_semaphore, #tpu.memory_space<semaphore_mem>>)
        } else {
        }
        %add3A_316 = arith.constant 2 : i32
        %add3A_317 = arith.addi %mul3A_270, %add3A_316 : i32
        %lt3A = arith.constant 50 : i32
        %lt3A_318 = arith.cmpi slt, %add3A_317, %lt3A : i32
        %convert_element_type3A_319 = arith.extui %lt3A_318 : i1 to i32
        %cond3A_320 = arith.constant 0 : i32
        %cond3A_321 = arith.cmpi ne, %convert_element_type3A_319, %cond3A_320 : i32
        scf.if %cond3A_321 {
          %add3A_356 = arith.constant 2 : i32
          %add3A_357 = arith.addi %mul3A_270, %add3A_356 : i32
          %mul3A_358 = arith.constant 80 : i32
          %mul3A_359 = arith.muli %add3A_357, %mul3A_358 : i32
          %eq3A_360 = arith.constant 0 : i32
          %eq3A_361 = arith.cmpi eq, %arg0, %eq3A_360 : i32
          %convert_element_type3A_362 = arith.extui %eq3A_361 : i1 to i32
          %cond3A_363 = arith.constant 0 : i32
          %cond3A_364 = arith.cmpi ne, %convert_element_type3A_362, %cond3A_363 : i32
          scf.if %cond3A_364 {
            %dma_start3A = tpu.memref_slice %arg12[%mul3A_359] : memref<4000xi32, #tpu.memory_space<vmem>> -> memref<80xi32, #tpu.memory_space<vmem>>
            %dma_start3A_370 = arith.constant 0 : i32
            %dma_start3A_371 = arith.constant 0 : i32
            %dma_start3A_372 = tpu.memref_slice %arg8[%dma_start3A_370, %dma_start3A_371] : memref<320000x64xf32, #tpu.memory_space<hbm>> -> memref<320000x64xf32, #tpu.memory_space<hbm>>
            tpu.enqueue_indirect_dma source(%dma_start3A_372 : memref<320000x64xf32, #tpu.memory_space<hbm>>) target(%arg22 : memref<80x64xf32, #tpu.memory_space<vmem>>) offsets(%dma_start3A : memref<80xi32, #tpu.memory_space<vmem>>) semaphore(%arg29 : memref<!tpu.dma_semaphore, #tpu.memory_space<semaphore_mem>>)
          } else {
          }
          %eq3A_365 = arith.constant 1 : i32
          %eq3A_366 = arith.cmpi eq, %arg0, %eq3A_365 : i32
          %convert_element_type3A_367 = arith.extui %eq3A_366 : i1 to i32
          %cond3A_368 = arith.constant 0 : i32
          %cond3A_369 = arith.cmpi ne, %convert_element_type3A_367, %cond3A_368 : i32
          scf.if %cond3A_369 {
            %dma_start3A = tpu.memref_slice %arg12[%mul3A_359] : memref<4000xi32, #tpu.memory_space<vmem>> -> memref<80xi32, #tpu.memory_space<vmem>>
            %dma_start3A_370 = arith.constant 0 : i32
            %dma_start3A_371 = arith.constant 0 : i32
            %dma_start3A_372 = tpu.memref_slice %arg9[%dma_start3A_370, %dma_start3A_371] : memref<320000x64xf32, #tpu.memory_space<hbm>> -> memref<320000x64xf32, #tpu.memory_space<hbm>>
            tpu.enqueue_indirect_dma source(%dma_start3A_372 : memref<320000x64xf32, #tpu.memory_space<hbm>>) target(%arg22 : memref<80x64xf32, #tpu.memory_space<vmem>>) offsets(%dma_start3A : memref<80xi32, #tpu.memory_space<vmem>>) semaphore(%arg29 : memref<!tpu.dma_semaphore, #tpu.memory_space<semaphore_mem>>)
          } else {
          }
          "tpu.region"() ({
            %run_scoped3A_370 = tpu.sem_alloc : memref<!tpu.dma_semaphore, #tpu.memory_space<semaphore_mem>>
            %dma_start3A = tpu.memref_slice %arg11[%mul3A_359] : memref<4000xi32, #tpu.memory_space<vmem>> -> memref<80xi32, #tpu.memory_space<vmem>>
            %dma_start3A_371 = arith.constant 0 : i32
            %dma_start3A_372 = arith.constant 0 : i32
            %dma_start3A_373 = tpu.memref_slice %arg28[%dma_start3A_371, %dma_start3A_372] : memref<10240x64xf32, #tpu.memory_space<vmem_shared>> -> memref<10240x64xf32, #tpu.memory_space<vmem_shared>>
            tpu.enqueue_indirect_dma source(%dma_start3A_373 : memref<10240x64xf32, #tpu.memory_space<vmem_shared>>) target(%arg21 : memref<80x64xf32, #tpu.memory_space<vmem>>) offsets(%dma_start3A : memref<80xi32, #tpu.memory_space<vmem>>) semaphore(%run_scoped3A_370 : memref<!tpu.dma_semaphore, #tpu.memory_space<semaphore_mem>>)
            %dma_wait3A_374 = tpu.memref_slice %arg11[%mul3A_359] : memref<4000xi32, #tpu.memory_space<vmem>> -> memref<80xi32, #tpu.memory_space<vmem>>
            %dma_wait3A_375 = arith.constant 0 : i32
            %dma_wait3A_376 = arith.constant 0 : i32
            %dma_wait3A_377 = tpu.memref_slice %arg28[%dma_wait3A_375, %dma_wait3A_376] : memref<10240x64xf32, #tpu.memory_space<vmem_shared>> -> memref<10240x64xf32, #tpu.memory_space<vmem_shared>>
            tpu.wait_indirect_dma semaphore(%run_scoped3A_370 : memref<!tpu.dma_semaphore, #tpu.memory_space<semaphore_mem>>) src(%dma_wait3A_377 : memref<10240x64xf32, #tpu.memory_space<vmem_shared>>) dst(%arg21 : memref<80x64xf32, #tpu.memory_space<vmem>>)
            tpu.yield
          }) : () -> ()
        } else {
        }
        %add3A_322 = arith.constant 1 : i32
        %add3A_323 = arith.addi %mul3A_270, %add3A_322 : i32
        %dma_wait3A_324 = arith.constant 0 : i32
        %dma_wait3A_325 = arith.constant 0 : i32
        %dma_wait3A_326 = tpu.memref_slice %arg8[%dma_wait3A_324, %dma_wait3A_325] : memref<320000x64xf32, #tpu.memory_space<hbm>> -> memref<80x64xf32, #tpu.memory_space<hbm>>
        %dma_wait3A_327 = arith.constant 0 : i32
        %dma_wait3A_328 = arith.constant 0 : i32
        %dma_wait3A_329 = tpu.memref_slice %arg8[%dma_wait3A_327, %dma_wait3A_328] : memref<320000x64xf32, #tpu.memory_space<hbm>> -> memref<80x64xf32, #tpu.memory_space<hbm>>
        tpu.wait_dma2 semaphore(%arg30 : memref<!tpu.dma_semaphore, #tpu.memory_space<semaphore_mem>>) src(%dma_wait3A_329 : memref<80x64xf32, #tpu.memory_space<hbm>>) dst(%arg25 : memref<80x64xf32, #tpu.memory_space<vmem>>)
        %gt3A_330 = arith.constant 0 : i32
        %gt3A_331 = arith.cmpi sgt, %add3A_268, %gt3A_330 : i32
        %convert_element_type3A_332 = arith.extui %gt3A_331 : i1 to i32
        %cond3A_333 = arith.constant 0 : i32
        %cond3A_334 = arith.cmpi ne, %convert_element_type3A_332, %cond3A_333 : i32
        scf.if %cond3A_334 {
          %dma_wait3A_356 = arith.constant 0 : i32
          %dma_wait3A_357 = arith.constant 0 : i32
          %dma_wait3A_358 = tpu.memref_slice %arg7[%dma_wait3A_356, %dma_wait3A_357] : memref<320000x128xf32, #tpu.memory_space<hbm>> -> memref<80x64xf32, #tpu.memory_space<hbm>>
          %dma_wait3A_359 = arith.constant 0 : i32
          %dma_wait3A_360 = arith.constant 0 : i32
          %dma_wait3A_361 = tpu.memref_slice %arg7[%dma_wait3A_359, %dma_wait3A_360] : memref<320000x128xf32, #tpu.memory_space<hbm>> -> memref<80x64xf32, #tpu.memory_space<hbm>>
          tpu.wait_dma2 semaphore(%arg32 : memref<!tpu.dma_semaphore, #tpu.memory_space<semaphore_mem>>) src(%arg26 : memref<80x64xf32, #tpu.memory_space<vmem>>) dst(%dma_wait3A_361 : memref<80x64xf32, #tpu.memory_space<hbm>>)
        } else {
        }
        %scan3A_335 = arith.constant 0 : i32
        %scan3A_336 = arith.constant 80 : i32
        %scan3A_337 = arith.addi %scan3A_335, %scan3A_336 : i32
        %scan3A_338 = arith.constant 4 : i32
        scf.for %scan3A_356 = %scan3A_335 to %scan3A_337 step %scan3A_338  : i32 {
          %mul3A_357 = arith.constant 1 : i32
          %mul3A_358 = arith.muli %scan3A_356, %mul3A_357 : i32
          %add3A_359 = arith.constant 0 : i32
          %add3A_360 = arith.addi %add3A_359, %mul3A_358 : i32
          %get3A = arith.index_cast %add3A_360 : i32 to index
          %get3A_361 = arith.constant 0 : index
          %get3A_362 = tpu.vector_load %arg24[%get3A, %get3A_361] {strides = array<i32>} : memref<80x64xf32, #tpu.memory_space<vmem>>, vector<16xf32>,
          %get3A_363 = arith.index_cast %add3A_360 : i32 to index
          %get3A_364 = arith.constant 0 : index
          %get3A_365 = tpu.vector_load %arg25[%get3A_363, %get3A_364] {strides = array<i32>} : memref<80x64xf32, #tpu.memory_space<vmem>>, vector<16xf32>,
          %sub3A = arith.subf %get3A_362, %get3A_365 : vector<16xf32>
          %swap3A = arith.index_cast %add3A_360 : i32 to index
          %swap3A_366 = arith.constant 0 : index
          %swap3A_367 = tpu.vector_load %arg26[%swap3A, %swap3A_366] {strides = array<i32>} : memref<80x64xf32, #tpu.memory_space<vmem>>, vector<16xf32>,
          tpu.vector_store %arg26[%swap3A, %swap3A_366], %sub3A {strides = array<i32>} : memref<80x64xf32, #tpu.memory_space<vmem>>, vector<16xf32>,
          %get3A_368 = arith.index_cast %add3A_360 : i32 to index
          %get3A_369 = arith.constant 16 : index
          %get3A_370 = tpu.vector_load %arg24[%get3A_368, %get3A_369] {strides = array<i32>} : memref<80x64xf32, #tpu.memory_space<vmem>>, vector<16xf32>,
          %get3A_371 = arith.index_cast %add3A_360 : i32 to index
          %get3A_372 = arith.constant 16 : index
          %get3A_373 = tpu.vector_load %arg25[%get3A_371, %get3A_372] {strides = array<i32>} : memref<80x64xf32, #tpu.memory_space<vmem>>, vector<16xf32>,
          %sub3A_374 = arith.subf %get3A_370, %get3A_373 : vector<16xf32>
          %swap3A_375 = arith.index_cast %add3A_360 : i32 to index
          %swap3A_376 = arith.constant 16 : index
          %swap3A_377 = tpu.vector_load %arg26[%swap3A_375, %swap3A_376] {strides = array<i32>} : memref<80x64xf32, #tpu.memory_space<vmem>>, vector<16xf32>,
          tpu.vector_store %arg26[%swap3A_375, %swap3A_376], %sub3A_374 {strides = array<i32>} : memref<80x64xf32, #tpu.memory_space<vmem>>, vector<16xf32>,
          %get3A_378 = arith.index_cast %add3A_360 : i32 to index
          %get3A_379 = arith.constant 32 : index
          %get3A_380 = tpu.vector_load %arg24[%get3A_378, %get3A_379] {strides = array<i32>} : memref<80x64xf32, #tpu.memory_space<vmem>>, vector<16xf32>,
          %get3A_381 = arith.index_cast %add3A_360 : i32 to index
          %get3A_382 = arith.constant 32 : index
          %get3A_383 = tpu.vector_load %arg25[%get3A_381, %get3A_382] {strides = array<i32>} : memref<80x64xf32, #tpu.memory_space<vmem>>, vector<16xf32>,
          %sub3A_384 = arith.subf %get3A_380, %get3A_383 : vector<16xf32>
          %swap3A_385 = arith.index_cast %add3A_360 : i32 to index
          %swap3A_386 = arith.constant 32 : index
          %swap3A_387 = tpu.vector_load %arg26[%swap3A_385, %swap3A_386] {strides = array<i32>} : memref<80x64xf32, #tpu.memory_space<vmem>>, vector<16xf32>,
          tpu.vector_store %arg26[%swap3A_385, %swap3A_386], %sub3A_384 {strides = array<i32>} : memref<80x64xf32, #tpu.memory_space<vmem>>, vector<16xf32>,
          %get3A_388 = arith.index_cast %add3A_360 : i32 to index
          %get3A_389 = arith.constant 48 : index
          %get3A_390 = tpu.vector_load %arg24[%get3A_388, %get3A_389] {strides = array<i32>} : memref<80x64xf32, #tpu.memory_space<vmem>>, vector<16xf32>,
          %get3A_391 = arith.index_cast %add3A_360 : i32 to index
          %get3A_392 = arith.constant 48 : index
          %get3A_393 = tpu.vector_load %arg25[%get3A_391, %get3A_392] {strides = array<i32>} : memref<80x64xf32, #tpu.memory_space<vmem>>, vector<16xf32>,
          %sub3A_394 = arith.subf %get3A_390, %get3A_393 : vector<16xf32>
          %swap3A_395 = arith.index_cast %add3A_360 : i32 to index
          %swap3A_396 = arith.constant 48 : index
          %swap3A_397 = tpu.vector_load %arg26[%swap3A_395, %swap3A_396] {strides = array<i32>} : memref<80x64xf32, #tpu.memory_space<vmem>>, vector<16xf32>,
          tpu.vector_store %arg26[%swap3A_395, %swap3A_396], %sub3A_394 {strides = array<i32>} : memref<80x64xf32, #tpu.memory_space<vmem>>, vector<16xf32>,
          %scan3A_398 = arith.constant 1 : i32
          %scan3A_399 = arith.addi %scan3A_356, %scan3A_398 : i32
          %mul3A_400 = arith.constant 1 : i32
          %mul3A_401 = arith.muli %scan3A_399, %mul3A_400 : i32
          %add3A_402 = arith.constant 0 : i32
          %add3A_403 = arith.addi %add3A_402, %mul3A_401 : i32
          %get3A_404 = arith.index_cast %add3A_403 : i32 to index
          %get3A_405 = arith.constant 0 : index
          %get3A_406 = tpu.vector_load %arg24[%get3A_404, %get3A_405] {strides = array<i32>} : memref<80x64xf32, #tpu.memory_space<vmem>>, vector<16xf32>,
          %get3A_407 = arith.index_cast %add3A_403 : i32 to index
          %get3A_408 = arith.constant 0 : index
          %get3A_409 = tpu.vector_load %arg25[%get3A_407, %get3A_408] {strides = array<i32>} : memref<80x64xf32, #tpu.memory_space<vmem>>, vector<16xf32>,
          %sub3A_410 = arith.subf %get3A_406, %get3A_409 : vector<16xf32>
          %swap3A_411 = arith.index_cast %add3A_403 : i32 to index
          %swap3A_412 = arith.constant 0 : index
          %swap3A_413 = tpu.vector_load %arg26[%swap3A_411, %swap3A_412] {strides = array<i32>} : memref<80x64xf32, #tpu.memory_space<vmem>>, vector<16xf32>,
          tpu.vector_store %arg26[%swap3A_411, %swap3A_412], %sub3A_410 {strides = array<i32>} : memref<80x64xf32, #tpu.memory_space<vmem>>, vector<16xf32>,
          %get3A_414 = arith.index_cast %add3A_403 : i32 to index
          %get3A_415 = arith.constant 16 : index
          %get3A_416 = tpu.vector_load %arg24[%get3A_414, %get3A_415] {strides = array<i32>} : memref<80x64xf32, #tpu.memory_space<vmem>>, vector<16xf32>,
          %get3A_417 = arith.index_cast %add3A_403 : i32 to index
          %get3A_418 = arith.constant 16 : index
          %get3A_419 = tpu.vector_load %arg25[%get3A_417, %get3A_418] {strides = array<i32>} : memref<80x64xf32, #tpu.memory_space<vmem>>, vector<16xf32>,
          %sub3A_420 = arith.subf %get3A_416, %get3A_419 : vector<16xf32>
          %swap3A_421 = arith.index_cast %add3A_403 : i32 to index
          %swap3A_422 = arith.constant 16 : index
          %swap3A_423 = tpu.vector_load %arg26[%swap3A_421, %swap3A_422] {strides = array<i32>} : memref<80x64xf32, #tpu.memory_space<vmem>>, vector<16xf32>,
          tpu.vector_store %arg26[%swap3A_421, %swap3A_422], %sub3A_420 {strides = array<i32>} : memref<80x64xf32, #tpu.memory_space<vmem>>, vector<16xf32>,
          %get3A_424 = arith.index_cast %add3A_403 : i32 to index
          %get3A_425 = arith.constant 32 : index
          %get3A_426 = tpu.vector_load %arg24[%get3A_424, %get3A_425] {strides = array<i32>} : memref<80x64xf32, #tpu.memory_space<vmem>>, vector<16xf32>,
          %get3A_427 = arith.index_cast %add3A_403 : i32 to index
          %get3A_428 = arith.constant 32 : index
          %get3A_429 = tpu.vector_load %arg25[%get3A_427, %get3A_428] {strides = array<i32>} : memref<80x64xf32, #tpu.memory_space<vmem>>, vector<16xf32>,
          %sub3A_430 = arith.subf %get3A_426, %get3A_429 : vector<16xf32>
          %swap3A_431 = arith.index_cast %add3A_403 : i32 to index
          %swap3A_432 = arith.constant 32 : index
          %swap3A_433 = tpu.vector_load %arg26[%swap3A_431, %swap3A_432] {strides = array<i32>} : memref<80x64xf32, #tpu.memory_space<vmem>>, vector<16xf32>,
          tpu.vector_store %arg26[%swap3A_431, %swap3A_432], %sub3A_430 {strides = array<i32>} : memref<80x64xf32, #tpu.memory_space<vmem>>, vector<16xf32>,
          %get3A_434 = arith.index_cast %add3A_403 : i32 to index
          %get3A_435 = arith.constant 48 : index
          %get3A_436 = tpu.vector_load %arg24[%get3A_434, %get3A_435] {strides = array<i32>} : memref<80x64xf32, #tpu.memory_space<vmem>>, vector<16xf32>,
          %get3A_437 = arith.index_cast %add3A_403 : i32 to index
          %get3A_438 = arith.constant 48 : index
          %get3A_439 = tpu.vector_load %arg25[%get3A_437, %get3A_438] {strides = array<i32>} : memref<80x64xf32, #tpu.memory_space<vmem>>, vector<16xf32>,
          %sub3A_440 = arith.subf %get3A_436, %get3A_439 : vector<16xf32>
          %swap3A_441 = arith.index_cast %add3A_403 : i32 to index
          %swap3A_442 = arith.constant 48 : index
          %swap3A_443 = tpu.vector_load %arg26[%swap3A_441, %swap3A_442] {strides = array<i32>} : memref<80x64xf32, #tpu.memory_space<vmem>>, vector<16xf32>,
          tpu.vector_store %arg26[%swap3A_441, %swap3A_442], %sub3A_440 {strides = array<i32>} : memref<80x64xf32, #tpu.memory_space<vmem>>, vector<16xf32>,
          %scan3A_444 = arith.constant 2 : i32
          %scan3A_445 = arith.addi %scan3A_356, %scan3A_444 : i32
          %mul3A_446 = arith.constant 1 : i32
          %mul3A_447 = arith.muli %scan3A_445, %mul3A_446 : i32
          %add3A_448 = arith.constant 0 : i32
          %add3A_449 = arith.addi %add3A_448, %mul3A_447 : i32
          %get3A_450 = arith.index_cast %add3A_449 : i32 to index
          %get3A_451 = arith.constant 0 : index
          %get3A_452 = tpu.vector_load %arg24[%get3A_450, %get3A_451] {strides = array<i32>} : memref<80x64xf32, #tpu.memory_space<vmem>>, vector<16xf32>,
          %get3A_453 = arith.index_cast %add3A_449 : i32 to index
          %get3A_454 = arith.constant 0 : index
          %get3A_455 = tpu.vector_load %arg25[%get3A_453, %get3A_454] {strides = array<i32>} : memref<80x64xf32, #tpu.memory_space<vmem>>, vector<16xf32>,
          %sub3A_456 = arith.subf %get3A_452, %get3A_455 : vector<16xf32>
          %swap3A_457 = arith.index_cast %add3A_449 : i32 to index
          %swap3A_458 = arith.constant 0 : index
          %swap3A_459 = tpu.vector_load %arg26[%swap3A_457, %swap3A_458] {strides = array<i32>} : memref<80x64xf32, #tpu.memory_space<vmem>>, vector<16xf32>,
          tpu.vector_store %arg26[%swap3A_457, %swap3A_458], %sub3A_456 {strides = array<i32>} : memref<80x64xf32, #tpu.memory_space<vmem>>, vector<16xf32>,
          %get3A_460 = arith.index_cast %add3A_449 : i32 to index
          %get3A_461 = arith.constant 16 : index
          %get3A_462 = tpu.vector_load %arg24[%get3A_460, %get3A_461] {strides = array<i32>} : memref<80x64xf32, #tpu.memory_space<vmem>>, vector<16xf32>,
          %get3A_463 = arith.index_cast %add3A_449 : i32 to index
          %get3A_464 = arith.constant 16 : index
          %get3A_465 = tpu.vector_load %arg25[%get3A_463, %get3A_464] {strides = array<i32>} : memref<80x64xf32, #tpu.memory_space<vmem>>, vector<16xf32>,
          %sub3A_466 = arith.subf %get3A_462, %get3A_465 : vector<16xf32>
          %swap3A_467 = arith.index_cast %add3A_449 : i32 to index
          %swap3A_468 = arith.constant 16 : index
          %swap3A_469 = tpu.vector_load %arg26[%swap3A_467, %swap3A_468] {strides = array<i32>} : memref<80x64xf32, #tpu.memory_space<vmem>>, vector<16xf32>,
          tpu.vector_store %arg26[%swap3A_467, %swap3A_468], %sub3A_466 {strides = array<i32>} : memref<80x64xf32, #tpu.memory_space<vmem>>, vector<16xf32>,
          %get3A_470 = arith.index_cast %add3A_449 : i32 to index
          %get3A_471 = arith.constant 32 : index
          %get3A_472 = tpu.vector_load %arg24[%get3A_470, %get3A_471] {strides = array<i32>} : memref<80x64xf32, #tpu.memory_space<vmem>>, vector<16xf32>,
          %get3A_473 = arith.index_cast %add3A_449 : i32 to index
          %get3A_474 = arith.constant 32 : index
          %get3A_475 = tpu.vector_load %arg25[%get3A_473, %get3A_474] {strides = array<i32>} : memref<80x64xf32, #tpu.memory_space<vmem>>, vector<16xf32>,
          %sub3A_476 = arith.subf %get3A_472, %get3A_475 : vector<16xf32>
          %swap3A_477 = arith.index_cast %add3A_449 : i32 to index
          %swap3A_478 = arith.constant 32 : index
          %swap3A_479 = tpu.vector_load %arg26[%swap3A_477, %swap3A_478] {strides = array<i32>} : memref<80x64xf32, #tpu.memory_space<vmem>>, vector<16xf32>,
          tpu.vector_store %arg26[%swap3A_477, %swap3A_478], %sub3A_476 {strides = array<i32>} : memref<80x64xf32, #tpu.memory_space<vmem>>, vector<16xf32>,
          %get3A_480 = arith.index_cast %add3A_449 : i32 to index
          %get3A_481 = arith.constant 48 : index
          %get3A_482 = tpu.vector_load %arg24[%get3A_480, %get3A_481] {strides = array<i32>} : memref<80x64xf32, #tpu.memory_space<vmem>>, vector<16xf32>,
          %get3A_483 = arith.index_cast %add3A_449 : i32 to index
          %get3A_484 = arith.constant 48 : index
          %get3A_485 = tpu.vector_load %arg25[%get3A_483, %get3A_484] {strides = array<i32>} : memref<80x64xf32, #tpu.memory_space<vmem>>, vector<16xf32>,
          %sub3A_486 = arith.subf %get3A_482, %get3A_485 : vector<16xf32>
          %swap3A_487 = arith.index_cast %add3A_449 : i32 to index
          %swap3A_488 = arith.constant 48 : index
          %swap3A_489 = tpu.vector_load %arg26[%swap3A_487, %swap3A_488] {strides = array<i32>} : memref<80x64xf32, #tpu.memory_space<vmem>>, vector<16xf32>,
          tpu.vector_store %arg26[%swap3A_487, %swap3A_488], %sub3A_486 {strides = array<i32>} : memref<80x64xf32, #tpu.memory_space<vmem>>, vector<16xf32>,
          %scan3A_490 = arith.constant 3 : i32
          %scan3A_491 = arith.addi %scan3A_356, %scan3A_490 : i32
          %mul3A_492 = arith.constant 1 : i32
          %mul3A_493 = arith.muli %scan3A_491, %mul3A_492 : i32
          %add3A_494 = arith.constant 0 : i32
          %add3A_495 = arith.addi %add3A_494, %mul3A_493 : i32
          %get3A_496 = arith.index_cast %add3A_495 : i32 to index
          %get3A_497 = arith.constant 0 : index
          %get3A_498 = tpu.vector_load %arg24[%get3A_496, %get3A_497] {strides = array<i32>} : memref<80x64xf32, #tpu.memory_space<vmem>>, vector<16xf32>,
          %get3A_499 = arith.index_cast %add3A_495 : i32 to index
          %get3A_500 = arith.constant 0 : index
          %get3A_501 = tpu.vector_load %arg25[%get3A_499, %get3A_500] {strides = array<i32>} : memref<80x64xf32, #tpu.memory_space<vmem>>, vector<16xf32>,
          %sub3A_502 = arith.subf %get3A_498, %get3A_501 : vector<16xf32>
          %swap3A_503 = arith.index_cast %add3A_495 : i32 to index
          %swap3A_504 = arith.constant 0 : index
          %swap3A_505 = tpu.vector_load %arg26[%swap3A_503, %swap3A_504] {strides = array<i32>} : memref<80x64xf32, #tpu.memory_space<vmem>>, vector<16xf32>,
          tpu.vector_store %arg26[%swap3A_503, %swap3A_504], %sub3A_502 {strides = array<i32>} : memref<80x64xf32, #tpu.memory_space<vmem>>, vector<16xf32>,
          %get3A_506 = arith.index_cast %add3A_495 : i32 to index
          %get3A_507 = arith.constant 16 : index
          %get3A_508 = tpu.vector_load %arg24[%get3A_506, %get3A_507] {strides = array<i32>} : memref<80x64xf32, #tpu.memory_space<vmem>>, vector<16xf32>,
          %get3A_509 = arith.index_cast %add3A_495 : i32 to index
          %get3A_510 = arith.constant 16 : index
          %get3A_511 = tpu.vector_load %arg25[%get3A_509, %get3A_510] {strides = array<i32>} : memref<80x64xf32, #tpu.memory_space<vmem>>, vector<16xf32>,
          %sub3A_512 = arith.subf %get3A_508, %get3A_511 : vector<16xf32>
          %swap3A_513 = arith.index_cast %add3A_495 : i32 to index
          %swap3A_514 = arith.constant 16 : index
          %swap3A_515 = tpu.vector_load %arg26[%swap3A_513, %swap3A_514] {strides = array<i32>} : memref<80x64xf32, #tpu.memory_space<vmem>>, vector<16xf32>,
          tpu.vector_store %arg26[%swap3A_513, %swap3A_514], %sub3A_512 {strides = array<i32>} : memref<80x64xf32, #tpu.memory_space<vmem>>, vector<16xf32>,
          %get3A_516 = arith.index_cast %add3A_495 : i32 to index
          %get3A_517 = arith.constant 32 : index
          %get3A_518 = tpu.vector_load %arg24[%get3A_516, %get3A_517] {strides = array<i32>} : memref<80x64xf32, #tpu.memory_space<vmem>>, vector<16xf32>,
          %get3A_519 = arith.index_cast %add3A_495 : i32 to index
          %get3A_520 = arith.constant 32 : index
          %get3A_521 = tpu.vector_load %arg25[%get3A_519, %get3A_520] {strides = array<i32>} : memref<80x64xf32, #tpu.memory_space<vmem>>, vector<16xf32>,
          %sub3A_522 = arith.subf %get3A_518, %get3A_521 : vector<16xf32>
          %swap3A_523 = arith.index_cast %add3A_495 : i32 to index
          %swap3A_524 = arith.constant 32 : index
          %swap3A_525 = tpu.vector_load %arg26[%swap3A_523, %swap3A_524] {strides = array<i32>} : memref<80x64xf32, #tpu.memory_space<vmem>>, vector<16xf32>,
          tpu.vector_store %arg26[%swap3A_523, %swap3A_524], %sub3A_522 {strides = array<i32>} : memref<80x64xf32, #tpu.memory_space<vmem>>, vector<16xf32>,
          %get3A_526 = arith.index_cast %add3A_495 : i32 to index
          %get3A_527 = arith.constant 48 : index
          %get3A_528 = tpu.vector_load %arg24[%get3A_526, %get3A_527] {strides = array<i32>} : memref<80x64xf32, #tpu.memory_space<vmem>>, vector<16xf32>,
          %get3A_529 = arith.index_cast %add3A_495 : i32 to index
          %get3A_530 = arith.constant 48 : index
          %get3A_531 = tpu.vector_load %arg25[%get3A_529, %get3A_530] {strides = array<i32>} : memref<80x64xf32, #tpu.memory_space<vmem>>, vector<16xf32>,
          %sub3A_532 = arith.subf %get3A_528, %get3A_531 : vector<16xf32>
          %swap3A_533 = arith.index_cast %add3A_495 : i32 to index
          %swap3A_534 = arith.constant 48 : index
          %swap3A_535 = tpu.vector_load %arg26[%swap3A_533, %swap3A_534] {strides = array<i32>} : memref<80x64xf32, #tpu.memory_space<vmem>>, vector<16xf32>,
          tpu.vector_store %arg26[%swap3A_533, %swap3A_534], %sub3A_532 {strides = array<i32>} : memref<80x64xf32, #tpu.memory_space<vmem>>, vector<16xf32>,
        }
        %scan3A_339 = arith.constant 80 : i32
        %mul3A_340 = arith.constant 4000 : i32
        %mul3A_341 = arith.muli %add3A_237, %mul3A_340 : i32
        %add3A_342 = arith.addi %mul3A_2, %mul3A_341 : i32
        %mul3A_343 = arith.constant 80 : i32
        %mul3A_344 = arith.muli %add3A_323, %mul3A_343 : i32
        %add3A_345 = arith.addi %add3A_342, %mul3A_344 : i32
        %eq3A_346 = arith.constant 0 : i32
        %eq3A_347 = arith.cmpi eq, %arg0, %eq3A_346 : i32
        %convert_element_type3A_348 = arith.extui %eq3A_347 : i1 to i32
        %cond3A_349 = arith.constant 0 : i32
        %cond3A_350 = arith.cmpi ne, %convert_element_type3A_348, %cond3A_349 : i32
        scf.if %cond3A_350 {
          %dma_start3A = arith.constant 0 : i32
          %dma_start3A_356 = tpu.memref_slice %arg7[%add3A_345, %dma_start3A] : memref<320000x128xf32, #tpu.memory_space<hbm>> -> memref<80x64xf32, #tpu.memory_space<hbm>>
          %dma_start3A_357 = arith.constant 0 : i32
          %dma_start3A_358 = tpu.memref_slice %arg7[%add3A_345, %dma_start3A_357] : memref<320000x128xf32, #tpu.memory_space<hbm>> -> memref<80x64xf32, #tpu.memory_space<hbm>>
          tpu.enqueue_dma source(%arg26 : memref<80x64xf32, #tpu.memory_space<vmem>>) target(%dma_start3A_358 : memref<80x64xf32, #tpu.memory_space<hbm>>) target_semaphore(%arg32 : memref<!tpu.dma_semaphore, #tpu.memory_space<semaphore_mem>>)
        } else {
        }
        %eq3A_351 = arith.constant 1 : i32
        %eq3A_352 = arith.cmpi eq, %arg0, %eq3A_351 : i32
        %convert_element_type3A_353 = arith.extui %eq3A_352 : i1 to i32
        %cond3A_354 = arith.constant 0 : i32
        %cond3A_355 = arith.cmpi ne, %convert_element_type3A_353, %cond3A_354 : i32
        scf.if %cond3A_355 {
          %dma_start3A = arith.constant 64 : i32
          %dma_start3A_356 = tpu.memref_slice %arg7[%add3A_345, %dma_start3A] : memref<320000x128xf32, #tpu.memory_space<hbm>> -> memref<80x64xf32, #tpu.memory_space<hbm>>
          %dma_start3A_357 = arith.constant 64 : i32
          %dma_start3A_358 = tpu.memref_slice %arg7[%add3A_345, %dma_start3A_357] : memref<320000x128xf32, #tpu.memory_space<hbm>> -> memref<80x64xf32, #tpu.memory_space<hbm>>
          tpu.enqueue_dma source(%arg26 : memref<80x64xf32, #tpu.memory_space<vmem>>) target(%dma_start3A_358 : memref<80x64xf32, #tpu.memory_space<hbm>>) target_semaphore(%arg32 : memref<!tpu.dma_semaphore, #tpu.memory_space<semaphore_mem>>)
        } else {
        }
      }
      %scan3A_252 = arith.constant 25 : i32
      %dma_wait3A = arith.constant 0 : i32
      %dma_wait3A_253 = arith.constant 0 : i32
      %dma_wait3A_254 = tpu.memref_slice %arg7[%dma_wait3A, %dma_wait3A_253] : memref<320000x128xf32, #tpu.memory_space<hbm>> -> memref<80x64xf32, #tpu.memory_space<hbm>>
      %dma_wait3A_255 = arith.constant 0 : i32
      %dma_wait3A_256 = arith.constant 0 : i32
      %dma_wait3A_257 = tpu.memref_slice %arg7[%dma_wait3A_255, %dma_wait3A_256] : memref<320000x128xf32, #tpu.memory_space<hbm>> -> memref<80x64xf32, #tpu.memory_space<hbm>>
      tpu.wait_dma2 semaphore(%arg31 : memref<!tpu.dma_semaphore, #tpu.memory_space<semaphore_mem>>) src(%arg23 : memref<80x64xf32, #tpu.memory_space<vmem>>) dst(%dma_wait3A_257 : memref<80x64xf32, #tpu.memory_space<hbm>>)
      %dma_wait3A_258 = arith.constant 0 : i32
      %dma_wait3A_259 = arith.constant 0 : i32
      %dma_wait3A_260 = tpu.memref_slice %arg7[%dma_wait3A_258, %dma_wait3A_259] : memref<320000x128xf32, #tpu.memory_space<hbm>> -> memref<80x64xf32, #tpu.memory_space<hbm>>
      %dma_wait3A_261 = arith.constant 0 : i32
      %dma_wait3A_262 = arith.constant 0 : i32
      %dma_wait3A_263 = tpu.memref_slice %arg7[%dma_wait3A_261, %dma_wait3A_262] : memref<320000x128xf32, #tpu.memory_space<hbm>> -> memref<80x64xf32, #tpu.memory_space<hbm>>
      tpu.wait_dma2 semaphore(%arg32 : memref<!tpu.dma_semaphore, #tpu.memory_space<semaphore_mem>>) src(%arg26 : memref<80x64xf32, #tpu.memory_space<vmem>>) dst(%dma_wait3A_263 : memref<80x64xf32, #tpu.memory_space<hbm>>)
    }
    %scan3A_233 = arith.constant 5 : i32
    return
  }
}

module attributes {stable_mosaic.version = 14 : i64} {
  func.func @body(%arg0: i32, %arg1: memref<4096x128xf32, #tpu.memory_space<vmem>>, %arg2: memref<128xf32, #tpu.memory_space<vmem>>, %arg3: memref<4096xf32, #tpu.memory_space<vmem>>) attributes {dimension_semantics = [#tpu.dimension_semantics<arbitrary>], iteration_bounds = array<i64: 79>, scalar_prefetch = 0 : i64, scratch_operands = 0 : i64, tpu.core_type = #tpu.core_type<tc>, window_params = [{transform_indices = @transform_0, window_bounds = array<i64: 4096, 128>}, {pipeline_mode = #tpu.pipeline_mode<synchronous>, transform_indices = @transform_1, window_bounds = array<i64: 128>}, {transform_indices = @transform_2, window_bounds = array<i64: 4096>}]} {
    %get3A = arith.constant 0 : index
    %get3A_0 = arith.constant 0 : index
    %get3A_1 = vector.load %arg1[%get3A, %get3A_0] : memref<4096x128xf32, #tpu.memory_space<vmem>>, vector<4096x128xf32>
    %get3A_2 = arith.constant 0 : index
    %get3A_3 = vector.load %arg2[%get3A_2] : memref<128xf32, #tpu.memory_space<vmem>>, vector<128xf32>
    %broadcast_in_dim3A = vector.shape_cast %get3A_3 : vector<128xf32> to vector<1x128xf32>
    %mul3A = vector.broadcast %broadcast_in_dim3A : vector<1x128xf32> to vector<4096x128xf32>
    %mul3A_4 = arith.mulf %get3A_1, %mul3A : vector<4096x128xf32>
    %reduce_sum3A = arith.constant dense<0.000000e+00> : vector<4096xf32>
    %reduce_sum3A_5 = vector.multi_reduction <add>, %mul3A_4, %reduce_sum3A [1] : vector<4096x128xf32> to vector<4096xf32>
    %swap3A = arith.constant 0 : index
    %swap3A_6 = vector.load %arg3[%swap3A] : memref<4096xf32, #tpu.memory_space<vmem>>, vector<4096xf32>
    tpu.vector_store %arg3[%swap3A], %reduce_sum3A_5 {strides = array<i32>} : memref<4096xf32, #tpu.memory_space<vmem>>, vector<4096xf32>,
    return
  }
  func.func @transform_0(%arg0: i32) -> (i32, i32) {
    %c0_i32 = arith.constant 0 : i32
    %c0_i32_0 = arith.constant 0 : i32
    return %arg0, %c0_i32 : i32, i32
  }
  func.func @transform_1(%arg0: i32) -> i32 {
    %c0_i32 = arith.constant 0 : i32
    %c0_i32_0 = arith.constant 0 : i32
    return %c0_i32 : i32
  }
  func.func @transform_2(%arg0: i32) -> i32 {
    %c0_i32 = arith.constant 0 : i32
    return %arg0 : i32
  }
}

</mosaic_0001>

<sc_bundles>
// kernel: kernel.4.cloned.1.call-start
scs
__scs_entry_jumppad:
0x0: {  	(pc) =	sbr.rel $0x88, $3  }
0x1: {  	(tag) =	ssettag $0x0;
	lr =	simm.s32 $0x1  }
0x2: {  	[smem:$0x3F9D] =	sst lr;
	_ =	strace $0xD0000000  }
0x3: {  	_ = 	snop  }
0x4: {  	_ = 	snop  }
0x5: {  	_ = 	snop  }
0x6: {  	_ = 	snop  }
0x7: {  	_ = 	snop  }
__scs_overlays_trampoline_lowered:
0x8: {  	[smem:$0x3FAC] =	sst s0  }
0x9: {  	[smem:$0x3FAD] =	sst s1  }
0xa: {  	[smem:$0x3FAE] =	sst s2  }
0xb: {  	[smem:$0x3FAF] =	sst s3  }
0xc: {  	[smem:$0x3FB0] =	sst s4  }
0xd: {  	[smem:$0x3FB1] =	sst s5  }
0xe: {  	[smem:$0x3FB2] =	sst s6  }
0xf: {  	[smem:$0x3FB3] =	sst s7  }
0x10: {  	[smem:$0x3FB4] =	sst s8  }
0x11: {  	[smem:$0x3FB5] =	sst s9;
	s0 =	simm.s32 @!p0 $0x0  }
0x12: {  	s1 =	sld [smem:$0x3F9B];
	s0 =	simm.s32 @p0 $0x1  }
0x13: {  	[smem:$0x3FB6] =	sst s0;
	s0 =	simm.s32 @!p1 $0x0  }
0x14: {  	s2 =	sld [smem:$0x3F9A];
	s0 =	simm.s32 @p1 $0x1  }
0x15: {  	[smem:$0x3FB7] =	sst s0;
	s0 =	simm.s32 @!p2 $0x0  }
0x16: {  	s3 =	sld [smem:$0x3FDB];
	s0 =	simm.s32 @p2 $0x1  }
0x17: {  	s4 =	simm.s32 $0x1BF5;
	[smem:$0x3FB9] =	sst s0  }
0x18: {  	s0 =	sld [smem:$0x3F9C];
	_ =	swait.ge [sflag:s4], $0x0  }
0x19: {  	s7 =	sld [smem:$0x3F9D]  }
0x1a: {  	s8 =	sadd.s32 $0xFFFFE003, lr  }
0x1b: {  	s9 =	sadd.s32 $0xFFFFFEF7, lr;
	s5 =	simm.s32 $0xFFFFFFFF;
	p2 =	slt.u32 s8, $0xFFFFF086  }
0x1c: {  	p1 =	slt.u32 s9, $0xF7A;
	s5 =	simm.s32 @!p2 $0x0  }
0x1d: {  	s5 =	simm.s32 @p1 $0x1;
	p0 =	seq.s32 s7, s2  }
0x1e: {  	s7 =	smul.u32 @!p0 $0xF7A, s2;
	p2 =	seq.s32 @!p0 s5, $0x0  }
0x1f: {  	s9 =	smul.u32 $0xF7A, s1;
	s8 =	simm.s32 @!p0 $0x1BF5;
	p2 =	por !p2, p0  }
0x20: {  	[sflag:s8] =	ssyncset.s32 @!p0 $0xFFFFF086;
	s6 =	sadd.s32 @!p0 s3, s7;
	s7 =	simm.s32 @!p0 $0x108  }
0x21: {  	s3 =	sadd.s32 s3, s9;
	s6 =	sadd.s32 @!p0 $0x88, s6;
	s7 =	simm.s32 @p2 $0x1082  }
0x22: {  	[simem:s7], [sflag:s8] =	dma.local @!p0 [hbm:s6], $0xF7A  }
0x23: {  	s9 =	sor.u32 $0xD0000000, s2;
	s6 =	simm.s32 $0x108;
	_ =	swait.ge @!p0 [sflag:s8], $0x0  }
0x24: {  	s3 =	sadd.s32 $0x88, s3;
	s6 =	simm.s32 @!p1 $0x1082;
	[sflag:s4] =	ssyncset.s32 $0xFFFFF086  }
0x25: {  	[simem:s6], [sflag:s4] =	dma.local [hbm:s3], $0xF7A  }
0x26: {  	[smem:$0x3F9D] =	sst s1;
	(tag) =	ssettag s2;
	_ =	strace s9  }
0x27: {  	s1 =	sld [smem:$0x3FAD]  }
0x28: {  	s2 =	sld [smem:$0x3FAE]  }
0x29: {  	s4 =	sld [smem:$0x3FB0]  }
0x2a: {  	p0 =	seq.s32 s5, $0x0;
	s5 =	sld [smem:$0x3FB1]  }
0x2b: {  	s6 =	sld [smem:$0x3FB2]  }
0x2c: {  	s7 =	sld [smem:$0x3FB3]  }
0x2d: {  	s3 =	simm.s32 $0x108;
	s8 =	sld [smem:$0x3FB4]  }
0x2e: {  	s3 =	simm.s32 @!p0 $0x1082;
	s9 =	sld [smem:$0x3FB5]  }
0x2f: {  	lr =	sadd.s32 s0, s3;
	s0 =	sld [smem:$0x3FAC]  }
0x30: {  	s3 =	sld [smem:$0x3FAF]  }
0x31: {  	[smem:$0x3FB8] =	sst s10  }
0x32: {  	s10 =	sld [smem:$0x3FB6];
	_ =	sdelay $0x3  }
0x33: {  	p0 =	seq.s32 s10, $0x1;
	s10 =	sld [smem:$0x3FB8];
	_ =	sdelay $0x3  }
0x34: {  	[smem:$0x3FB8] =	sst s10  }
0x35: {  	s10 =	sld [smem:$0x3FB7];
	_ =	sdelay $0x3  }
0x36: {  	p1 =	seq.s32 s10, $0x1;
	s10 =	sld [smem:$0x3FB8];
	_ =	sdelay $0x3  }
0x37: {  	[smem:$0x3FB8] =	sst s10  }
0x38: {  	s10 =	sld [smem:$0x3FB9]  }
0x39: {  	_ = 	snop;
	(pc) =	sbr.ind lr, $3  }
0x3a: {  	_ = 	snop  }
0x3b: {  	_ = 	snop  }
0x3c: {  	p2 =	seq.s32 s10, $0x1;
	s10 =	sld [smem:$0x3FB8]  }
0x3d: {  	_ =	shalt  }
0x3e: {  	_ =	shalt  }
0x3f: {  	_ =	shalt  }
0x40: {  	_ =	shalt  }
0x41: {  	_ =	shalt  }
0x42: {  	_ =	shalt  }
0x43: {  	_ =	shalt  }
0x44: {  	_ =	shalt  }
0x45: {  	_ =	shalt  }
0x46: {  	_ =	shalt  }
0x47: {  	_ =	shalt  }
0x48: {  	_ =	shalt  }
0x49: {  	_ =	shalt  }
0x4a: {  	_ =	shalt  }
0x4b: {  	_ =	shalt  }
0x4c: {  	_ =	shalt  }
0x4d: {  	_ =	shalt  }
0x4e: {  	_ =	shalt  }
0x4f: {  	_ =	shalt  }
0x50: {  	_ =	shalt  }
0x51: {  	_ =	shalt  }
0x52: {  	_ =	shalt  }
0x53: {  	_ =	shalt  }
0x54: {  	_ =	shalt  }
0x55: {  	_ =	shalt  }
0x56: {  	_ =	shalt  }
0x57: {  	_ =	shalt  }
0x58: {  	_ =	shalt  }
0x59: {  	_ =	shalt  }
0x5a: {  	_ =	shalt  }
0x5b: {  	_ =	shalt  }
0x5c: {  	_ =	shalt  }
0x5d: {  	_ =	shalt  }
0x5e: {  	_ =	shalt  }
0x5f: {  	_ =	shalt  }
0x60: {  	_ =	shalt  }
0x61: {  	_ =	shalt  }
0x62: {  	_ =	shalt  }
0x63: {  	_ =	shalt  }
0x64: {  	_ =	shalt  }
0x65: {  	_ =	shalt  }
0x66: {  	_ =	shalt  }
0x67: {  	_ =	shalt  }
0x68: {  	_ =	shalt  }
0x69: {  	_ =	shalt  }
0x6a: {  	_ =	shalt  }
0x6b: {  	_ =	shalt  }
0x6c: {  	_ =	shalt  }
0x6d: {  	_ =	shalt  }
0x6e: {  	_ =	shalt  }
0x6f: {  	_ =	shalt  }
0x70: {  	_ =	shalt  }
0x71: {  	_ =	shalt  }
0x72: {  	_ =	shalt  }
0x73: {  	_ =	shalt  }
0x74: {  	_ =	shalt  }
0x75: {  	_ =	shalt  }
0x76: {  	_ =	shalt  }
0x77: {  	_ =	shalt  }
0x78: {  	_ =	shalt  }
0x79: {  	_ =	shalt  }
0x7a: {  	_ =	shalt  }
0x7b: {  	_ =	shalt  }
0x7c: {  	_ =	shalt  }
0x7d: {  	_ =	shalt  }
0x7e: {  	_ =	shalt  }
0x7f: {  	_ =	shalt  }
0x80: {  	_ =	shalt  }
0x81: {  	_ =	shalt  }
0x82: {  	_ =	shalt  }
0x83: {  	_ =	shalt  }
0x84: {  	_ =	shalt  }
0x85: {  	_ =	shalt  }
0x86: {  	_ =	shalt  }
0x87: {  	_ =	shalt  }
.Lfunc_end0:
.L_simem_size_0:
called_computation_lowered:
.L_overlay_start_0:
0x88: {  	s2 =	sld [smem:$0x3FD9]  }
0x89: {  	s3 =	sld [smem:$0x3FFE];
	_ =	sdelay $0x1  }
0x8a: {  	s1 =	srdreg.scid  }
0x8b: {  	s0 =	sand.u32 $0x1, s1  }
0x8c: {  	s17 =	sshll.u32 s0, $0xA;
	s2 =	sadd.s32 s3, s2  }
0x8d: {  	s2 =	sadd.s32 s2, s17  }
0x8e: {  	[smem:$0x3FC4] =	sst s2  }
0x8f: {  	_ = 	snop  }
0x90: {  	s2 =	sld [smem:$0x3FC9]  }
0x91: {  	s18 =	sld [smem:$0x3FC7]  }
0x92: {  	s4 =	sld [smem:$0x3FD0];
	(tm) =	ssettm $0x1  }
0x93: {  	s5 =	sld [smem:$0x3FFB];
	_ =	sdelay $0x3  }
0x94: {  	_ =	strace s5  }
0x95: {  	s5 =	sld [smem:$0x3FFC];
	_ =	sdelay $0x3  }
0x96: {  	_ =	strace s5  }
0x97: {  	s5 =	sld [smem:$0x3FFD];
	_ =	sdelay $0x3  }
0x98: {  	_ =	strace s5  }
0x99: {  	_ =	strace $0x8FFFFFFF  }
0x9a: {  	s19 =	sld [smem:$0x3FDB];
	_ =	sdelay $0x1  }
0x9b: {  	s6 =	simm.s32 $_scs_section_size  }
0x9c: {  	s7 =	simm.s32 $_size__tile_overlayer_lowered;
	s8 =	simm.s32 $_tile_overlayer_lowered  }
0x9d: {  	s22 =	simm.s32 $0x1BFF;
	s21 =	sshll.u32 s8, $0x1;
	s5 =	sadd.s32 s6, s19  }
0x9e: {  	s9 =	simm.s32 $0x0;
	s20 =	sshll.u32 s7, $0x1;
	s7 =	sadd.s32 s21, s5  }
0x9f: {  	[timem:s9], [sflag:s22] =	dma.local [hbm:s7], s20  }
0xa0: {  	_ =	swait.ge [sflag:s22], s20  }
0xa1: {  	s6 =	ssub.s32 $0x0, s20;
	[sflag:s22] =	ssyncset.done $0x0  }
0xa2: {  	[sflag:s22] =	ssyncadd.s32 s6;
	_ =	sdelay $0x1  }
0xa3: {  	s23 =	simm.s32 $0x1B8B  }
0xa4: {  	_ =	swait.ge [sflag:s23], $0x1  }
0xa5: {  	[sflag:s23] =	ssyncset.done $0x0  }
0xa6: {  	s25 =	simm.s32 $0x1B8E;
	s24 =	sld [smem:$0x3FFE];
	[sflag:s23] =	ssyncadd.s32 $0xFFFFFFFF  }
0xa7: {  	s26 =	simm.s32 $execute0_lowered;
	[smem:$0x3FD2] =	sst s25  }
0xa8: {  	s7 =	sshll.u32 s26, $0x1;
	_ =	strace $0x80000046;
	[dreg:$0x1] =	wrdreg $0xFFFFFFFF  }
0xa9: {  	s28 =	simm.s32 $_size_execute0_lowered;
	s5 =	sadd.s32 s5, s7;
	[dreg:$0x0] =	wrdreg $0x0  }
0xaa: {  	s7 =	sshll.u32 s28, $0x1;
	[dreg:$0x2] =	wrdreg s5  }
0xab: {  	[dreg:$0x3] =	wrdreg s7  }
0xac: {  	[dreg:$0x4] =	wrdreg $0xC0  }
0xad: {  	_ =	task [dreg:s9], $0x5FFFF  }
0xae: {  	[dreg:$0x1] =	wrdreg $0xFFFFFFFF  }
0xaf: {  	[dreg:$0x0] =	wrdreg $0x60  }
0xb0: {  	[dreg:$0x2] =	wrdreg s2  }
0xb1: {  	[dreg:$0x3] =	wrdreg s24  }
0xb2: {  	[dreg:$0x4] =	wrdreg s18  }
0xb3: {  	[dreg:$0x5] =	wrdreg s4  }
0xb4: {  	[dreg:$0x6] =	wrdreg $0x14C800  }
0xb5: {  	[dreg:$0x7] =	wrdreg $0x124800  }
0xb6: {  	[dreg:$0x8] =	wrdreg $0x9  }
0xb7: {  	_ =	task.clear_ibuf [dreg:s9], $0x9FFFF;
	_ =	strace $0x90000046  }
0xb8: {  	s29 =	simm.s32 $0x9;
	_ =	strace $0x80000048  }
0xb9: {  	_ =	swait.ge [sflag:s29], $0x1  }
0xba: {  	[sflag:s29] =	ssyncadd.s32 $0xFFFFFFFF  }
0xbb: {  	_ =	strace $0x90000048  }
0xbc: {  	_ =	sfence  }
0xbd: {  	s30 =	sld [smem:$0x0];
	_ =	sdelay $0x2  }
0xbe: {  	s31 =	sshll.u32 s1, $0xD;
	s1 =	sshrl.u32 s1, $0x2  }
0xbf: {  	s3 =	sand.u32 $0x4000, s31;
	s1 =	sadd.s32 s1, s30  }
0xc0: {  	s0 =	sor.u32 s3, s0;
	s1 =	sshll.u32 s1, $0x11  }
0xc1: {  	s0 =	sor.u32 s1, s0  }
0xc2: {  	s0 =	sadd.s32 $0x8F2B, s0  }
0xc3: {  	[sflag:s0] =	ssyncadd.remote.s32 $0x1  }
0xc4: {  	_ =	sfence.sel $0xFFFF  }
0xc5: {  	[dreg:$0x0] =	wrdreg $0xFFFFFFFF;
	(pc) =	sbr.abs _section_cstart, $3  }
0xc6: {  	[dreg:$0x1] =	wrdreg $0xFFFFFFFF  }
0xc7: {  	_ =	task.clear_ibuf [dreg:s9], $0x2FFFF;
	_ =	strace $0x9FFFFFFF  }
0xc8: {  	(tm) =	ssettm $0x7FFFFFFF  }
0xc9: {  	_ =	shalt  }
tec
execute0_lowered:
.L_overlay_start_1:
0x0: {  	(tag) =	ssettag $0x1  }
0x1: {  	s0 =	rddreg [dreg:$0x0]  }
0x2: {  	s1 =	rddreg [dreg:$0x1]  }
0x3: {  	s8 =	rddreg [dreg:$0x3]  }
0x4: {  	s3 =	rddreg [dreg:$0x4]  }
0x5: {  	s9 =	rddreg [dreg:$0x5];
	s5 =	simm.s32 $0x0;
	s2 =	srdreg.scid  }
0x6: {  	s10 =	stileid.u32;
	[smem:$0x7FF] =	sst s5  }
0x7: {  	s19 =	sadd.s32 $0x14000, s1;
	s4 =	smul.u32 $0xA000, s10;
	s6 =	sadd.s32 $0x400, s1  }
0x8: {  	s21 =	sadd.s32 $0x28EE00, s1;
	_ =	strace $0x80000047;
	[dreg:$0x9] =	wrdreg s6  }
0x9: {  	s7 =	smul.u32 $0xA00, s10;
	s12 =	sadd.s32 $0x1DE00, s1;
	[dreg:$0xb] =	wrdreg s21  }
0xa: {  	s11 =	sadd.s32 $0xA200, s1;
	s13 =	smul.u32 $0x4E20, s10;
	[dreg:$0xa] =	wrdreg s12  }
0xb: {  	s2 =	sand.u32 $0x1, s2;
	s16 =	smul.u32 $0x28000, s10;
	[dreg:$0x7] =	wrdreg s19  }
0xc: {  	s22 =	ssub.s32 $0x2, s2;
	s15 =	sshll.u32 s2, $0x3;
	[dreg:$0x8] =	wrdreg s11  }
0xd: {  	s23 =	sshrl.u32 s22, $0x1;
	s4 =	sshrl.u32 s4, $0x2;
	s18 =	sshrl.u32 s16, $0x2  }
0xe: {  	[dreg:$0xc] =	wrdreg s13;
	s1 =	ssub.s32 s22, s23;
	s22 =	sadd.s32 $0x8, s8  }
0xf: {  	s20 =	sadd.s32 s15, s0;
	s0 =	sadd.s32 s18, s3;
	[dreg:$0x13] =	wrdreg s22  }
0x10: {  	s24 =	sshrl.u32 s7, $0x2;
	s14 =	sadd.s32 s4, s9;
	[dreg:$0x16] =	wrdreg s0  }
0x11: {  	s23 =	sadd.s32 s24, s9;
	[dreg:$0xd] =	wrdreg s14  }
0x12: {  	s25 =	sadd.s32 $0x2800, s23;
	[dreg:$0xe] =	wrdreg s23  }
0x13: {  	s26 =	sadd.s32 $0x5000, s23;
	[dreg:$0xf] =	wrdreg s25  }
0x14: {  	s6 =	sadd.s32 $0x7800, s23;
	[dreg:$0x10] =	wrdreg s26  }
0x15: {  	p0 =	seq.s32 s2, $0x0;
	s7 =	sadd.s32 $0xA000, s23;
	[dreg:$0x11] =	wrdreg s6  }
0x16: {  	s21 =	smov.u32 @p0 s12;
	s17 =	smax.u32 s1, $0x1;
	[dreg:$0x12] =	wrdreg s7  }
0x17: {  	s22 =	smov.u32 @p0 s8;
	s24 =	sadd.s32 $0x11800, s23;
	[dreg:$0x15] =	wrdreg s17  }
0x18: {  	p0 =	sne.s32 s2, $0x0;
	s2 =	sadd.s32 $0x19000, s23;
	[dreg:$0x18] =	wrdreg s24  }
0x19: {  	s4 =	sadd.s32 $0x1B800, s23;
	[dreg:$0x1b] =	wrdreg s2  }
0x1a: {  	s8 =	sadd.s32 $0x23000, s23;
	[dreg:$0x1c] =	wrdreg s4  }
0x1b: {  	s15 =	sadd.s32 $0x25800, s23;
	[dreg:$0x1f] =	wrdreg s8  }
0x1c: {  	s16 =	sadd.s32 $0x1400, s0;
	[smem:$0x7F6] =	sst s15  }
0x1d: {  	s18 =	sadd.s32 $0x3C00, s0;
	[smem:$0x7F7] =	sst s16  }
0x1e: {  	s10 =	sadd.s32 $0xC800, s23;
	[smem:$0x7F9] =	sst s18  }
0x1f: {  	s28 =	simm.s32 $0x40;
	s12 =	sadd.s32 $0xF000, s23;
	[dreg:$0x14] =	wrdreg s10  }
0x20: {  	s29 =	simm.s32 $0x8480;
	s25 =	sadd.s32 $0x14000, s23;
	[dreg:$0x17] =	wrdreg s12  }
0x21: {  	s30 =	simm.s32 $0x9880;
	s26 =	sadd.s32 $0x16800, s23;
	[dreg:$0x19] =	wrdreg s25  }
0x22: {  	s31 =	simm.s32 $0x1;
	s6 =	sadd.s32 $0x1E000, s23;
	[dreg:$0x1a] =	wrdreg s26  }
0x23: {  	s7 =	sadd.s32 $0x20800, s23;
	s17 =	sadd.s32 $0x2800, s0;
	[dreg:$0x1d] =	wrdreg s6  }
0x24: {  	s24 =	sadd.s32 $0x5000, s0;
	s15 =	simm.s32 $0x5;
	[dreg:$0x1e] =	wrdreg s7  }
0x25: {  	s18 =	simm.s32 $0x80;
	s4 =	simm.s32 $0x2;
	[smem:$0x7F8] =	sst s17  }
0x26: {  	s2 =	simm.s32 $0x0;
	[smem:$0x7FA] =	sst s24;
	s25 =	sadd.s32 $0x6400, s0  }
0x27: {  	s16 =	simm.s32 $0xD480;
	s26 =	sadd.s32 $0x7800, s0;
	[smem:$0x7FB] =	sst s25  }
0x28: {  	s0 =	sadd.s32 $0x8C00, s0;
	s17 =	simm.s32 $0x56E0;
	[smem:$0x7FC] =	sst s26  }
0x29: {  	s6 =	simm.s32 $0x8430;
	s24 =	simm.s32 $0x3;
	[smem:$0x7FD] =	sst s0  }
0x2a: {  	v0 =	vimm.f32 $0.0e+00;
	v1 =	vimm.f32 $-3.000000010e+38;
	s26 =	simm.s32 $0x2EE0;
	s0 =	simm.s32 $0x50;
	s25 =	simm.s32 $0x4  }
.LBB2_1:
0x2b: {  	[smem:$0x7F5] =	sst s2;
	s2 =	simm.s32 $0x100;
	s1 =	simm.s32 $0x0  }
.LBB2_2:
0x2c: {  	p1 =	sne.s32 s2, $0x4F00;
	[tilespmem:s1+$0xD4B0] =	vst v0;
	s7 =	smov.u32 s2;
	s2 =	sadd.s32 $0x100, s2  }
.Ltmp0:
0x2d: {  	[tilespmem:s1+$0xD4A0] =	vst v0;
	(pc) =	sbr.rel @p1 .LBB2_2-.Ltmp0, $3  }
0x2e: {  	[tilespmem:s1+$0xD480] =	vst v0  }
0x2f: {  	[tilespmem:s1+$0xD490] =	vst v0;
	_ =	sdelay $0x1  }
0x30: {  	s1 =	sshra.s32 s7, $0x2  }
0x31: {  	[tilespmem:s1+$0xD4B0] =	vst v0  }
0x32: {  	[tilespmem:s1+$0xD4A0] =	vst v0  }
0x33: {  	[tilespmem:s1+$0xD480] =	vst v0  }
0x34: {  	[tilespmem:s1+$0xD490] =	vst v0;
	s7 =	rddreg [dreg:$0x16];
	s2 =	simm.s32 $0xD480  }
0x35: {  	[spmem:s7] =	stream.linear.scatter [tilespmem:s2], [sflag:$0x5], $0x1400, $0x38;
	[tilespmem:$0x1EC80] =	vst v63  }
0x36: {  	_ =	swait.ge [sflag:s15], $0x1400  }
0x37: {  	s8 =	sld [smem:$0x7F7]  }
0x38: {  	[sflag:s15] =	ssyncset.done $0x0  }
0x39: {  	[sflag:s15] =	ssyncadd.s32 $0xFFFFEC00  }
0x3a: {  	[spmem:s8] =	stream.linear.scatter [tilespmem:s2], [sflag:$0x5], $0x1400, $0x38;
	[tilespmem:$0x1EC80] =	vst v63  }
0x3b: {  	_ =	swait.ge [sflag:s15], $0x1400  }
0x3c: {  	s7 =	sld [smem:$0x7F8]  }
0x3d: {  	[sflag:s15] =	ssyncset.done $0x0  }
0x3e: {  	[sflag:s15] =	ssyncadd.s32 $0xFFFFEC00  }
0x3f: {  	[spmem:s7] =	stream.linear.scatter [tilespmem:s2], [sflag:$0x5], $0x1400, $0x38;
	[tilespmem:$0x1EC80] =	vst v63  }
0x40: {  	_ =	swait.ge [sflag:s15], $0x1400  }
0x41: {  	s8 =	sld [smem:$0x7F9]  }
0x42: {  	[sflag:s15] =	ssyncset.done $0x0  }
0x43: {  	[sflag:s15] =	ssyncadd.s32 $0xFFFFEC00  }
0x44: {  	[spmem:s8] =	stream.linear.scatter [tilespmem:s2], [sflag:$0x5], $0x1400, $0x38;
	[tilespmem:$0x1EC80] =	vst v63  }
0x45: {  	_ =	swait.ge [sflag:s15], $0x1400  }
0x46: {  	s7 =	sld [smem:$0x7FA]  }
0x47: {  	[sflag:s15] =	ssyncset.done $0x0  }
0x48: {  	[sflag:s15] =	ssyncadd.s32 $0xFFFFEC00  }
0x49: {  	[spmem:s7] =	stream.linear.scatter [tilespmem:s2], [sflag:$0x5], $0x1400, $0x38;
	[tilespmem:$0x1EC80] =	vst v63  }
0x4a: {  	_ =	swait.ge [sflag:s15], $0x1400  }
0x4b: {  	s8 =	sld [smem:$0x7FB]  }
0x4c: {  	[sflag:s15] =	ssyncset.done $0x0  }
0x4d: {  	[sflag:s15] =	ssyncadd.s32 $0xFFFFEC00  }
0x4e: {  	[spmem:s8] =	stream.linear.scatter [tilespmem:s2], [sflag:$0x5], $0x1400, $0x38;
	[tilespmem:$0x1EC80] =	vst v63  }
0x4f: {  	_ =	swait.ge [sflag:s15], $0x1400  }
0x50: {  	s7 =	sld [smem:$0x7FC]  }
0x51: {  	[sflag:s15] =	ssyncset.done $0x0  }
0x52: {  	[sflag:s15] =	ssyncadd.s32 $0xFFFFEC00  }
0x53: {  	[spmem:s7] =	stream.linear.scatter [tilespmem:s2], [sflag:$0x5], $0x1400, $0x38;
	[tilespmem:$0x1EC80] =	vst v63  }
0x54: {  	_ =	swait.ge [sflag:s15], $0x1400  }
0x55: {  	s8 =	sld [smem:$0x7FD]  }
0x56: {  	[sflag:s15] =	ssyncset.done $0x0  }
0x57: {  	[sflag:s15] =	ssyncadd.s32 $0xFFFFEC00  }
0x58: {  	[spmem:s8] =	stream.linear.scatter [tilespmem:s2], [sflag:$0x5], $0x1400, $0x38;
	[tilespmem:$0x1EC80] =	vst v63  }
0x59: {  	_ =	swait.ge [sflag:s15], $0x1400  }
0x5a: {  	s1 =	simm.s32 $0x0;
	[sflag:s15] =	ssyncset.done $0x0  }
0x5b: {  	s7 =	simm.s32 $0x0;
	s2 =	simm.s32 $0x40;
	[sflag:s15] =	ssyncadd.s32 $0xFFFFEC00  }
.LBB2_4:
0x5c: {  	p1 =	sne.s32 s2, $0x9FC0;
	[tilespmem:s7+$0x56E0] =	vst v1;
	s7 =	smov.u32 s2;
	s2 =	sadd.s32 $0x40, s2  }
.Ltmp1:
0x5d: {  	(pc) =	sbr.rel @p1 .LBB2_4-.Ltmp1, $2  }
0x5e: {  	_ =	sdelay $0x2  }
0x5f: {  	s7 =	sshra.s32 s7, $0x2  }
.Ltmp2:
0x60: {  	(pc) =	sbr.rel .LBB2_6-.Ltmp2, $2  }
0x61: {  	_ =	sdelay $0x2  }
0x62: {  	[tilespmem:s7+$0x56E0] =	vst v1  }
.LBB2_10:
0x63: {  	s1 =	sadd.s32 $0x1, s1  }
0x64: {  	p1 =	sne.s32 s1, $0x5  }
.Ltmp3:
0x65: {  	_ = 	snop;
	(pc) =	sbr.rel @!p1 .LBB2_11-.Ltmp3, $1  }
0x66: {  	_ =	sdelay $0x3  }
.LBB2_6:
0x67: {  	s2 =	smul.u32 $0xFA0, s1;
	_ =	sdelay $0x1  }
0x68: {  	s2 =	sadd.s32 s13, s2  }
0x69: {  	s7 =	sshrl.u32 s2, $0x3  }
0x6a: {  	s2 =	simm.s32 $0x0;
	s8 =	sadd.s32 s19, s7  }
0x6b: {  	[tilespmem:s2], [sflag:$0x5] =	stream.linear.gather [hbm4b:s8+s2], $0xFA0, $0x38;
	[tilespmem:$0x1EC80] =	vst v63  }
0x6c: {  	_ =	swait.ge [sflag:s15], $0xFA0  }
0x6d: {  	s7 =	sadd.s32 s11, s7;
	[sflag:s15] =	ssyncset.done $0x0  }
.Ltmp4:
0x6e: {  	s8 =	simm.s32 $0xFA0;
	[sflag:s15] =	ssyncadd.s32 $0xFFFFF060;
	(pc) =	sbr.rel .LBB2_7-.Ltmp4, $4  }
0x6f: {  	[tilespmem:s8], [sflag:$0x5] =	stream.linear.gather [hbm4b:s7+s2], $0xFA0, $0x38;
	[tilespmem:$0x1EC80] =	vst v63  }
0x70: {  	_ =	swait.ge [sflag:s15], $0xFA0  }
0x71: {  	[sflag:s15] =	ssyncset.done $0x0  }
0x72: {  	[sflag:s15] =	ssyncadd.s32 $0xFFFFF060  }
.LBB2_9:
0x73: {  	s2 =	sadd.s32 $0x1, s2  }
0x74: {  	p1 =	sne.s32 s2, $0xFA  }
.Ltmp5:
0x75: {  	_ = 	snop;
	(pc) =	sbr.rel @!p1 .LBB2_10-.Ltmp5, $1  }
0x76: {  	_ =	sdelay $0x3  }
.LBB2_7:
0x77: {  	s7 =	sshll.u32 s2, $0x4  }
0x78: {  	v2 =	vld [tilespmem:s7+$0xFA0];
	_ =	sdelay $0x6  }
0x79: {  	v3 =	vld [tilespmem:s7+$0x0]  }
0x7a: {  	v4 =	vld.idx.msk [tilespmem:v2+s17+$0x0], $0xffff;
	_ =	sdelay $0x4  }
0x7b: {  	vm0 =	vgt.f32 v3, v4  }
0x7c: {  	v4 =	vsel vm0, $0x3F800000, v0  }
0x7d: {  	(xrf0) =	vmax.scan.msk.f32 $0xffff, v4;
	_ =	sdelay $0x5  }
0x7e: {  	v4, _, _ =	vpop (xrf0)  }
0x7f: {  	(v2sf) =	vpush v4, $0xF;
	_ =	sdelay $0xe  }
0x80: {  	s8 =	spop (v2sf)  }
0x81: {  	p1 =	sgt.f32 s8, $0.0e+00  }
.Ltmp6:
0x82: {  	_ = 	snop;
	(pc) =	sbr.rel @!p1 .LBB2_9-.Ltmp6, $1  }
0x83: {  	_ =	sdelay $0x3  }
.LBB2_8:
0x84: {  	[tilespmem:v2+s17+$0x0] =	vst.idx.msk vm0, v3  }
0x85: {  	v4 =	vld.idx.msk [tilespmem:v2+s17+$0x0], $0xffff;
	_ =	sdelay $0x4  }
0x86: {  	vm0 =	vgt.f32 v3, v4  }
0x87: {  	v4 =	vsel vm0, $0x3F800000, v0  }
0x88: {  	(xrf0) =	vmax.scan.msk.f32 $0xffff, v4;
	_ =	sdelay $0x5  }
0x89: {  	v4, _, _ =	vpop (xrf0)  }
0x8a: {  	(v2sf) =	vpush v4, $0xF;
	_ =	sdelay $0xe  }
0x8b: {  	s7 =	spop (v2sf)  }
0x8c: {  	p1 =	sgt.f32 s7, $0.0e+00  }
.Ltmp7:
0x8d: {  	_ = 	snop;
	(pc) =	sbr.rel @p1 .LBB2_8-.Ltmp7, $1  }
0x8e: {  	_ =	sdelay $0x3  }
.Ltmp8:
0x8f: {  	_ = 	snop;
	(pc) =	sbr.rel .LBB2_9-.Ltmp8, $1  }
0x90: {  	_ =	sdelay $0x3  }
.LBB2_11:
0x91: {  	[spmem:s14] =	stream.linear.scatter [tilespmem:s17], [sflag:$0x5], $0x2800, $0x38;
	[tilespmem:$0x1EC80] =	vst v63  }
0x92: {  	_ =	swait.ge [sflag:s15], $0x2800  }
0x93: {  	[sflag:s15] =	ssyncset.done $0x0  }
0x94: {  	[sflag:s15] =	ssyncadd.s32 $0xFFFFD800  }
0x95: {  	s1 =	simm.s32 $0x7EE0;
	[bflag:$0x0] =	sbarrier.arrive $0xFFFF  }
0x96: {  	[tilespmem:s1], [sflag:$0x5] =	stream.linear.gather [spmem:s23], $0x280, $0x38;
	[tilespmem:$0x1EC80] =	vst v63  }
0x97: {  	_ =	swait.ge [sflag:s15], $0x280  }
0x98: {  	[sflag:s15] =	ssyncset.done $0x0  }
0x99: {  	s8 =	simm.s32 $0x8160;
	s7 =	rddreg [dreg:$0xf];
	[sflag:s15] =	ssyncadd.s32 $0xFFFFFD80  }
0x9a: {  	[tilespmem:s8], [sflag:$0x5] =	stream.linear.gather [spmem:s7], $0x280, $0x38;
	[tilespmem:$0x1EC80] =	vst v63  }
0x9b: {  	_ =	swait.ge [sflag:s15], $0x280  }
0x9c: {  	[sflag:s15] =	ssyncset.done $0x0  }
0x9d: {  	s1 =	simm.s32 $0x0;
	[sflag:s15] =	ssyncadd.s32 $0xFFFFFD80  }
0x9e: {  	s2 =	simm.s32 $0x40;
	v2 =	vld [tilespmem:s1+$0x8160]  }
.LBB2_12:
0x9f: {  	p1 =	sne.s32 s2, $0x9C0;
	v3 =	vld [tilespmem:s1+$0x7EE0];
	_ =	sdelay $0x1  }
.Ltmp9:
0xa0: {  	(pc) =	sbr.rel @p1 .LBB2_12-.Ltmp9, $3  }
0xa1: {  	_ =	sdelay $0x1  }
0xa2: {  	s7 =	sshra.s32 s2, $0x2;
	v3 =	vmax.f32 v3, v2  }
0xa3: {  	s2 =	sadd.s32 $0x40, s2;
	v2 =	vld [tilespmem:s7+$0x8160];
	[tilespmem:s1+$0x7EE0] =	vst v3;
	s1 =	smov.u32 s7  }
0xa4: {  	v3 =	vld [tilespmem:s1+$0x7EE0];
	_ =	sdelay $0x4  }
0xa5: {  	v2 =	vmax.f32 v3, v2  }
0xa6: {  	s7 =	rddreg [dreg:$0x10];
	[tilespmem:s1+$0x7EE0] =	vst v2  }
0xa7: {  	[tilespmem:s8], [sflag:$0x5] =	stream.linear.gather [spmem:s7], $0x280, $0x38;
	[tilespmem:$0x1EC80] =	vst v63  }
0xa8: {  	_ =	swait.ge [sflag:s15], $0x280  }
0xa9: {  	[sflag:s15] =	ssyncset.done $0x0  }
0xaa: {  	s1 =	simm.s32 $0x0;
	[sflag:s15] =	ssyncadd.s32 $0xFFFFFD80  }
0xab: {  	s2 =	simm.s32 $0x40;
	v2 =	vld [tilespmem:s1+$0x8160]  }
.LBB2_14:
0xac: {  	p1 =	sne.s32 s2, $0x9C0;
	v3 =	vld [tilespmem:s1+$0x7EE0];
	_ =	sdelay $0x1  }
.Ltmp10:
0xad: {  	(pc) =	sbr.rel @p1 .LBB2_14-.Ltmp10, $3  }
0xae: {  	_ =	sdelay $0x1  }
0xaf: {  	s7 =	sshra.s32 s2, $0x2;
	v3 =	vmax.f32 v3, v2  }
0xb0: {  	s2 =	sadd.s32 $0x40, s2;
	v2 =	vld [tilespmem:s7+$0x8160];
	[tilespmem:s1+$0x7EE0] =	vst v3;
	s1 =	smov.u32 s7  }
0xb1: {  	v3 =	vld [tilespmem:s1+$0x7EE0];
	_ =	sdelay $0x4  }
0xb2: {  	v2 =	vmax.f32 v3, v2  }
0xb3: {  	s7 =	rddreg [dreg:$0x11];
	[tilespmem:s1+$0x7EE0] =	vst v2  }
0xb4: {  	[tilespmem:s8], [sflag:$0x5] =	stream.linear.gather [spmem:s7], $0x280, $0x38;
	[tilespmem:$0x1EC80] =	vst v63  }
0xb5: {  	_ =	swait.ge [sflag:s15], $0x280  }
0xb6: {  	[sflag:s15] =	ssyncset.done $0x0  }
0xb7: {  	s1 =	simm.s32 $0x0;
	[sflag:s15] =	ssyncadd.s32 $0xFFFFFD80  }
0xb8: {  	s2 =	simm.s32 $0x40;
	v2 =	vld [tilespmem:s1+$0x8160]  }
.LBB2_16:
0xb9: {  	p1 =	sne.s32 s2, $0x9C0;
	v3 =	vld [tilespmem:s1+$0x7EE0];
	_ =	sdelay $0x1  }
.Ltmp11:
0xba: {  	(pc) =	sbr.rel @p1 .LBB2_16-.Ltmp11, $3  }
0xbb: {  	_ =	sdelay $0x1  }
0xbc: {  	s7 =	sshra.s32 s2, $0x2;
	v3 =	vmax.f32 v3, v2  }
0xbd: {  	s2 =	sadd.s32 $0x40, s2;
	v2 =	vld [tilespmem:s7+$0x8160];
	[tilespmem:s1+$0x7EE0] =	vst v3;
	s1 =	smov.u32 s7  }
0xbe: {  	v3 =	vld [tilespmem:s1+$0x7EE0];
	_ =	sdelay $0x4  }
0xbf: {  	v2 =	vmax.f32 v3, v2  }
0xc0: {  	s7 =	rddreg [dreg:$0x12];
	[tilespmem:s1+$0x7EE0] =	vst v2  }
0xc1: {  	[tilespmem:s8], [sflag:$0x5] =	stream.linear.gather [spmem:s7], $0x280, $0x38;
	[tilespmem:$0x1EC80] =	vst v63  }
0xc2: {  	_ =	swait.ge [sflag:s15], $0x280  }
0xc3: {  	[sflag:s15] =	ssyncset.done $0x0  }
0xc4: {  	s1 =	simm.s32 $0x0;
	[sflag:s15] =	ssyncadd.s32 $0xFFFFFD80  }
0xc5: {  	s2 =	simm.s32 $0x40;
	v2 =	vld [tilespmem:s1+$0x8160]  }
.LBB2_18:
0xc6: {  	p1 =	sne.s32 s2, $0x9C0;
	v3 =	vld [tilespmem:s1+$0x7EE0];
	_ =	sdelay $0x1  }
.Ltmp12:
0xc7: {  	(pc) =	sbr.rel @p1 .LBB2_18-.Ltmp12, $3  }
0xc8: {  	_ =	sdelay $0x1  }
0xc9: {  	s7 =	sshra.s32 s2, $0x2;
	v3 =	vmax.f32 v3, v2  }
0xca: {  	s2 =	sadd.s32 $0x40, s2;
	v2 =	vld [tilespmem:s7+$0x8160];
	[tilespmem:s1+$0x7EE0] =	vst v3;
	s1 =	smov.u32 s7  }
0xcb: {  	v3 =	vld [tilespmem:s1+$0x7EE0];
	_ =	sdelay $0x4  }
0xcc: {  	v2 =	vmax.f32 v3, v2  }
0xcd: {  	[tilespmem:s1+$0x7EE0] =	vst v2  }
0xce: {  	[tilespmem:s8], [sflag:$0x5] =	stream.linear.gather [spmem:s10], $0x280, $0x38;
	[tilespmem:$0x1EC80] =	vst v63  }
0xcf: {  	_ =	swait.ge [sflag:s15], $0x280  }
0xd0: {  	[sflag:s15] =	ssyncset.done $0x0  }
0xd1: {  	s1 =	simm.s32 $0x0;
	[sflag:s15] =	ssyncadd.s32 $0xFFFFFD80  }
0xd2: {  	s2 =	simm.s32 $0x40;
	v2 =	vld [tilespmem:s1+$0x8160]  }
.LBB2_20:
0xd3: {  	p1 =	sne.s32 s2, $0x9C0;
	v3 =	vld [tilespmem:s1+$0x7EE0];
	_ =	sdelay $0x1  }
.Ltmp13:
0xd4: {  	(pc) =	sbr.rel @p1 .LBB2_20-.Ltmp13, $3  }
0xd5: {  	_ =	sdelay $0x1  }
0xd6: {  	s7 =	sshra.s32 s2, $0x2;
	v3 =	vmax.f32 v3, v2  }
0xd7: {  	s2 =	sadd.s32 $0x40, s2;
	v2 =	vld [tilespmem:s7+$0x8160];
	[tilespmem:s1+$0x7EE0] =	vst v3;
	s1 =	smov.u32 s7  }
0xd8: {  	v3 =	vld [tilespmem:s1+$0x7EE0];
	_ =	sdelay $0x4  }
0xd9: {  	v2 =	vmax.f32 v3, v2  }
0xda: {  	[tilespmem:s1+$0x7EE0] =	vst v2  }
0xdb: {  	[tilespmem:s8], [sflag:$0x5] =	stream.linear.gather [spmem:s12], $0x280, $0x38;
	[tilespmem:$0x1EC80] =	vst v63  }
0xdc: {  	_ =	swait.ge [sflag:s15], $0x280  }
0xdd: {  	[sflag:s15] =	ssyncset.done $0x0  }
0xde: {  	s1 =	simm.s32 $0x0;
	[sflag:s15] =	ssyncadd.s32 $0xFFFFFD80  }
0xdf: {  	s2 =	simm.s32 $0x40;
	v2 =	vld [tilespmem:s1+$0x8160]  }
.LBB2_22:
0xe0: {  	p1 =	sne.s32 s2, $0x9C0;
	v3 =	vld [tilespmem:s1+$0x7EE0];
	_ =	sdelay $0x1  }
.Ltmp14:
0xe1: {  	(pc) =	sbr.rel @p1 .LBB2_22-.Ltmp14, $3  }
0xe2: {  	_ =	sdelay $0x1  }
0xe3: {  	s7 =	sshra.s32 s2, $0x2;
	v3 =	vmax.f32 v3, v2  }
0xe4: {  	s2 =	sadd.s32 $0x40, s2;
	v2 =	vld [tilespmem:s7+$0x8160];
	[tilespmem:s1+$0x7EE0] =	vst v3;
	s1 =	smov.u32 s7  }
0xe5: {  	v3 =	vld [tilespmem:s1+$0x7EE0];
	_ =	sdelay $0x4  }
0xe6: {  	v2 =	vmax.f32 v3, v2  }
0xe7: {  	s7 =	rddreg [dreg:$0x18];
	[tilespmem:s1+$0x7EE0] =	vst v2  }
0xe8: {  	[tilespmem:s8], [sflag:$0x5] =	stream.linear.gather [spmem:s7], $0x280, $0x38;
	[tilespmem:$0x1EC80] =	vst v63  }
0xe9: {  	_ =	swait.ge [sflag:s15], $0x280  }
0xea: {  	[sflag:s15] =	ssyncset.done $0x0  }
0xeb: {  	s1 =	simm.s32 $0x0;
	[sflag:s15] =	ssyncadd.s32 $0xFFFFFD80  }
0xec: {  	s2 =	simm.s32 $0x40;
	v2 =	vld [tilespmem:s1+$0x8160]  }
.LBB2_24:
0xed: {  	p1 =	sne.s32 s2, $0x9C0;
	v3 =	vld [tilespmem:s1+$0x7EE0];
	_ =	sdelay $0x1  }
.Ltmp15:
0xee: {  	(pc) =	sbr.rel @p1 .LBB2_24-.Ltmp15, $3  }
0xef: {  	_ =	sdelay $0x1  }
0xf0: {  	s7 =	sshra.s32 s2, $0x2;
	v3 =	vmax.f32 v3, v2  }
0xf1: {  	s2 =	sadd.s32 $0x40, s2;
	v2 =	vld [tilespmem:s7+$0x8160];
	[tilespmem:s1+$0x7EE0] =	vst v3;
	s1 =	smov.u32 s7  }
0xf2: {  	v3 =	vld [tilespmem:s1+$0x7EE0];
	_ =	sdelay $0x4  }
0xf3: {  	v2 =	vmax.f32 v3, v2  }
0xf4: {  	s7 =	rddreg [dreg:$0x19];
	[tilespmem:s1+$0x7EE0] =	vst v2  }
0xf5: {  	[tilespmem:s8], [sflag:$0x5] =	stream.linear.gather [spmem:s7], $0x280, $0x38;
	[tilespmem:$0x1EC80] =	vst v63  }
0xf6: {  	_ =	swait.ge [sflag:s15], $0x280  }
0xf7: {  	[sflag:s15] =	ssyncset.done $0x0  }
0xf8: {  	s1 =	simm.s32 $0x0;
	[sflag:s15] =	ssyncadd.s32 $0xFFFFFD80  }
0xf9: {  	s2 =	simm.s32 $0x40;
	v2 =	vld [tilespmem:s1+$0x8160]  }
.LBB2_26:
0xfa: {  	p1 =	sne.s32 s2, $0x9C0;
	v3 =	vld [tilespmem:s1+$0x7EE0];
	_ =	sdelay $0x1  }
.Ltmp16:
0xfb: {  	(pc) =	sbr.rel @p1 .LBB2_26-.Ltmp16, $3  }
0xfc: {  	_ =	sdelay $0x1  }
0xfd: {  	s7 =	sshra.s32 s2, $0x2;
	v3 =	vmax.f32 v3, v2  }
0xfe: {  	s2 =	sadd.s32 $0x40, s2;
	v2 =	vld [tilespmem:s7+$0x8160];
	[tilespmem:s1+$0x7EE0] =	vst v3;
	s1 =	smov.u32 s7  }
0xff: {  	v3 =	vld [tilespmem:s1+$0x7EE0];
	_ =	sdelay $0x4  }
0x100: {  	v2 =	vmax.f32 v3, v2  }
0x101: {  	s7 =	rddreg [dreg:$0x1a];
	[tilespmem:s1+$0x7EE0] =	vst v2  }
0x102: {  	[tilespmem:s8], [sflag:$0x5] =	stream.linear.gather [spmem:s7], $0x280, $0x38;
	[tilespmem:$0x1EC80] =	vst v63  }
0x103: {  	_ =	swait.ge [sflag:s15], $0x280  }
0x104: {  	[sflag:s15] =	ssyncset.done $0x0  }
0x105: {  	s1 =	simm.s32 $0x0;
	[sflag:s15] =	ssyncadd.s32 $0xFFFFFD80  }
0x106: {  	s2 =	simm.s32 $0x40;
	v2 =	vld [tilespmem:s1+$0x8160]  }
.LBB2_28:
0x107: {  	p1 =	sne.s32 s2, $0x9C0;
	v3 =	vld [tilespmem:s1+$0x7EE0];
	_ =	sdelay $0x1  }
.Ltmp17:
0x108: {  	(pc) =	sbr.rel @p1 .LBB2_28-.Ltmp17, $3  }
0x109: {  	_ =	sdelay $0x1  }
0x10a: {  	s7 =	sshra.s32 s2, $0x2;
	v3 =	vmax.f32 v3, v2  }
0x10b: {  	s2 =	sadd.s32 $0x40, s2;
	v2 =	vld [tilespmem:s7+$0x8160];
	[tilespmem:s1+$0x7EE0] =	vst v3;
	s1 =	smov.u32 s7  }
0x10c: {  	v3 =	vld [tilespmem:s1+$0x7EE0];
	_ =	sdelay $0x4  }
0x10d: {  	v2 =	vmax.f32 v3, v2  }
0x10e: {  	s7 =	rddreg [dreg:$0x1b];
	[tilespmem:s1+$0x7EE0] =	vst v2  }
0x10f: {  	[tilespmem:s8], [sflag:$0x5] =	stream.linear.gather [spmem:s7], $0x280, $0x38;
	[tilespmem:$0x1EC80] =	vst v63  }
0x110: {  	_ =	swait.ge [sflag:s15], $0x280  }
0x111: {  	[sflag:s15] =	ssyncset.done $0x0  }
0x112: {  	s1 =	simm.s32 $0x0;
	[sflag:s15] =	ssyncadd.s32 $0xFFFFFD80  }
0x113: {  	s2 =	simm.s32 $0x40;
	v2 =	vld [tilespmem:s1+$0x8160]  }
.LBB2_30:
0x114: {  	p1 =	sne.s32 s2, $0x9C0;
	v3 =	vld [tilespmem:s1+$0x7EE0];
	_ =	sdelay $0x1  }
.Ltmp18:
0x115: {  	(pc) =	sbr.rel @p1 .LBB2_30-.Ltmp18, $3  }
0x116: {  	_ =	sdelay $0x1  }
0x117: {  	s7 =	sshra.s32 s2, $0x2;
	v3 =	vmax.f32 v3, v2  }
0x118: {  	s2 =	sadd.s32 $0x40, s2;
	v2 =	vld [tilespmem:s7+$0x8160];
	[tilespmem:s1+$0x7EE0] =	vst v3;
	s1 =	smov.u32 s7  }
0x119: {  	v3 =	vld [tilespmem:s1+$0x7EE0];
	_ =	sdelay $0x4  }
0x11a: {  	v2 =	vmax.f32 v3, v2  }
0x11b: {  	s7 =	rddreg [dreg:$0x1c];
	[tilespmem:s1+$0x7EE0] =	vst v2  }
0x11c: {  	[tilespmem:s8], [sflag:$0x5] =	stream.linear.gather [spmem:s7], $0x280, $0x38;
	[tilespmem:$0x1EC80] =	vst v63  }
0x11d: {  	_ =	swait.ge [sflag:s15], $0x280  }
0x11e: {  	[sflag:s15] =	ssyncset.done $0x0  }
0x11f: {  	s1 =	simm.s32 $0x0;
	[sflag:s15] =	ssyncadd.s32 $0xFFFFFD80  }
0x120: {  	s2 =	simm.s32 $0x40;
	v2 =	vld [tilespmem:s1+$0x8160]  }
.LBB2_32:
0x121: {  	p1 =	sne.s32 s2, $0x9C0;
	v3 =	vld [tilespmem:s1+$0x7EE0];
	_ =	sdelay $0x1  }
.Ltmp19:
0x122: {  	(pc) =	sbr.rel @p1 .LBB2_32-.Ltmp19, $3  }
0x123: {  	_ =	sdelay $0x1  }
0x124: {  	s7 =	sshra.s32 s2, $0x2;
	v3 =	vmax.f32 v3, v2  }
0x125: {  	s2 =	sadd.s32 $0x40, s2;
	v2 =	vld [tilespmem:s7+$0x8160];
	[tilespmem:s1+$0x7EE0] =	vst v3;
	s1 =	smov.u32 s7  }
0x126: {  	v3 =	vld [tilespmem:s1+$0x7EE0];
	_ =	sdelay $0x4  }
0x127: {  	v2 =	vmax.f32 v3, v2  }
0x128: {  	s7 =	rddreg [dreg:$0x1d];
	[tilespmem:s1+$0x7EE0] =	vst v2  }
0x129: {  	[tilespmem:s8], [sflag:$0x5] =	stream.linear.gather [spmem:s7], $0x280, $0x38;
	[tilespmem:$0x1EC80] =	vst v63  }
0x12a: {  	_ =	swait.ge [sflag:s15], $0x280  }
0x12b: {  	[sflag:s15] =	ssyncset.done $0x0  }
0x12c: {  	s1 =	simm.s32 $0x0;
	[sflag:s15] =	ssyncadd.s32 $0xFFFFFD80  }
0x12d: {  	s2 =	simm.s32 $0x40;
	v2 =	vld [tilespmem:s1+$0x8160]  }
.LBB2_34:
0x12e: {  	p1 =	sne.s32 s2, $0x9C0;
	v3 =	vld [tilespmem:s1+$0x7EE0];
	_ =	sdelay $0x1  }
.Ltmp20:
0x12f: {  	(pc) =	sbr.rel @p1 .LBB2_34-.Ltmp20, $3  }
0x130: {  	_ =	sdelay $0x1  }
0x131: {  	s7 =	sshra.s32 s2, $0x2;
	v3 =	vmax.f32 v3, v2  }
0x132: {  	s2 =	sadd.s32 $0x40, s2;
	v2 =	vld [tilespmem:s7+$0x8160];
	[tilespmem:s1+$0x7EE0] =	vst v3;
	s1 =	smov.u32 s7  }
0x133: {  	v3 =	vld [tilespmem:s1+$0x7EE0];
	_ =	sdelay $0x4  }
0x134: {  	v2 =	vmax.f32 v3, v2  }
0x135: {  	s7 =	rddreg [dreg:$0x1e];
	[tilespmem:s1+$0x7EE0] =	vst v2  }
0x136: {  	[tilespmem:s8], [sflag:$0x5] =	stream.linear.gather [spmem:s7], $0x280, $0x38;
	[tilespmem:$0x1EC80] =	vst v63  }
0x137: {  	_ =	swait.ge [sflag:s15], $0x280  }
0x138: {  	[sflag:s15] =	ssyncset.done $0x0  }
0x139: {  	s1 =	simm.s32 $0x0;
	[sflag:s15] =	ssyncadd.s32 $0xFFFFFD80  }
0x13a: {  	s2 =	simm.s32 $0x40;
	v2 =	vld [tilespmem:s1+$0x8160]  }
.LBB2_36:
0x13b: {  	p1 =	sne.s32 s2, $0x9C0;
	v3 =	vld [tilespmem:s1+$0x7EE0];
	_ =	sdelay $0x1  }
.Ltmp21:
0x13c: {  	(pc) =	sbr.rel @p1 .LBB2_36-.Ltmp21, $3  }
0x13d: {  	_ =	sdelay $0x1  }
0x13e: {  	s7 =	sshra.s32 s2, $0x2;
	v3 =	vmax.f32 v3, v2  }
0x13f: {  	s2 =	sadd.s32 $0x40, s2;
	v2 =	vld [tilespmem:s7+$0x8160];
	[tilespmem:s1+$0x7EE0] =	vst v3;
	s1 =	smov.u32 s7  }
0x140: {  	v3 =	vld [tilespmem:s1+$0x7EE0];
	_ =	sdelay $0x4  }
0x141: {  	v2 =	vmax.f32 v3, v2  }
0x142: {  	s7 =	rddreg [dreg:$0x1f];
	[tilespmem:s1+$0x7EE0] =	vst v2  }
0x143: {  	[tilespmem:s8], [sflag:$0x5] =	stream.linear.gather [spmem:s7], $0x280, $0x38;
	[tilespmem:$0x1EC80] =	vst v63  }
0x144: {  	_ =	swait.ge [sflag:s15], $0x280  }
0x145: {  	[sflag:s15] =	ssyncset.done $0x0  }
0x146: {  	s1 =	simm.s32 $0x0;
	[sflag:s15] =	ssyncadd.s32 $0xFFFFFD80  }
0x147: {  	s2 =	simm.s32 $0x40;
	v2 =	vld [tilespmem:s1+$0x8160]  }
.LBB2_38:
0x148: {  	p1 =	sne.s32 s2, $0x9C0;
	v3 =	vld [tilespmem:s1+$0x7EE0];
	_ =	sdelay $0x1  }
.Ltmp22:
0x149: {  	(pc) =	sbr.rel @p1 .LBB2_38-.Ltmp22, $3  }
0x14a: {  	_ =	sdelay $0x1  }
0x14b: {  	s7 =	sshra.s32 s2, $0x2;
	v3 =	vmax.f32 v3, v2  }
0x14c: {  	s2 =	sadd.s32 $0x40, s2;
	v2 =	vld [tilespmem:s7+$0x8160];
	[tilespmem:s1+$0x7EE0] =	vst v3;
	s1 =	smov.u32 s7  }
0x14d: {  	v3 =	vld [tilespmem:s1+$0x7EE0];
	_ =	sdelay $0x3  }
0x14e: {  	s7 =	sld [smem:$0x7F6]  }
0x14f: {  	v2 =	vmax.f32 v3, v2  }
0x150: {  	[tilespmem:s1+$0x7EE0] =	vst v2  }
0x151: {  	[tilespmem:s8], [sflag:$0x5] =	stream.linear.gather [spmem:s7], $0x280, $0x38;
	[tilespmem:$0x1EC80] =	vst v63  }
0x152: {  	_ =	swait.ge [sflag:s15], $0x280  }
0x153: {  	[sflag:s15] =	ssyncset.done $0x0  }
0x154: {  	s1 =	simm.s32 $0x0;
	[sflag:s15] =	ssyncadd.s32 $0xFFFFFD80  }
0x155: {  	s2 =	simm.s32 $0x40;
	v2 =	vld [tilespmem:s1+$0x8160]  }
.LBB2_40:
0x156: {  	p1 =	sne.s32 s2, $0x9C0;
	v3 =	vld [tilespmem:s1+$0x7EE0];
	_ =	sdelay $0x1  }
.Ltmp23:
0x157: {  	(pc) =	sbr.rel @p1 .LBB2_40-.Ltmp23, $3  }
0x158: {  	_ =	sdelay $0x1  }
0x159: {  	s7 =	sshra.s32 s2, $0x2;
	v3 =	vmax.f32 v3, v2  }
0x15a: {  	s2 =	sadd.s32 $0x40, s2;
	v2 =	vld [tilespmem:s7+$0x8160];
	[tilespmem:s1+$0x7EE0] =	vst v3;
	s1 =	smov.u32 s7  }
0x15b: {  	v3 =	vld [tilespmem:s1+$0x7EE0];
	_ =	sdelay $0x4  }
0x15c: {  	v2 =	vmax.f32 v3, v2  }
0x15d: {  	[tilespmem:s1+$0x7EE0] =	vst v2  }
0x15e: {  	s8 =	simm.s32 $0x7EE0;
	[bflag:$0x0] =	sbarrier.arrive $0xFFFF  }
0x15f: {  	[spmem:s23] =	stream.linear.scatter [tilespmem:s8], [sflag:$0x5], $0x280, $0x38;
	[tilespmem:$0x1EC80] =	vst v63  }
0x160: {  	_ =	swait.ge [sflag:s15], $0x280  }
0x161: {  	[sflag:s15] =	ssyncset.done $0x0  }
0x162: {  	[sflag:s15] =	ssyncadd.s32 $0xFFFFFD80  }
0x163: {  	[bflag:$0x0] =	sbarrier.arrive $0xFFFF  }
0x164: {  	[tilespmem:s26], [sflag:$0x5] =	stream.linear.gather [spmem:s9], $0x2800, $0x38;
	[tilespmem:$0x1EC80] =	vst v63  }
0x165: {  	_ =	swait.ge [sflag:s15], $0x2800  }
0x166: {  	[sflag:s15] =	ssyncset.done $0x0  }
0x167: {  	s2 =	simm.s32 $0x40;
	[sflag:s15] =	ssyncadd.s32 $0xFFFFD800  }
0x168: {  	s7 =	simm.s32 $0x0;
	s1 =	simm.s32 $0x0;
	[bflag:$0x0] =	sbarrier.arrive $0xFFFF  }
.LBB2_42:
0x169: {  	p1 =	sne.s32 s2, $0x9FC0;
	[tilespmem:s7+$0x56E0] =	vst v0;
	s7 =	smov.u32 s2;
	s2 =	sadd.s32 $0x40, s2  }
.Ltmp24:
0x16a: {  	(pc) =	sbr.rel @p1 .LBB2_42-.Ltmp24, $2  }
0x16b: {  	_ =	sdelay $0x2  }
0x16c: {  	s7 =	sshra.s32 s7, $0x2  }
0x16d: {  	[tilespmem:s7+$0x56E0] =	vst v0  }
.LBB2_44:
0x16e: {  	s2 =	smul.u32 $0xFA0, s1;
	_ =	sdelay $0x1  }
0x16f: {  	s2 =	sadd.s32 s13, s2  }
0x170: {  	s2 =	sshrl.u32 s2, $0x3  }
0x171: {  	s8 =	simm.s32 $0x0;
	s7 =	sadd.s32 s19, s2  }
0x172: {  	[tilespmem:s8], [sflag:$0x5] =	stream.linear.gather [hbm4b:s7+s8], $0xFA0, $0x38;
	[tilespmem:$0x1EC80] =	vst v63  }
0x173: {  	_ =	swait.ge [sflag:s15], $0xFA0  }
0x174: {  	[sflag:s15] =	ssyncset.done $0x0  }
0x175: {  	s2 =	sadd.s32 s11, s2;
	s7 =	simm.s32 $0xFA0;
	[sflag:s15] =	ssyncadd.s32 $0xFFFFF060  }
0x176: {  	[tilespmem:s7], [sflag:$0x5] =	stream.linear.gather [hbm4b:s2+s8], $0xFA0, $0x38;
	[tilespmem:$0x1EC80] =	vst v63  }
0x177: {  	_ =	swait.ge [sflag:s15], $0xFA0  }
0x178: {  	[sflag:s15] =	ssyncset.done $0x0  }
0x179: {  	s7 =	simm.s32 $0x0;
	s2 =	simm.s32 $0x40;
	[sflag:s15] =	ssyncadd.s32 $0xFFFFF060  }
.LBB2_45:
0x17a: {  	p1 =	sne.s32 s2, $0x3E40;
	v2 =	vld [tilespmem:s7+$0xFA0];
	_ =	sdelay $0x7  }
0x17b: {  	v3 =	vld.idx.msk [tilespmem:v2+s26+$0x0], $0xffff  }
0x17c: {  	v4 =	vld [tilespmem:s7+$0x0];
	_ =	sdelay $0x4  }
0x17d: {  	v3 =	vsub.f32 v4, v3;
	_ =	sdelay $0x1  }
0x17e: {  	v3 =	vmul.f32 $1.442695020e+00, v3;
	_ =	sdelay $0x1  }
0x17f: {  	(erf) = vpow2.f32 v3;
	_ =	sdelay $0x5  }
.Ltmp25:
0x180: {  	(pc) =	sbr.rel @p1 .LBB2_45-.Ltmp25, $3  }
0x181: {  	_ =	sdelay $0x1  }
0x182: {  	v3 =	vpop (erf)  }
0x183: {  	s7 =	sshra.s32 s2, $0x2;
	s2 =	sadd.s32 $0x40, s2;
	[tilespmem:v2+s17+$0x0] =	vst.idx.add.f32.msk $0xffff, v3  }
0x184: {  	v2 =	vld [tilespmem:s7+$0xFA0];
	_ =	sdelay $0x6  }
0x185: {  	v4 =	vld [tilespmem:s7+$0x0]  }
0x186: {  	v3 =	vld.idx.msk [tilespmem:v2+s26+$0x0], $0xffff;
	_ =	sdelay $0x4  }
0x187: {  	v3 =	vsub.f32 v4, v3;
	_ =	sdelay $0x1  }
0x188: {  	v3 =	vmul.f32 $1.442695020e+00, v3;
	_ =	sdelay $0x1  }
0x189: {  	(erf) = vpow2.f32 v3;
	_ =	sdelay $0x3  }
0x18a: {  	s1 =	sadd.s32 $0x1, s1  }
0x18b: {  	p1 =	sne.s32 s1, $0x5  }
.Ltmp26:
0x18c: {  	_ = 	snop;
	(pc) =	sbr.rel @p1 .LBB2_44-.Ltmp26, $3  }
0x18d: {  	_ =	sdelay $0x1  }
0x18e: {  	v3 =	vpop (erf)  }
0x18f: {  	[tilespmem:v2+s17+$0x0] =	vst.idx.add.f32.msk $0xffff, v3  }
0x190: {  	[spmem:s14] =	stream.linear.scatter [tilespmem:s17], [sflag:$0x5], $0x2800, $0x38;
	[tilespmem:$0x1EC80] =	vst v63  }
0x191: {  	_ =	swait.ge [sflag:s15], $0x2800  }
0x192: {  	[sflag:s15] =	ssyncset.done $0x0  }
0x193: {  	[sflag:s15] =	ssyncadd.s32 $0xFFFFD800  }
0x194: {  	s1 =	simm.s32 $0x7EE0;
	[bflag:$0x0] =	sbarrier.arrive $0xFFFF  }
0x195: {  	[tilespmem:s1], [sflag:$0x5] =	stream.linear.gather [spmem:s23], $0x280, $0x38;
	[tilespmem:$0x1EC80] =	vst v63  }
0x196: {  	_ =	swait.ge [sflag:s15], $0x280  }
0x197: {  	[sflag:s15] =	ssyncset.done $0x0  }
0x198: {  	s8 =	simm.s32 $0x8160;
	s14 =	rddreg [dreg:$0xf];
	[sflag:s15] =	ssyncadd.s32 $0xFFFFFD80  }
0x199: {  	[tilespmem:s8], [sflag:$0x5] =	stream.linear.gather [spmem:s14], $0x280, $0x38;
	[tilespmem:$0x1EC80] =	vst v63  }
0x19a: {  	_ =	swait.ge [sflag:s15], $0x280  }
0x19b: {  	[sflag:s15] =	ssyncset.done $0x0  }
0x19c: {  	s1 =	simm.s32 $0x0;
	[sflag:s15] =	ssyncadd.s32 $0xFFFFFD80  }
0x19d: {  	s2 =	simm.s32 $0x40;
	v2 =	vld [tilespmem:s1+$0x8160]  }
.LBB2_48:
0x19e: {  	p1 =	sne.s32 s2, $0x9C0;
	v3 =	vld [tilespmem:s1+$0x7EE0];
	_ =	sdelay $0x2  }
.Ltmp27:
0x19f: {  	(pc) =	sbr.rel @p1 .LBB2_48-.Ltmp27, $4  }
0x1a0: {  	_ = 	snop  }
0x1a1: {  	v3 =	vadd.f32 v2, v3  }
0x1a2: {  	s7 =	sshra.s32 s2, $0x2  }
0x1a3: {  	s2 =	sadd.s32 $0x40, s2;
	v2 =	vld [tilespmem:s7+$0x8160];
	[tilespmem:s1+$0x7EE0] =	vst v3;
	s1 =	smov.u32 s7  }
0x1a4: {  	v3 =	vld [tilespmem:s1+$0x7EE0];
	_ =	sdelay $0x4  }
0x1a5: {  	v2 =	vadd.f32 v2, v3;
	_ =	sdelay $0x1  }
0x1a6: {  	s14 =	rddreg [dreg:$0x10];
	[tilespmem:s1+$0x7EE0] =	vst v2  }
0x1a7: {  	[tilespmem:s8], [sflag:$0x5] =	stream.linear.gather [spmem:s14], $0x280, $0x38;
	[tilespmem:$0x1EC80] =	vst v63  }
0x1a8: {  	_ =	swait.ge [sflag:s15], $0x280  }
0x1a9: {  	[sflag:s15] =	ssyncset.done $0x0  }
0x1aa: {  	s1 =	simm.s32 $0x0;
	[sflag:s15] =	ssyncadd.s32 $0xFFFFFD80  }
0x1ab: {  	s2 =	simm.s32 $0x40;
	v2 =	vld [tilespmem:s1+$0x8160]  }
.LBB2_50:
0x1ac: {  	p1 =	sne.s32 s2, $0x9C0;
	v3 =	vld [tilespmem:s1+$0x7EE0];
	_ =	sdelay $0x2  }
.Ltmp28:
0x1ad: {  	(pc) =	sbr.rel @p1 .LBB2_50-.Ltmp28, $4  }
0x1ae: {  	_ = 	snop  }
0x1af: {  	v3 =	vadd.f32 v2, v3  }
0x1b0: {  	s7 =	sshra.s32 s2, $0x2  }
0x1b1: {  	s2 =	sadd.s32 $0x40, s2;
	v2 =	vld [tilespmem:s7+$0x8160];
	[tilespmem:s1+$0x7EE0] =	vst v3;
	s1 =	smov.u32 s7  }
0x1b2: {  	v3 =	vld [tilespmem:s1+$0x7EE0];
	_ =	sdelay $0x4  }
0x1b3: {  	v2 =	vadd.f32 v2, v3;
	_ =	sdelay $0x1  }
0x1b4: {  	s14 =	rddreg [dreg:$0x11];
	[tilespmem:s1+$0x7EE0] =	vst v2  }
0x1b5: {  	[tilespmem:s8], [sflag:$0x5] =	stream.linear.gather [spmem:s14], $0x280, $0x38;
	[tilespmem:$0x1EC80] =	vst v63  }
0x1b6: {  	_ =	swait.ge [sflag:s15], $0x280  }
0x1b7: {  	[sflag:s15] =	ssyncset.done $0x0  }
0x1b8: {  	s1 =	simm.s32 $0x0;
	[sflag:s15] =	ssyncadd.s32 $0xFFFFFD80  }
0x1b9: {  	s2 =	simm.s32 $0x40;
	v2 =	vld [tilespmem:s1+$0x8160]  }
.LBB2_52:
0x1ba: {  	p1 =	sne.s32 s2, $0x9C0;
	v3 =	vld [tilespmem:s1+$0x7EE0];
	_ =	sdelay $0x2  }
.Ltmp29:
0x1bb: {  	(pc) =	sbr.rel @p1 .LBB2_52-.Ltmp29, $4  }
0x1bc: {  	_ = 	snop  }
0x1bd: {  	v3 =	vadd.f32 v2, v3  }
0x1be: {  	s7 =	sshra.s32 s2, $0x2  }
0x1bf: {  	s2 =	sadd.s32 $0x40, s2;
	v2 =	vld [tilespmem:s7+$0x8160];
	[tilespmem:s1+$0x7EE0] =	vst v3;
	s1 =	smov.u32 s7  }
0x1c0: {  	v3 =	vld [tilespmem:s1+$0x7EE0];
	_ =	sdelay $0x4  }
0x1c1: {  	v2 =	vadd.f32 v2, v3;
	_ =	sdelay $0x1  }
0x1c2: {  	s14 =	rddreg [dreg:$0x12];
	[tilespmem:s1+$0x7EE0] =	vst v2  }
0x1c3: {  	[tilespmem:s8], [sflag:$0x5] =	stream.linear.gather [spmem:s14], $0x280, $0x38;
	[tilespmem:$0x1EC80] =	vst v63  }
0x1c4: {  	_ =	swait.ge [sflag:s15], $0x280  }
0x1c5: {  	[sflag:s15] =	ssyncset.done $0x0  }
0x1c6: {  	s1 =	simm.s32 $0x0;
	[sflag:s15] =	ssyncadd.s32 $0xFFFFFD80  }
0x1c7: {  	s2 =	simm.s32 $0x40;
	v2 =	vld [tilespmem:s1+$0x8160]  }
.LBB2_54:
0x1c8: {  	p1 =	sne.s32 s2, $0x9C0;
	v3 =	vld [tilespmem:s1+$0x7EE0];
	_ =	sdelay $0x2  }
.Ltmp30:
0x1c9: {  	(pc) =	sbr.rel @p1 .LBB2_54-.Ltmp30, $4  }
0x1ca: {  	_ = 	snop  }
0x1cb: {  	v3 =	vadd.f32 v2, v3  }
0x1cc: {  	s7 =	sshra.s32 s2, $0x2  }
0x1cd: {  	s2 =	sadd.s32 $0x40, s2;
	v2 =	vld [tilespmem:s7+$0x8160];
	[tilespmem:s1+$0x7EE0] =	vst v3;
	s1 =	smov.u32 s7  }
0x1ce: {  	v3 =	vld [tilespmem:s1+$0x7EE0];
	_ =	sdelay $0x4  }
0x1cf: {  	v2 =	vadd.f32 v2, v3;
	_ =	sdelay $0x1  }
0x1d0: {  	[tilespmem:s1+$0x7EE0] =	vst v2  }
0x1d1: {  	[tilespmem:s8], [sflag:$0x5] =	stream.linear.gather [spmem:s10], $0x280, $0x38;
	[tilespmem:$0x1EC80] =	vst v63  }
0x1d2: {  	_ =	swait.ge [sflag:s15], $0x280  }
0x1d3: {  	[sflag:s15] =	ssyncset.done $0x0  }
0x1d4: {  	s1 =	simm.s32 $0x0;
	[sflag:s15] =	ssyncadd.s32 $0xFFFFFD80  }
0x1d5: {  	s2 =	simm.s32 $0x40;
	v2 =	vld [tilespmem:s1+$0x8160]  }
.LBB2_56:
0x1d6: {  	p1 =	sne.s32 s2, $0x9C0;
	v3 =	vld [tilespmem:s1+$0x7EE0];
	_ =	sdelay $0x2  }
.Ltmp31:
0x1d7: {  	(pc) =	sbr.rel @p1 .LBB2_56-.Ltmp31, $4  }
0x1d8: {  	_ = 	snop  }
0x1d9: {  	v3 =	vadd.f32 v2, v3  }
0x1da: {  	s7 =	sshra.s32 s2, $0x2  }
0x1db: {  	s2 =	sadd.s32 $0x40, s2;
	v2 =	vld [tilespmem:s7+$0x8160];
	[tilespmem:s1+$0x7EE0] =	vst v3;
	s1 =	smov.u32 s7  }
0x1dc: {  	v3 =	vld [tilespmem:s1+$0x7EE0];
	_ =	sdelay $0x4  }
0x1dd: {  	v2 =	vadd.f32 v2, v3;
	_ =	sdelay $0x1  }
0x1de: {  	[tilespmem:s1+$0x7EE0] =	vst v2  }
0x1df: {  	[tilespmem:s8], [sflag:$0x5] =	stream.linear.gather [spmem:s12], $0x280, $0x38;
	[tilespmem:$0x1EC80] =	vst v63  }
0x1e0: {  	_ =	swait.ge [sflag:s15], $0x280  }
0x1e1: {  	[sflag:s15] =	ssyncset.done $0x0  }
0x1e2: {  	s1 =	simm.s32 $0x0;
	[sflag:s15] =	ssyncadd.s32 $0xFFFFFD80  }
0x1e3: {  	s2 =	simm.s32 $0x40;
	v2 =	vld [tilespmem:s1+$0x8160]  }
.LBB2_58:
0x1e4: {  	p1 =	sne.s32 s2, $0x9C0;
	v3 =	vld [tilespmem:s1+$0x7EE0];
	_ =	sdelay $0x2  }
.Ltmp32:
0x1e5: {  	(pc) =	sbr.rel @p1 .LBB2_58-.Ltmp32, $4  }
0x1e6: {  	_ = 	snop  }
0x1e7: {  	v3 =	vadd.f32 v2, v3  }
0x1e8: {  	s7 =	sshra.s32 s2, $0x2  }
0x1e9: {  	s2 =	sadd.s32 $0x40, s2;
	v2 =	vld [tilespmem:s7+$0x8160];
	[tilespmem:s1+$0x7EE0] =	vst v3;
	s1 =	smov.u32 s7  }
0x1ea: {  	v3 =	vld [tilespmem:s1+$0x7EE0];
	_ =	sdelay $0x4  }
0x1eb: {  	v2 =	vadd.f32 v2, v3;
	_ =	sdelay $0x1  }
0x1ec: {  	s14 =	rddreg [dreg:$0x18];
	[tilespmem:s1+$0x7EE0] =	vst v2  }
0x1ed: {  	[tilespmem:s8], [sflag:$0x5] =	stream.linear.gather [spmem:s14], $0x280, $0x38;
	[tilespmem:$0x1EC80] =	vst v63  }
0x1ee: {  	_ =	swait.ge [sflag:s15], $0x280  }
0x1ef: {  	[sflag:s15] =	ssyncset.done $0x0  }
0x1f0: {  	s1 =	simm.s32 $0x0;
	[sflag:s15] =	ssyncadd.s32 $0xFFFFFD80  }
0x1f1: {  	s2 =	simm.s32 $0x40;
	v2 =	vld [tilespmem:s1+$0x8160]  }
.LBB2_60:
0x1f2: {  	p1 =	sne.s32 s2, $0x9C0;
	v3 =	vld [tilespmem:s1+$0x7EE0];
	_ =	sdelay $0x2  }
.Ltmp33:
0x1f3: {  	(pc) =	sbr.rel @p1 .LBB2_60-.Ltmp33, $4  }
0x1f4: {  	_ = 	snop  }
0x1f5: {  	v3 =	vadd.f32 v2, v3  }
0x1f6: {  	s7 =	sshra.s32 s2, $0x2  }
0x1f7: {  	s2 =	sadd.s32 $0x40, s2;
	v2 =	vld [tilespmem:s7+$0x8160];
	[tilespmem:s1+$0x7EE0] =	vst v3;
	s1 =	smov.u32 s7  }
0x1f8: {  	v3 =	vld [tilespmem:s1+$0x7EE0];
	_ =	sdelay $0x4  }
0x1f9: {  	v2 =	vadd.f32 v2, v3;
	_ =	sdelay $0x1  }
0x1fa: {  	s14 =	rddreg [dreg:$0x19];
	[tilespmem:s1+$0x7EE0] =	vst v2  }
0x1fb: {  	[tilespmem:s8], [sflag:$0x5] =	stream.linear.gather [spmem:s14], $0x280, $0x38;
	[tilespmem:$0x1EC80] =	vst v63  }
0x1fc: {  	_ =	swait.ge [sflag:s15], $0x280  }
0x1fd: {  	[sflag:s15] =	ssyncset.done $0x0  }
0x1fe: {  	s1 =	simm.s32 $0x0;
	[sflag:s15] =	ssyncadd.s32 $0xFFFFFD80  }
0x1ff: {  	s2 =	simm.s32 $0x40;
	v2 =	vld [tilespmem:s1+$0x8160]  }
.LBB2_62:
0x200: {  	p1 =	sne.s32 s2, $0x9C0;
	v3 =	vld [tilespmem:s1+$0x7EE0];
	_ =	sdelay $0x2  }
.Ltmp34:
0x201: {  	(pc) =	sbr.rel @p1 .LBB2_62-.Ltmp34, $4  }
0x202: {  	_ = 	snop  }
0x203: {  	v3 =	vadd.f32 v2, v3  }
0x204: {  	s7 =	sshra.s32 s2, $0x2  }
0x205: {  	s2 =	sadd.s32 $0x40, s2;
	v2 =	vld [tilespmem:s7+$0x8160];
	[tilespmem:s1+$0x7EE0] =	vst v3;
	s1 =	smov.u32 s7  }
0x206: {  	v3 =	vld [tilespmem:s1+$0x7EE0];
	_ =	sdelay $0x4  }
0x207: {  	v2 =	vadd.f32 v2, v3;
	_ =	sdelay $0x1  }
0x208: {  	s14 =	rddreg [dreg:$0x1a];
	[tilespmem:s1+$0x7EE0] =	vst v2  }
0x209: {  	[tilespmem:s8], [sflag:$0x5] =	stream.linear.gather [spmem:s14], $0x280, $0x38;
	[tilespmem:$0x1EC80] =	vst v63  }
0x20a: {  	_ =	swait.ge [sflag:s15], $0x280  }
0x20b: {  	[sflag:s15] =	ssyncset.done $0x0  }
0x20c: {  	s1 =	simm.s32 $0x0;
	[sflag:s15] =	ssyncadd.s32 $0xFFFFFD80  }
0x20d: {  	s2 =	simm.s32 $0x40;
	v2 =	vld [tilespmem:s1+$0x8160]  }
.LBB2_64:
0x20e: {  	p1 =	sne.s32 s2, $0x9C0;
	v3 =	vld [tilespmem:s1+$0x7EE0];
	_ =	sdelay $0x2  }
.Ltmp35:
0x20f: {  	(pc) =	sbr.rel @p1 .LBB2_64-.Ltmp35, $4  }
0x210: {  	_ = 	snop  }
0x211: {  	v3 =	vadd.f32 v2, v3  }
0x212: {  	s7 =	sshra.s32 s2, $0x2  }
0x213: {  	s2 =	sadd.s32 $0x40, s2;
	v2 =	vld [tilespmem:s7+$0x8160];
	[tilespmem:s1+$0x7EE0] =	vst v3;
	s1 =	smov.u32 s7  }
0x214: {  	v3 =	vld [tilespmem:s1+$0x7EE0];
	_ =	sdelay $0x4  }
0x215: {  	v2 =	vadd.f32 v2, v3;
	_ =	sdelay $0x1  }
0x216: {  	s14 =	rddreg [dreg:$0x1b];
	[tilespmem:s1+$0x7EE0] =	vst v2  }
0x217: {  	[tilespmem:s8], [sflag:$0x5] =	stream.linear.gather [spmem:s14], $0x280, $0x38;
	[tilespmem:$0x1EC80] =	vst v63  }
0x218: {  	_ =	swait.ge [sflag:s15], $0x280  }
0x219: {  	[sflag:s15] =	ssyncset.done $0x0  }
0x21a: {  	s1 =	simm.s32 $0x0;
	[sflag:s15] =	ssyncadd.s32 $0xFFFFFD80  }
0x21b: {  	s2 =	simm.s32 $0x40;
	v2 =	vld [tilespmem:s1+$0x8160]  }
.LBB2_66:
0x21c: {  	p1 =	sne.s32 s2, $0x9C0;
	v3 =	vld [tilespmem:s1+$0x7EE0];
	_ =	sdelay $0x2  }
.Ltmp36:
0x21d: {  	(pc) =	sbr.rel @p1 .LBB2_66-.Ltmp36, $4  }
0x21e: {  	_ = 	snop  }
0x21f: {  	v3 =	vadd.f32 v2, v3  }
0x220: {  	s7 =	sshra.s32 s2, $0x2  }
0x221: {  	s2 =	sadd.s32 $0x40, s2;
	v2 =	vld [tilespmem:s7+$0x8160];
	[tilespmem:s1+$0x7EE0] =	vst v3;
	s1 =	smov.u32 s7  }
0x222: {  	v3 =	vld [tilespmem:s1+$0x7EE0];
	_ =	sdelay $0x4  }
0x223: {  	v2 =	vadd.f32 v2, v3;
	_ =	sdelay $0x1  }
0x224: {  	s14 =	rddreg [dreg:$0x1c];
	[tilespmem:s1+$0x7EE0] =	vst v2  }
0x225: {  	[tilespmem:s8], [sflag:$0x5] =	stream.linear.gather [spmem:s14], $0x280, $0x38;
	[tilespmem:$0x1EC80] =	vst v63  }
0x226: {  	_ =	swait.ge [sflag:s15], $0x280  }
0x227: {  	[sflag:s15] =	ssyncset.done $0x0  }
0x228: {  	s1 =	simm.s32 $0x0;
	[sflag:s15] =	ssyncadd.s32 $0xFFFFFD80  }
0x229: {  	s2 =	simm.s32 $0x40;
	v2 =	vld [tilespmem:s1+$0x8160]  }
.LBB2_68:
0x22a: {  	p1 =	sne.s32 s2, $0x9C0;
	v3 =	vld [tilespmem:s1+$0x7EE0];
	_ =	sdelay $0x2  }
.Ltmp37:
0x22b: {  	(pc) =	sbr.rel @p1 .LBB2_68-.Ltmp37, $4  }
0x22c: {  	_ = 	snop  }
0x22d: {  	v3 =	vadd.f32 v2, v3  }
0x22e: {  	s7 =	sshra.s32 s2, $0x2  }
0x22f: {  	s2 =	sadd.s32 $0x40, s2;
	v2 =	vld [tilespmem:s7+$0x8160];
	[tilespmem:s1+$0x7EE0] =	vst v3;
	s1 =	smov.u32 s7  }
0x230: {  	v3 =	vld [tilespmem:s1+$0x7EE0];
	_ =	sdelay $0x4  }
0x231: {  	v2 =	vadd.f32 v2, v3;
	_ =	sdelay $0x1  }
0x232: {  	s14 =	rddreg [dreg:$0x1d];
	[tilespmem:s1+$0x7EE0] =	vst v2  }
0x233: {  	[tilespmem:s8], [sflag:$0x5] =	stream.linear.gather [spmem:s14], $0x280, $0x38;
	[tilespmem:$0x1EC80] =	vst v63  }
0x234: {  	_ =	swait.ge [sflag:s15], $0x280  }
0x235: {  	[sflag:s15] =	ssyncset.done $0x0  }
0x236: {  	s1 =	simm.s32 $0x0;
	[sflag:s15] =	ssyncadd.s32 $0xFFFFFD80  }
0x237: {  	s2 =	simm.s32 $0x40;
	v2 =	vld [tilespmem:s1+$0x8160]  }
.LBB2_70:
0x238: {  	p1 =	sne.s32 s2, $0x9C0;
	v3 =	vld [tilespmem:s1+$0x7EE0];
	_ =	sdelay $0x2  }
.Ltmp38:
0x239: {  	(pc) =	sbr.rel @p1 .LBB2_70-.Ltmp38, $4  }
0x23a: {  	_ = 	snop  }
0x23b: {  	v3 =	vadd.f32 v2, v3  }
0x23c: {  	s7 =	sshra.s32 s2, $0x2  }
0x23d: {  	s2 =	sadd.s32 $0x40, s2;
	v2 =	vld [tilespmem:s7+$0x8160];
	[tilespmem:s1+$0x7EE0] =	vst v3;
	s1 =	smov.u32 s7  }
0x23e: {  	v3 =	vld [tilespmem:s1+$0x7EE0];
	_ =	sdelay $0x4  }
0x23f: {  	v2 =	vadd.f32 v2, v3;
	_ =	sdelay $0x1  }
0x240: {  	s14 =	rddreg [dreg:$0x1e];
	[tilespmem:s1+$0x7EE0] =	vst v2  }
0x241: {  	[tilespmem:s8], [sflag:$0x5] =	stream.linear.gather [spmem:s14], $0x280, $0x38;
	[tilespmem:$0x1EC80] =	vst v63  }
0x242: {  	_ =	swait.ge [sflag:s15], $0x280  }
0x243: {  	[sflag:s15] =	ssyncset.done $0x0  }
0x244: {  	s1 =	simm.s32 $0x0;
	[sflag:s15] =	ssyncadd.s32 $0xFFFFFD80  }
0x245: {  	s2 =	simm.s32 $0x40;
	v2 =	vld [tilespmem:s1+$0x8160]  }
.LBB2_72:
0x246: {  	p1 =	sne.s32 s2, $0x9C0;
	v3 =	vld [tilespmem:s1+$0x7EE0];
	_ =	sdelay $0x2  }
.Ltmp39:
0x247: {  	(pc) =	sbr.rel @p1 .LBB2_72-.Ltmp39, $4  }
0x248: {  	_ = 	snop  }
0x249: {  	v3 =	vadd.f32 v2, v3  }
0x24a: {  	s7 =	sshra.s32 s2, $0x2  }
0x24b: {  	s2 =	sadd.s32 $0x40, s2;
	v2 =	vld [tilespmem:s7+$0x8160];
	[tilespmem:s1+$0x7EE0] =	vst v3;
	s1 =	smov.u32 s7  }
0x24c: {  	v3 =	vld [tilespmem:s1+$0x7EE0];
	_ =	sdelay $0x4  }
0x24d: {  	v2 =	vadd.f32 v2, v3;
	_ =	sdelay $0x1  }
0x24e: {  	s14 =	rddreg [dreg:$0x1f];
	[tilespmem:s1+$0x7EE0] =	vst v2  }
0x24f: {  	[tilespmem:s8], [sflag:$0x5] =	stream.linear.gather [spmem:s14], $0x280, $0x38;
	[tilespmem:$0x1EC80] =	vst v63  }
0x250: {  	_ =	swait.ge [sflag:s15], $0x280  }
0x251: {  	[sflag:s15] =	ssyncset.done $0x0  }
0x252: {  	s1 =	simm.s32 $0x0;
	[sflag:s15] =	ssyncadd.s32 $0xFFFFFD80  }
0x253: {  	s2 =	simm.s32 $0x40;
	v2 =	vld [tilespmem:s1+$0x8160]  }
.LBB2_74:
0x254: {  	p1 =	sne.s32 s2, $0x9C0;
	v3 =	vld [tilespmem:s1+$0x7EE0];
	_ =	sdelay $0x2  }
.Ltmp40:
0x255: {  	(pc) =	sbr.rel @p1 .LBB2_74-.Ltmp40, $4  }
0x256: {  	_ = 	snop  }
0x257: {  	v3 =	vadd.f32 v2, v3  }
0x258: {  	s7 =	sshra.s32 s2, $0x2  }
0x259: {  	s2 =	sadd.s32 $0x40, s2;
	v2 =	vld [tilespmem:s7+$0x8160];
	[tilespmem:s1+$0x7EE0] =	vst v3;
	s1 =	smov.u32 s7  }
0x25a: {  	v3 =	vld [tilespmem:s1+$0x7EE0];
	_ =	sdelay $0x4  }
0x25b: {  	s14 =	sld [smem:$0x7F6];
	v2 =	vadd.f32 v2, v3;
	_ =	sdelay $0x1  }
0x25c: {  	[tilespmem:s1+$0x7EE0] =	vst v2  }
0x25d: {  	[tilespmem:s8], [sflag:$0x5] =	stream.linear.gather [spmem:s14], $0x280, $0x38;
	[tilespmem:$0x1EC80] =	vst v63  }
0x25e: {  	_ =	swait.ge [sflag:s15], $0x280  }
0x25f: {  	[sflag:s15] =	ssyncset.done $0x0  }
0x260: {  	s1 =	simm.s32 $0x0;
	[sflag:s15] =	ssyncadd.s32 $0xFFFFFD80  }
0x261: {  	s2 =	simm.s32 $0x40;
	v2 =	vld [tilespmem:s1+$0x8160]  }
.LBB2_76:
0x262: {  	p1 =	sne.s32 s2, $0x9C0;
	v3 =	vld [tilespmem:s1+$0x7EE0];
	_ =	sdelay $0x2  }
.Ltmp41:
0x263: {  	(pc) =	sbr.rel @p1 .LBB2_76-.Ltmp41, $4  }
0x264: {  	_ = 	snop  }
0x265: {  	v3 =	vadd.f32 v2, v3  }
0x266: {  	s7 =	sshra.s32 s2, $0x2  }
0x267: {  	s2 =	sadd.s32 $0x40, s2;
	v2 =	vld [tilespmem:s7+$0x8160];
	[tilespmem:s1+$0x7EE0] =	vst v3;
	s1 =	smov.u32 s7  }
0x268: {  	v3 =	vld [tilespmem:s1+$0x7EE0];
	_ =	sdelay $0x4  }
0x269: {  	v2 =	vadd.f32 v2, v3;
	_ =	sdelay $0x1  }
0x26a: {  	[tilespmem:s1+$0x7EE0] =	vst v2  }
0x26b: {  	s14 =	simm.s32 $0x7EE0;
	[bflag:$0x0] =	sbarrier.arrive $0xFFFF  }
0x26c: {  	[spmem:s23] =	stream.linear.scatter [tilespmem:s14], [sflag:$0x5], $0x280, $0x38;
	[tilespmem:$0x1EC80] =	vst v63  }
0x26d: {  	_ =	swait.ge [sflag:s15], $0x280  }
0x26e: {  	[sflag:s15] =	ssyncset.done $0x0  }
0x26f: {  	[sflag:s15] =	ssyncadd.s32 $0xFFFFFD80  }
0x270: {  	[bflag:$0x0] =	sbarrier.arrive $0xFFFF  }
0x271: {  	[tilespmem:s17], [sflag:$0x5] =	stream.linear.gather [spmem:s9], $0x2800, $0x38;
	[tilespmem:$0x1EC80] =	vst v63  }
0x272: {  	_ =	swait.ge [sflag:s15], $0x2800  }
0x273: {  	[sflag:s15] =	ssyncset.done $0x0  }
0x274: {  	s8 =	simm.s32 $0x0;
	[sflag:s15] =	ssyncadd.s32 $0xFFFFD800  }
.LBB2_78:
0x275: {  	s1 =	smul.u32 $0xFA0, s8;
	_ =	sdelay $0x1  }
0x276: {  	s12 =	sadd.s32 s13, s1  }
0x277: {  	s1 =	sshrl.u32 s12, $0x3  }
0x278: {  	s7 =	simm.s32 $0x0;
	s2 =	sadd.s32 s19, s1  }
0x279: {  	[tilespmem:s7], [sflag:$0x5] =	stream.linear.gather [hbm4b:s2+s7], $0xFA0, $0x38;
	[tilespmem:$0x1EC80] =	vst v63  }
0x27a: {  	_ =	swait.ge [sflag:s15], $0xFA0  }
0x27b: {  	[sflag:s15] =	ssyncset.done $0x0;
	s13 =	rddreg [dreg:$0x8]  }
0x27c: {  	s14 =	simm.s32 $0xFA0;
	[sflag:s15] =	ssyncadd.s32 $0xFFFFF060;
	s1 =	sadd.s32 s13, s1  }
0x27d: {  	[tilespmem:s14], [sflag:$0x5] =	stream.linear.gather [hbm4b:s1+s7], $0xFA0, $0x38;
	[tilespmem:$0x1EC80] =	vst v63  }
0x27e: {  	_ =	swait.ge [sflag:s15], $0xFA0  }
0x27f: {  	s23 =	sshll.u32 s12, $0x4;
	s2 =	simm.s32 $0x0;
	[sflag:s15] =	ssyncset.done $0x0  }
0x280: {  	s1 =	sadd.s32 s20, s23;
	s7 =	sadd.s32 $0xA0, s12;
	[sflag:s15] =	ssyncadd.s32 $0xFFFFF060  }
0x281: {  	[tilespmem:s29], [sflag:$0x1] =	stream.strided.gather [hbm4b:s1+s28], $0x1400, s18, s28, $0x38;
	[tilespmem:$0x1EC80] =	vst v63  }
.LBB2_79:
0x282: {  	s1 =	smul.u32 $0xA0, s2;
	_ =	sdelay $0x1  }
0x283: {  	s10 =	sadd.s32 $0x50, s1  }
0x284: {  	s23 =	sadd.s32 s12, s10  }
0x285: {  	s9 =	sshll.u32 s23, $0x4  }
0x286: {  	s9 =	sadd.s32 s20, s9  }
0x287: {  	[tilespmem:s30], [sflag:$0x2] =	stream.strided.gather [hbm4b:s9+s28], $0x1400, s18, s28, $0x38;
	[tilespmem:$0x1EC80] =	vst v63  }
0x288: {  	v2 =	vld [tilespmem:s1+$0xFA0];
	_ =	sdelay $0x6  }
0x289: {  	v3 =	vld [tilespmem:s1+$0x0]  }
0x28a: {  	v4 =	vld.idx.msk [tilespmem:v2+s26+$0x0], $0xffff;
	_ =	sdelay $0x2  }
0x28b: {  	v5 =	vld.idx.msk [tilespmem:v2+s17+$0x0], $0xffff;
	_ =	sdelay $0x1  }
0x28c: {  	v3 =	vsub.f32 v3, v4;
	_ =	sdelay $0x1  }
0x28d: {  	v3 =	vmul.f32 $1.442695020e+00, v3  }
0x28e: {  	v51 =	vadd.f32 $1.000000020e-16, v5  }
0x28f: {  	(erf) = vpow2.f32 v3  }
0x290: {  	(erf) = vrcp.f32 v51;
	_ =	sdelay $0x7  }
0x291: {  	v3 =	vpop (erf)  }
0x292: {  	v4 =	vpop (erf)  }
0x293: {  	v3 =	vmul.f32 v4, v3  }
0x294: {  	[tilespmem:$0x8430] =	vst v2  }
0x295: {  	[tilespmem:$0x83E0] =	vst v3  }
0x296: {  	v2 =	vld [tilespmem:s1+$0xFB0];
	_ =	sdelay $0x6  }
0x297: {  	v3 =	vld [tilespmem:s1+$0x10]  }
0x298: {  	v52 =	vld.idx.msk [tilespmem:v2+s26+$0x0], $0xffff;
	_ =	sdelay $0x2  }
0x299: {  	v53 =	vld.idx.msk [tilespmem:v2+s17+$0x0], $0xffff;
	_ =	sdelay $0x1  }
0x29a: {  	v3 =	vsub.f32 v3, v52;
	_ =	sdelay $0x1  }
0x29b: {  	v3 =	vmul.f32 $1.442695020e+00, v3  }
0x29c: {  	v54 =	vadd.f32 $1.000000020e-16, v53  }
0x29d: {  	(erf) = vpow2.f32 v3  }
0x29e: {  	(erf) = vrcp.f32 v54;
	_ =	sdelay $0x7  }
0x29f: {  	v3 =	vpop (erf)  }
0x2a0: {  	v4 =	vpop (erf)  }
0x2a1: {  	v3 =	vmul.f32 v4, v3  }
0x2a2: {  	[tilespmem:$0x8440] =	vst v2  }
0x2a3: {  	[tilespmem:$0x83F0] =	vst v3  }
0x2a4: {  	v2 =	vld [tilespmem:s1+$0xFC0];
	_ =	sdelay $0x6  }
0x2a5: {  	v3 =	vld [tilespmem:s1+$0x20]  }
0x2a6: {  	v55 =	vld.idx.msk [tilespmem:v2+s26+$0x0], $0xffff;
	_ =	sdelay $0x2  }
0x2a7: {  	v56 =	vld.idx.msk [tilespmem:v2+s17+$0x0], $0xffff;
	_ =	sdelay $0x1  }
0x2a8: {  	v3 =	vsub.f32 v3, v55;
	_ =	sdelay $0x1  }
0x2a9: {  	v3 =	vmul.f32 $1.442695020e+00, v3  }
0x2aa: {  	v57 =	vadd.f32 $1.000000020e-16, v56  }
0x2ab: {  	(erf) = vpow2.f32 v3  }
0x2ac: {  	(erf) = vrcp.f32 v57;
	_ =	sdelay $0x7  }
0x2ad: {  	v3 =	vpop (erf)  }
0x2ae: {  	v4 =	vpop (erf)  }
0x2af: {  	v3 =	vmul.f32 v4, v3  }
0x2b0: {  	[tilespmem:$0x8450] =	vst v2  }
0x2b1: {  	[tilespmem:$0x8400] =	vst v3  }
0x2b2: {  	v2 =	vld [tilespmem:s1+$0xFD0];
	_ =	sdelay $0x6  }
0x2b3: {  	v3 =	vld [tilespmem:s1+$0x30]  }
0x2b4: {  	v58 =	vld.idx.msk [tilespmem:v2+s26+$0x0], $0xffff;
	_ =	sdelay $0x2  }
0x2b5: {  	v59 =	vld.idx.msk [tilespmem:v2+s17+$0x0], $0xffff;
	_ =	sdelay $0x1  }
0x2b6: {  	v3 =	vsub.f32 v3, v58;
	_ =	sdelay $0x1  }
0x2b7: {  	v3 =	vmul.f32 $1.442695020e+00, v3  }
0x2b8: {  	v60 =	vadd.f32 $1.000000020e-16, v59  }
0x2b9: {  	(erf) = vpow2.f32 v3  }
0x2ba: {  	(erf) = vrcp.f32 v60;
	_ =	sdelay $0x7  }
0x2bb: {  	v3 =	vpop (erf)  }
0x2bc: {  	v4 =	vpop (erf)  }
0x2bd: {  	v3 =	vmul.f32 v4, v3  }
0x2be: {  	[tilespmem:$0x8460] =	vst v2  }
0x2bf: {  	[tilespmem:$0x8410] =	vst v3  }
0x2c0: {  	v2 =	vld [tilespmem:s1+$0xFE0];
	_ =	sdelay $0x6  }
0x2c1: {  	v3 =	vld [tilespmem:s1+$0x40]  }
0x2c2: {  	v61 =	vld.idx.msk [tilespmem:v2+s26+$0x0], $0xffff;
	_ =	sdelay $0x2  }
0x2c3: {  	v62 =	vld.idx.msk [tilespmem:v2+s17+$0x0], $0xffff;
	_ =	sdelay $0x1  }
0x2c4: {  	v3 =	vsub.f32 v3, v61;
	_ =	sdelay $0x1  }
0x2c5: {  	v3 =	vmul.f32 $1.442695020e+00, v3  }
0x2c6: {  	v63 =	vadd.f32 $1.000000020e-16, v62  }
0x2c7: {  	(erf) = vpow2.f32 v3  }
0x2c8: {  	(erf) = vrcp.f32 v63;
	_ =	sdelay $0x7  }
0x2c9: {  	v3 =	vpop (erf)  }
0x2ca: {  	v4 =	vpop (erf)  }
0x2cb: {  	v3 =	vmul.f32 v4, v3  }
0x2cc: {  	[tilespmem:$0x8470] =	vst v2  }
0x2cd: {  	[tilespmem:$0x8420] =	vst v3  }
0x2ce: {  	_ =	swait.ge [sflag:s31], $0x1400  }
0x2cf: {  	[sflag:s31] =	ssyncset.done $0x0  }
0x2d0: {  	s11 =	simm.s32 $0x8680;
	s9 =	simm.s32 $0x0;
	[sflag:s31] =	ssyncadd.s32 $0xFFFFEC00  }
.LBB2_80:
0x2d1: {  	s13 =	sshra.s32 s9, $0x2  }
0x2d2: {  	v2 =	vld [tilespmem:s13+$0x83E0];
	_ =	sdelay $0x1  }
0x2d3: {  	v3 =	vld [tilespmem:s11+$0xFFFFFE00];
	_ =	sdelay $0x2  }
0x2d4: {  	v4 =	vbroadcast v2, $0x0;
	_ =	sdelay $0x1  }
0x2d5: {  	v3 =	vmul.f32 v4, v3;
	_ =	sdelay $0x1  }
0x2d6: {  	[tilespmem:s11+$0xFFFFFE00] =	vst v3;
	v3 =	vld [tilespmem:s11+$0xFFFFFE10];
	_ =	sdelay $0x4  }
0x2d7: {  	v3 =	vmul.f32 v3, v4;
	_ =	sdelay $0x1  }
0x2d8: {  	[tilespmem:s11+$0xFFFFFE10] =	vst v3;
	v3 =	vld [tilespmem:s11+$0xFFFFFE20];
	_ =	sdelay $0x4  }
0x2d9: {  	v3 =	vmul.f32 v3, v4;
	_ =	sdelay $0x1  }
0x2da: {  	[tilespmem:s11+$0xFFFFFE20] =	vst v3;
	v3 =	vld [tilespmem:s11+$0xFFFFFE30];
	_ =	sdelay $0x4  }
0x2db: {  	v3 =	vmul.f32 v3, v4;
	_ =	sdelay $0x1  }
0x2dc: {  	[tilespmem:s11+$0xFFFFFE30] =	vst v3;
	v3 =	vld [tilespmem:s11+$0xFFFFFE40];
	_ =	sdelay $0x2  }
0x2dd: {  	v50 =	vbroadcast v2, $0x1;
	_ =	sdelay $0x1  }
0x2de: {  	v3 =	vmul.f32 v3, v50;
	_ =	sdelay $0x1  }
0x2df: {  	[tilespmem:s11+$0xFFFFFE40] =	vst v3;
	v3 =	vld [tilespmem:s11+$0xFFFFFE50];
	_ =	sdelay $0x4  }
0x2e0: {  	v3 =	vmul.f32 v3, v50;
	_ =	sdelay $0x1  }
0x2e1: {  	[tilespmem:s11+$0xFFFFFE50] =	vst v3;
	v3 =	vld [tilespmem:s11+$0xFFFFFE60];
	_ =	sdelay $0x4  }
0x2e2: {  	v3 =	vmul.f32 v3, v50;
	_ =	sdelay $0x1  }
0x2e3: {  	[tilespmem:s11+$0xFFFFFE60] =	vst v3;
	v3 =	vld [tilespmem:s11+$0xFFFFFE70];
	_ =	sdelay $0x4  }
0x2e4: {  	v3 =	vmul.f32 v3, v50;
	_ =	sdelay $0x1  }
0x2e5: {  	[tilespmem:s11+$0xFFFFFE70] =	vst v3;
	v3 =	vld [tilespmem:s11+$0xFFFFFE80];
	_ =	sdelay $0x2  }
0x2e6: {  	v51 =	vbroadcast v2, $0x2;
	_ =	sdelay $0x1  }
0x2e7: {  	v3 =	vmul.f32 v3, v51;
	_ =	sdelay $0x1  }
0x2e8: {  	[tilespmem:s11+$0xFFFFFE80] =	vst v3;
	v3 =	vld [tilespmem:s11+$0xFFFFFE90];
	_ =	sdelay $0x4  }
0x2e9: {  	v3 =	vmul.f32 v3, v51;
	_ =	sdelay $0x1  }
0x2ea: {  	[tilespmem:s11+$0xFFFFFE90] =	vst v3;
	v3 =	vld [tilespmem:s11+$0xFFFFFEA0];
	_ =	sdelay $0x4  }
0x2eb: {  	v3 =	vmul.f32 v3, v51;
	_ =	sdelay $0x1  }
0x2ec: {  	[tilespmem:s11+$0xFFFFFEA0] =	vst v3;
	v3 =	vld [tilespmem:s11+$0xFFFFFEB0];
	_ =	sdelay $0x4  }
0x2ed: {  	v3 =	vmul.f32 v3, v51;
	_ =	sdelay $0x1  }
0x2ee: {  	[tilespmem:s11+$0xFFFFFEB0] =	vst v3;
	v3 =	vld [tilespmem:s11+$0xFFFFFEC0];
	_ =	sdelay $0x2  }
0x2ef: {  	v52 =	vbroadcast v2, $0x3;
	_ =	sdelay $0x1  }
0x2f0: {  	v3 =	vmul.f32 v3, v52;
	_ =	sdelay $0x1  }
0x2f1: {  	[tilespmem:s11+$0xFFFFFEC0] =	vst v3;
	v3 =	vld [tilespmem:s11+$0xFFFFFED0];
	_ =	sdelay $0x4  }
0x2f2: {  	v3 =	vmul.f32 v3, v52;
	_ =	sdelay $0x1  }
0x2f3: {  	[tilespmem:s11+$0xFFFFFED0] =	vst v3;
	v3 =	vld [tilespmem:s11+$0xFFFFFEE0];
	_ =	sdelay $0x4  }
0x2f4: {  	v3 =	vmul.f32 v3, v52;
	_ =	sdelay $0x1  }
0x2f5: {  	[tilespmem:s11+$0xFFFFFEE0] =	vst v3;
	v3 =	vld [tilespmem:s11+$0xFFFFFEF0];
	_ =	sdelay $0x4  }
0x2f6: {  	v3 =	vmul.f32 v3, v52;
	_ =	sdelay $0x1  }
0x2f7: {  	[tilespmem:s11+$0xFFFFFEF0] =	vst v3;
	v3 =	vld [tilespmem:s11+$0xFFFFFF00];
	_ =	sdelay $0x2  }
0x2f8: {  	v53 =	vbroadcast v2, $0x4;
	_ =	sdelay $0x1  }
0x2f9: {  	v3 =	vmul.f32 v3, v53;
	_ =	sdelay $0x1  }
0x2fa: {  	[tilespmem:s11+$0xFFFFFF00] =	vst v3;
	v3 =	vld [tilespmem:s11+$0xFFFFFF10];
	_ =	sdelay $0x4  }
0x2fb: {  	v3 =	vmul.f32 v3, v53;
	_ =	sdelay $0x1  }
0x2fc: {  	[tilespmem:s11+$0xFFFFFF10] =	vst v3;
	v3 =	vld [tilespmem:s11+$0xFFFFFF20];
	_ =	sdelay $0x4  }
0x2fd: {  	v3 =	vmul.f32 v3, v53;
	_ =	sdelay $0x1  }
0x2fe: {  	[tilespmem:s11+$0xFFFFFF20] =	vst v3;
	v3 =	vld [tilespmem:s11+$0xFFFFFF30];
	_ =	sdelay $0x4  }
0x2ff: {  	v3 =	vmul.f32 v3, v53;
	_ =	sdelay $0x1  }
0x300: {  	[tilespmem:s11+$0xFFFFFF30] =	vst v3;
	v3 =	vld [tilespmem:s11+$0xFFFFFF40];
	_ =	sdelay $0x2  }
0x301: {  	v54 =	vbroadcast v2, $0x5;
	_ =	sdelay $0x1  }
0x302: {  	v3 =	vmul.f32 v3, v54;
	_ =	sdelay $0x1  }
0x303: {  	[tilespmem:s11+$0xFFFFFF40] =	vst v3;
	v3 =	vld [tilespmem:s11+$0xFFFFFF50];
	_ =	sdelay $0x4  }
0x304: {  	v3 =	vmul.f32 v3, v54;
	_ =	sdelay $0x1  }
0x305: {  	[tilespmem:s11+$0xFFFFFF50] =	vst v3;
	v3 =	vld [tilespmem:s11+$0xFFFFFF60];
	_ =	sdelay $0x4  }
0x306: {  	v3 =	vmul.f32 v3, v54;
	_ =	sdelay $0x1  }
0x307: {  	[tilespmem:s11+$0xFFFFFF60] =	vst v3;
	v3 =	vld [tilespmem:s11+$0xFFFFFF70];
	_ =	sdelay $0x4  }
0x308: {  	v3 =	vmul.f32 v3, v54;
	_ =	sdelay $0x1  }
0x309: {  	[tilespmem:s11+$0xFFFFFF70] =	vst v3;
	v3 =	vld [tilespmem:s11+$0xFFFFFF80];
	_ =	sdelay $0x2  }
0x30a: {  	v55 =	vbroadcast v2, $0x6;
	_ =	sdelay $0x1  }
0x30b: {  	v3 =	vmul.f32 v3, v55;
	_ =	sdelay $0x1  }
0x30c: {  	[tilespmem:s11+$0xFFFFFF80] =	vst v3;
	v3 =	vld [tilespmem:s11+$0xFFFFFF90];
	_ =	sdelay $0x4  }
0x30d: {  	v3 =	vmul.f32 v3, v55;
	_ =	sdelay $0x1  }
0x30e: {  	[tilespmem:s11+$0xFFFFFF90] =	vst v3;
	v3 =	vld [tilespmem:s11+$0xFFFFFFA0];
	_ =	sdelay $0x4  }
0x30f: {  	v3 =	vmul.f32 v3, v55;
	_ =	sdelay $0x1  }
0x310: {  	[tilespmem:s11+$0xFFFFFFA0] =	vst v3;
	v3 =	vld [tilespmem:s11+$0xFFFFFFB0];
	_ =	sdelay $0x4  }
0x311: {  	v3 =	vmul.f32 v3, v55;
	_ =	sdelay $0x1  }
0x312: {  	[tilespmem:s11+$0xFFFFFFB0] =	vst v3;
	v3 =	vld [tilespmem:s11+$0xFFFFFFC0];
	_ =	sdelay $0x2  }
0x313: {  	v56 =	vbroadcast v2, $0x7;
	_ =	sdelay $0x1  }
0x314: {  	v3 =	vmul.f32 v3, v56;
	_ =	sdelay $0x1  }
0x315: {  	[tilespmem:s11+$0xFFFFFFC0] =	vst v3;
	v3 =	vld [tilespmem:s11+$0xFFFFFFD0];
	_ =	sdelay $0x4  }
0x316: {  	v3 =	vmul.f32 v3, v56;
	_ =	sdelay $0x1  }
0x317: {  	[tilespmem:s11+$0xFFFFFFD0] =	vst v3;
	v3 =	vld [tilespmem:s11+$0xFFFFFFE0];
	_ =	sdelay $0x4  }
0x318: {  	v3 =	vmul.f32 v3, v56;
	_ =	sdelay $0x1  }
0x319: {  	[tilespmem:s11+$0xFFFFFFE0] =	vst v3;
	v3 =	vld [tilespmem:s11+$0xFFFFFFF0];
	_ =	sdelay $0x4  }
0x31a: {  	v3 =	vmul.f32 v3, v56;
	_ =	sdelay $0x1  }
0x31b: {  	[tilespmem:s11+$0xFFFFFFF0] =	vst v3;
	v3 =	vld [tilespmem:s11+$0x0];
	_ =	sdelay $0x2  }
0x31c: {  	v57 =	vbroadcast v2, $0x8;
	_ =	sdelay $0x1  }
0x31d: {  	v3 =	vmul.f32 v3, v57;
	_ =	sdelay $0x1  }
0x31e: {  	[tilespmem:s11+$0x0] =	vst v3;
	v3 =	vld [tilespmem:s11+$0x10];
	_ =	sdelay $0x4  }
0x31f: {  	v3 =	vmul.f32 v3, v57;
	_ =	sdelay $0x1  }
0x320: {  	[tilespmem:s11+$0x10] =	vst v3;
	v3 =	vld [tilespmem:s11+$0x20];
	_ =	sdelay $0x4  }
0x321: {  	v3 =	vmul.f32 v3, v57;
	_ =	sdelay $0x1  }
0x322: {  	[tilespmem:s11+$0x20] =	vst v3;
	v3 =	vld [tilespmem:s11+$0x30];
	_ =	sdelay $0x4  }
0x323: {  	v3 =	vmul.f32 v3, v57;
	_ =	sdelay $0x1  }
0x324: {  	[tilespmem:s11+$0x30] =	vst v3;
	v3 =	vld [tilespmem:s11+$0x40];
	_ =	sdelay $0x2  }
0x325: {  	v58 =	vbroadcast v2, $0x9;
	_ =	sdelay $0x1  }
0x326: {  	v3 =	vmul.f32 v3, v58;
	_ =	sdelay $0x1  }
0x327: {  	[tilespmem:s11+$0x40] =	vst v3;
	v3 =	vld [tilespmem:s11+$0x50];
	_ =	sdelay $0x4  }
0x328: {  	v3 =	vmul.f32 v3, v58;
	_ =	sdelay $0x1  }
0x329: {  	[tilespmem:s11+$0x50] =	vst v3;
	v3 =	vld [tilespmem:s11+$0x60];
	_ =	sdelay $0x4  }
0x32a: {  	v3 =	vmul.f32 v3, v58;
	_ =	sdelay $0x1  }
0x32b: {  	[tilespmem:s11+$0x60] =	vst v3;
	v3 =	vld [tilespmem:s11+$0x70];
	_ =	sdelay $0x4  }
0x32c: {  	v3 =	vmul.f32 v3, v58;
	_ =	sdelay $0x1  }
0x32d: {  	[tilespmem:s11+$0x70] =	vst v3;
	v3 =	vld [tilespmem:s11+$0x80];
	_ =	sdelay $0x2  }
0x32e: {  	v59 =	vbroadcast v2, $0xA;
	_ =	sdelay $0x1  }
0x32f: {  	v3 =	vmul.f32 v3, v59;
	_ =	sdelay $0x1  }
0x330: {  	[tilespmem:s11+$0x80] =	vst v3;
	v3 =	vld [tilespmem:s11+$0x90];
	_ =	sdelay $0x4  }
0x331: {  	v3 =	vmul.f32 v3, v59;
	_ =	sdelay $0x1  }
0x332: {  	[tilespmem:s11+$0x90] =	vst v3;
	v3 =	vld [tilespmem:s11+$0xA0];
	_ =	sdelay $0x4  }
0x333: {  	v3 =	vmul.f32 v3, v59;
	_ =	sdelay $0x1  }
0x334: {  	[tilespmem:s11+$0xA0] =	vst v3;
	v3 =	vld [tilespmem:s11+$0xB0];
	_ =	sdelay $0x4  }
0x335: {  	v3 =	vmul.f32 v3, v59;
	_ =	sdelay $0x1  }
0x336: {  	[tilespmem:s11+$0xB0] =	vst v3;
	v3 =	vld [tilespmem:s11+$0xC0];
	_ =	sdelay $0x2  }
0x337: {  	v60 =	vbroadcast v2, $0xB;
	_ =	sdelay $0x1  }
0x338: {  	v3 =	vmul.f32 v3, v60;
	_ =	sdelay $0x1  }
0x339: {  	[tilespmem:s11+$0xC0] =	vst v3;
	v3 =	vld [tilespmem:s11+$0xD0];
	_ =	sdelay $0x4  }
0x33a: {  	v3 =	vmul.f32 v3, v60;
	_ =	sdelay $0x1  }
0x33b: {  	[tilespmem:s11+$0xD0] =	vst v3;
	v3 =	vld [tilespmem:s11+$0xE0];
	_ =	sdelay $0x4  }
0x33c: {  	v3 =	vmul.f32 v3, v60;
	_ =	sdelay $0x1  }
0x33d: {  	[tilespmem:s11+$0xE0] =	vst v3;
	v3 =	vld [tilespmem:s11+$0xF0];
	_ =	sdelay $0x4  }
0x33e: {  	v3 =	vmul.f32 v3, v60;
	_ =	sdelay $0x1  }
0x33f: {  	[tilespmem:s11+$0xF0] =	vst v3;
	v3 =	vld [tilespmem:s11+$0x100];
	_ =	sdelay $0x2  }
0x340: {  	v61 =	vbroadcast v2, $0xC;
	_ =	sdelay $0x1  }
0x341: {  	v3 =	vmul.f32 v3, v61;
	_ =	sdelay $0x1  }
0x342: {  	[tilespmem:s11+$0x100] =	vst v3;
	v3 =	vld [tilespmem:s11+$0x110];
	_ =	sdelay $0x4  }
0x343: {  	v3 =	vmul.f32 v3, v61;
	_ =	sdelay $0x1  }
0x344: {  	[tilespmem:s11+$0x110] =	vst v3;
	v3 =	vld [tilespmem:s11+$0x120];
	_ =	sdelay $0x4  }
0x345: {  	v3 =	vmul.f32 v3, v61;
	_ =	sdelay $0x1  }
0x346: {  	[tilespmem:s11+$0x120] =	vst v3;
	v3 =	vld [tilespmem:s11+$0x130];
	_ =	sdelay $0x4  }
0x347: {  	v3 =	vmul.f32 v3, v61;
	_ =	sdelay $0x1  }
0x348: {  	[tilespmem:s11+$0x130] =	vst v3;
	v3 =	vld [tilespmem:s11+$0x140];
	_ =	sdelay $0x2  }
0x349: {  	v62 =	vbroadcast v2, $0xD;
	_ =	sdelay $0x1  }
0x34a: {  	v3 =	vmul.f32 v3, v62;
	_ =	sdelay $0x1  }
0x34b: {  	[tilespmem:s11+$0x140] =	vst v3;
	v3 =	vld [tilespmem:s11+$0x150];
	_ =	sdelay $0x4  }
0x34c: {  	v3 =	vmul.f32 v3, v62;
	_ =	sdelay $0x1  }
0x34d: {  	[tilespmem:s11+$0x150] =	vst v3;
	v3 =	vld [tilespmem:s11+$0x160];
	_ =	sdelay $0x4  }
0x34e: {  	v3 =	vmul.f32 v3, v62;
	_ =	sdelay $0x1  }
0x34f: {  	[tilespmem:s11+$0x160] =	vst v3;
	v3 =	vld [tilespmem:s11+$0x170];
	_ =	sdelay $0x4  }
0x350: {  	v3 =	vmul.f32 v3, v62;
	_ =	sdelay $0x1  }
0x351: {  	[tilespmem:s11+$0x170] =	vst v3;
	v3 =	vld [tilespmem:s11+$0x180];
	_ =	sdelay $0x2  }
0x352: {  	v63 =	vbroadcast v2, $0xE;
	_ =	sdelay $0x1  }
0x353: {  	v3 =	vmul.f32 v3, v63;
	_ =	sdelay $0x1  }
0x354: {  	[tilespmem:s11+$0x180] =	vst v3;
	v3 =	vld [tilespmem:s11+$0x190];
	_ =	sdelay $0x4  }
0x355: {  	v3 =	vmul.f32 v3, v63;
	_ =	sdelay $0x1  }
0x356: {  	[tilespmem:s11+$0x190] =	vst v3;
	v3 =	vld [tilespmem:s11+$0x1A0];
	_ =	sdelay $0x4  }
0x357: {  	v3 =	vmul.f32 v3, v63;
	_ =	sdelay $0x1  }
0x358: {  	[tilespmem:s11+$0x1A0] =	vst v3;
	v3 =	vld [tilespmem:s11+$0x1B0];
	_ =	sdelay $0x4  }
0x359: {  	v3 =	vmul.f32 v3, v63;
	_ =	sdelay $0x1  }
0x35a: {  	[tilespmem:s11+$0x1B0] =	vst v3;
	v3 =	vld [tilespmem:s11+$0x1C0];
	_ =	sdelay $0x2  }
0x35b: {  	v2 =	vbroadcast v2, $0xF;
	_ =	sdelay $0x1  }
0x35c: {  	v3 =	vmul.f32 v3, v2;
	_ =	sdelay $0x1  }
0x35d: {  	[tilespmem:s11+$0x1C0] =	vst v3;
	v3 =	vld [tilespmem:s11+$0x1D0];
	_ =	sdelay $0x4  }
0x35e: {  	v3 =	vmul.f32 v3, v2;
	_ =	sdelay $0x1  }
0x35f: {  	[tilespmem:s11+$0x1D0] =	vst v3;
	v3 =	vld [tilespmem:s11+$0x1E0];
	_ =	sdelay $0x4  }
0x360: {  	v3 =	vmul.f32 v3, v2;
	_ =	sdelay $0x1  }
0x361: {  	[tilespmem:s11+$0x1E0] =	vst v3;
	v3 =	vld [tilespmem:s11+$0x1F0];
	_ =	sdelay $0x1  }
0x362: {  	p1 =	sne.s32 s9, $0x100  }
.Ltmp42:
0x363: {  	_ = 	snop;
	(pc) =	sbr.rel @p1 .LBB2_80-.Ltmp42, $3  }
0x364: {  	_ = 	snop  }
0x365: {  	v2 =	vmul.f32 v3, v2;
	_ =	sdelay $0x1  }
0x366: {  	s9 =	sadd.s32 $0x40, s9;
	[tilespmem:s11+$0x1F0] =	vst v2;
	s11 =	sadd.s32 $0x400, s11  }
0x367: {  	s9 =	sadd.s32 s12, s1  }
0x368: {  	s9 =	sshll.u32 s9, $0x3  }
0x369: {  	s9 =	sadd.s32 s21, s9  }
0x36a: {  	[hbm4b:s9+s5] =	stream.linear.scatter [tilespmem:s29], [sflag:$0x3], $0x1400, $0x38;
	[tilespmem:$0x1EC80] =	vst v63  }
0x36b: {  	_ = 	snop  }
0x36c: {  	[spmem:s3] =	stream.indirect.scatter.add.f32 [tilespmem:s29], [sflag:$0x5], $0x40, s6, s0, $0xb8;
	[tilespmem:$0x1EC80] =	vst v63  }
0x36d: {  	_ =	swait.ge [sflag:s15], $0x1400  }
0x36e: {  	[sflag:s15] =	ssyncset.done $0x0  }
0x36f: {  	p1 =	seq.s32 s2, $0x18;
	[sflag:s15] =	ssyncadd.s32 $0xFFFFEC00  }
0x370: {  	s11 =	simm.s32 @!p1 $0x40;
	s9 =	sadd.s32 @!p1 s1, s7;
	_ =	swait.ge [sflag:s24], $0x1400  }
0x371: {  	s13 =	simm.s32 @!p1 $0x80;
	s9 =	sshll.u32 @!p1 s9, $0x4;
	[sflag:s24] =	ssyncset.done $0x0  }
0x372: {  	s14 =	simm.s32 @!p1 $0x8480;
	s9 =	sadd.s32 @!p1 s20, s9;
	[sflag:s24] =	ssyncadd.s32 $0xFFFFEC00  }
0x373: {  	[tilespmem:s14], [sflag:$0x1] =	stream.strided.gather @!p1 [hbm4b:s9+s11], $0x1400, s13, s11, $0x38;
	[tilespmem:$0x1EC80] =	vst v63  }
0x374: {  	v2 =	vld [tilespmem:s10+$0xFA0];
	_ =	sdelay $0x6  }
0x375: {  	v3 =	vld [tilespmem:s1+$0x50]  }
0x376: {  	v4 =	vld.idx.msk [tilespmem:v2+s26+$0x0], $0xffff;
	_ =	sdelay $0x2  }
0x377: {  	v5 =	vld.idx.msk [tilespmem:v2+s17+$0x0], $0xffff;
	_ =	sdelay $0x1  }
0x378: {  	v3 =	vsub.f32 v3, v4;
	_ =	sdelay $0x1  }
0x379: {  	v3 =	vmul.f32 $1.442695020e+00, v3  }
0x37a: {  	v51 =	vadd.f32 $1.000000020e-16, v5  }
0x37b: {  	(erf) = vpow2.f32 v3  }
0x37c: {  	(erf) = vrcp.f32 v51;
	_ =	sdelay $0x7  }
0x37d: {  	v3 =	vpop (erf)  }
0x37e: {  	v4 =	vpop (erf)  }
0x37f: {  	v3 =	vmul.f32 v4, v3  }
0x380: {  	[tilespmem:$0x8430] =	vst v2  }
0x381: {  	[tilespmem:$0x83E0] =	vst v3  }
0x382: {  	v2 =	vld [tilespmem:s1+$0x1000];
	_ =	sdelay $0x6  }
0x383: {  	v3 =	vld [tilespmem:s1+$0x60]  }
0x384: {  	v52 =	vld.idx.msk [tilespmem:v2+s26+$0x0], $0xffff;
	_ =	sdelay $0x2  }
0x385: {  	v53 =	vld.idx.msk [tilespmem:v2+s17+$0x0], $0xffff;
	_ =	sdelay $0x1  }
0x386: {  	v3 =	vsub.f32 v3, v52;
	_ =	sdelay $0x1  }
0x387: {  	v3 =	vmul.f32 $1.442695020e+00, v3  }
0x388: {  	v54 =	vadd.f32 $1.000000020e-16, v53  }
0x389: {  	(erf) = vpow2.f32 v3  }
0x38a: {  	(erf) = vrcp.f32 v54;
	_ =	sdelay $0x7  }
0x38b: {  	v3 =	vpop (erf)  }
0x38c: {  	v4 =	vpop (erf)  }
0x38d: {  	v3 =	vmul.f32 v4, v3  }
0x38e: {  	[tilespmem:$0x8440] =	vst v2  }
0x38f: {  	[tilespmem:$0x83F0] =	vst v3  }
0x390: {  	v2 =	vld [tilespmem:s1+$0x1010];
	_ =	sdelay $0x6  }
0x391: {  	v3 =	vld [tilespmem:s1+$0x70]  }
0x392: {  	v55 =	vld.idx.msk [tilespmem:v2+s26+$0x0], $0xffff;
	_ =	sdelay $0x2  }
0x393: {  	v56 =	vld.idx.msk [tilespmem:v2+s17+$0x0], $0xffff;
	_ =	sdelay $0x1  }
0x394: {  	v3 =	vsub.f32 v3, v55;
	_ =	sdelay $0x1  }
0x395: {  	v3 =	vmul.f32 $1.442695020e+00, v3  }
0x396: {  	v57 =	vadd.f32 $1.000000020e-16, v56  }
0x397: {  	(erf) = vpow2.f32 v3  }
0x398: {  	(erf) = vrcp.f32 v57;
	_ =	sdelay $0x7  }
0x399: {  	v3 =	vpop (erf)  }
0x39a: {  	v4 =	vpop (erf)  }
0x39b: {  	v3 =	vmul.f32 v4, v3  }
0x39c: {  	[tilespmem:$0x8450] =	vst v2  }
0x39d: {  	[tilespmem:$0x8400] =	vst v3  }
0x39e: {  	v2 =	vld [tilespmem:s1+$0x1020];
	_ =	sdelay $0x6  }
0x39f: {  	v3 =	vld [tilespmem:s1+$0x80]  }
0x3a0: {  	v58 =	vld.idx.msk [tilespmem:v2+s26+$0x0], $0xffff;
	_ =	sdelay $0x2  }
0x3a1: {  	v59 =	vld.idx.msk [tilespmem:v2+s17+$0x0], $0xffff;
	_ =	sdelay $0x1  }
0x3a2: {  	v3 =	vsub.f32 v3, v58;
	_ =	sdelay $0x1  }
0x3a3: {  	v3 =	vmul.f32 $1.442695020e+00, v3  }
0x3a4: {  	v60 =	vadd.f32 $1.000000020e-16, v59  }
0x3a5: {  	(erf) = vpow2.f32 v3  }
0x3a6: {  	(erf) = vrcp.f32 v60;
	_ =	sdelay $0x7  }
0x3a7: {  	v3 =	vpop (erf)  }
0x3a8: {  	v4 =	vpop (erf)  }
0x3a9: {  	v3 =	vmul.f32 v4, v3  }
0x3aa: {  	[tilespmem:$0x8460] =	vst v2  }
0x3ab: {  	[tilespmem:$0x8410] =	vst v3  }
0x3ac: {  	v2 =	vld [tilespmem:s1+$0x1030];
	_ =	sdelay $0x6  }
0x3ad: {  	v3 =	vld [tilespmem:s1+$0x90]  }
0x3ae: {  	v61 =	vld.idx.msk [tilespmem:v2+s26+$0x0], $0xffff;
	_ =	sdelay $0x2  }
0x3af: {  	v62 =	vld.idx.msk [tilespmem:v2+s17+$0x0], $0xffff;
	_ =	sdelay $0x1  }
0x3b0: {  	v3 =	vsub.f32 v3, v61;
	_ =	sdelay $0x1  }
0x3b1: {  	v3 =	vmul.f32 $1.442695020e+00, v3  }
0x3b2: {  	v63 =	vadd.f32 $1.000000020e-16, v62  }
0x3b3: {  	(erf) = vpow2.f32 v3  }
0x3b4: {  	(erf) = vrcp.f32 v63;
	_ =	sdelay $0x7  }
0x3b5: {  	v3 =	vpop (erf)  }
0x3b6: {  	v4 =	vpop (erf)  }
0x3b7: {  	v3 =	vmul.f32 v4, v3  }
0x3b8: {  	[tilespmem:$0x8470] =	vst v2  }
0x3b9: {  	[tilespmem:$0x8420] =	vst v3  }
0x3ba: {  	_ =	swait.ge [sflag:s4], $0x1400  }
0x3bb: {  	[sflag:s4] =	ssyncset.done $0x0  }
0x3bc: {  	s9 =	simm.s32 $0x9A80;
	s1 =	simm.s32 $0x0;
	[sflag:s4] =	ssyncadd.s32 $0xFFFFEC00  }
.LBB2_82:
0x3bd: {  	s10 =	sshra.s32 s1, $0x2  }
0x3be: {  	v2 =	vld [tilespmem:s10+$0x83E0];
	_ =	sdelay $0x1  }
0x3bf: {  	v3 =	vld [tilespmem:s9+$0xFFFFFE00];
	_ =	sdelay $0x2  }
0x3c0: {  	v4 =	vbroadcast v2, $0x0;
	_ =	sdelay $0x1  }
0x3c1: {  	v3 =	vmul.f32 v4, v3;
	_ =	sdelay $0x1  }
0x3c2: {  	[tilespmem:s9+$0xFFFFFE00] =	vst v3;
	v3 =	vld [tilespmem:s9+$0xFFFFFE10];
	_ =	sdelay $0x4  }
0x3c3: {  	v3 =	vmul.f32 v3, v4;
	_ =	sdelay $0x1  }
0x3c4: {  	[tilespmem:s9+$0xFFFFFE10] =	vst v3;
	v3 =	vld [tilespmem:s9+$0xFFFFFE20];
	_ =	sdelay $0x4  }
0x3c5: {  	v3 =	vmul.f32 v3, v4;
	_ =	sdelay $0x1  }
0x3c6: {  	[tilespmem:s9+$0xFFFFFE20] =	vst v3;
	v3 =	vld [tilespmem:s9+$0xFFFFFE30];
	_ =	sdelay $0x4  }
0x3c7: {  	v3 =	vmul.f32 v3, v4;
	_ =	sdelay $0x1  }
0x3c8: {  	[tilespmem:s9+$0xFFFFFE30] =	vst v3;
	v3 =	vld [tilespmem:s9+$0xFFFFFE40];
	_ =	sdelay $0x2  }
0x3c9: {  	v50 =	vbroadcast v2, $0x1;
	_ =	sdelay $0x1  }
0x3ca: {  	v3 =	vmul.f32 v3, v50;
	_ =	sdelay $0x1  }
0x3cb: {  	[tilespmem:s9+$0xFFFFFE40] =	vst v3;
	v3 =	vld [tilespmem:s9+$0xFFFFFE50];
	_ =	sdelay $0x4  }
0x3cc: {  	v3 =	vmul.f32 v3, v50;
	_ =	sdelay $0x1  }
0x3cd: {  	[tilespmem:s9+$0xFFFFFE50] =	vst v3;
	v3 =	vld [tilespmem:s9+$0xFFFFFE60];
	_ =	sdelay $0x4  }
0x3ce: {  	v3 =	vmul.f32 v3, v50;
	_ =	sdelay $0x1  }
0x3cf: {  	[tilespmem:s9+$0xFFFFFE60] =	vst v3;
	v3 =	vld [tilespmem:s9+$0xFFFFFE70];
	_ =	sdelay $0x4  }
0x3d0: {  	v3 =	vmul.f32 v3, v50;
	_ =	sdelay $0x1  }
0x3d1: {  	[tilespmem:s9+$0xFFFFFE70] =	vst v3;
	v3 =	vld [tilespmem:s9+$0xFFFFFE80];
	_ =	sdelay $0x2  }
0x3d2: {  	v51 =	vbroadcast v2, $0x2;
	_ =	sdelay $0x1  }
0x3d3: {  	v3 =	vmul.f32 v3, v51;
	_ =	sdelay $0x1  }
0x3d4: {  	[tilespmem:s9+$0xFFFFFE80] =	vst v3;
	v3 =	vld [tilespmem:s9+$0xFFFFFE90];
	_ =	sdelay $0x4  }
0x3d5: {  	v3 =	vmul.f32 v3, v51;
	_ =	sdelay $0x1  }
0x3d6: {  	[tilespmem:s9+$0xFFFFFE90] =	vst v3;
	v3 =	vld [tilespmem:s9+$0xFFFFFEA0];
	_ =	sdelay $0x4  }
0x3d7: {  	v3 =	vmul.f32 v3, v51;
	_ =	sdelay $0x1  }
0x3d8: {  	[tilespmem:s9+$0xFFFFFEA0] =	vst v3;
	v3 =	vld [tilespmem:s9+$0xFFFFFEB0];
	_ =	sdelay $0x4  }
0x3d9: {  	v3 =	vmul.f32 v3, v51;
	_ =	sdelay $0x1  }
0x3da: {  	[tilespmem:s9+$0xFFFFFEB0] =	vst v3;
	v3 =	vld [tilespmem:s9+$0xFFFFFEC0];
	_ =	sdelay $0x2  }
0x3db: {  	v52 =	vbroadcast v2, $0x3;
	_ =	sdelay $0x1  }
0x3dc: {  	v3 =	vmul.f32 v3, v52;
	_ =	sdelay $0x1  }
0x3dd: {  	[tilespmem:s9+$0xFFFFFEC0] =	vst v3;
	v3 =	vld [tilespmem:s9+$0xFFFFFED0];
	_ =	sdelay $0x4  }
0x3de: {  	v3 =	vmul.f32 v3, v52;
	_ =	sdelay $0x1  }
0x3df: {  	[tilespmem:s9+$0xFFFFFED0] =	vst v3;
	v3 =	vld [tilespmem:s9+$0xFFFFFEE0];
	_ =	sdelay $0x4  }
0x3e0: {  	v3 =	vmul.f32 v3, v52;
	_ =	sdelay $0x1  }
0x3e1: {  	[tilespmem:s9+$0xFFFFFEE0] =	vst v3;
	v3 =	vld [tilespmem:s9+$0xFFFFFEF0];
	_ =	sdelay $0x4  }
0x3e2: {  	v3 =	vmul.f32 v3, v52;
	_ =	sdelay $0x1  }
0x3e3: {  	[tilespmem:s9+$0xFFFFFEF0] =	vst v3;
	v3 =	vld [tilespmem:s9+$0xFFFFFF00];
	_ =	sdelay $0x2  }
0x3e4: {  	v53 =	vbroadcast v2, $0x4;
	_ =	sdelay $0x1  }
0x3e5: {  	v3 =	vmul.f32 v3, v53;
	_ =	sdelay $0x1  }
0x3e6: {  	[tilespmem:s9+$0xFFFFFF00] =	vst v3;
	v3 =	vld [tilespmem:s9+$0xFFFFFF10];
	_ =	sdelay $0x4  }
0x3e7: {  	v3 =	vmul.f32 v3, v53;
	_ =	sdelay $0x1  }
0x3e8: {  	[tilespmem:s9+$0xFFFFFF10] =	vst v3;
	v3 =	vld [tilespmem:s9+$0xFFFFFF20];
	_ =	sdelay $0x4  }
0x3e9: {  	v3 =	vmul.f32 v3, v53;
	_ =	sdelay $0x1  }
0x3ea: {  	[tilespmem:s9+$0xFFFFFF20] =	vst v3;
	v3 =	vld [tilespmem:s9+$0xFFFFFF30];
	_ =	sdelay $0x4  }
0x3eb: {  	v3 =	vmul.f32 v3, v53;
	_ =	sdelay $0x1  }
0x3ec: {  	[tilespmem:s9+$0xFFFFFF30] =	vst v3;
	v3 =	vld [tilespmem:s9+$0xFFFFFF40];
	_ =	sdelay $0x2  }
0x3ed: {  	v54 =	vbroadcast v2, $0x5;
	_ =	sdelay $0x1  }
0x3ee: {  	v3 =	vmul.f32 v3, v54;
	_ =	sdelay $0x1  }
0x3ef: {  	[tilespmem:s9+$0xFFFFFF40] =	vst v3;
	v3 =	vld [tilespmem:s9+$0xFFFFFF50];
	_ =	sdelay $0x4  }
0x3f0: {  	v3 =	vmul.f32 v3, v54;
	_ =	sdelay $0x1  }
0x3f1: {  	[tilespmem:s9+$0xFFFFFF50] =	vst v3;
	v3 =	vld [tilespmem:s9+$0xFFFFFF60];
	_ =	sdelay $0x4  }
0x3f2: {  	v3 =	vmul.f32 v3, v54;
	_ =	sdelay $0x1  }
0x3f3: {  	[tilespmem:s9+$0xFFFFFF60] =	vst v3;
	v3 =	vld [tilespmem:s9+$0xFFFFFF70];
	_ =	sdelay $0x4  }
0x3f4: {  	v3 =	vmul.f32 v3, v54;
	_ =	sdelay $0x1  }
0x3f5: {  	[tilespmem:s9+$0xFFFFFF70] =	vst v3;
	v3 =	vld [tilespmem:s9+$0xFFFFFF80];
	_ =	sdelay $0x2  }
0x3f6: {  	v55 =	vbroadcast v2, $0x6;
	_ =	sdelay $0x1  }
0x3f7: {  	v3 =	vmul.f32 v3, v55;
	_ =	sdelay $0x1  }
0x3f8: {  	[tilespmem:s9+$0xFFFFFF80] =	vst v3;
	v3 =	vld [tilespmem:s9+$0xFFFFFF90];
	_ =	sdelay $0x4  }
0x3f9: {  	v3 =	vmul.f32 v3, v55;
	_ =	sdelay $0x1  }
0x3fa: {  	[tilespmem:s9+$0xFFFFFF90] =	vst v3;
	v3 =	vld [tilespmem:s9+$0xFFFFFFA0];
	_ =	sdelay $0x4  }
0x3fb: {  	v3 =	vmul.f32 v3, v55;
	_ =	sdelay $0x1  }
0x3fc: {  	[tilespmem:s9+$0xFFFFFFA0] =	vst v3;
	v3 =	vld [tilespmem:s9+$0xFFFFFFB0];
	_ =	sdelay $0x4  }
0x3fd: {  	v3 =	vmul.f32 v3, v55;
	_ =	sdelay $0x1  }
0x3fe: {  	[tilespmem:s9+$0xFFFFFFB0] =	vst v3;
	v3 =	vld [tilespmem:s9+$0xFFFFFFC0];
	_ =	sdelay $0x2  }
0x3ff: {  	v56 =	vbroadcast v2, $0x7;
	_ =	sdelay $0x1  }
0x400: {  	v3 =	vmul.f32 v3, v56;
	_ =	sdelay $0x1  }
0x401: {  	[tilespmem:s9+$0xFFFFFFC0] =	vst v3;
	v3 =	vld [tilespmem:s9+$0xFFFFFFD0];
	_ =	sdelay $0x4  }
0x402: {  	v3 =	vmul.f32 v3, v56;
	_ =	sdelay $0x1  }
0x403: {  	[tilespmem:s9+$0xFFFFFFD0] =	vst v3;
	v3 =	vld [tilespmem:s9+$0xFFFFFFE0];
	_ =	sdelay $0x4  }
0x404: {  	v3 =	vmul.f32 v3, v56;
	_ =	sdelay $0x1  }
0x405: {  	[tilespmem:s9+$0xFFFFFFE0] =	vst v3;
	v3 =	vld [tilespmem:s9+$0xFFFFFFF0];
	_ =	sdelay $0x4  }
0x406: {  	v3 =	vmul.f32 v3, v56;
	_ =	sdelay $0x1  }
0x407: {  	[tilespmem:s9+$0xFFFFFFF0] =	vst v3;
	v3 =	vld [tilespmem:s9+$0x0];
	_ =	sdelay $0x2  }
0x408: {  	v57 =	vbroadcast v2, $0x8;
	_ =	sdelay $0x1  }
0x409: {  	v3 =	vmul.f32 v3, v57;
	_ =	sdelay $0x1  }
0x40a: {  	[tilespmem:s9+$0x0] =	vst v3;
	v3 =	vld [tilespmem:s9+$0x10];
	_ =	sdelay $0x4  }
0x40b: {  	v3 =	vmul.f32 v3, v57;
	_ =	sdelay $0x1  }
0x40c: {  	[tilespmem:s9+$0x10] =	vst v3;
	v3 =	vld [tilespmem:s9+$0x20];
	_ =	sdelay $0x4  }
0x40d: {  	v3 =	vmul.f32 v3, v57;
	_ =	sdelay $0x1  }
0x40e: {  	[tilespmem:s9+$0x20] =	vst v3;
	v3 =	vld [tilespmem:s9+$0x30];
	_ =	sdelay $0x4  }
0x40f: {  	v3 =	vmul.f32 v3, v57;
	_ =	sdelay $0x1  }
0x410: {  	[tilespmem:s9+$0x30] =	vst v3;
	v3 =	vld [tilespmem:s9+$0x40];
	_ =	sdelay $0x2  }
0x411: {  	v58 =	vbroadcast v2, $0x9;
	_ =	sdelay $0x1  }
0x412: {  	v3 =	vmul.f32 v3, v58;
	_ =	sdelay $0x1  }
0x413: {  	[tilespmem:s9+$0x40] =	vst v3;
	v3 =	vld [tilespmem:s9+$0x50];
	_ =	sdelay $0x4  }
0x414: {  	v3 =	vmul.f32 v3, v58;
	_ =	sdelay $0x1  }
0x415: {  	[tilespmem:s9+$0x50] =	vst v3;
	v3 =	vld [tilespmem:s9+$0x60];
	_ =	sdelay $0x4  }
0x416: {  	v3 =	vmul.f32 v3, v58;
	_ =	sdelay $0x1  }
0x417: {  	[tilespmem:s9+$0x60] =	vst v3;
	v3 =	vld [tilespmem:s9+$0x70];
	_ =	sdelay $0x4  }
0x418: {  	v3 =	vmul.f32 v3, v58;
	_ =	sdelay $0x1  }
0x419: {  	[tilespmem:s9+$0x70] =	vst v3;
	v3 =	vld [tilespmem:s9+$0x80];
	_ =	sdelay $0x2  }
0x41a: {  	v59 =	vbroadcast v2, $0xA;
	_ =	sdelay $0x1  }
0x41b: {  	v3 =	vmul.f32 v3, v59;
	_ =	sdelay $0x1  }
0x41c: {  	[tilespmem:s9+$0x80] =	vst v3;
	v3 =	vld [tilespmem:s9+$0x90];
	_ =	sdelay $0x4  }
0x41d: {  	v3 =	vmul.f32 v3, v59;
	_ =	sdelay $0x1  }
0x41e: {  	[tilespmem:s9+$0x90] =	vst v3;
	v3 =	vld [tilespmem:s9+$0xA0];
	_ =	sdelay $0x4  }
0x41f: {  	v3 =	vmul.f32 v3, v59;
	_ =	sdelay $0x1  }
0x420: {  	[tilespmem:s9+$0xA0] =	vst v3;
	v3 =	vld [tilespmem:s9+$0xB0];
	_ =	sdelay $0x4  }
0x421: {  	v3 =	vmul.f32 v3, v59;
	_ =	sdelay $0x1  }
0x422: {  	[tilespmem:s9+$0xB0] =	vst v3;
	v3 =	vld [tilespmem:s9+$0xC0];
	_ =	sdelay $0x2  }
0x423: {  	v60 =	vbroadcast v2, $0xB;
	_ =	sdelay $0x1  }
0x424: {  	v3 =	vmul.f32 v3, v60;
	_ =	sdelay $0x1  }
0x425: {  	[tilespmem:s9+$0xC0] =	vst v3;
	v3 =	vld [tilespmem:s9+$0xD0];
	_ =	sdelay $0x4  }
0x426: {  	v3 =	vmul.f32 v3, v60;
	_ =	sdelay $0x1  }
0x427: {  	[tilespmem:s9+$0xD0] =	vst v3;
	v3 =	vld [tilespmem:s9+$0xE0];
	_ =	sdelay $0x4  }
0x428: {  	v3 =	vmul.f32 v3, v60;
	_ =	sdelay $0x1  }
0x429: {  	[tilespmem:s9+$0xE0] =	vst v3;
	v3 =	vld [tilespmem:s9+$0xF0];
	_ =	sdelay $0x4  }
0x42a: {  	v3 =	vmul.f32 v3, v60;
	_ =	sdelay $0x1  }
0x42b: {  	[tilespmem:s9+$0xF0] =	vst v3;
	v3 =	vld [tilespmem:s9+$0x100];
	_ =	sdelay $0x2  }
0x42c: {  	v61 =	vbroadcast v2, $0xC;
	_ =	sdelay $0x1  }
0x42d: {  	v3 =	vmul.f32 v3, v61;
	_ =	sdelay $0x1  }
0x42e: {  	[tilespmem:s9+$0x100] =	vst v3;
	v3 =	vld [tilespmem:s9+$0x110];
	_ =	sdelay $0x4  }
0x42f: {  	v3 =	vmul.f32 v3, v61;
	_ =	sdelay $0x1  }
0x430: {  	[tilespmem:s9+$0x110] =	vst v3;
	v3 =	vld [tilespmem:s9+$0x120];
	_ =	sdelay $0x4  }
0x431: {  	v3 =	vmul.f32 v3, v61;
	_ =	sdelay $0x1  }
0x432: {  	[tilespmem:s9+$0x120] =	vst v3;
	v3 =	vld [tilespmem:s9+$0x130];
	_ =	sdelay $0x4  }
0x433: {  	v3 =	vmul.f32 v3, v61;
	_ =	sdelay $0x1  }
0x434: {  	[tilespmem:s9+$0x130] =	vst v3;
	v3 =	vld [tilespmem:s9+$0x140];
	_ =	sdelay $0x2  }
0x435: {  	v62 =	vbroadcast v2, $0xD;
	_ =	sdelay $0x1  }
0x436: {  	v3 =	vmul.f32 v3, v62;
	_ =	sdelay $0x1  }
0x437: {  	[tilespmem:s9+$0x140] =	vst v3;
	v3 =	vld [tilespmem:s9+$0x150];
	_ =	sdelay $0x4  }
0x438: {  	v3 =	vmul.f32 v3, v62;
	_ =	sdelay $0x1  }
0x439: {  	[tilespmem:s9+$0x150] =	vst v3;
	v3 =	vld [tilespmem:s9+$0x160];
	_ =	sdelay $0x4  }
0x43a: {  	v3 =	vmul.f32 v3, v62;
	_ =	sdelay $0x1  }
0x43b: {  	[tilespmem:s9+$0x160] =	vst v3;
	v3 =	vld [tilespmem:s9+$0x170];
	_ =	sdelay $0x4  }
0x43c: {  	v3 =	vmul.f32 v3, v62;
	_ =	sdelay $0x1  }
0x43d: {  	[tilespmem:s9+$0x170] =	vst v3;
	v3 =	vld [tilespmem:s9+$0x180];
	_ =	sdelay $0x2  }
0x43e: {  	v63 =	vbroadcast v2, $0xE;
	_ =	sdelay $0x1  }
0x43f: {  	v3 =	vmul.f32 v3, v63;
	_ =	sdelay $0x1  }
0x440: {  	[tilespmem:s9+$0x180] =	vst v3;
	v3 =	vld [tilespmem:s9+$0x190];
	_ =	sdelay $0x4  }
0x441: {  	v3 =	vmul.f32 v3, v63;
	_ =	sdelay $0x1  }
0x442: {  	[tilespmem:s9+$0x190] =	vst v3;
	v3 =	vld [tilespmem:s9+$0x1A0];
	_ =	sdelay $0x4  }
0x443: {  	v3 =	vmul.f32 v3, v63;
	_ =	sdelay $0x1  }
0x444: {  	[tilespmem:s9+$0x1A0] =	vst v3;
	v3 =	vld [tilespmem:s9+$0x1B0];
	_ =	sdelay $0x4  }
0x445: {  	v3 =	vmul.f32 v3, v63;
	_ =	sdelay $0x1  }
0x446: {  	[tilespmem:s9+$0x1B0] =	vst v3;
	v3 =	vld [tilespmem:s9+$0x1C0];
	_ =	sdelay $0x2  }
0x447: {  	v2 =	vbroadcast v2, $0xF;
	_ =	sdelay $0x1  }
0x448: {  	v3 =	vmul.f32 v3, v2;
	_ =	sdelay $0x1  }
0x449: {  	[tilespmem:s9+$0x1C0] =	vst v3;
	v3 =	vld [tilespmem:s9+$0x1D0];
	_ =	sdelay $0x4  }
0x44a: {  	v3 =	vmul.f32 v3, v2;
	_ =	sdelay $0x1  }
0x44b: {  	[tilespmem:s9+$0x1D0] =	vst v3;
	v3 =	vld [tilespmem:s9+$0x1E0];
	_ =	sdelay $0x4  }
0x44c: {  	v3 =	vmul.f32 v3, v2;
	_ =	sdelay $0x1  }
0x44d: {  	[tilespmem:s9+$0x1E0] =	vst v3;
	v3 =	vld [tilespmem:s9+$0x1F0];
	_ =	sdelay $0x1  }
0x44e: {  	p1 =	sne.s32 s1, $0x100  }
.Ltmp43:
0x44f: {  	_ = 	snop;
	(pc) =	sbr.rel @p1 .LBB2_82-.Ltmp43, $3  }
0x450: {  	_ = 	snop  }
0x451: {  	v2 =	vmul.f32 v3, v2;
	_ =	sdelay $0x1  }
0x452: {  	s1 =	sadd.s32 $0x40, s1;
	[tilespmem:s9+$0x1F0] =	vst v2;
	s9 =	sadd.s32 $0x400, s9  }
0x453: {  	s1 =	sshll.u32 s23, $0x3  }
0x454: {  	s1 =	sadd.s32 s21, s1  }
0x455: {  	[hbm4b:s1+s5] =	stream.linear.scatter [tilespmem:s30], [sflag:$0x4], $0x1400, $0x38;
	[tilespmem:$0x1EC80] =	vst v63  }
0x456: {  	s2 =	sadd.s32 $0x1, s2  }
0x457: {  	[spmem:s3] =	stream.indirect.scatter.add.f32 [tilespmem:s30], [sflag:$0x5], $0x40, s6, s0, $0xb8;
	[tilespmem:$0x1EC80] =	vst v63  }
0x458: {  	p1 =	sne.s32 s2, $0x19;
	_ =	swait.ge [sflag:s15], $0x1400  }
.Ltmp44:
0x459: {  	[sflag:s15] =	ssyncset.done $0x0;
	(pc) =	sbr.rel @p1 .LBB2_79-.Ltmp44, $4  }
0x45a: {  	[sflag:s15] =	ssyncadd.s32 $0xFFFFEC00  }
0x45b: {  	_ =	swait.ge [sflag:s25], $0x1400  }
0x45c: {  	[sflag:s25] =	ssyncset.done $0x0  }
0x45d: {  	[sflag:s25] =	ssyncadd.s32 $0xFFFFEC00  }
0x45e: {  	s8 =	sadd.s32 $0x1, s8  }
0x45f: {  	p1 =	sne.s32 s8, $0x5  }
.Ltmp45:
0x460: {  	_ = 	snop;
	(pc) =	sbr.rel @p1 .LBB2_78-.Ltmp45, $2  }
0x461: {  	_ =	sdelay $0x2  }
0x462: {  	s13 =	rddreg [dreg:$0xc]  }
0x463: {  	[bflag:$0x0] =	sbarrier.arrive $0xFFFF;
	s8 =	simm.s32 $0x0  }
.LBB2_86:
0x464: {  	s1 =	smul.u32 $0xFA0, s8;
	_ =	sdelay $0x1  }
0x465: {  	s7 =	sadd.s32 s13, s1  }
0x466: {  	s2 =	rddreg [dreg:$0x9];
	s1 =	sshrl.u32 s7, $0x3  }
0x467: {  	s9 =	simm.s32 $0xFA0;
	s10 =	simm.s32 $0x0;
	s2 =	sadd.s32 s2, s1  }
0x468: {  	[tilespmem:s9], [sflag:$0x5] =	stream.linear.gather [hbm4b:s2+s10], $0xFA0, $0x38;
	[tilespmem:$0x1EC80] =	vst v63  }
0x469: {  	_ =	swait.ge [sflag:s15], $0xFA0  }
0x46a: {  	[sflag:s15] =	ssyncset.done $0x0  }
0x46b: {  	[sflag:s15] =	ssyncadd.s32 $0xFFFFF060  }
0x46c: {  	s13 =	rddreg [dreg:$0x2]  }
0x46d: {  	s14 =	simm.s32 $0x1F40;
	s1 =	sadd.s32 s13, s1  }
0x46e: {  	[tilespmem:s14], [sflag:$0x5] =	stream.linear.gather [hbm4b:s1+s10], $0xFA0, $0x38;
	[tilespmem:$0x1EC80] =	vst v63  }
0x46f: {  	_ =	swait.ge [sflag:s15], $0xFA0  }
0x470: {  	[sflag:s15] =	ssyncset.done $0x0  }
0x471: {  	s19 =	simm.s32 $0xC080;
	[sflag:s15] =	ssyncadd.s32 $0xFFFFF060  }
0x472: {  	[tilespmem:s19], [sflag:$0x1] =	stream.indirect.gather [hbm4b:s21+s0], $0x40, s14, s0, $0xb8;
	[tilespmem:$0x1EC80] =	vst v63  }
0x473: {  	s23 =	simm.s32 $0xAC80  }
0x474: {  	[tilespmem:s23], [sflag:$0x5] =	stream.indirect.gather [spmem:s3], $0x40, s9, s0, $0xb8;
	[tilespmem:$0x1EC80] =	vst v63  }
0x475: {  	_ =	swait.ge [sflag:s15], $0x1400  }
0x476: {  	[sflag:s15] =	ssyncset.done $0x0  }
0x477: {  	s12 =	simm.s32 $0x0;
	[sflag:s15] =	ssyncadd.s32 $0xFFFFEC00  }
.LBB2_87:
0x478: {  	s1 =	smul.u32 $0xA0, s12;
	_ =	sdelay $0x1  }
0x479: {  	s9 =	simm.s32 $0xFC80;
	s2 =	sadd.s32 $0x1F90, s1  }
0x47a: {  	[tilespmem:s9], [sflag:$0x2] =	stream.indirect.gather [hbm4b:s21+s0], $0x40, s2, s0, $0xb8;
	[tilespmem:$0x1EC80] =	vst v63  }
0x47b: {  	s23 =	simm.s32 $0xE880;
	s19 =	sadd.s32 $0xFF0, s1  }
0x47c: {  	[tilespmem:s23], [sflag:$0x5] =	stream.indirect.gather [spmem:s3], $0x40, s19, s0, $0xb8;
	[tilespmem:$0x1EC80] =	vst v63  }
0x47d: {  	_ =	swait.ge [sflag:s15], $0x1400  }
0x47e: {  	[sflag:s15] =	ssyncset.done $0x0  }
0x47f: {  	[sflag:s15] =	ssyncadd.s32 $0xFFFFEC00  }
0x480: {  	_ =	swait.ge [sflag:s31], $0x1400  }
0x481: {  	p1 =	seq.s32 s12, $0x0;
	[sflag:s31] =	ssyncset.done $0x0  }
0x482: {  	s2 =	simm.s32 @!p1 $0x3;
	[sflag:s31] =	ssyncadd.s32 $0xFFFFEC00  }
0x483: {  	_ =	swait.ge @!p1 [sflag:s2], $0x1400  }
0x484: {  	[sflag:s2] =	ssyncset.done @!p1 $0x0  }
0x485: {  	s23 =	simm.s32 $0xAD00;
	[sflag:s2] =	ssyncadd.s32 @!p1 $0xFFFFEC00  }
0x486: {  	s11 =	simm.s32 $0xC100;
	v2 =	vld [tilespmem:s23+$0xFFFFFF80]  }
0x487: {  	v3 =	vld [tilespmem:s11+$0xFFFFFF80];
	_ =	sdelay $0x4  }
0x488: {  	v2 =	vsub.f32 v2, v3  }
0x489: {  	s10 =	simm.s32 $0xD500  }
0x48a: {  	[tilespmem:s10+$0xFFFFFF80] =	vst v2  }
0x48b: {  	v2 =	vld [tilespmem:s11+$0xFFFFFF90]  }
0x48c: {  	v3 =	vld [tilespmem:s23+$0xFFFFFF90];
	_ =	sdelay $0x4  }
0x48d: {  	v2 =	vsub.f32 v3, v2;
	_ =	sdelay $0x1  }
0x48e: {  	[tilespmem:s10+$0xFFFFFF90] =	vst v2  }
0x48f: {  	v2 =	vld [tilespmem:s23+$0xFFFFFFA0]  }
0x490: {  	v3 =	vld [tilespmem:s11+$0xFFFFFFA0];
	_ =	sdelay $0x4  }
0x491: {  	v2 =	vsub.f32 v2, v3;
	_ =	sdelay $0x1  }
0x492: {  	[tilespmem:s10+$0xFFFFFFA0] =	vst v2  }
0x493: {  	v2 =	vld [tilespmem:s23+$0xFFFFFFB0]  }
0x494: {  	v3 =	vld [tilespmem:s11+$0xFFFFFFB0];
	_ =	sdelay $0x4  }
0x495: {  	v2 =	vsub.f32 v2, v3;
	_ =	sdelay $0x1  }
0x496: {  	[tilespmem:s10+$0xFFFFFFB0] =	vst v2  }
0x497: {  	v2 =	vld [tilespmem:s23+$0xFFFFFFC0]  }
0x498: {  	v3 =	vld [tilespmem:s11+$0xFFFFFFC0];
	_ =	sdelay $0x4  }
0x499: {  	v2 =	vsub.f32 v2, v3;
	_ =	sdelay $0x1  }
0x49a: {  	[tilespmem:s10+$0xFFFFFFC0] =	vst v2  }
0x49b: {  	v2 =	vld [tilespmem:s23+$0xFFFFFFD0]  }
0x49c: {  	v3 =	vld [tilespmem:s11+$0xFFFFFFD0];
	_ =	sdelay $0x4  }
0x49d: {  	v2 =	vsub.f32 v2, v3;
	_ =	sdelay $0x1  }
0x49e: {  	[tilespmem:s10+$0xFFFFFFD0] =	vst v2  }
0x49f: {  	v2 =	vld [tilespmem:s23+$0xFFFFFFE0]  }
0x4a0: {  	v3 =	vld [tilespmem:s11+$0xFFFFFFE0];
	_ =	sdelay $0x4  }
0x4a1: {  	v2 =	vsub.f32 v2, v3;
	_ =	sdelay $0x1  }
0x4a2: {  	[tilespmem:s10+$0xFFFFFFE0] =	vst v2  }
0x4a3: {  	v2 =	vld [tilespmem:s23+$0xFFFFFFF0]  }
0x4a4: {  	v3 =	vld [tilespmem:s11+$0xFFFFFFF0];
	_ =	sdelay $0x4  }
0x4a5: {  	v2 =	vsub.f32 v2, v3;
	_ =	sdelay $0x1  }
0x4a6: {  	[tilespmem:s10+$0xFFFFFFF0] =	vst v2  }
0x4a7: {  	v2 =	vld [tilespmem:s23+$0x0]  }
0x4a8: {  	v3 =	vld [tilespmem:s11+$0x0];
	_ =	sdelay $0x4  }
0x4a9: {  	v2 =	vsub.f32 v2, v3;
	_ =	sdelay $0x1  }
0x4aa: {  	[tilespmem:s10+$0x0] =	vst v2  }
0x4ab: {  	v2 =	vld [tilespmem:s23+$0x10]  }
0x4ac: {  	v3 =	vld [tilespmem:s11+$0x10];
	_ =	sdelay $0x4  }
0x4ad: {  	v2 =	vsub.f32 v2, v3;
	_ =	sdelay $0x1  }
0x4ae: {  	[tilespmem:s10+$0x10] =	vst v2  }
0x4af: {  	v2 =	vld [tilespmem:s23+$0x20]  }
0x4b0: {  	v3 =	vld [tilespmem:s11+$0x20];
	_ =	sdelay $0x4  }
0x4b1: {  	v2 =	vsub.f32 v2, v3;
	_ =	sdelay $0x1  }
0x4b2: {  	[tilespmem:s10+$0x20] =	vst v2  }
0x4b3: {  	v2 =	vld [tilespmem:s23+$0x30]  }
0x4b4: {  	v3 =	vld [tilespmem:s11+$0x30];
	_ =	sdelay $0x4  }
0x4b5: {  	v2 =	vsub.f32 v2, v3;
	_ =	sdelay $0x1  }
0x4b6: {  	[tilespmem:s10+$0x30] =	vst v2  }
0x4b7: {  	v2 =	vld [tilespmem:s23+$0x40]  }
0x4b8: {  	v3 =	vld [tilespmem:s11+$0x40];
	_ =	sdelay $0x4  }
0x4b9: {  	v2 =	vsub.f32 v2, v3;
	_ =	sdelay $0x1  }
0x4ba: {  	[tilespmem:s10+$0x40] =	vst v2  }
0x4bb: {  	v2 =	vld [tilespmem:s23+$0x50]  }
0x4bc: {  	v3 =	vld [tilespmem:s11+$0x50];
	_ =	sdelay $0x4  }
0x4bd: {  	v2 =	vsub.f32 v2, v3;
	_ =	sdelay $0x1  }
0x4be: {  	[tilespmem:s10+$0x50] =	vst v2  }
0x4bf: {  	s14 =	simm.s32 $0xD600;
	s13 =	simm.s32 $0xAD00;
	v2 =	vld [tilespmem:s23+$0x60]  }
0x4c0: {  	s9 =	simm.s32 $0xC100;
	s19 =	simm.s32 $0x0;
	s2 =	sadd.s32 $0x50, s1;
	v3 =	vld [tilespmem:s11+$0x60]  }
.LBB2_88:
0x4c1: {  	s19 =	sadd.s32 $0x4, s19;
	s23 =	sadd.s32 $0x100, s23;
	s11 =	sadd.s32 $0x100, s11  }
0x4c2: {  	p2 =	slt.u32 s19, $0x4C;
	_ =	sdelay $0x2  }
0x4c3: {  	v2 =	vsub.f32 v2, v3;
	_ =	sdelay $0x1  }
0x4c4: {  	[tilespmem:s10+$0x60] =	vst v2  }
0x4c5: {  	v2 =	vld [tilespmem:s13+$0x70];
	s13 =	smov.u32 s23  }
0x4c6: {  	v3 =	vld [tilespmem:s9+$0x70];
	s9 =	smov.u32 s11;
	_ =	sdelay $0x4  }
0x4c7: {  	v2 =	vsub.f32 v2, v3;
	_ =	sdelay $0x1  }
0x4c8: {  	[tilespmem:s10+$0x70] =	vst v2;
	s10 =	smov.u32 s14  }
0x4c9: {  	v2 =	vld [tilespmem:s23+$0xFFFFFF80]  }
0x4ca: {  	v3 =	vld [tilespmem:s11+$0xFFFFFF80];
	_ =	sdelay $0x4  }
0x4cb: {  	v2 =	vsub.f32 v2, v3;
	_ =	sdelay $0x1  }
0x4cc: {  	[tilespmem:s14+$0xFFFFFF80] =	vst v2  }
0x4cd: {  	v2 =	vld [tilespmem:s11+$0xFFFFFF90]  }
0x4ce: {  	v3 =	vld [tilespmem:s23+$0xFFFFFF90];
	_ =	sdelay $0x4  }
0x4cf: {  	v2 =	vsub.f32 v3, v2;
	_ =	sdelay $0x1  }
0x4d0: {  	[tilespmem:s14+$0xFFFFFF90] =	vst v2  }
0x4d1: {  	v2 =	vld [tilespmem:s23+$0xFFFFFFA0]  }
0x4d2: {  	v3 =	vld [tilespmem:s11+$0xFFFFFFA0];
	_ =	sdelay $0x4  }
0x4d3: {  	v2 =	vsub.f32 v2, v3;
	_ =	sdelay $0x1  }
0x4d4: {  	[tilespmem:s14+$0xFFFFFFA0] =	vst v2  }
0x4d5: {  	v2 =	vld [tilespmem:s23+$0xFFFFFFB0]  }
0x4d6: {  	v3 =	vld [tilespmem:s11+$0xFFFFFFB0];
	_ =	sdelay $0x4  }
0x4d7: {  	v2 =	vsub.f32 v2, v3;
	_ =	sdelay $0x1  }
0x4d8: {  	[tilespmem:s14+$0xFFFFFFB0] =	vst v2  }
0x4d9: {  	v2 =	vld [tilespmem:s23+$0xFFFFFFC0]  }
0x4da: {  	v3 =	vld [tilespmem:s11+$0xFFFFFFC0];
	_ =	sdelay $0x4  }
0x4db: {  	v2 =	vsub.f32 v2, v3;
	_ =	sdelay $0x1  }
0x4dc: {  	[tilespmem:s14+$0xFFFFFFC0] =	vst v2  }
0x4dd: {  	v2 =	vld [tilespmem:s23+$0xFFFFFFD0]  }
0x4de: {  	v3 =	vld [tilespmem:s11+$0xFFFFFFD0];
	_ =	sdelay $0x4  }
0x4df: {  	v2 =	vsub.f32 v2, v3;
	_ =	sdelay $0x1  }
0x4e0: {  	[tilespmem:s14+$0xFFFFFFD0] =	vst v2  }
0x4e1: {  	v2 =	vld [tilespmem:s23+$0xFFFFFFE0]  }
0x4e2: {  	v3 =	vld [tilespmem:s11+$0xFFFFFFE0];
	_ =	sdelay $0x4  }
0x4e3: {  	v2 =	vsub.f32 v2, v3;
	_ =	sdelay $0x1  }
0x4e4: {  	[tilespmem:s14+$0xFFFFFFE0] =	vst v2  }
0x4e5: {  	v2 =	vld [tilespmem:s23+$0xFFFFFFF0]  }
0x4e6: {  	v3 =	vld [tilespmem:s11+$0xFFFFFFF0];
	_ =	sdelay $0x4  }
0x4e7: {  	v2 =	vsub.f32 v2, v3;
	_ =	sdelay $0x1  }
0x4e8: {  	[tilespmem:s14+$0xFFFFFFF0] =	vst v2  }
0x4e9: {  	v2 =	vld [tilespmem:s23+$0x0]  }
0x4ea: {  	v3 =	vld [tilespmem:s11+$0x0];
	_ =	sdelay $0x4  }
0x4eb: {  	v2 =	vsub.f32 v2, v3;
	_ =	sdelay $0x1  }
0x4ec: {  	[tilespmem:s14+$0x0] =	vst v2  }
0x4ed: {  	v2 =	vld [tilespmem:s23+$0x10]  }
0x4ee: {  	v3 =	vld [tilespmem:s11+$0x10];
	_ =	sdelay $0x4  }
0x4ef: {  	v2 =	vsub.f32 v2, v3;
	_ =	sdelay $0x1  }
0x4f0: {  	[tilespmem:s14+$0x10] =	vst v2  }
0x4f1: {  	v2 =	vld [tilespmem:s23+$0x20]  }
0x4f2: {  	v3 =	vld [tilespmem:s11+$0x20];
	_ =	sdelay $0x4  }
0x4f3: {  	v2 =	vsub.f32 v2, v3;
	_ =	sdelay $0x1  }
0x4f4: {  	[tilespmem:s14+$0x20] =	vst v2  }
0x4f5: {  	v2 =	vld [tilespmem:s23+$0x30]  }
0x4f6: {  	v3 =	vld [tilespmem:s11+$0x30];
	_ =	sdelay $0x4  }
0x4f7: {  	v2 =	vsub.f32 v2, v3;
	_ =	sdelay $0x1  }
0x4f8: {  	[tilespmem:s14+$0x30] =	vst v2  }
0x4f9: {  	v2 =	vld [tilespmem:s23+$0x40]  }
0x4fa: {  	v3 =	vld [tilespmem:s11+$0x40];
	_ =	sdelay $0x4  }
0x4fb: {  	v2 =	vsub.f32 v2, v3;
	_ =	sdelay $0x1  }
0x4fc: {  	[tilespmem:s14+$0x40] =	vst v2  }
0x4fd: {  	v2 =	vld [tilespmem:s23+$0x50]  }
0x4fe: {  	v3 =	vld [tilespmem:s11+$0x50];
	_ =	sdelay $0x4  }
.Ltmp46:
0x4ff: {  	v2 =	vsub.f32 v2, v3;
	(pc) =	sbr.rel @p2 .LBB2_88-.Ltmp46, $4  }
0x500: {  	_ = 	snop  }
0x501: {  	[tilespmem:s14+$0x50] =	vst v2  }
0x502: {  	v2 =	vld [tilespmem:s23+$0x60]  }
0x503: {  	s14 =	sadd.s32 $0x100, s14;
	v3 =	vld [tilespmem:s11+$0x60]  }
0x504: {  	_ =	sdelay $0x3  }
0x505: {  	v2 =	vsub.f32 v2, v3;
	_ =	sdelay $0x1  }
0x506: {  	[tilespmem:s10+$0x60] =	vst v2  }
0x507: {  	v2 =	vld [tilespmem:s13+$0x70]  }
0x508: {  	v3 =	vld [tilespmem:s9+$0x70];
	_ =	sdelay $0x2  }
.Ltmp47:
0x509: {  	_ = 	snop;
	(pc) =	sbr.rel @p0 .LBB2_92-.Ltmp47, $4  }
0x50a: {  	_ = 	snop  }
0x50b: {  	v2 =	vsub.f32 v2, v3  }
0x50c: {  	s23 =	sadd.s32 s7, s1  }
0x50d: {  	s9 =	sshll.u32 s23, $0x4;
	[tilespmem:s10+$0x70] =	vst v2  }
0x50e: {  	p2 =	seq.s32 s12, $0x18  }
.Ltmp48:
0x50f: {  	_ = 	snop;
	(pc) =	sbr.rel @p2 .LBB2_93-.Ltmp48, $4  }
0x510: {  	s10 =	rddreg [dreg:$0x3]  }
0x511: {  	s9 =	sadd.s32 s10, s9  }
0x512: {  	[hbm4b:s9+s28] =	stream.strided.scatter [tilespmem:s16], [sflag:$0x3], $0x1400, s18, s28, $0x38;
	[tilespmem:$0x1EC80] =	vst v63  }
0x513: {  	s9 =	rddreg [dreg:$0xa]  }
.LBB2_91:
0x514: {  	s10 =	sadd.s32 $0x1FE0, s1;
	s11 =	simm.s32 $0xC080  }
0x515: {  	[tilespmem:s11], [sflag:$0x1] =	stream.indirect.gather [hbm4b:s9+s0], $0x40, s10, s0, $0xb8;
	[tilespmem:$0x1EC80] =	vst v63  }
0x516: {  	s19 =	sadd.s32 $0x1040, s1;
	s23 =	simm.s32 $0xAC80  }
0x517: {  	[tilespmem:s23], [sflag:$0x5] =	stream.indirect.gather [spmem:s3], $0x40, s19, s0, $0xb8;
	[tilespmem:$0x1EC80] =	vst v63  }
0x518: {  	_ =	swait.ge [sflag:s15], $0x1400  }
.Ltmp49:
0x519: {  	[sflag:s15] =	ssyncset.done $0x0;
	(pc) =	sbr.rel @!p1 .LBB2_94-.Ltmp49, $4  }
.Ltmp50:
0x51a: {  	[sflag:s15] =	ssyncadd.s32 $0xFFFFEC00;
	(pc) =	sbr.rel @p1 .LBB2_95-.Ltmp50, $4  }
0x51b: {  	_ =	swait.ge [sflag:s4], $0x1400  }
0x51c: {  	[sflag:s4] =	ssyncset.done $0x0  }
0x51d: {  	[sflag:s4] =	ssyncadd.s32 $0xFFFFEC00  }
0x51e: {  	_ = 	snop  }
.LBB2_92:
0x51f: {  	p2 =	sne.s32 s12, $0x18  }
.Ltmp51:
0x520: {  	_ = 	snop;
	(pc) =	sbr.rel @p2 .LBB2_91-.Ltmp51, $4  }
0x521: {  	s10 =	rddreg [dreg:$0x13]  }
0x522: {  	s9 =	sadd.s32 s9, s10  }
0x523: {  	[hbm4b:s9+s28] =	stream.strided.scatter [tilespmem:s16], [sflag:$0x3], $0x1400, s18, s28, $0x38;
	[tilespmem:$0x1EC80] =	vst v63  }
0x524: {  	s9 =	rddreg [dreg:$0xb]  }
.LBB2_93:
0x525: {  	_ =	swait.ge [sflag:s4], $0x1400  }
0x526: {  	[sflag:s4] =	ssyncset.done $0x0  }
0x527: {  	[sflag:s4] =	ssyncadd.s32 $0xFFFFEC00  }
.LBB2_94:
0x528: {  	_ =	swait.ge [sflag:s25], $0x1400  }
0x529: {  	[sflag:s25] =	ssyncset.done $0x0  }
0x52a: {  	[sflag:s25] =	ssyncadd.s32 $0xFFFFEC00  }
.LBB2_95:
0x52b: {  	s10 =	simm.s32 $0xE900  }
0x52c: {  	s11 =	simm.s32 $0xFD00;
	v2 =	vld [tilespmem:s10+$0xFFFFFF80]  }
0x52d: {  	v3 =	vld [tilespmem:s11+$0xFFFFFF80];
	_ =	sdelay $0x4  }
0x52e: {  	v2 =	vsub.f32 v2, v3  }
0x52f: {  	s1 =	simm.s32 $0x11100  }
0x530: {  	[tilespmem:s1+$0xFFFFFF80] =	vst v2  }
0x531: {  	v2 =	vld [tilespmem:s11+$0xFFFFFF90]  }
0x532: {  	v3 =	vld [tilespmem:s10+$0xFFFFFF90];
	_ =	sdelay $0x4  }
0x533: {  	v2 =	vsub.f32 v3, v2;
	_ =	sdelay $0x1  }
0x534: {  	[tilespmem:s1+$0xFFFFFF90] =	vst v2  }
0x535: {  	v2 =	vld [tilespmem:s10+$0xFFFFFFA0]  }
0x536: {  	v3 =	vld [tilespmem:s11+$0xFFFFFFA0];
	_ =	sdelay $0x4  }
0x537: {  	v2 =	vsub.f32 v2, v3;
	_ =	sdelay $0x1  }
0x538: {  	[tilespmem:s1+$0xFFFFFFA0] =	vst v2  }
0x539: {  	v2 =	vld [tilespmem:s10+$0xFFFFFFB0]  }
0x53a: {  	v3 =	vld [tilespmem:s11+$0xFFFFFFB0];
	_ =	sdelay $0x4  }
0x53b: {  	v2 =	vsub.f32 v2, v3;
	_ =	sdelay $0x1  }
0x53c: {  	[tilespmem:s1+$0xFFFFFFB0] =	vst v2  }
0x53d: {  	v2 =	vld [tilespmem:s10+$0xFFFFFFC0]  }
0x53e: {  	v3 =	vld [tilespmem:s11+$0xFFFFFFC0];
	_ =	sdelay $0x4  }
0x53f: {  	v2 =	vsub.f32 v2, v3;
	_ =	sdelay $0x1  }
0x540: {  	[tilespmem:s1+$0xFFFFFFC0] =	vst v2  }
0x541: {  	v2 =	vld [tilespmem:s10+$0xFFFFFFD0]  }
0x542: {  	v3 =	vld [tilespmem:s11+$0xFFFFFFD0];
	_ =	sdelay $0x4  }
0x543: {  	v2 =	vsub.f32 v2, v3;
	_ =	sdelay $0x1  }
0x544: {  	[tilespmem:s1+$0xFFFFFFD0] =	vst v2  }
0x545: {  	v2 =	vld [tilespmem:s10+$0xFFFFFFE0]  }
0x546: {  	v3 =	vld [tilespmem:s11+$0xFFFFFFE0];
	_ =	sdelay $0x4  }
0x547: {  	v2 =	vsub.f32 v2, v3;
	_ =	sdelay $0x1  }
0x548: {  	[tilespmem:s1+$0xFFFFFFE0] =	vst v2  }
0x549: {  	v2 =	vld [tilespmem:s10+$0xFFFFFFF0]  }
0x54a: {  	v3 =	vld [tilespmem:s11+$0xFFFFFFF0];
	_ =	sdelay $0x4  }
0x54b: {  	v2 =	vsub.f32 v2, v3;
	_ =	sdelay $0x1  }
0x54c: {  	[tilespmem:s1+$0xFFFFFFF0] =	vst v2  }
0x54d: {  	v2 =	vld [tilespmem:s10+$0x0]  }
0x54e: {  	v3 =	vld [tilespmem:s11+$0x0];
	_ =	sdelay $0x4  }
0x54f: {  	v2 =	vsub.f32 v2, v3;
	_ =	sdelay $0x1  }
0x550: {  	[tilespmem:s1+$0x0] =	vst v2  }
0x551: {  	v2 =	vld [tilespmem:s10+$0x10]  }
0x552: {  	v3 =	vld [tilespmem:s11+$0x10];
	_ =	sdelay $0x4  }
0x553: {  	v2 =	vsub.f32 v2, v3;
	_ =	sdelay $0x1  }
0x554: {  	[tilespmem:s1+$0x10] =	vst v2  }
0x555: {  	v2 =	vld [tilespmem:s10+$0x20]  }
0x556: {  	v3 =	vld [tilespmem:s11+$0x20];
	_ =	sdelay $0x4  }
0x557: {  	v2 =	vsub.f32 v2, v3;
	_ =	sdelay $0x1  }
0x558: {  	[tilespmem:s1+$0x20] =	vst v2  }
0x559: {  	v2 =	vld [tilespmem:s10+$0x30]  }
0x55a: {  	v3 =	vld [tilespmem:s11+$0x30];
	_ =	sdelay $0x4  }
0x55b: {  	v2 =	vsub.f32 v2, v3;
	_ =	sdelay $0x1  }
0x55c: {  	[tilespmem:s1+$0x30] =	vst v2  }
0x55d: {  	v2 =	vld [tilespmem:s10+$0x40]  }
0x55e: {  	v3 =	vld [tilespmem:s11+$0x40];
	_ =	sdelay $0x4  }
0x55f: {  	v2 =	vsub.f32 v2, v3;
	_ =	sdelay $0x1  }
0x560: {  	[tilespmem:s1+$0x40] =	vst v2  }
0x561: {  	v2 =	vld [tilespmem:s10+$0x50]  }
0x562: {  	v3 =	vld [tilespmem:s11+$0x50];
	_ =	sdelay $0x4  }
0x563: {  	v2 =	vsub.f32 v2, v3;
	_ =	sdelay $0x1  }
0x564: {  	[tilespmem:s1+$0x50] =	vst v2  }
0x565: {  	s19 =	simm.s32 $0x0;
	v2 =	vld [tilespmem:s10+$0x60]  }
0x566: {  	s14 =	simm.s32 $0x11200;
	s9 =	simm.s32 $0xE900;
	s13 =	simm.s32 $0xFD00;
	v3 =	vld [tilespmem:s11+$0x60]  }
.LBB2_96:
0x567: {  	s19 =	sadd.s32 $0x4, s19;
	s10 =	sadd.s32 $0x100, s10;
	s11 =	sadd.s32 $0x100, s11  }
0x568: {  	p1 =	slt.u32 s19, $0x4C;
	_ =	sdelay $0x2  }
0x569: {  	v2 =	vsub.f32 v2, v3;
	_ =	sdelay $0x1  }
0x56a: {  	[tilespmem:s1+$0x60] =	vst v2  }
0x56b: {  	v2 =	vld [tilespmem:s9+$0x70];
	s9 =	smov.u32 s10  }
0x56c: {  	v3 =	vld [tilespmem:s13+$0x70];
	s13 =	smov.u32 s11;
	_ =	sdelay $0x4  }
0x56d: {  	v2 =	vsub.f32 v2, v3;
	_ =	sdelay $0x1  }
0x56e: {  	[tilespmem:s1+$0x70] =	vst v2;
	s1 =	smov.u32 s14  }
0x56f: {  	v2 =	vld [tilespmem:s10+$0xFFFFFF80]  }
0x570: {  	v3 =	vld [tilespmem:s11+$0xFFFFFF80];
	_ =	sdelay $0x4  }
0x571: {  	v2 =	vsub.f32 v2, v3;
	_ =	sdelay $0x1  }
0x572: {  	[tilespmem:s14+$0xFFFFFF80] =	vst v2  }
0x573: {  	v2 =	vld [tilespmem:s11+$0xFFFFFF90]  }
0x574: {  	v3 =	vld [tilespmem:s10+$0xFFFFFF90];
	_ =	sdelay $0x4  }
0x575: {  	v2 =	vsub.f32 v3, v2;
	_ =	sdelay $0x1  }
0x576: {  	[tilespmem:s14+$0xFFFFFF90] =	vst v2  }
0x577: {  	v2 =	vld [tilespmem:s10+$0xFFFFFFA0]  }
0x578: {  	v3 =	vld [tilespmem:s11+$0xFFFFFFA0];
	_ =	sdelay $0x4  }
0x579: {  	v2 =	vsub.f32 v2, v3;
	_ =	sdelay $0x1  }
0x57a: {  	[tilespmem:s14+$0xFFFFFFA0] =	vst v2  }
0x57b: {  	v2 =	vld [tilespmem:s10+$0xFFFFFFB0]  }
0x57c: {  	v3 =	vld [tilespmem:s11+$0xFFFFFFB0];
	_ =	sdelay $0x4  }
0x57d: {  	v2 =	vsub.f32 v2, v3;
	_ =	sdelay $0x1  }
0x57e: {  	[tilespmem:s14+$0xFFFFFFB0] =	vst v2  }
0x57f: {  	v2 =	vld [tilespmem:s10+$0xFFFFFFC0]  }
0x580: {  	v3 =	vld [tilespmem:s11+$0xFFFFFFC0];
	_ =	sdelay $0x4  }
0x581: {  	v2 =	vsub.f32 v2, v3;
	_ =	sdelay $0x1  }
0x582: {  	[tilespmem:s14+$0xFFFFFFC0] =	vst v2  }
0x583: {  	v2 =	vld [tilespmem:s10+$0xFFFFFFD0]  }
0x584: {  	v3 =	vld [tilespmem:s11+$0xFFFFFFD0];
	_ =	sdelay $0x4  }
0x585: {  	v2 =	vsub.f32 v2, v3;
	_ =	sdelay $0x1  }
0x586: {  	[tilespmem:s14+$0xFFFFFFD0] =	vst v2  }
0x587: {  	v2 =	vld [tilespmem:s10+$0xFFFFFFE0]  }
0x588: {  	v3 =	vld [tilespmem:s11+$0xFFFFFFE0];
	_ =	sdelay $0x4  }
0x589: {  	v2 =	vsub.f32 v2, v3;
	_ =	sdelay $0x1  }
0x58a: {  	[tilespmem:s14+$0xFFFFFFE0] =	vst v2  }
0x58b: {  	v2 =	vld [tilespmem:s10+$0xFFFFFFF0]  }
0x58c: {  	v3 =	vld [tilespmem:s11+$0xFFFFFFF0];
	_ =	sdelay $0x4  }
0x58d: {  	v2 =	vsub.f32 v2, v3;
	_ =	sdelay $0x1  }
0x58e: {  	[tilespmem:s14+$0xFFFFFFF0] =	vst v2  }
0x58f: {  	v2 =	vld [tilespmem:s10+$0x0]  }
0x590: {  	v3 =	vld [tilespmem:s11+$0x0];
	_ =	sdelay $0x4  }
0x591: {  	v2 =	vsub.f32 v2, v3;
	_ =	sdelay $0x1  }
0x592: {  	[tilespmem:s14+$0x0] =	vst v2  }
0x593: {  	v2 =	vld [tilespmem:s10+$0x10]  }
0x594: {  	v3 =	vld [tilespmem:s11+$0x10];
	_ =	sdelay $0x4  }
0x595: {  	v2 =	vsub.f32 v2, v3;
	_ =	sdelay $0x1  }
0x596: {  	[tilespmem:s14+$0x10] =	vst v2  }
0x597: {  	v2 =	vld [tilespmem:s10+$0x20]  }
0x598: {  	v3 =	vld [tilespmem:s11+$0x20];
	_ =	sdelay $0x4  }
0x599: {  	v2 =	vsub.f32 v2, v3;
	_ =	sdelay $0x1  }
0x59a: {  	[tilespmem:s14+$0x20] =	vst v2  }
0x59b: {  	v2 =	vld [tilespmem:s10+$0x30]  }
0x59c: {  	v3 =	vld [tilespmem:s11+$0x30];
	_ =	sdelay $0x4  }
0x59d: {  	v2 =	vsub.f32 v2, v3;
	_ =	sdelay $0x1  }
0x59e: {  	[tilespmem:s14+$0x30] =	vst v2  }
0x59f: {  	v2 =	vld [tilespmem:s10+$0x40]  }
0x5a0: {  	v3 =	vld [tilespmem:s11+$0x40];
	_ =	sdelay $0x4  }
0x5a1: {  	v2 =	vsub.f32 v2, v3;
	_ =	sdelay $0x1  }
0x5a2: {  	[tilespmem:s14+$0x40] =	vst v2  }
0x5a3: {  	v2 =	vld [tilespmem:s10+$0x50]  }
0x5a4: {  	v3 =	vld [tilespmem:s11+$0x50];
	_ =	sdelay $0x4  }
.Ltmp52:
0x5a5: {  	v2 =	vsub.f32 v2, v3;
	(pc) =	sbr.rel @p1 .LBB2_96-.Ltmp52, $4  }
0x5a6: {  	_ = 	snop  }
0x5a7: {  	[tilespmem:s14+$0x50] =	vst v2  }
0x5a8: {  	v2 =	vld [tilespmem:s10+$0x60]  }
0x5a9: {  	s14 =	sadd.s32 $0x100, s14;
	v3 =	vld [tilespmem:s11+$0x60]  }
0x5aa: {  	_ =	sdelay $0x3  }
0x5ab: {  	v2 =	vsub.f32 v2, v3;
	_ =	sdelay $0x1  }
0x5ac: {  	[tilespmem:s1+$0x60] =	vst v2  }
0x5ad: {  	v2 =	vld [tilespmem:s9+$0x70]  }
0x5ae: {  	v3 =	vld [tilespmem:s13+$0x70];
	_ =	sdelay $0x1  }
0x5af: {  	s12 =	sadd.s32 $0x1, s12  }
0x5b0: {  	p1 =	sne.s32 s12, $0x19  }
.Ltmp53:
0x5b1: {  	_ = 	snop;
	(pc) =	sbr.rel @p1 .LBB2_87-.Ltmp53, $4  }
0x5b2: {  	s2 =	sadd.s32 s7, s2;
	v2 =	vsub.f32 v2, v3  }
0x5b3: {  	s2 =	sshll.u32 s2, $0x4  }
0x5b4: {  	s23 =	simm.s32 $0x11080;
	s19 =	sadd.s32 s22, s2;
	[tilespmem:s1+$0x70] =	vst v2  }
0x5b5: {  	[hbm4b:s19+s28] =	stream.strided.scatter [tilespmem:s23], [sflag:$0x4], $0x1400, s18, s28, $0x38;
	[tilespmem:$0x1EC80] =	vst v63  }
0x5b6: {  	s8 =	sadd.s32 $0x1, s8  }
0x5b7: {  	_ =	swait.ge [sflag:s24], $0x1400;
	p1 =	sne.s32 s8, $0x5  }
.Ltmp54:
0x5b8: {  	[sflag:s24] =	ssyncset.done $0x0;
	(pc) =	sbr.rel @p1 .LBB2_86-.Ltmp54, $4  }
0x5b9: {  	[sflag:s24] =	ssyncadd.s32 $0xFFFFEC00  }
0x5ba: {  	_ =	swait.ge [sflag:s25], $0x1400  }
0x5bb: {  	[sflag:s25] =	ssyncset.done $0x0  }
0x5bc: {  	s13 =	rddreg [dreg:$0xc];
	[sflag:s25] =	ssyncadd.s32 $0xFFFFEC00  }
0x5bd: {  	s2 =	sld [smem:$0x7F5];
	_ =	sdelay $0x1  }
0x5be: {  	s1 =	rddreg [dreg:$0x15]  }
0x5bf: {  	s9 =	rddreg [dreg:$0x5];
	s2 =	sadd.s32 $0x1, s2  }
0x5c0: {  	s19 =	rddreg [dreg:$0x7];
	p1 =	sne.s32 s2, s1  }
.Ltmp55:
0x5c1: {  	s11 =	rddreg [dreg:$0x8];
	(pc) =	sbr.rel @p1 .LBB2_1-.Ltmp55, $4  }
0x5c2: {  	s14 =	rddreg [dreg:$0xd]  }
0x5c3: {  	s23 =	rddreg [dreg:$0xe]  }
0x5c4: {  	s10 =	rddreg [dreg:$0x14]  }
0x5c5: {  	s12 =	rddreg [dreg:$0x17]  }
0x5c6: {  	_ =	sfence.sel $0x180000  }
0x5c7: {  	[bflag:$0x0] =	sbarrier.arrive $0xFFFF  }
0x5c8: {  	_ =	strace $0x90000047  }
0x5c9: {  	s0 =	stileid.u32;
	[bflag:$0x2] =	sbarrier.arrive $0xFFFF  }
0x5ca: {  	p0 =	sne.s32 s0, $0x0;
	s0 =	rddreg [dreg:$0x6]  }
0x5cb: {  	s0 =	sadd.s32 @!p0 $0x100000, s0  }
0x5cc: {  	[sflag:s0] =	ssyncadd.tile.s32 @!p0 $0x1;
	_ =	shalt  }
.Lfunc_end2:
_tile_overlayer_lowered:
.L_overlay_start_2:
0x5cd: {  	(tag) =	ssettag $0x2  }
0x5ce: {  	s0 =	rddreg [dreg:$0x0];
	s2 =	stileid.u32  }
0x5cf: {  	s1 =	rddreg [dreg:$0x1];
	p0 =	sne.s32 s2, $0x0  }
0x5d0: {  	s3 =	rddreg [dreg:$0x2];
	[bflag:$0x3] =	sbarrier.arrive $0xFFFF;
	s2 =	simm.s32 @!p0 $0x1C05  }
0x5d1: {  	[timem:s3], [sflag:s2] =	dma.local @!p0 [hbm:s0], s1  }
0x5d2: {  	s0 =	simm.s32 @!p0 $0x5  }
0x5d3: {  	_ =	swait.ge @!p0 [sflag:s0], s1  }
0x5d4: {  	s1 =	ssub.s32 @!p0 $0x0, s1;
	[sflag:s0] =	ssyncset.done @!p0 $0x0  }
0x5d5: {  	[sflag:s0] =	ssyncadd.s32 @!p0 s1  }
0x5d6: {  	[bflag:$0x3] =	sbarrier.arrive $0xFFFF  }
0x5d7: {  	_ =	shalt  }

</sc_bundles>
